<compile_context>
chip_gen: v7x
topology: tpu7x:2x2x1
jax: 0.10.2.dev20260603
libtpu: 0.0.44.dev20260713+nightly
codegen_flags: <defaults>
</compile_context>

<pallas_src>
import functools

import jax
import jax.numpy as jnp
from jax import lax
from jax.experimental import pallas as pl
from jax.experimental.pallas import tpu as pltpu
from jax.experimental.pallas import tpu_sc as plsc

_B, _L, _D = 1024, 200, 128
_BL = _B * _L
_N_RING, _N_CHARGE, _N_HYB, _N_CHIR = 3, 4, 9, 5
_NCOMB_PAD = 544

_NC, _NS = 2, 16
_NW = _NC * _NS
_PER_W = _BL // _NW
_CHUNK = 128
_NCHUNKS = _PER_W // _CHUNK
_ROWS_PER_TILE = _NCOMB_PAD // _NS
_BROWS = _B // _NW
_NBUF = 2


def _sc_body(ring_hbm, charge_hbm, hyb_hbm, chir_hbm,
             wr_hbm, wc_hbm, wh_hbm, wx_hbm,
             out_hbm,
             idx4_v, cidx_v, wr_v, wc_v, wh_v, wx_v, tmp_v, rows_v, wcomb_sh,
             isem, tsem, g0, g1, s0, s1):
    cid = lax.axis_index("c")
    sid = lax.axis_index("s")
    wid = sid * _NC + cid
    tile_base = wid * _PER_W

    row_base = wid * _BROWS
    idx_cp = [
        pltpu.make_async_copy(src.at[pl.ds(row_base, _BROWS)],
                              idx4_v.at[i], isem)
        for i, src in enumerate((ring_hbm, charge_hbm, hyb_hbm, chir_hbm))
    ]
    for cp in idx_cp:
        cp.start()

    tab_cp = [
        pltpu.make_async_copy(s_, dst.at[pl.ds(0, s_.shape[0])], tsem)
        for dst, s_ in zip((wr_v, wc_v, wh_v, wx_v),
                           (wr_hbm, wc_hbm, wh_hbm, wx_hbm))
    ]
    for cp in tab_cp:
        cp.start()
    for cp in tab_cp:
        cp.wait()

    def build_row(jl, carry):
        j = sid * _ROWS_PER_TILE + jl
        r = j // (_N_CHARGE * _N_HYB * _N_CHIR)
        c = (j // (_N_HYB * _N_CHIR)) % _N_CHARGE
        h = (j // _N_CHIR) % _N_HYB
        x = j % _N_CHIR
        for k in range(_D // 16):
            v = (wr_v[pl.ds(r * _D + 16 * k, 16)]
                 + wc_v[pl.ds(c * _D + 16 * k, 16)]
                 + wh_v[pl.ds(h * _D + 16 * k, 16)]
                 + wx_v[pl.ds(x * _D + 16 * k, 16)])
            tmp_v[jl, pl.ds(16 * k, 16)] = v
        return carry

    lax.fori_loop(0, _ROWS_PER_TILE, build_row, 0)
    pltpu.sync_copy(
        tmp_v, wcomb_sh.at[pl.ds(sid * _ROWS_PER_TILE, _ROWS_PER_TILE)])

    for cp in idx_cp:
        cp.wait()

    def fuse_at(row, col):
        s = pl.ds(col, 16)
        cidx_v[pl.ds(row * _L + col, 16)] = (
            (idx4_v[0, row, s] * (_N_CHARGE * _N_HYB * _N_CHIR))
            + (idx4_v[1, row, s] * (_N_HYB * _N_CHIR))
            + (idx4_v[2, row, s] * _N_CHIR)
            + idx4_v[3, row, s])

    def fuse_row(row):
        for t in range(_L // 16):
            fuse_at(row, t * 16)
        fuse_at(row, _L - 16)

    for row0 in range(4):
        fuse_row(row0)

    plsc.subcore_barrier()

    ssems = [s0, s1]
    gsems = [g0, g1]

    def scat(b, g):
        base = tile_base + g * _CHUNK
        return pltpu.make_async_copy(
            rows_v.at[b], out_hbm.at[pl.ds(base, _CHUNK)], ssems[b])

    def gath(b, g):
        return pltpu.make_async_copy(
            wcomb_sh.at[cidx_v.at[pl.ds(g * _CHUNK, _CHUNK)]],
            rows_v.at[b], gsems[b])

    def step(i, carry):
        for b in range(_NBUF):
            g = i * _NBUF + b

            @pl.when(i > 0)
            def _():
                scat(b, g - 2).wait()
                if b == 0:
                    gath(b, g).start()

            if b == 0:
                @pl.when(i == 0)
                def _():
                    gath(b, g).start()
            else:
                gath(b, g).start()

            @pl.when(4 + g < _BROWS)
            def _():
                fuse_row(4 + g)

            if b == 0:
                @pl.when(i > 0)
                def _():
                    gath(1, g - 1).wait()
                    scat(1, g - 1).start()
            else:
                gath(0, g - 1).wait()
                scat(0, g - 1).start()
        return carry

    lax.fori_loop(0, _NCHUNKS // _NBUF, step, 0)
    gath(1, _NCHUNKS - 1).wait()
    scat(1, _NCHUNKS - 1).start()
    scat(0, 0).wait()
    scat(1, 0).wait()


_sc_kernel = functools.partial(
    pl.kernel,
    out_type=jax.ShapeDtypeStruct((_BL, _D), jnp.float32),
    mesh=plsc.VectorSubcoreMesh(core_axis_name="c", subcore_axis_name="s"),
    scratch_types=[
        pltpu.VMEM((4, _BROWS, _L), jnp.int32),
        pltpu.VMEM((_PER_W,), jnp.int32),
        pltpu.VMEM((16 * _D,), jnp.float32),
        pltpu.VMEM((16 * _D,), jnp.float32),
        pltpu.VMEM((16 * _D,), jnp.float32),
        pltpu.VMEM((16 * _D,), jnp.float32),
        pltpu.VMEM((_ROWS_PER_TILE, _D), jnp.float32),
        pltpu.VMEM((_NBUF, _CHUNK, _D), jnp.float32),
        pltpu.VMEM_SHARED((_NCOMB_PAD, _D), jnp.float32),
        pltpu.SemaphoreType.DMA,
        pltpu.SemaphoreType.DMA,
        pltpu.SemaphoreType.DMA,
        pltpu.SemaphoreType.DMA,
        pltpu.SemaphoreType.DMA,
        pltpu.SemaphoreType.DMA,
    ],
)(_sc_body)


@jax.jit
def kernel(prop_atom_in_ring, prop_atom_charge, prop_atom_hybridization,
           prop_atom_chirality, W_in_ring, W_charge, W_hybridization,
           W_chirality):
    def as_i32(a):
        return a if a.dtype == jnp.int32 else a.astype(jnp.int32)

    r = as_i32(prop_atom_in_ring)
    c = as_i32(prop_atom_charge)
    h = as_i32(prop_atom_hybridization)
    x = as_i32(prop_atom_chirality)
    out = _sc_kernel(r, c, h, x,
                     W_in_ring.reshape(-1), W_charge.reshape(-1),
                     W_hybridization.reshape(-1), W_chirality.reshape(-1))
    return out.reshape(_B, _L, _D)

# --- scband reference (transcript-rebuilt; emitter-appended) ---
"""Pipeline reference for scband-atom-property-embedder-50800873177188 (READ-ONLY COPY).

The authoritative reference and input builder live on the scoring server;
editing this copy changes nothing except your own understanding.
"""

import jax, jax.numpy as jnp
import numpy as np

B, L, D = 1024, 200, 128
N_RING, N_CHARGE, N_HYB, N_CHIR = 3, 4, 9, 5  # hybridization: 8 RDKit values + 1 pad; chirality: 4 values + 1 pad


def _pad_table(key, n, d):
    # nn.Embedding with padding_idx=0: row 0 initialized to zeros
    w = jax.random.normal(key, (n, d), dtype=jnp.float32)
    return w.at[0].set(0.0)


def setup_inputs(seed: int = 0) -> dict:
    key = jax.random.key(seed)
    ks = jax.random.split(key, 8)
    return {
        "prop_atom_in_ring": jax.random.randint(ks[0], (B, L), 0, N_RING, dtype=jnp.int64) if jax.config.jax_enable_x64 else jax.random.randint(ks[0], (B, L), 0, N_RING).astype(jnp.int32),
        "prop_atom_charge": jax.random.randint(ks[1], (B, L), 0, N_CHARGE).astype(jnp.int32),
        "prop_atom_hybridization": jax.random.randint(ks[2], (B, L), 0, N_HYB).astype(jnp.int32),
        "prop_atom_chirality": jax.random.randint(ks[3], (B, L), 0, N_CHIR).astype(jnp.int32),
        "W_in_ring": _pad_table(ks[4], N_RING, D),
        "W_charge": _pad_table(ks[5], N_CHARGE, D),
        "W_hybridization": _pad_table(ks[6], N_HYB, D),
        "W_chirality": _pad_table(ks[7], N_CHIR, D),
    }


def reference(prop_atom_in_ring, prop_atom_charge, prop_atom_hybridization, prop_atom_chirality,
              W_in_ring, W_charge, W_hybridization, W_chirality):
    # Torch module builds sparse [B, L, D] COO tensors from the nonzero property
    # indices and sums them. Densified, this is equivalent to a plain embedding
    # gather with row 0 (padding_idx) being all-zero, summed across the 4 tables.
    in_ring_embeds = jnp.take(W_in_ring, prop_atom_in_ring, axis=0)
    charge_embeds = jnp.take(W_charge, prop_atom_charge, axis=0)
    hyb_embeds = jnp.take(W_hybridization, prop_atom_hybridization, axis=0)
    chir_embeds = jnp.take(W_chirality, prop_atom_chirality, axis=0)
    prop_embedding = in_ring_embeds + charge_embeds + hyb_embeds + chir_embeds
    return prop_embedding

if __name__ == "__main__":
    import jax
    _d = setup_inputs()
    print(jax.jit(kernel)(*tuple(_d.values())))

</pallas_src>

<mosaic_0001>
#map = affine_map<(d0, d1) -> (0, 0)>
#map1 = affine_map<(d0, d1) -> (0)>
module attributes {stable_mosaic.version = 14 : i64} {
  func.func @_sc_body(%arg0: i32, %arg1: i32, %arg2: memref<1024x200xi32, #tpu.memory_space<hbm>>, %arg3: memref<1024x200xi32, #tpu.memory_space<hbm>>, %arg4: memref<1024x200xi32, #tpu.memory_space<hbm>>, %arg5: memref<1024x200xi32, #tpu.memory_space<hbm>>, %arg6: memref<384xf32, #tpu.memory_space<hbm>>, %arg7: memref<512xf32, #tpu.memory_space<hbm>>, %arg8: memref<1152xf32, #tpu.memory_space<hbm>>, %arg9: memref<640xf32, #tpu.memory_space<hbm>>, %arg10: memref<204800x128xf32, #tpu.memory_space<hbm>>, %arg11: memref<4x32x200xi32, #tpu.memory_space<vmem>>, %arg12: memref<6400xi32, #tpu.memory_space<vmem>>, %arg13: memref<2048xf32, #tpu.memory_space<vmem>>, %arg14: memref<2048xf32, #tpu.memory_space<vmem>>, %arg15: memref<2048xf32, #tpu.memory_space<vmem>>, %arg16: memref<2048xf32, #tpu.memory_space<vmem>>, %arg17: memref<34x128xf32, #tpu.memory_space<vmem>>, %arg18: memref<2x128x128xf32, #tpu.memory_space<vmem>>, %arg19: memref<544x128xf32, #tpu.memory_space<vmem_shared>>, %arg20: memref<!tpu.dma_semaphore, #tpu.memory_space<semaphore_mem>>, %arg21: memref<!tpu.dma_semaphore, #tpu.memory_space<semaphore_mem>>, %arg22: memref<!tpu.dma_semaphore, #tpu.memory_space<semaphore_mem>>, %arg23: memref<!tpu.dma_semaphore, #tpu.memory_space<semaphore_mem>>, %arg24: memref<!tpu.dma_semaphore, #tpu.memory_space<semaphore_mem>>, %arg25: memref<!tpu.dma_semaphore, #tpu.memory_space<semaphore_mem>>) attributes {dimension_semantics = [#tpu.dimension_semantics<core_parallel>, #tpu.dimension_semantics<subcore_parallel>], iteration_bounds = array<i64: 2, 16>, scalar_prefetch = 0 : i64, scratch_operands = 15 : i64, tpu.core_type = #tpu.core_type<sc_vector_subcore>, window_params = [{transform_indices = #map}, {transform_indices = #map}, {transform_indices = #map}, {transform_indices = #map}, {transform_indices = #map1}, {transform_indices = #map1}, {transform_indices = #map1}, {transform_indices = #map1}, {transform_indices = #map}]} {
    %mul3A = arith.constant 2 : i32
    %mul3A_0 = arith.muli %arg1, %mul3A : i32
    %add3A = arith.addi %mul3A_0, %arg0 : i32
    %mul3A_1 = arith.constant 6400 : i32
    %mul3A_2 = arith.muli %add3A, %mul3A_1 : i32
    %mul3A_3 = arith.constant 32 : i32
    %mul3A_4 = arith.muli %add3A, %mul3A_3 : i32
    %dma_start3A = arith.constant 0 : i32
    %dma_start3A_5 = arith.constant 0 : i32
    %dma_start3A_6 = arith.constant 0 : i32
    %dma_start3A_7 = tpu.memref_slice %arg11[%dma_start3A, %dma_start3A_5, %dma_start3A_6] : memref<4x32x200xi32, #tpu.memory_space<vmem>> -> memref<1x32x200xi32, #tpu.memory_space<vmem>>
    %dma_start3A_8 = tpu.memref_squeeze %dma_start3A_7 : memref<1x32x200xi32, #tpu.memory_space<vmem>> -> memref<32x200xi32, #tpu.memory_space<vmem>>
    %dma_start3A_9 = arith.constant 0 : i32
    %dma_start3A_10 = tpu.memref_slice %arg2[%mul3A_4, %dma_start3A_9] : memref<1024x200xi32, #tpu.memory_space<hbm>> -> memref<32x200xi32, #tpu.memory_space<hbm>>
    %dma_start3A_11 = arith.constant 0 : i32
    %dma_start3A_12 = arith.constant 0 : i32
    %dma_start3A_13 = tpu.memref_slice %arg11[%dma_start3A, %dma_start3A_11, %dma_start3A_12] : memref<4x32x200xi32, #tpu.memory_space<vmem>> -> memref<1x32x200xi32, #tpu.memory_space<vmem>>
    %dma_start3A_14 = tpu.memref_squeeze %dma_start3A_13 : memref<1x32x200xi32, #tpu.memory_space<vmem>> -> memref<32x200xi32, #tpu.memory_space<vmem>>
    %dma_start3A_15 = arith.constant 0 : i32
    %dma_start3A_16 = tpu.memref_slice %arg2[%mul3A_4, %dma_start3A_15] : memref<1024x200xi32, #tpu.memory_space<hbm>> -> memref<32x200xi32, #tpu.memory_space<hbm>>
    tpu.enqueue_dma source(%dma_start3A_16 : memref<32x200xi32, #tpu.memory_space<hbm>>) target(%dma_start3A_14 : memref<32x200xi32, #tpu.memory_space<vmem>>) target_semaphore(%arg20 : memref<!tpu.dma_semaphore, #tpu.memory_space<semaphore_mem>>)
    %dma_start3A_17 = arith.constant 1 : i32
    %dma_start3A_18 = arith.constant 0 : i32
    %dma_start3A_19 = arith.constant 0 : i32
    %dma_start3A_20 = tpu.memref_slice %arg11[%dma_start3A_17, %dma_start3A_18, %dma_start3A_19] : memref<4x32x200xi32, #tpu.memory_space<vmem>> -> memref<1x32x200xi32, #tpu.memory_space<vmem>>
    %dma_start3A_21 = tpu.memref_squeeze %dma_start3A_20 : memref<1x32x200xi32, #tpu.memory_space<vmem>> -> memref<32x200xi32, #tpu.memory_space<vmem>>
    %dma_start3A_22 = arith.constant 0 : i32
    %dma_start3A_23 = tpu.memref_slice %arg3[%mul3A_4, %dma_start3A_22] : memref<1024x200xi32, #tpu.memory_space<hbm>> -> memref<32x200xi32, #tpu.memory_space<hbm>>
    %dma_start3A_24 = arith.constant 0 : i32
    %dma_start3A_25 = arith.constant 0 : i32
    %dma_start3A_26 = tpu.memref_slice %arg11[%dma_start3A_17, %dma_start3A_24, %dma_start3A_25] : memref<4x32x200xi32, #tpu.memory_space<vmem>> -> memref<1x32x200xi32, #tpu.memory_space<vmem>>
    %dma_start3A_27 = tpu.memref_squeeze %dma_start3A_26 : memref<1x32x200xi32, #tpu.memory_space<vmem>> -> memref<32x200xi32, #tpu.memory_space<vmem>>
    %dma_start3A_28 = arith.constant 0 : i32
    %dma_start3A_29 = tpu.memref_slice %arg3[%mul3A_4, %dma_start3A_28] : memref<1024x200xi32, #tpu.memory_space<hbm>> -> memref<32x200xi32, #tpu.memory_space<hbm>>
    tpu.enqueue_dma source(%dma_start3A_29 : memref<32x200xi32, #tpu.memory_space<hbm>>) target(%dma_start3A_27 : memref<32x200xi32, #tpu.memory_space<vmem>>) target_semaphore(%arg20 : memref<!tpu.dma_semaphore, #tpu.memory_space<semaphore_mem>>)
    %dma_start3A_30 = arith.constant 2 : i32
    %dma_start3A_31 = arith.constant 0 : i32
    %dma_start3A_32 = arith.constant 0 : i32
    %dma_start3A_33 = tpu.memref_slice %arg11[%dma_start3A_30, %dma_start3A_31, %dma_start3A_32] : memref<4x32x200xi32, #tpu.memory_space<vmem>> -> memref<1x32x200xi32, #tpu.memory_space<vmem>>
    %dma_start3A_34 = tpu.memref_squeeze %dma_start3A_33 : memref<1x32x200xi32, #tpu.memory_space<vmem>> -> memref<32x200xi32, #tpu.memory_space<vmem>>
    %dma_start3A_35 = arith.constant 0 : i32
    %dma_start3A_36 = tpu.memref_slice %arg4[%mul3A_4, %dma_start3A_35] : memref<1024x200xi32, #tpu.memory_space<hbm>> -> memref<32x200xi32, #tpu.memory_space<hbm>>
    %dma_start3A_37 = arith.constant 0 : i32
    %dma_start3A_38 = arith.constant 0 : i32
    %dma_start3A_39 = tpu.memref_slice %arg11[%dma_start3A_30, %dma_start3A_37, %dma_start3A_38] : memref<4x32x200xi32, #tpu.memory_space<vmem>> -> memref<1x32x200xi32, #tpu.memory_space<vmem>>
    %dma_start3A_40 = tpu.memref_squeeze %dma_start3A_39 : memref<1x32x200xi32, #tpu.memory_space<vmem>> -> memref<32x200xi32, #tpu.memory_space<vmem>>
    %dma_start3A_41 = arith.constant 0 : i32
    %dma_start3A_42 = tpu.memref_slice %arg4[%mul3A_4, %dma_start3A_41] : memref<1024x200xi32, #tpu.memory_space<hbm>> -> memref<32x200xi32, #tpu.memory_space<hbm>>
    tpu.enqueue_dma source(%dma_start3A_42 : memref<32x200xi32, #tpu.memory_space<hbm>>) target(%dma_start3A_40 : memref<32x200xi32, #tpu.memory_space<vmem>>) target_semaphore(%arg20 : memref<!tpu.dma_semaphore, #tpu.memory_space<semaphore_mem>>)
    %dma_start3A_43 = arith.constant 3 : i32
    %dma_start3A_44 = arith.constant 0 : i32
    %dma_start3A_45 = arith.constant 0 : i32
    %dma_start3A_46 = tpu.memref_slice %arg11[%dma_start3A_43, %dma_start3A_44, %dma_start3A_45] : memref<4x32x200xi32, #tpu.memory_space<vmem>> -> memref<1x32x200xi32, #tpu.memory_space<vmem>>
    %dma_start3A_47 = tpu.memref_squeeze %dma_start3A_46 : memref<1x32x200xi32, #tpu.memory_space<vmem>> -> memref<32x200xi32, #tpu.memory_space<vmem>>
    %dma_start3A_48 = arith.constant 0 : i32
    %dma_start3A_49 = tpu.memref_slice %arg5[%mul3A_4, %dma_start3A_48] : memref<1024x200xi32, #tpu.memory_space<hbm>> -> memref<32x200xi32, #tpu.memory_space<hbm>>
    %dma_start3A_50 = arith.constant 0 : i32
    %dma_start3A_51 = arith.constant 0 : i32
    %dma_start3A_52 = tpu.memref_slice %arg11[%dma_start3A_43, %dma_start3A_50, %dma_start3A_51] : memref<4x32x200xi32, #tpu.memory_space<vmem>> -> memref<1x32x200xi32, #tpu.memory_space<vmem>>
    %dma_start3A_53 = tpu.memref_squeeze %dma_start3A_52 : memref<1x32x200xi32, #tpu.memory_space<vmem>> -> memref<32x200xi32, #tpu.memory_space<vmem>>
    %dma_start3A_54 = arith.constant 0 : i32
    %dma_start3A_55 = tpu.memref_slice %arg5[%mul3A_4, %dma_start3A_54] : memref<1024x200xi32, #tpu.memory_space<hbm>> -> memref<32x200xi32, #tpu.memory_space<hbm>>
    tpu.enqueue_dma source(%dma_start3A_55 : memref<32x200xi32, #tpu.memory_space<hbm>>) target(%dma_start3A_53 : memref<32x200xi32, #tpu.memory_space<vmem>>) target_semaphore(%arg20 : memref<!tpu.dma_semaphore, #tpu.memory_space<semaphore_mem>>)
    %dma_start3A_56 = arith.constant 0 : i32
    %dma_start3A_57 = tpu.memref_slice %arg13[%dma_start3A_56] : memref<2048xf32, #tpu.memory_space<vmem>> -> memref<384xf32, #tpu.memory_space<vmem>>
    %dma_start3A_58 = arith.constant 0 : i32
    %dma_start3A_59 = tpu.memref_slice %arg13[%dma_start3A_58] : memref<2048xf32, #tpu.memory_space<vmem>> -> memref<384xf32, #tpu.memory_space<vmem>>
    tpu.enqueue_dma source(%arg6 : memref<384xf32, #tpu.memory_space<hbm>>) target(%dma_start3A_59 : memref<384xf32, #tpu.memory_space<vmem>>) target_semaphore(%arg21 : memref<!tpu.dma_semaphore, #tpu.memory_space<semaphore_mem>>)
    %dma_start3A_60 = arith.constant 0 : i32
    %dma_start3A_61 = tpu.memref_slice %arg14[%dma_start3A_60] : memref<2048xf32, #tpu.memory_space<vmem>> -> memref<512xf32, #tpu.memory_space<vmem>>
    %dma_start3A_62 = arith.constant 0 : i32
    %dma_start3A_63 = tpu.memref_slice %arg14[%dma_start3A_62] : memref<2048xf32, #tpu.memory_space<vmem>> -> memref<512xf32, #tpu.memory_space<vmem>>
    tpu.enqueue_dma source(%arg7 : memref<512xf32, #tpu.memory_space<hbm>>) target(%dma_start3A_63 : memref<512xf32, #tpu.memory_space<vmem>>) target_semaphore(%arg21 : memref<!tpu.dma_semaphore, #tpu.memory_space<semaphore_mem>>)
    %dma_start3A_64 = arith.constant 0 : i32
    %dma_start3A_65 = tpu.memref_slice %arg15[%dma_start3A_64] : memref<2048xf32, #tpu.memory_space<vmem>> -> memref<1152xf32, #tpu.memory_space<vmem>>
    %dma_start3A_66 = arith.constant 0 : i32
    %dma_start3A_67 = tpu.memref_slice %arg15[%dma_start3A_66] : memref<2048xf32, #tpu.memory_space<vmem>> -> memref<1152xf32, #tpu.memory_space<vmem>>
    tpu.enqueue_dma source(%arg8 : memref<1152xf32, #tpu.memory_space<hbm>>) target(%dma_start3A_67 : memref<1152xf32, #tpu.memory_space<vmem>>) target_semaphore(%arg21 : memref<!tpu.dma_semaphore, #tpu.memory_space<semaphore_mem>>)
    %dma_start3A_68 = arith.constant 0 : i32
    %dma_start3A_69 = tpu.memref_slice %arg16[%dma_start3A_68] : memref<2048xf32, #tpu.memory_space<vmem>> -> memref<640xf32, #tpu.memory_space<vmem>>
    %dma_start3A_70 = arith.constant 0 : i32
    %dma_start3A_71 = tpu.memref_slice %arg16[%dma_start3A_70] : memref<2048xf32, #tpu.memory_space<vmem>> -> memref<640xf32, #tpu.memory_space<vmem>>
    tpu.enqueue_dma source(%arg9 : memref<640xf32, #tpu.memory_space<hbm>>) target(%dma_start3A_71 : memref<640xf32, #tpu.memory_space<vmem>>) target_semaphore(%arg21 : memref<!tpu.dma_semaphore, #tpu.memory_space<semaphore_mem>>)
    %dma_wait3A = arith.constant 0 : i32
    %dma_wait3A_72 = tpu.memref_slice %arg13[%dma_wait3A] : memref<2048xf32, #tpu.memory_space<vmem>> -> memref<384xf32, #tpu.memory_space<vmem>>
    %dma_wait3A_73 = arith.constant 0 : i32
    %dma_wait3A_74 = tpu.memref_slice %arg13[%dma_wait3A_73] : memref<2048xf32, #tpu.memory_space<vmem>> -> memref<384xf32, #tpu.memory_space<vmem>>
    tpu.wait_dma2 semaphore(%arg21 : memref<!tpu.dma_semaphore, #tpu.memory_space<semaphore_mem>>) src(%arg6 : memref<384xf32, #tpu.memory_space<hbm>>) dst(%dma_wait3A_74 : memref<384xf32, #tpu.memory_space<vmem>>)
    %dma_wait3A_75 = arith.constant 0 : i32
    %dma_wait3A_76 = tpu.memref_slice %arg14[%dma_wait3A_75] : memref<2048xf32, #tpu.memory_space<vmem>> -> memref<512xf32, #tpu.memory_space<vmem>>
    %dma_wait3A_77 = arith.constant 0 : i32
    %dma_wait3A_78 = tpu.memref_slice %arg14[%dma_wait3A_77] : memref<2048xf32, #tpu.memory_space<vmem>> -> memref<512xf32, #tpu.memory_space<vmem>>
    tpu.wait_dma2 semaphore(%arg21 : memref<!tpu.dma_semaphore, #tpu.memory_space<semaphore_mem>>) src(%arg7 : memref<512xf32, #tpu.memory_space<hbm>>) dst(%dma_wait3A_78 : memref<512xf32, #tpu.memory_space<vmem>>)
    %dma_wait3A_79 = arith.constant 0 : i32
    %dma_wait3A_80 = tpu.memref_slice %arg15[%dma_wait3A_79] : memref<2048xf32, #tpu.memory_space<vmem>> -> memref<1152xf32, #tpu.memory_space<vmem>>
    %dma_wait3A_81 = arith.constant 0 : i32
    %dma_wait3A_82 = tpu.memref_slice %arg15[%dma_wait3A_81] : memref<2048xf32, #tpu.memory_space<vmem>> -> memref<1152xf32, #tpu.memory_space<vmem>>
    tpu.wait_dma2 semaphore(%arg21 : memref<!tpu.dma_semaphore, #tpu.memory_space<semaphore_mem>>) src(%arg8 : memref<1152xf32, #tpu.memory_space<hbm>>) dst(%dma_wait3A_82 : memref<1152xf32, #tpu.memory_space<vmem>>)
    %dma_wait3A_83 = arith.constant 0 : i32
    %dma_wait3A_84 = tpu.memref_slice %arg16[%dma_wait3A_83] : memref<2048xf32, #tpu.memory_space<vmem>> -> memref<640xf32, #tpu.memory_space<vmem>>
    %dma_wait3A_85 = arith.constant 0 : i32
    %dma_wait3A_86 = tpu.memref_slice %arg16[%dma_wait3A_85] : memref<2048xf32, #tpu.memory_space<vmem>> -> memref<640xf32, #tpu.memory_space<vmem>>
    tpu.wait_dma2 semaphore(%arg21 : memref<!tpu.dma_semaphore, #tpu.memory_space<semaphore_mem>>) src(%arg9 : memref<640xf32, #tpu.memory_space<hbm>>) dst(%dma_wait3A_86 : memref<640xf32, #tpu.memory_space<vmem>>)
    %scan3A = arith.constant 0 : i32
    %scan3A_87 = arith.constant 0 : i32
    %scan3A_88 = arith.constant 34 : i32
    %scan3A_89 = arith.addi %scan3A_87, %scan3A_88 : i32
    %scan3A_90 = arith.constant 1 : i32
    scf.for %scan3A_2493 = %scan3A_87 to %scan3A_89 step %scan3A_90  : i32 {
      %mul3A_2494 = arith.constant 34 : i32
      %mul3A_2495 = arith.muli %arg1, %mul3A_2494 : i32
      %add3A_2496 = arith.addi %mul3A_2495, %scan3A_2493 : i32
      %jit3A = arith.constant 180 : i32
      %div3A = arith.divsi %add3A_2496, %jit3A : i32
      %sign3A = arith.constant 0 : i32
      %sign3A_2497 = arith.cmpi sgt, %add3A_2496, %sign3A : i32
      %sign3A_2498 = arith.extui %sign3A_2497 : i1 to i32
      %sign3A_2499 = arith.constant 0 : i32
      %sign3A_2500 = arith.cmpi slt, %add3A_2496, %sign3A_2499 : i32
      %sign3A_2501 = arith.extui %sign3A_2500 : i1 to i32
      %sign3A_2502 = arith.subi %sign3A_2498, %sign3A_2501 : i32
      %sign3A_2503 = arith.constant 0 : i32
      %sign3A_2504 = arith.cmpi sgt, %jit3A, %sign3A_2503 : i32
      %sign3A_2505 = arith.extui %sign3A_2504 : i1 to i32
      %sign3A_2506 = arith.constant 0 : i32
      %sign3A_2507 = arith.cmpi slt, %jit3A, %sign3A_2506 : i32
      %sign3A_2508 = arith.extui %sign3A_2507 : i1 to i32
      %sign3A_2509 = arith.subi %sign3A_2505, %sign3A_2508 : i32
      %ne3A = arith.cmpi ne, %sign3A_2502, %sign3A_2509 : i32
      %rem3A = arith.remsi %add3A_2496, %jit3A : i32
      %ne3A_2510 = arith.constant 0 : i32
      %ne3A_2511 = arith.cmpi ne, %rem3A, %ne3A_2510 : i32
      %and3A = arith.andi %ne3A, %ne3A_2511 : i1
      %sub3A = arith.constant 1 : i32
      %sub3A_2512 = arith.subi %div3A, %sub3A : i32
      %select_n3A = arith.select %and3A, %sub3A_2512, %div3A : i32
      %jit3A_2513 = arith.constant 45 : i32
      %div3A_2514 = arith.divsi %add3A_2496, %jit3A_2513 : i32
      %sign3A_2515 = arith.constant 0 : i32
      %sign3A_2516 = arith.cmpi sgt, %add3A_2496, %sign3A_2515 : i32
      %sign3A_2517 = arith.extui %sign3A_2516 : i1 to i32
      %sign3A_2518 = arith.constant 0 : i32
      %sign3A_2519 = arith.cmpi slt, %add3A_2496, %sign3A_2518 : i32
      %sign3A_2520 = arith.extui %sign3A_2519 : i1 to i32
      %sign3A_2521 = arith.subi %sign3A_2517, %sign3A_2520 : i32
      %sign3A_2522 = arith.constant 0 : i32
      %sign3A_2523 = arith.cmpi sgt, %jit3A_2513, %sign3A_2522 : i32
      %sign3A_2524 = arith.extui %sign3A_2523 : i1 to i32
      %sign3A_2525 = arith.constant 0 : i32
      %sign3A_2526 = arith.cmpi slt, %jit3A_2513, %sign3A_2525 : i32
      %sign3A_2527 = arith.extui %sign3A_2526 : i1 to i32
      %sign3A_2528 = arith.subi %sign3A_2524, %sign3A_2527 : i32
      %ne3A_2529 = arith.cmpi ne, %sign3A_2521, %sign3A_2528 : i32
      %rem3A_2530 = arith.remsi %add3A_2496, %jit3A_2513 : i32
      %ne3A_2531 = arith.constant 0 : i32
      %ne3A_2532 = arith.cmpi ne, %rem3A_2530, %ne3A_2531 : i32
      %and3A_2533 = arith.andi %ne3A_2529, %ne3A_2532 : i1
      %sub3A_2534 = arith.constant 1 : i32
      %sub3A_2535 = arith.subi %div3A_2514, %sub3A_2534 : i32
      %select_n3A_2536 = arith.select %and3A_2533, %sub3A_2535, %div3A_2514 : i32
      %jit3A_2537 = arith.constant 4 : i32
      %eq3A = arith.constant 0 : i32
      %eq3A_2538 = arith.cmpi eq, %jit3A_2537, %eq3A : i32
      %jit3A_2539 = arith.constant 1 : i32
      %select_n3A_2540 = arith.select %eq3A_2538, %jit3A_2539, %jit3A_2537 : i32
      %rem3A_2541 = arith.remsi %select_n3A_2536, %select_n3A_2540 : i32
      %ne3A_2542 = arith.constant 0 : i32
      %ne3A_2543 = arith.cmpi ne, %rem3A_2541, %ne3A_2542 : i32
      %lt3A = arith.constant 0 : i32
      %lt3A_2544 = arith.cmpi slt, %rem3A_2541, %lt3A : i32
      %lt3A_2545 = arith.constant 0 : i32
      %lt3A_2546 = arith.cmpi slt, %select_n3A_2540, %lt3A_2545 : i32
      %ne3A_2547 = arith.xori %lt3A_2544, %lt3A_2546 : i1
      %and3A_2548 = arith.andi %ne3A_2547, %ne3A_2543 : i1
      %add3A_2549 = arith.addi %rem3A_2541, %select_n3A_2540 : i32
      %select_n3A_2550 = arith.select %and3A_2548, %add3A_2549, %rem3A_2541 : i32
      %jit3A_2551 = arith.constant 5 : i32
      %div3A_2552 = arith.divsi %add3A_2496, %jit3A_2551 : i32
      %sign3A_2553 = arith.constant 0 : i32
      %sign3A_2554 = arith.cmpi sgt, %add3A_2496, %sign3A_2553 : i32
      %sign3A_2555 = arith.extui %sign3A_2554 : i1 to i32
      %sign3A_2556 = arith.constant 0 : i32
      %sign3A_2557 = arith.cmpi slt, %add3A_2496, %sign3A_2556 : i32
      %sign3A_2558 = arith.extui %sign3A_2557 : i1 to i32
      %sign3A_2559 = arith.subi %sign3A_2555, %sign3A_2558 : i32
      %sign3A_2560 = arith.constant 0 : i32
      %sign3A_2561 = arith.cmpi sgt, %jit3A_2551, %sign3A_2560 : i32
      %sign3A_2562 = arith.extui %sign3A_2561 : i1 to i32
      %sign3A_2563 = arith.constant 0 : i32
      %sign3A_2564 = arith.cmpi slt, %jit3A_2551, %sign3A_2563 : i32
      %sign3A_2565 = arith.extui %sign3A_2564 : i1 to i32
      %sign3A_2566 = arith.subi %sign3A_2562, %sign3A_2565 : i32
      %ne3A_2567 = arith.cmpi ne, %sign3A_2559, %sign3A_2566 : i32
      %rem3A_2568 = arith.remsi %add3A_2496, %jit3A_2551 : i32
      %ne3A_2569 = arith.constant 0 : i32
      %ne3A_2570 = arith.cmpi ne, %rem3A_2568, %ne3A_2569 : i32
      %and3A_2571 = arith.andi %ne3A_2567, %ne3A_2570 : i1
      %sub3A_2572 = arith.constant 1 : i32
      %sub3A_2573 = arith.subi %div3A_2552, %sub3A_2572 : i32
      %select_n3A_2574 = arith.select %and3A_2571, %sub3A_2573, %div3A_2552 : i32
      %jit3A_2575 = arith.constant 9 : i32
      %eq3A_2576 = arith.constant 0 : i32
      %eq3A_2577 = arith.cmpi eq, %jit3A_2575, %eq3A_2576 : i32
      %jit3A_2578 = arith.constant 1 : i32
      %select_n3A_2579 = arith.select %eq3A_2577, %jit3A_2578, %jit3A_2575 : i32
      %rem3A_2580 = arith.remsi %select_n3A_2574, %select_n3A_2579 : i32
      %ne3A_2581 = arith.constant 0 : i32
      %ne3A_2582 = arith.cmpi ne, %rem3A_2580, %ne3A_2581 : i32
      %lt3A_2583 = arith.constant 0 : i32
      %lt3A_2584 = arith.cmpi slt, %rem3A_2580, %lt3A_2583 : i32
      %lt3A_2585 = arith.constant 0 : i32
      %lt3A_2586 = arith.cmpi slt, %select_n3A_2579, %lt3A_2585 : i32
      %ne3A_2587 = arith.xori %lt3A_2584, %lt3A_2586 : i1
      %and3A_2588 = arith.andi %ne3A_2587, %ne3A_2582 : i1
      %add3A_2589 = arith.addi %rem3A_2580, %select_n3A_2579 : i32
      %select_n3A_2590 = arith.select %and3A_2588, %add3A_2589, %rem3A_2580 : i32
      %jit3A_2591 = arith.constant 5 : i32
      %eq3A_2592 = arith.constant 0 : i32
      %eq3A_2593 = arith.cmpi eq, %jit3A_2591, %eq3A_2592 : i32
      %jit3A_2594 = arith.constant 1 : i32
      %select_n3A_2595 = arith.select %eq3A_2593, %jit3A_2594, %jit3A_2591 : i32
      %rem3A_2596 = arith.remsi %add3A_2496, %select_n3A_2595 : i32
      %ne3A_2597 = arith.constant 0 : i32
      %ne3A_2598 = arith.cmpi ne, %rem3A_2596, %ne3A_2597 : i32
      %lt3A_2599 = arith.constant 0 : i32
      %lt3A_2600 = arith.cmpi slt, %rem3A_2596, %lt3A_2599 : i32
      %lt3A_2601 = arith.constant 0 : i32
      %lt3A_2602 = arith.cmpi slt, %select_n3A_2595, %lt3A_2601 : i32
      %ne3A_2603 = arith.xori %lt3A_2600, %lt3A_2602 : i1
      %and3A_2604 = arith.andi %ne3A_2603, %ne3A_2598 : i1
      %add3A_2605 = arith.addi %rem3A_2596, %select_n3A_2595 : i32
      %select_n3A_2606 = arith.select %and3A_2604, %add3A_2605, %rem3A_2596 : i32
      %mul3A_2607 = arith.constant 128 : i32
      %mul3A_2608 = arith.muli %select_n3A, %mul3A_2607 : i32
      %add3A_2609 = arith.constant 0 : i32
      %add3A_2610 = arith.addi %mul3A_2608, %add3A_2609 : i32
      %get3A_2611 = arith.index_cast %add3A_2610 : i32 to index
      %get3A_2612 = tpu.vector_load %arg13[%get3A_2611] {strides = array<i32>} : memref<2048xf32, #tpu.memory_space<vmem>>, vector<16xf32>,
      %get3A_2613 = vector.shape_cast %get3A_2612 : vector<16xf32> to vector<16xf32>
      %mul3A_2614 = arith.constant 128 : i32
      %mul3A_2615 = arith.muli %select_n3A_2550, %mul3A_2614 : i32
      %add3A_2616 = arith.constant 0 : i32
      %add3A_2617 = arith.addi %mul3A_2615, %add3A_2616 : i32
      %get3A_2618 = arith.index_cast %add3A_2617 : i32 to index
      %get3A_2619 = tpu.vector_load %arg14[%get3A_2618] {strides = array<i32>} : memref<2048xf32, #tpu.memory_space<vmem>>, vector<16xf32>,
      %get3A_2620 = vector.shape_cast %get3A_2619 : vector<16xf32> to vector<16xf32>
      %add3A_2621 = arith.addf %get3A_2613, %get3A_2620 : vector<16xf32>
      %mul3A_2622 = arith.constant 128 : i32
      %mul3A_2623 = arith.muli %select_n3A_2590, %mul3A_2622 : i32
      %add3A_2624 = arith.constant 0 : i32
      %add3A_2625 = arith.addi %mul3A_2623, %add3A_2624 : i32
      %get3A_2626 = arith.index_cast %add3A_2625 : i32 to index
      %get3A_2627 = tpu.vector_load %arg15[%get3A_2626] {strides = array<i32>} : memref<2048xf32, #tpu.memory_space<vmem>>, vector<16xf32>,
      %get3A_2628 = vector.shape_cast %get3A_2627 : vector<16xf32> to vector<16xf32>
      %add3A_2629 = arith.addf %add3A_2621, %get3A_2628 : vector<16xf32>
      %mul3A_2630 = arith.constant 128 : i32
      %mul3A_2631 = arith.muli %select_n3A_2606, %mul3A_2630 : i32
      %add3A_2632 = arith.constant 0 : i32
      %add3A_2633 = arith.addi %mul3A_2631, %add3A_2632 : i32
      %get3A_2634 = arith.index_cast %add3A_2633 : i32 to index
      %get3A_2635 = tpu.vector_load %arg16[%get3A_2634] {strides = array<i32>} : memref<2048xf32, #tpu.memory_space<vmem>>, vector<16xf32>,
      %get3A_2636 = vector.shape_cast %get3A_2635 : vector<16xf32> to vector<16xf32>
      %add3A_2637 = arith.addf %add3A_2629, %get3A_2636 : vector<16xf32>
      %swap3A_2638 = arith.index_cast %scan3A_2493 : i32 to index
      %swap3A_2639 = arith.constant 0 : index
      %swap3A_2640 = tpu.vector_load %arg17[%swap3A_2638, %swap3A_2639] {strides = array<i32>} : memref<34x128xf32, #tpu.memory_space<vmem>>, vector<1x16xf32>,
      %swap3A_2641 = vector.shape_cast %swap3A_2640 : vector<1x16xf32> to vector<16xf32>
      %swap3A_2642 = vector.shape_cast %add3A_2637 : vector<16xf32> to vector<1x16xf32>
      tpu.vector_store %arg17[%swap3A_2638, %swap3A_2639], %swap3A_2642 {strides = array<i32>} : memref<34x128xf32, #tpu.memory_space<vmem>>, vector<1x16xf32>,
      %mul3A_2643 = arith.constant 128 : i32
      %mul3A_2644 = arith.muli %select_n3A, %mul3A_2643 : i32
      %add3A_2645 = arith.constant 16 : i32
      %add3A_2646 = arith.addi %mul3A_2644, %add3A_2645 : i32
      %get3A_2647 = arith.index_cast %add3A_2646 : i32 to index
      %get3A_2648 = tpu.vector_load %arg13[%get3A_2647] {strides = array<i32>} : memref<2048xf32, #tpu.memory_space<vmem>>, vector<16xf32>,
      %get3A_2649 = vector.shape_cast %get3A_2648 : vector<16xf32> to vector<16xf32>
      %mul3A_2650 = arith.constant 128 : i32
      %mul3A_2651 = arith.muli %select_n3A_2550, %mul3A_2650 : i32
      %add3A_2652 = arith.constant 16 : i32
      %add3A_2653 = arith.addi %mul3A_2651, %add3A_2652 : i32
      %get3A_2654 = arith.index_cast %add3A_2653 : i32 to index
      %get3A_2655 = tpu.vector_load %arg14[%get3A_2654] {strides = array<i32>} : memref<2048xf32, #tpu.memory_space<vmem>>, vector<16xf32>,
      %get3A_2656 = vector.shape_cast %get3A_2655 : vector<16xf32> to vector<16xf32>
      %add3A_2657 = arith.addf %get3A_2649, %get3A_2656 : vector<16xf32>
      %mul3A_2658 = arith.constant 128 : i32
      %mul3A_2659 = arith.muli %select_n3A_2590, %mul3A_2658 : i32
      %add3A_2660 = arith.constant 16 : i32
      %add3A_2661 = arith.addi %mul3A_2659, %add3A_2660 : i32
      %get3A_2662 = arith.index_cast %add3A_2661 : i32 to index
      %get3A_2663 = tpu.vector_load %arg15[%get3A_2662] {strides = array<i32>} : memref<2048xf32, #tpu.memory_space<vmem>>, vector<16xf32>,
      %get3A_2664 = vector.shape_cast %get3A_2663 : vector<16xf32> to vector<16xf32>
      %add3A_2665 = arith.addf %add3A_2657, %get3A_2664 : vector<16xf32>
      %mul3A_2666 = arith.constant 128 : i32
      %mul3A_2667 = arith.muli %select_n3A_2606, %mul3A_2666 : i32
      %add3A_2668 = arith.constant 16 : i32
      %add3A_2669 = arith.addi %mul3A_2667, %add3A_2668 : i32
      %get3A_2670 = arith.index_cast %add3A_2669 : i32 to index
      %get3A_2671 = tpu.vector_load %arg16[%get3A_2670] {strides = array<i32>} : memref<2048xf32, #tpu.memory_space<vmem>>, vector<16xf32>,
      %get3A_2672 = vector.shape_cast %get3A_2671 : vector<16xf32> to vector<16xf32>
      %add3A_2673 = arith.addf %add3A_2665, %get3A_2672 : vector<16xf32>
      %swap3A_2674 = arith.index_cast %scan3A_2493 : i32 to index
      %swap3A_2675 = arith.constant 16 : index
      %swap3A_2676 = tpu.vector_load %arg17[%swap3A_2674, %swap3A_2675] {strides = array<i32>} : memref<34x128xf32, #tpu.memory_space<vmem>>, vector<1x16xf32>,
      %swap3A_2677 = vector.shape_cast %swap3A_2676 : vector<1x16xf32> to vector<16xf32>
      %swap3A_2678 = vector.shape_cast %add3A_2673 : vector<16xf32> to vector<1x16xf32>
      tpu.vector_store %arg17[%swap3A_2674, %swap3A_2675], %swap3A_2678 {strides = array<i32>} : memref<34x128xf32, #tpu.memory_space<vmem>>, vector<1x16xf32>,
      %mul3A_2679 = arith.constant 128 : i32
      %mul3A_2680 = arith.muli %select_n3A, %mul3A_2679 : i32
      %add3A_2681 = arith.constant 32 : i32
      %add3A_2682 = arith.addi %mul3A_2680, %add3A_2681 : i32
      %get3A_2683 = arith.index_cast %add3A_2682 : i32 to index
      %get3A_2684 = tpu.vector_load %arg13[%get3A_2683] {strides = array<i32>} : memref<2048xf32, #tpu.memory_space<vmem>>, vector<16xf32>,
      %get3A_2685 = vector.shape_cast %get3A_2684 : vector<16xf32> to vector<16xf32>
      %mul3A_2686 = arith.constant 128 : i32
      %mul3A_2687 = arith.muli %select_n3A_2550, %mul3A_2686 : i32
      %add3A_2688 = arith.constant 32 : i32
      %add3A_2689 = arith.addi %mul3A_2687, %add3A_2688 : i32
      %get3A_2690 = arith.index_cast %add3A_2689 : i32 to index
      %get3A_2691 = tpu.vector_load %arg14[%get3A_2690] {strides = array<i32>} : memref<2048xf32, #tpu.memory_space<vmem>>, vector<16xf32>,
      %get3A_2692 = vector.shape_cast %get3A_2691 : vector<16xf32> to vector<16xf32>
      %add3A_2693 = arith.addf %get3A_2685, %get3A_2692 : vector<16xf32>
      %mul3A_2694 = arith.constant 128 : i32
      %mul3A_2695 = arith.muli %select_n3A_2590, %mul3A_2694 : i32
      %add3A_2696 = arith.constant 32 : i32
      %add3A_2697 = arith.addi %mul3A_2695, %add3A_2696 : i32
      %get3A_2698 = arith.index_cast %add3A_2697 : i32 to index
      %get3A_2699 = tpu.vector_load %arg15[%get3A_2698] {strides = array<i32>} : memref<2048xf32, #tpu.memory_space<vmem>>, vector<16xf32>,
      %get3A_2700 = vector.shape_cast %get3A_2699 : vector<16xf32> to vector<16xf32>
      %add3A_2701 = arith.addf %add3A_2693, %get3A_2700 : vector<16xf32>
      %mul3A_2702 = arith.constant 128 : i32
      %mul3A_2703 = arith.muli %select_n3A_2606, %mul3A_2702 : i32
      %add3A_2704 = arith.constant 32 : i32
      %add3A_2705 = arith.addi %mul3A_2703, %add3A_2704 : i32
      %get3A_2706 = arith.index_cast %add3A_2705 : i32 to index
      %get3A_2707 = tpu.vector_load %arg16[%get3A_2706] {strides = array<i32>} : memref<2048xf32, #tpu.memory_space<vmem>>, vector<16xf32>,
      %get3A_2708 = vector.shape_cast %get3A_2707 : vector<16xf32> to vector<16xf32>
      %add3A_2709 = arith.addf %add3A_2701, %get3A_2708 : vector<16xf32>
      %swap3A_2710 = arith.index_cast %scan3A_2493 : i32 to index
      %swap3A_2711 = arith.constant 32 : index
      %swap3A_2712 = tpu.vector_load %arg17[%swap3A_2710, %swap3A_2711] {strides = array<i32>} : memref<34x128xf32, #tpu.memory_space<vmem>>, vector<1x16xf32>,
      %swap3A_2713 = vector.shape_cast %swap3A_2712 : vector<1x16xf32> to vector<16xf32>
      %swap3A_2714 = vector.shape_cast %add3A_2709 : vector<16xf32> to vector<1x16xf32>
      tpu.vector_store %arg17[%swap3A_2710, %swap3A_2711], %swap3A_2714 {strides = array<i32>} : memref<34x128xf32, #tpu.memory_space<vmem>>, vector<1x16xf32>,
      %mul3A_2715 = arith.constant 128 : i32
      %mul3A_2716 = arith.muli %select_n3A, %mul3A_2715 : i32
      %add3A_2717 = arith.constant 48 : i32
      %add3A_2718 = arith.addi %mul3A_2716, %add3A_2717 : i32
      %get3A_2719 = arith.index_cast %add3A_2718 : i32 to index
      %get3A_2720 = tpu.vector_load %arg13[%get3A_2719] {strides = array<i32>} : memref<2048xf32, #tpu.memory_space<vmem>>, vector<16xf32>,
      %get3A_2721 = vector.shape_cast %get3A_2720 : vector<16xf32> to vector<16xf32>
      %mul3A_2722 = arith.constant 128 : i32
      %mul3A_2723 = arith.muli %select_n3A_2550, %mul3A_2722 : i32
      %add3A_2724 = arith.constant 48 : i32
      %add3A_2725 = arith.addi %mul3A_2723, %add3A_2724 : i32
      %get3A_2726 = arith.index_cast %add3A_2725 : i32 to index
      %get3A_2727 = tpu.vector_load %arg14[%get3A_2726] {strides = array<i32>} : memref<2048xf32, #tpu.memory_space<vmem>>, vector<16xf32>,
      %get3A_2728 = vector.shape_cast %get3A_2727 : vector<16xf32> to vector<16xf32>
      %add3A_2729 = arith.addf %get3A_2721, %get3A_2728 : vector<16xf32>
      %mul3A_2730 = arith.constant 128 : i32
      %mul3A_2731 = arith.muli %select_n3A_2590, %mul3A_2730 : i32
      %add3A_2732 = arith.constant 48 : i32
      %add3A_2733 = arith.addi %mul3A_2731, %add3A_2732 : i32
      %get3A_2734 = arith.index_cast %add3A_2733 : i32 to index
      %get3A_2735 = tpu.vector_load %arg15[%get3A_2734] {strides = array<i32>} : memref<2048xf32, #tpu.memory_space<vmem>>, vector<16xf32>,
      %get3A_2736 = vector.shape_cast %get3A_2735 : vector<16xf32> to vector<16xf32>
      %add3A_2737 = arith.addf %add3A_2729, %get3A_2736 : vector<16xf32>
      %mul3A_2738 = arith.constant 128 : i32
      %mul3A_2739 = arith.muli %select_n3A_2606, %mul3A_2738 : i32
      %add3A_2740 = arith.constant 48 : i32
      %add3A_2741 = arith.addi %mul3A_2739, %add3A_2740 : i32
      %get3A_2742 = arith.index_cast %add3A_2741 : i32 to index
      %get3A_2743 = tpu.vector_load %arg16[%get3A_2742] {strides = array<i32>} : memref<2048xf32, #tpu.memory_space<vmem>>, vector<16xf32>,
      %get3A_2744 = vector.shape_cast %get3A_2743 : vector<16xf32> to vector<16xf32>
      %add3A_2745 = arith.addf %add3A_2737, %get3A_2744 : vector<16xf32>
      %swap3A_2746 = arith.index_cast %scan3A_2493 : i32 to index
      %swap3A_2747 = arith.constant 48 : index
      %swap3A_2748 = tpu.vector_load %arg17[%swap3A_2746, %swap3A_2747] {strides = array<i32>} : memref<34x128xf32, #tpu.memory_space<vmem>>, vector<1x16xf32>,
      %swap3A_2749 = vector.shape_cast %swap3A_2748 : vector<1x16xf32> to vector<16xf32>
      %swap3A_2750 = vector.shape_cast %add3A_2745 : vector<16xf32> to vector<1x16xf32>
      tpu.vector_store %arg17[%swap3A_2746, %swap3A_2747], %swap3A_2750 {strides = array<i32>} : memref<34x128xf32, #tpu.memory_space<vmem>>, vector<1x16xf32>,
      %mul3A_2751 = arith.constant 128 : i32
      %mul3A_2752 = arith.muli %select_n3A, %mul3A_2751 : i32
      %add3A_2753 = arith.constant 64 : i32
      %add3A_2754 = arith.addi %mul3A_2752, %add3A_2753 : i32
      %get3A_2755 = arith.index_cast %add3A_2754 : i32 to index
      %get3A_2756 = tpu.vector_load %arg13[%get3A_2755] {strides = array<i32>} : memref<2048xf32, #tpu.memory_space<vmem>>, vector<16xf32>,
      %get3A_2757 = vector.shape_cast %get3A_2756 : vector<16xf32> to vector<16xf32>
      %mul3A_2758 = arith.constant 128 : i32
      %mul3A_2759 = arith.muli %select_n3A_2550, %mul3A_2758 : i32
      %add3A_2760 = arith.constant 64 : i32
      %add3A_2761 = arith.addi %mul3A_2759, %add3A_2760 : i32
      %get3A_2762 = arith.index_cast %add3A_2761 : i32 to index
      %get3A_2763 = tpu.vector_load %arg14[%get3A_2762] {strides = array<i32>} : memref<2048xf32, #tpu.memory_space<vmem>>, vector<16xf32>,
      %get3A_2764 = vector.shape_cast %get3A_2763 : vector<16xf32> to vector<16xf32>
      %add3A_2765 = arith.addf %get3A_2757, %get3A_2764 : vector<16xf32>
      %mul3A_2766 = arith.constant 128 : i32
      %mul3A_2767 = arith.muli %select_n3A_2590, %mul3A_2766 : i32
      %add3A_2768 = arith.constant 64 : i32
      %add3A_2769 = arith.addi %mul3A_2767, %add3A_2768 : i32
      %get3A_2770 = arith.index_cast %add3A_2769 : i32 to index
      %get3A_2771 = tpu.vector_load %arg15[%get3A_2770] {strides = array<i32>} : memref<2048xf32, #tpu.memory_space<vmem>>, vector<16xf32>,
      %get3A_2772 = vector.shape_cast %get3A_2771 : vector<16xf32> to vector<16xf32>
      %add3A_2773 = arith.addf %add3A_2765, %get3A_2772 : vector<16xf32>
      %mul3A_2774 = arith.constant 128 : i32
      %mul3A_2775 = arith.muli %select_n3A_2606, %mul3A_2774 : i32
      %add3A_2776 = arith.constant 64 : i32
      %add3A_2777 = arith.addi %mul3A_2775, %add3A_2776 : i32
      %get3A_2778 = arith.index_cast %add3A_2777 : i32 to index
      %get3A_2779 = tpu.vector_load %arg16[%get3A_2778] {strides = array<i32>} : memref<2048xf32, #tpu.memory_space<vmem>>, vector<16xf32>,
      %get3A_2780 = vector.shape_cast %get3A_2779 : vector<16xf32> to vector<16xf32>
      %add3A_2781 = arith.addf %add3A_2773, %get3A_2780 : vector<16xf32>
      %swap3A_2782 = arith.index_cast %scan3A_2493 : i32 to index
      %swap3A_2783 = arith.constant 64 : index
      %swap3A_2784 = tpu.vector_load %arg17[%swap3A_2782, %swap3A_2783] {strides = array<i32>} : memref<34x128xf32, #tpu.memory_space<vmem>>, vector<1x16xf32>,
      %swap3A_2785 = vector.shape_cast %swap3A_2784 : vector<1x16xf32> to vector<16xf32>
      %swap3A_2786 = vector.shape_cast %add3A_2781 : vector<16xf32> to vector<1x16xf32>
      tpu.vector_store %arg17[%swap3A_2782, %swap3A_2783], %swap3A_2786 {strides = array<i32>} : memref<34x128xf32, #tpu.memory_space<vmem>>, vector<1x16xf32>,
      %mul3A_2787 = arith.constant 128 : i32
      %mul3A_2788 = arith.muli %select_n3A, %mul3A_2787 : i32
      %add3A_2789 = arith.constant 80 : i32
      %add3A_2790 = arith.addi %mul3A_2788, %add3A_2789 : i32
      %get3A_2791 = arith.index_cast %add3A_2790 : i32 to index
      %get3A_2792 = tpu.vector_load %arg13[%get3A_2791] {strides = array<i32>} : memref<2048xf32, #tpu.memory_space<vmem>>, vector<16xf32>,
      %get3A_2793 = vector.shape_cast %get3A_2792 : vector<16xf32> to vector<16xf32>
      %mul3A_2794 = arith.constant 128 : i32
      %mul3A_2795 = arith.muli %select_n3A_2550, %mul3A_2794 : i32
      %add3A_2796 = arith.constant 80 : i32
      %add3A_2797 = arith.addi %mul3A_2795, %add3A_2796 : i32
      %get3A_2798 = arith.index_cast %add3A_2797 : i32 to index
      %get3A_2799 = tpu.vector_load %arg14[%get3A_2798] {strides = array<i32>} : memref<2048xf32, #tpu.memory_space<vmem>>, vector<16xf32>,
      %get3A_2800 = vector.shape_cast %get3A_2799 : vector<16xf32> to vector<16xf32>
      %add3A_2801 = arith.addf %get3A_2793, %get3A_2800 : vector<16xf32>
      %mul3A_2802 = arith.constant 128 : i32
      %mul3A_2803 = arith.muli %select_n3A_2590, %mul3A_2802 : i32
      %add3A_2804 = arith.constant 80 : i32
      %add3A_2805 = arith.addi %mul3A_2803, %add3A_2804 : i32
      %get3A_2806 = arith.index_cast %add3A_2805 : i32 to index
      %get3A_2807 = tpu.vector_load %arg15[%get3A_2806] {strides = array<i32>} : memref<2048xf32, #tpu.memory_space<vmem>>, vector<16xf32>,
      %get3A_2808 = vector.shape_cast %get3A_2807 : vector<16xf32> to vector<16xf32>
      %add3A_2809 = arith.addf %add3A_2801, %get3A_2808 : vector<16xf32>
      %mul3A_2810 = arith.constant 128 : i32
      %mul3A_2811 = arith.muli %select_n3A_2606, %mul3A_2810 : i32
      %add3A_2812 = arith.constant 80 : i32
      %add3A_2813 = arith.addi %mul3A_2811, %add3A_2812 : i32
      %get3A_2814 = arith.index_cast %add3A_2813 : i32 to index
      %get3A_2815 = tpu.vector_load %arg16[%get3A_2814] {strides = array<i32>} : memref<2048xf32, #tpu.memory_space<vmem>>, vector<16xf32>,
      %get3A_2816 = vector.shape_cast %get3A_2815 : vector<16xf32> to vector<16xf32>
      %add3A_2817 = arith.addf %add3A_2809, %get3A_2816 : vector<16xf32>
      %swap3A_2818 = arith.index_cast %scan3A_2493 : i32 to index
      %swap3A_2819 = arith.constant 80 : index
      %swap3A_2820 = tpu.vector_load %arg17[%swap3A_2818, %swap3A_2819] {strides = array<i32>} : memref<34x128xf32, #tpu.memory_space<vmem>>, vector<1x16xf32>,
      %swap3A_2821 = vector.shape_cast %swap3A_2820 : vector<1x16xf32> to vector<16xf32>
      %swap3A_2822 = vector.shape_cast %add3A_2817 : vector<16xf32> to vector<1x16xf32>
      tpu.vector_store %arg17[%swap3A_2818, %swap3A_2819], %swap3A_2822 {strides = array<i32>} : memref<34x128xf32, #tpu.memory_space<vmem>>, vector<1x16xf32>,
      %mul3A_2823 = arith.constant 128 : i32
      %mul3A_2824 = arith.muli %select_n3A, %mul3A_2823 : i32
      %add3A_2825 = arith.constant 96 : i32
      %add3A_2826 = arith.addi %mul3A_2824, %add3A_2825 : i32
      %get3A_2827 = arith.index_cast %add3A_2826 : i32 to index
      %get3A_2828 = tpu.vector_load %arg13[%get3A_2827] {strides = array<i32>} : memref<2048xf32, #tpu.memory_space<vmem>>, vector<16xf32>,
      %get3A_2829 = vector.shape_cast %get3A_2828 : vector<16xf32> to vector<16xf32>
      %mul3A_2830 = arith.constant 128 : i32
      %mul3A_2831 = arith.muli %select_n3A_2550, %mul3A_2830 : i32
      %add3A_2832 = arith.constant 96 : i32
      %add3A_2833 = arith.addi %mul3A_2831, %add3A_2832 : i32
      %get3A_2834 = arith.index_cast %add3A_2833 : i32 to index
      %get3A_2835 = tpu.vector_load %arg14[%get3A_2834] {strides = array<i32>} : memref<2048xf32, #tpu.memory_space<vmem>>, vector<16xf32>,
      %get3A_2836 = vector.shape_cast %get3A_2835 : vector<16xf32> to vector<16xf32>
      %add3A_2837 = arith.addf %get3A_2829, %get3A_2836 : vector<16xf32>
      %mul3A_2838 = arith.constant 128 : i32
      %mul3A_2839 = arith.muli %select_n3A_2590, %mul3A_2838 : i32
      %add3A_2840 = arith.constant 96 : i32
      %add3A_2841 = arith.addi %mul3A_2839, %add3A_2840 : i32
      %get3A_2842 = arith.index_cast %add3A_2841 : i32 to index
      %get3A_2843 = tpu.vector_load %arg15[%get3A_2842] {strides = array<i32>} : memref<2048xf32, #tpu.memory_space<vmem>>, vector<16xf32>,
      %get3A_2844 = vector.shape_cast %get3A_2843 : vector<16xf32> to vector<16xf32>
      %add3A_2845 = arith.addf %add3A_2837, %get3A_2844 : vector<16xf32>
      %mul3A_2846 = arith.constant 128 : i32
      %mul3A_2847 = arith.muli %select_n3A_2606, %mul3A_2846 : i32
      %add3A_2848 = arith.constant 96 : i32
      %add3A_2849 = arith.addi %mul3A_2847, %add3A_2848 : i32
      %get3A_2850 = arith.index_cast %add3A_2849 : i32 to index
      %get3A_2851 = tpu.vector_load %arg16[%get3A_2850] {strides = array<i32>} : memref<2048xf32, #tpu.memory_space<vmem>>, vector<16xf32>,
      %get3A_2852 = vector.shape_cast %get3A_2851 : vector<16xf32> to vector<16xf32>
      %add3A_2853 = arith.addf %add3A_2845, %get3A_2852 : vector<16xf32>
      %swap3A_2854 = arith.index_cast %scan3A_2493 : i32 to index
      %swap3A_2855 = arith.constant 96 : index
      %swap3A_2856 = tpu.vector_load %arg17[%swap3A_2854, %swap3A_2855] {strides = array<i32>} : memref<34x128xf32, #tpu.memory_space<vmem>>, vector<1x16xf32>,
      %swap3A_2857 = vector.shape_cast %swap3A_2856 : vector<1x16xf32> to vector<16xf32>
      %swap3A_2858 = vector.shape_cast %add3A_2853 : vector<16xf32> to vector<1x16xf32>
      tpu.vector_store %arg17[%swap3A_2854, %swap3A_2855], %swap3A_2858 {strides = array<i32>} : memref<34x128xf32, #tpu.memory_space<vmem>>, vector<1x16xf32>,
      %mul3A_2859 = arith.constant 128 : i32
      %mul3A_2860 = arith.muli %select_n3A, %mul3A_2859 : i32
      %add3A_2861 = arith.constant 112 : i32
      %add3A_2862 = arith.addi %mul3A_2860, %add3A_2861 : i32
      %get3A_2863 = arith.index_cast %add3A_2862 : i32 to index
      %get3A_2864 = tpu.vector_load %arg13[%get3A_2863] {strides = array<i32>} : memref<2048xf32, #tpu.memory_space<vmem>>, vector<16xf32>,
      %get3A_2865 = vector.shape_cast %get3A_2864 : vector<16xf32> to vector<16xf32>
      %mul3A_2866 = arith.constant 128 : i32
      %mul3A_2867 = arith.muli %select_n3A_2550, %mul3A_2866 : i32
      %add3A_2868 = arith.constant 112 : i32
      %add3A_2869 = arith.addi %mul3A_2867, %add3A_2868 : i32
      %get3A_2870 = arith.index_cast %add3A_2869 : i32 to index
      %get3A_2871 = tpu.vector_load %arg14[%get3A_2870] {strides = array<i32>} : memref<2048xf32, #tpu.memory_space<vmem>>, vector<16xf32>,
      %get3A_2872 = vector.shape_cast %get3A_2871 : vector<16xf32> to vector<16xf32>
      %add3A_2873 = arith.addf %get3A_2865, %get3A_2872 : vector<16xf32>
      %mul3A_2874 = arith.constant 128 : i32
      %mul3A_2875 = arith.muli %select_n3A_2590, %mul3A_2874 : i32
      %add3A_2876 = arith.constant 112 : i32
      %add3A_2877 = arith.addi %mul3A_2875, %add3A_2876 : i32
      %get3A_2878 = arith.index_cast %add3A_2877 : i32 to index
      %get3A_2879 = tpu.vector_load %arg15[%get3A_2878] {strides = array<i32>} : memref<2048xf32, #tpu.memory_space<vmem>>, vector<16xf32>,
      %get3A_2880 = vector.shape_cast %get3A_2879 : vector<16xf32> to vector<16xf32>
      %add3A_2881 = arith.addf %add3A_2873, %get3A_2880 : vector<16xf32>
      %mul3A_2882 = arith.constant 128 : i32
      %mul3A_2883 = arith.muli %select_n3A_2606, %mul3A_2882 : i32
      %add3A_2884 = arith.constant 112 : i32
      %add3A_2885 = arith.addi %mul3A_2883, %add3A_2884 : i32
      %get3A_2886 = arith.index_cast %add3A_2885 : i32 to index
      %get3A_2887 = tpu.vector_load %arg16[%get3A_2886] {strides = array<i32>} : memref<2048xf32, #tpu.memory_space<vmem>>, vector<16xf32>,
      %get3A_2888 = vector.shape_cast %get3A_2887 : vector<16xf32> to vector<16xf32>
      %add3A_2889 = arith.addf %add3A_2881, %get3A_2888 : vector<16xf32>
      %swap3A_2890 = arith.index_cast %scan3A_2493 : i32 to index
      %swap3A_2891 = arith.constant 112 : index
      %swap3A_2892 = tpu.vector_load %arg17[%swap3A_2890, %swap3A_2891] {strides = array<i32>} : memref<34x128xf32, #tpu.memory_space<vmem>>, vector<1x16xf32>,
      %swap3A_2893 = vector.shape_cast %swap3A_2892 : vector<1x16xf32> to vector<16xf32>
      %swap3A_2894 = vector.shape_cast %add3A_2889 : vector<16xf32> to vector<1x16xf32>
      tpu.vector_store %arg17[%swap3A_2890, %swap3A_2891], %swap3A_2894 {strides = array<i32>} : memref<34x128xf32, #tpu.memory_space<vmem>>, vector<1x16xf32>,
    }
    %scan3A_91 = arith.constant 34 : i32
    %mul3A_92 = arith.constant 34 : i32
    %mul3A_93 = arith.muli %arg1, %mul3A_92 : i32
    "tpu.region"() ({
      %run_scoped3A = tpu.sem_alloc : memref<!tpu.dma_semaphore, #tpu.memory_space<semaphore_mem>>
      %dma_start3A_2493 = arith.constant 0 : i32
      %dma_start3A_2494 = tpu.memref_slice %arg19[%mul3A_93, %dma_start3A_2493] : memref<544x128xf32, #tpu.memory_space<vmem_shared>> -> memref<34x128xf32, #tpu.memory_space<vmem_shared>>
      %dma_start3A_2495 = arith.constant 0 : i32
      %dma_start3A_2496 = tpu.memref_slice %arg19[%mul3A_93, %dma_start3A_2495] : memref<544x128xf32, #tpu.memory_space<vmem_shared>> -> memref<34x128xf32, #tpu.memory_space<vmem_shared>>
      tpu.enqueue_dma source(%arg17 : memref<34x128xf32, #tpu.memory_space<vmem>>) target(%dma_start3A_2496 : memref<34x128xf32, #tpu.memory_space<vmem_shared>>) target_semaphore(%run_scoped3A : memref<!tpu.dma_semaphore, #tpu.memory_space<semaphore_mem>>)
      %dma_wait3A_2497 = arith.constant 0 : i32
      %dma_wait3A_2498 = tpu.memref_slice %arg19[%mul3A_93, %dma_wait3A_2497] : memref<544x128xf32, #tpu.memory_space<vmem_shared>> -> memref<34x128xf32, #tpu.memory_space<vmem_shared>>
      %dma_wait3A_2499 = arith.constant 0 : i32
      %dma_wait3A_2500 = tpu.memref_slice %arg19[%mul3A_93, %dma_wait3A_2499] : memref<544x128xf32, #tpu.memory_space<vmem_shared>> -> memref<34x128xf32, #tpu.memory_space<vmem_shared>>
      tpu.wait_dma2 semaphore(%run_scoped3A : memref<!tpu.dma_semaphore, #tpu.memory_space<semaphore_mem>>) src(%arg17 : memref<34x128xf32, #tpu.memory_space<vmem>>) dst(%dma_wait3A_2500 : memref<34x128xf32, #tpu.memory_space<vmem_shared>>)
      tpu.yield
    }) : () -> ()
    %dma_wait3A_94 = arith.constant 0 : i32
    %dma_wait3A_95 = arith.constant 0 : i32
    %dma_wait3A_96 = arith.constant 0 : i32
    %dma_wait3A_97 = tpu.memref_slice %arg11[%dma_wait3A_94, %dma_wait3A_95, %dma_wait3A_96] : memref<4x32x200xi32, #tpu.memory_space<vmem>> -> memref<1x32x200xi32, #tpu.memory_space<vmem>>
    %dma_wait3A_98 = tpu.memref_squeeze %dma_wait3A_97 : memref<1x32x200xi32, #tpu.memory_space<vmem>> -> memref<32x200xi32, #tpu.memory_space<vmem>>
    %dma_wait3A_99 = arith.constant 0 : i32
    %dma_wait3A_100 = tpu.memref_slice %arg2[%mul3A_4, %dma_wait3A_99] : memref<1024x200xi32, #tpu.memory_space<hbm>> -> memref<32x200xi32, #tpu.memory_space<hbm>>
    %dma_wait3A_101 = arith.constant 0 : i32
    %dma_wait3A_102 = arith.constant 0 : i32
    %dma_wait3A_103 = tpu.memref_slice %arg11[%dma_wait3A_94, %dma_wait3A_101, %dma_wait3A_102] : memref<4x32x200xi32, #tpu.memory_space<vmem>> -> memref<1x32x200xi32, #tpu.memory_space<vmem>>
    %dma_wait3A_104 = tpu.memref_squeeze %dma_wait3A_103 : memref<1x32x200xi32, #tpu.memory_space<vmem>> -> memref<32x200xi32, #tpu.memory_space<vmem>>
    %dma_wait3A_105 = arith.constant 0 : i32
    %dma_wait3A_106 = tpu.memref_slice %arg2[%mul3A_4, %dma_wait3A_105] : memref<1024x200xi32, #tpu.memory_space<hbm>> -> memref<32x200xi32, #tpu.memory_space<hbm>>
    tpu.wait_dma2 semaphore(%arg20 : memref<!tpu.dma_semaphore, #tpu.memory_space<semaphore_mem>>) src(%dma_wait3A_106 : memref<32x200xi32, #tpu.memory_space<hbm>>) dst(%dma_wait3A_104 : memref<32x200xi32, #tpu.memory_space<vmem>>)
    %dma_wait3A_107 = arith.constant 1 : i32
    %dma_wait3A_108 = arith.constant 0 : i32
    %dma_wait3A_109 = arith.constant 0 : i32
    %dma_wait3A_110 = tpu.memref_slice %arg11[%dma_wait3A_107, %dma_wait3A_108, %dma_wait3A_109] : memref<4x32x200xi32, #tpu.memory_space<vmem>> -> memref<1x32x200xi32, #tpu.memory_space<vmem>>
    %dma_wait3A_111 = tpu.memref_squeeze %dma_wait3A_110 : memref<1x32x200xi32, #tpu.memory_space<vmem>> -> memref<32x200xi32, #tpu.memory_space<vmem>>
    %dma_wait3A_112 = arith.constant 0 : i32
    %dma_wait3A_113 = tpu.memref_slice %arg3[%mul3A_4, %dma_wait3A_112] : memref<1024x200xi32, #tpu.memory_space<hbm>> -> memref<32x200xi32, #tpu.memory_space<hbm>>
    %dma_wait3A_114 = arith.constant 0 : i32
    %dma_wait3A_115 = arith.constant 0 : i32
    %dma_wait3A_116 = tpu.memref_slice %arg11[%dma_wait3A_107, %dma_wait3A_114, %dma_wait3A_115] : memref<4x32x200xi32, #tpu.memory_space<vmem>> -> memref<1x32x200xi32, #tpu.memory_space<vmem>>
    %dma_wait3A_117 = tpu.memref_squeeze %dma_wait3A_116 : memref<1x32x200xi32, #tpu.memory_space<vmem>> -> memref<32x200xi32, #tpu.memory_space<vmem>>
    %dma_wait3A_118 = arith.constant 0 : i32
    %dma_wait3A_119 = tpu.memref_slice %arg3[%mul3A_4, %dma_wait3A_118] : memref<1024x200xi32, #tpu.memory_space<hbm>> -> memref<32x200xi32, #tpu.memory_space<hbm>>
    tpu.wait_dma2 semaphore(%arg20 : memref<!tpu.dma_semaphore, #tpu.memory_space<semaphore_mem>>) src(%dma_wait3A_119 : memref<32x200xi32, #tpu.memory_space<hbm>>) dst(%dma_wait3A_117 : memref<32x200xi32, #tpu.memory_space<vmem>>)
    %dma_wait3A_120 = arith.constant 2 : i32
    %dma_wait3A_121 = arith.constant 0 : i32
    %dma_wait3A_122 = arith.constant 0 : i32
    %dma_wait3A_123 = tpu.memref_slice %arg11[%dma_wait3A_120, %dma_wait3A_121, %dma_wait3A_122] : memref<4x32x200xi32, #tpu.memory_space<vmem>> -> memref<1x32x200xi32, #tpu.memory_space<vmem>>
    %dma_wait3A_124 = tpu.memref_squeeze %dma_wait3A_123 : memref<1x32x200xi32, #tpu.memory_space<vmem>> -> memref<32x200xi32, #tpu.memory_space<vmem>>
    %dma_wait3A_125 = arith.constant 0 : i32
    %dma_wait3A_126 = tpu.memref_slice %arg4[%mul3A_4, %dma_wait3A_125] : memref<1024x200xi32, #tpu.memory_space<hbm>> -> memref<32x200xi32, #tpu.memory_space<hbm>>
    %dma_wait3A_127 = arith.constant 0 : i32
    %dma_wait3A_128 = arith.constant 0 : i32
    %dma_wait3A_129 = tpu.memref_slice %arg11[%dma_wait3A_120, %dma_wait3A_127, %dma_wait3A_128] : memref<4x32x200xi32, #tpu.memory_space<vmem>> -> memref<1x32x200xi32, #tpu.memory_space<vmem>>
    %dma_wait3A_130 = tpu.memref_squeeze %dma_wait3A_129 : memref<1x32x200xi32, #tpu.memory_space<vmem>> -> memref<32x200xi32, #tpu.memory_space<vmem>>
    %dma_wait3A_131 = arith.constant 0 : i32
    %dma_wait3A_132 = tpu.memref_slice %arg4[%mul3A_4, %dma_wait3A_131] : memref<1024x200xi32, #tpu.memory_space<hbm>> -> memref<32x200xi32, #tpu.memory_space<hbm>>
    tpu.wait_dma2 semaphore(%arg20 : memref<!tpu.dma_semaphore, #tpu.memory_space<semaphore_mem>>) src(%dma_wait3A_132 : memref<32x200xi32, #tpu.memory_space<hbm>>) dst(%dma_wait3A_130 : memref<32x200xi32, #tpu.memory_space<vmem>>)
    %dma_wait3A_133 = arith.constant 3 : i32
    %dma_wait3A_134 = arith.constant 0 : i32
    %dma_wait3A_135 = arith.constant 0 : i32
    %dma_wait3A_136 = tpu.memref_slice %arg11[%dma_wait3A_133, %dma_wait3A_134, %dma_wait3A_135] : memref<4x32x200xi32, #tpu.memory_space<vmem>> -> memref<1x32x200xi32, #tpu.memory_space<vmem>>
    %dma_wait3A_137 = tpu.memref_squeeze %dma_wait3A_136 : memref<1x32x200xi32, #tpu.memory_space<vmem>> -> memref<32x200xi32, #tpu.memory_space<vmem>>
    %dma_wait3A_138 = arith.constant 0 : i32
    %dma_wait3A_139 = tpu.memref_slice %arg5[%mul3A_4, %dma_wait3A_138] : memref<1024x200xi32, #tpu.memory_space<hbm>> -> memref<32x200xi32, #tpu.memory_space<hbm>>
    %dma_wait3A_140 = arith.constant 0 : i32
    %dma_wait3A_141 = arith.constant 0 : i32
    %dma_wait3A_142 = tpu.memref_slice %arg11[%dma_wait3A_133, %dma_wait3A_140, %dma_wait3A_141] : memref<4x32x200xi32, #tpu.memory_space<vmem>> -> memref<1x32x200xi32, #tpu.memory_space<vmem>>
    %dma_wait3A_143 = tpu.memref_squeeze %dma_wait3A_142 : memref<1x32x200xi32, #tpu.memory_space<vmem>> -> memref<32x200xi32, #tpu.memory_space<vmem>>
    %dma_wait3A_144 = arith.constant 0 : i32
    %dma_wait3A_145 = tpu.memref_slice %arg5[%mul3A_4, %dma_wait3A_144] : memref<1024x200xi32, #tpu.memory_space<hbm>> -> memref<32x200xi32, #tpu.memory_space<hbm>>
    tpu.wait_dma2 semaphore(%arg20 : memref<!tpu.dma_semaphore, #tpu.memory_space<semaphore_mem>>) src(%dma_wait3A_145 : memref<32x200xi32, #tpu.memory_space<hbm>>) dst(%dma_wait3A_143 : memref<32x200xi32, #tpu.memory_space<vmem>>)
    %get3A = arith.constant 0 : i32
    %get3A_146 = arith.constant 0 : i32
    %get3A_147 = arith.index_cast %get3A : i32 to index
    %get3A_148 = arith.index_cast %get3A_146 : i32 to index
    %get3A_149 = arith.constant 0 : index
    %get3A_150 = tpu.vector_load %arg11[%get3A_147, %get3A_148, %get3A_149] {strides = array<i32>} : memref<4x32x200xi32, #tpu.memory_space<vmem>>, vector<1x1x16xi32>,
    %get3A_151 = vector.shape_cast %get3A_150 : vector<1x1x16xi32> to vector<16xi32>
    %mul3A_152 = arith.constant 180 : i32
    %mul3A_153 = vector.broadcast %mul3A_152 : i32 to vector<16xi32>
    %mul3A_154 = arith.muli %get3A_151, %mul3A_153 : vector<16xi32>
    %get3A_155 = arith.constant 1 : i32
    %get3A_156 = arith.constant 0 : i32
    %get3A_157 = arith.index_cast %get3A_155 : i32 to index
    %get3A_158 = arith.index_cast %get3A_156 : i32 to index
    %get3A_159 = arith.constant 0 : index
    %get3A_160 = tpu.vector_load %arg11[%get3A_157, %get3A_158, %get3A_159] {strides = array<i32>} : memref<4x32x200xi32, #tpu.memory_space<vmem>>, vector<1x1x16xi32>,
    %get3A_161 = vector.shape_cast %get3A_160 : vector<1x1x16xi32> to vector<16xi32>
    %mul3A_162 = arith.constant 45 : i32
    %mul3A_163 = vector.broadcast %mul3A_162 : i32 to vector<16xi32>
    %mul3A_164 = arith.muli %get3A_161, %mul3A_163 : vector<16xi32>
    %add3A_165 = arith.addi %mul3A_154, %mul3A_164 : vector<16xi32>
    %get3A_166 = arith.constant 2 : i32
    %get3A_167 = arith.constant 0 : i32
    %get3A_168 = arith.index_cast %get3A_166 : i32 to index
    %get3A_169 = arith.index_cast %get3A_167 : i32 to index
    %get3A_170 = arith.constant 0 : index
    %get3A_171 = tpu.vector_load %arg11[%get3A_168, %get3A_169, %get3A_170] {strides = array<i32>} : memref<4x32x200xi32, #tpu.memory_space<vmem>>, vector<1x1x16xi32>,
    %get3A_172 = vector.shape_cast %get3A_171 : vector<1x1x16xi32> to vector<16xi32>
    %mul3A_173 = arith.constant 5 : i32
    %mul3A_174 = vector.broadcast %mul3A_173 : i32 to vector<16xi32>
    %mul3A_175 = arith.muli %get3A_172, %mul3A_174 : vector<16xi32>
    %add3A_176 = arith.addi %add3A_165, %mul3A_175 : vector<16xi32>
    %get3A_177 = arith.constant 3 : i32
    %get3A_178 = arith.constant 0 : i32
    %get3A_179 = arith.index_cast %get3A_177 : i32 to index
    %get3A_180 = arith.index_cast %get3A_178 : i32 to index
    %get3A_181 = arith.constant 0 : index
    %get3A_182 = tpu.vector_load %arg11[%get3A_179, %get3A_180, %get3A_181] {strides = array<i32>} : memref<4x32x200xi32, #tpu.memory_space<vmem>>, vector<1x1x16xi32>,
    %get3A_183 = vector.shape_cast %get3A_182 : vector<1x1x16xi32> to vector<16xi32>
    %add3A_184 = arith.addi %add3A_176, %get3A_183 : vector<16xi32>
    %swap3A = arith.constant 0 : index
    %swap3A_185 = tpu.vector_load %arg12[%swap3A] {strides = array<i32>} : memref<6400xi32, #tpu.memory_space<vmem>>, vector<16xi32>,
    %swap3A_186 = vector.shape_cast %swap3A_185 : vector<16xi32> to vector<16xi32>
    %swap3A_187 = vector.shape_cast %add3A_184 : vector<16xi32> to vector<16xi32>
    tpu.vector_store %arg12[%swap3A], %swap3A_187 {strides = array<i32>} : memref<6400xi32, #tpu.memory_space<vmem>>, vector<16xi32>,
    %get3A_188 = arith.constant 0 : i32
    %get3A_189 = arith.constant 0 : i32
    %get3A_190 = arith.index_cast %get3A_188 : i32 to index
    %get3A_191 = arith.index_cast %get3A_189 : i32 to index
    %get3A_192 = arith.constant 16 : index
    %get3A_193 = tpu.vector_load %arg11[%get3A_190, %get3A_191, %get3A_192] {strides = array<i32>} : memref<4x32x200xi32, #tpu.memory_space<vmem>>, vector<1x1x16xi32>,
    %get3A_194 = vector.shape_cast %get3A_193 : vector<1x1x16xi32> to vector<16xi32>
    %mul3A_195 = arith.constant 180 : i32
    %mul3A_196 = vector.broadcast %mul3A_195 : i32 to vector<16xi32>
    %mul3A_197 = arith.muli %get3A_194, %mul3A_196 : vector<16xi32>
    %get3A_198 = arith.constant 1 : i32
    %get3A_199 = arith.constant 0 : i32
    %get3A_200 = arith.index_cast %get3A_198 : i32 to index
    %get3A_201 = arith.index_cast %get3A_199 : i32 to index
    %get3A_202 = arith.constant 16 : index
    %get3A_203 = tpu.vector_load %arg11[%get3A_200, %get3A_201, %get3A_202] {strides = array<i32>} : memref<4x32x200xi32, #tpu.memory_space<vmem>>, vector<1x1x16xi32>,
    %get3A_204 = vector.shape_cast %get3A_203 : vector<1x1x16xi32> to vector<16xi32>
    %mul3A_205 = arith.constant 45 : i32
    %mul3A_206 = vector.broadcast %mul3A_205 : i32 to vector<16xi32>
    %mul3A_207 = arith.muli %get3A_204, %mul3A_206 : vector<16xi32>
    %add3A_208 = arith.addi %mul3A_197, %mul3A_207 : vector<16xi32>
    %get3A_209 = arith.constant 2 : i32
    %get3A_210 = arith.constant 0 : i32
    %get3A_211 = arith.index_cast %get3A_209 : i32 to index
    %get3A_212 = arith.index_cast %get3A_210 : i32 to index
    %get3A_213 = arith.constant 16 : index
    %get3A_214 = tpu.vector_load %arg11[%get3A_211, %get3A_212, %get3A_213] {strides = array<i32>} : memref<4x32x200xi32, #tpu.memory_space<vmem>>, vector<1x1x16xi32>,
    %get3A_215 = vector.shape_cast %get3A_214 : vector<1x1x16xi32> to vector<16xi32>
    %mul3A_216 = arith.constant 5 : i32
    %mul3A_217 = vector.broadcast %mul3A_216 : i32 to vector<16xi32>
    %mul3A_218 = arith.muli %get3A_215, %mul3A_217 : vector<16xi32>
    %add3A_219 = arith.addi %add3A_208, %mul3A_218 : vector<16xi32>
    %get3A_220 = arith.constant 3 : i32
    %get3A_221 = arith.constant 0 : i32
    %get3A_222 = arith.index_cast %get3A_220 : i32 to index
    %get3A_223 = arith.index_cast %get3A_221 : i32 to index
    %get3A_224 = arith.constant 16 : index
    %get3A_225 = tpu.vector_load %arg11[%get3A_222, %get3A_223, %get3A_224] {strides = array<i32>} : memref<4x32x200xi32, #tpu.memory_space<vmem>>, vector<1x1x16xi32>,
    %get3A_226 = vector.shape_cast %get3A_225 : vector<1x1x16xi32> to vector<16xi32>
    %add3A_227 = arith.addi %add3A_219, %get3A_226 : vector<16xi32>
    %swap3A_228 = arith.constant 16 : index
    %swap3A_229 = tpu.vector_load %arg12[%swap3A_228] {strides = array<i32>} : memref<6400xi32, #tpu.memory_space<vmem>>, vector<16xi32>,
    %swap3A_230 = vector.shape_cast %swap3A_229 : vector<16xi32> to vector<16xi32>
    %swap3A_231 = vector.shape_cast %add3A_227 : vector<16xi32> to vector<16xi32>
    tpu.vector_store %arg12[%swap3A_228], %swap3A_231 {strides = array<i32>} : memref<6400xi32, #tpu.memory_space<vmem>>, vector<16xi32>,
    %get3A_232 = arith.constant 0 : i32
    %get3A_233 = arith.constant 0 : i32
    %get3A_234 = arith.index_cast %get3A_232 : i32 to index
    %get3A_235 = arith.index_cast %get3A_233 : i32 to index
    %get3A_236 = arith.constant 32 : index
    %get3A_237 = tpu.vector_load %arg11[%get3A_234, %get3A_235, %get3A_236] {strides = array<i32>} : memref<4x32x200xi32, #tpu.memory_space<vmem>>, vector<1x1x16xi32>,
    %get3A_238 = vector.shape_cast %get3A_237 : vector<1x1x16xi32> to vector<16xi32>
    %mul3A_239 = arith.constant 180 : i32
    %mul3A_240 = vector.broadcast %mul3A_239 : i32 to vector<16xi32>
    %mul3A_241 = arith.muli %get3A_238, %mul3A_240 : vector<16xi32>
    %get3A_242 = arith.constant 1 : i32
    %get3A_243 = arith.constant 0 : i32
    %get3A_244 = arith.index_cast %get3A_242 : i32 to index
    %get3A_245 = arith.index_cast %get3A_243 : i32 to index
    %get3A_246 = arith.constant 32 : index
    %get3A_247 = tpu.vector_load %arg11[%get3A_244, %get3A_245, %get3A_246] {strides = array<i32>} : memref<4x32x200xi32, #tpu.memory_space<vmem>>, vector<1x1x16xi32>,
    %get3A_248 = vector.shape_cast %get3A_247 : vector<1x1x16xi32> to vector<16xi32>
    %mul3A_249 = arith.constant 45 : i32
    %mul3A_250 = vector.broadcast %mul3A_249 : i32 to vector<16xi32>
    %mul3A_251 = arith.muli %get3A_248, %mul3A_250 : vector<16xi32>
    %add3A_252 = arith.addi %mul3A_241, %mul3A_251 : vector<16xi32>
    %get3A_253 = arith.constant 2 : i32
    %get3A_254 = arith.constant 0 : i32
    %get3A_255 = arith.index_cast %get3A_253 : i32 to index
    %get3A_256 = arith.index_cast %get3A_254 : i32 to index
    %get3A_257 = arith.constant 32 : index
    %get3A_258 = tpu.vector_load %arg11[%get3A_255, %get3A_256, %get3A_257] {strides = array<i32>} : memref<4x32x200xi32, #tpu.memory_space<vmem>>, vector<1x1x16xi32>,
    %get3A_259 = vector.shape_cast %get3A_258 : vector<1x1x16xi32> to vector<16xi32>
    %mul3A_260 = arith.constant 5 : i32
    %mul3A_261 = vector.broadcast %mul3A_260 : i32 to vector<16xi32>
    %mul3A_262 = arith.muli %get3A_259, %mul3A_261 : vector<16xi32>
    %add3A_263 = arith.addi %add3A_252, %mul3A_262 : vector<16xi32>
    %get3A_264 = arith.constant 3 : i32
    %get3A_265 = arith.constant 0 : i32
    %get3A_266 = arith.index_cast %get3A_264 : i32 to index
    %get3A_267 = arith.index_cast %get3A_265 : i32 to index
    %get3A_268 = arith.constant 32 : index
    %get3A_269 = tpu.vector_load %arg11[%get3A_266, %get3A_267, %get3A_268] {strides = array<i32>} : memref<4x32x200xi32, #tpu.memory_space<vmem>>, vector<1x1x16xi32>,
    %get3A_270 = vector.shape_cast %get3A_269 : vector<1x1x16xi32> to vector<16xi32>
    %add3A_271 = arith.addi %add3A_263, %get3A_270 : vector<16xi32>
    %swap3A_272 = arith.constant 32 : index
    %swap3A_273 = tpu.vector_load %arg12[%swap3A_272] {strides = array<i32>} : memref<6400xi32, #tpu.memory_space<vmem>>, vector<16xi32>,
    %swap3A_274 = vector.shape_cast %swap3A_273 : vector<16xi32> to vector<16xi32>
    %swap3A_275 = vector.shape_cast %add3A_271 : vector<16xi32> to vector<16xi32>
    tpu.vector_store %arg12[%swap3A_272], %swap3A_275 {strides = array<i32>} : memref<6400xi32, #tpu.memory_space<vmem>>, vector<16xi32>,
    %get3A_276 = arith.constant 0 : i32
    %get3A_277 = arith.constant 0 : i32
    %get3A_278 = arith.index_cast %get3A_276 : i32 to index
    %get3A_279 = arith.index_cast %get3A_277 : i32 to index
    %get3A_280 = arith.constant 48 : index
    %get3A_281 = tpu.vector_load %arg11[%get3A_278, %get3A_279, %get3A_280] {strides = array<i32>} : memref<4x32x200xi32, #tpu.memory_space<vmem>>, vector<1x1x16xi32>,
    %get3A_282 = vector.shape_cast %get3A_281 : vector<1x1x16xi32> to vector<16xi32>
    %mul3A_283 = arith.constant 180 : i32
    %mul3A_284 = vector.broadcast %mul3A_283 : i32 to vector<16xi32>
    %mul3A_285 = arith.muli %get3A_282, %mul3A_284 : vector<16xi32>
    %get3A_286 = arith.constant 1 : i32
    %get3A_287 = arith.constant 0 : i32
    %get3A_288 = arith.index_cast %get3A_286 : i32 to index
    %get3A_289 = arith.index_cast %get3A_287 : i32 to index
    %get3A_290 = arith.constant 48 : index
    %get3A_291 = tpu.vector_load %arg11[%get3A_288, %get3A_289, %get3A_290] {strides = array<i32>} : memref<4x32x200xi32, #tpu.memory_space<vmem>>, vector<1x1x16xi32>,
    %get3A_292 = vector.shape_cast %get3A_291 : vector<1x1x16xi32> to vector<16xi32>
    %mul3A_293 = arith.constant 45 : i32
    %mul3A_294 = vector.broadcast %mul3A_293 : i32 to vector<16xi32>
    %mul3A_295 = arith.muli %get3A_292, %mul3A_294 : vector<16xi32>
    %add3A_296 = arith.addi %mul3A_285, %mul3A_295 : vector<16xi32>
    %get3A_297 = arith.constant 2 : i32
    %get3A_298 = arith.constant 0 : i32
    %get3A_299 = arith.index_cast %get3A_297 : i32 to index
    %get3A_300 = arith.index_cast %get3A_298 : i32 to index
    %get3A_301 = arith.constant 48 : index
    %get3A_302 = tpu.vector_load %arg11[%get3A_299, %get3A_300, %get3A_301] {strides = array<i32>} : memref<4x32x200xi32, #tpu.memory_space<vmem>>, vector<1x1x16xi32>,
    %get3A_303 = vector.shape_cast %get3A_302 : vector<1x1x16xi32> to vector<16xi32>
    %mul3A_304 = arith.constant 5 : i32
    %mul3A_305 = vector.broadcast %mul3A_304 : i32 to vector<16xi32>
    %mul3A_306 = arith.muli %get3A_303, %mul3A_305 : vector<16xi32>
    %add3A_307 = arith.addi %add3A_296, %mul3A_306 : vector<16xi32>
    %get3A_308 = arith.constant 3 : i32
    %get3A_309 = arith.constant 0 : i32
    %get3A_310 = arith.index_cast %get3A_308 : i32 to index
    %get3A_311 = arith.index_cast %get3A_309 : i32 to index
    %get3A_312 = arith.constant 48 : index
    %get3A_313 = tpu.vector_load %arg11[%get3A_310, %get3A_311, %get3A_312] {strides = array<i32>} : memref<4x32x200xi32, #tpu.memory_space<vmem>>, vector<1x1x16xi32>,
    %get3A_314 = vector.shape_cast %get3A_313 : vector<1x1x16xi32> to vector<16xi32>
    %add3A_315 = arith.addi %add3A_307, %get3A_314 : vector<16xi32>
    %swap3A_316 = arith.constant 48 : index
    %swap3A_317 = tpu.vector_load %arg12[%swap3A_316] {strides = array<i32>} : memref<6400xi32, #tpu.memory_space<vmem>>, vector<16xi32>,
    %swap3A_318 = vector.shape_cast %swap3A_317 : vector<16xi32> to vector<16xi32>
    %swap3A_319 = vector.shape_cast %add3A_315 : vector<16xi32> to vector<16xi32>
    tpu.vector_store %arg12[%swap3A_316], %swap3A_319 {strides = array<i32>} : memref<6400xi32, #tpu.memory_space<vmem>>, vector<16xi32>,
    %get3A_320 = arith.constant 0 : i32
    %get3A_321 = arith.constant 0 : i32
    %get3A_322 = arith.index_cast %get3A_320 : i32 to index
    %get3A_323 = arith.index_cast %get3A_321 : i32 to index
    %get3A_324 = arith.constant 64 : index
    %get3A_325 = tpu.vector_load %arg11[%get3A_322, %get3A_323, %get3A_324] {strides = array<i32>} : memref<4x32x200xi32, #tpu.memory_space<vmem>>, vector<1x1x16xi32>,
    %get3A_326 = vector.shape_cast %get3A_325 : vector<1x1x16xi32> to vector<16xi32>
    %mul3A_327 = arith.constant 180 : i32
    %mul3A_328 = vector.broadcast %mul3A_327 : i32 to vector<16xi32>
    %mul3A_329 = arith.muli %get3A_326, %mul3A_328 : vector<16xi32>
    %get3A_330 = arith.constant 1 : i32
    %get3A_331 = arith.constant 0 : i32
    %get3A_332 = arith.index_cast %get3A_330 : i32 to index
    %get3A_333 = arith.index_cast %get3A_331 : i32 to index
    %get3A_334 = arith.constant 64 : index
    %get3A_335 = tpu.vector_load %arg11[%get3A_332, %get3A_333, %get3A_334] {strides = array<i32>} : memref<4x32x200xi32, #tpu.memory_space<vmem>>, vector<1x1x16xi32>,
    %get3A_336 = vector.shape_cast %get3A_335 : vector<1x1x16xi32> to vector<16xi32>
    %mul3A_337 = arith.constant 45 : i32
    %mul3A_338 = vector.broadcast %mul3A_337 : i32 to vector<16xi32>
    %mul3A_339 = arith.muli %get3A_336, %mul3A_338 : vector<16xi32>
    %add3A_340 = arith.addi %mul3A_329, %mul3A_339 : vector<16xi32>
    %get3A_341 = arith.constant 2 : i32
    %get3A_342 = arith.constant 0 : i32
    %get3A_343 = arith.index_cast %get3A_341 : i32 to index
    %get3A_344 = arith.index_cast %get3A_342 : i32 to index
    %get3A_345 = arith.constant 64 : index
    %get3A_346 = tpu.vector_load %arg11[%get3A_343, %get3A_344, %get3A_345] {strides = array<i32>} : memref<4x32x200xi32, #tpu.memory_space<vmem>>, vector<1x1x16xi32>,
    %get3A_347 = vector.shape_cast %get3A_346 : vector<1x1x16xi32> to vector<16xi32>
    %mul3A_348 = arith.constant 5 : i32
    %mul3A_349 = vector.broadcast %mul3A_348 : i32 to vector<16xi32>
    %mul3A_350 = arith.muli %get3A_347, %mul3A_349 : vector<16xi32>
    %add3A_351 = arith.addi %add3A_340, %mul3A_350 : vector<16xi32>
    %get3A_352 = arith.constant 3 : i32
    %get3A_353 = arith.constant 0 : i32
    %get3A_354 = arith.index_cast %get3A_352 : i32 to index
    %get3A_355 = arith.index_cast %get3A_353 : i32 to index
    %get3A_356 = arith.constant 64 : index
    %get3A_357 = tpu.vector_load %arg11[%get3A_354, %get3A_355, %get3A_356] {strides = array<i32>} : memref<4x32x200xi32, #tpu.memory_space<vmem>>, vector<1x1x16xi32>,
    %get3A_358 = vector.shape_cast %get3A_357 : vector<1x1x16xi32> to vector<16xi32>
    %add3A_359 = arith.addi %add3A_351, %get3A_358 : vector<16xi32>
    %swap3A_360 = arith.constant 64 : index
    %swap3A_361 = tpu.vector_load %arg12[%swap3A_360] {strides = array<i32>} : memref<6400xi32, #tpu.memory_space<vmem>>, vector<16xi32>,
    %swap3A_362 = vector.shape_cast %swap3A_361 : vector<16xi32> to vector<16xi32>
    %swap3A_363 = vector.shape_cast %add3A_359 : vector<16xi32> to vector<16xi32>
    tpu.vector_store %arg12[%swap3A_360], %swap3A_363 {strides = array<i32>} : memref<6400xi32, #tpu.memory_space<vmem>>, vector<16xi32>,
    %get3A_364 = arith.constant 0 : i32
    %get3A_365 = arith.constant 0 : i32
    %get3A_366 = arith.index_cast %get3A_364 : i32 to index
    %get3A_367 = arith.index_cast %get3A_365 : i32 to index
    %get3A_368 = arith.constant 80 : index
    %get3A_369 = tpu.vector_load %arg11[%get3A_366, %get3A_367, %get3A_368] {strides = array<i32>} : memref<4x32x200xi32, #tpu.memory_space<vmem>>, vector<1x1x16xi32>,
    %get3A_370 = vector.shape_cast %get3A_369 : vector<1x1x16xi32> to vector<16xi32>
    %mul3A_371 = arith.constant 180 : i32
    %mul3A_372 = vector.broadcast %mul3A_371 : i32 to vector<16xi32>
    %mul3A_373 = arith.muli %get3A_370, %mul3A_372 : vector<16xi32>
    %get3A_374 = arith.constant 1 : i32
    %get3A_375 = arith.constant 0 : i32
    %get3A_376 = arith.index_cast %get3A_374 : i32 to index
    %get3A_377 = arith.index_cast %get3A_375 : i32 to index
    %get3A_378 = arith.constant 80 : index
    %get3A_379 = tpu.vector_load %arg11[%get3A_376, %get3A_377, %get3A_378] {strides = array<i32>} : memref<4x32x200xi32, #tpu.memory_space<vmem>>, vector<1x1x16xi32>,
    %get3A_380 = vector.shape_cast %get3A_379 : vector<1x1x16xi32> to vector<16xi32>
    %mul3A_381 = arith.constant 45 : i32
    %mul3A_382 = vector.broadcast %mul3A_381 : i32 to vector<16xi32>
    %mul3A_383 = arith.muli %get3A_380, %mul3A_382 : vector<16xi32>
    %add3A_384 = arith.addi %mul3A_373, %mul3A_383 : vector<16xi32>
    %get3A_385 = arith.constant 2 : i32
    %get3A_386 = arith.constant 0 : i32
    %get3A_387 = arith.index_cast %get3A_385 : i32 to index
    %get3A_388 = arith.index_cast %get3A_386 : i32 to index
    %get3A_389 = arith.constant 80 : index
    %get3A_390 = tpu.vector_load %arg11[%get3A_387, %get3A_388, %get3A_389] {strides = array<i32>} : memref<4x32x200xi32, #tpu.memory_space<vmem>>, vector<1x1x16xi32>,
    %get3A_391 = vector.shape_cast %get3A_390 : vector<1x1x16xi32> to vector<16xi32>
    %mul3A_392 = arith.constant 5 : i32
    %mul3A_393 = vector.broadcast %mul3A_392 : i32 to vector<16xi32>
    %mul3A_394 = arith.muli %get3A_391, %mul3A_393 : vector<16xi32>
    %add3A_395 = arith.addi %add3A_384, %mul3A_394 : vector<16xi32>
    %get3A_396 = arith.constant 3 : i32
    %get3A_397 = arith.constant 0 : i32
    %get3A_398 = arith.index_cast %get3A_396 : i32 to index
    %get3A_399 = arith.index_cast %get3A_397 : i32 to index
    %get3A_400 = arith.constant 80 : index
    %get3A_401 = tpu.vector_load %arg11[%get3A_398, %get3A_399, %get3A_400] {strides = array<i32>} : memref<4x32x200xi32, #tpu.memory_space<vmem>>, vector<1x1x16xi32>,
    %get3A_402 = vector.shape_cast %get3A_401 : vector<1x1x16xi32> to vector<16xi32>
    %add3A_403 = arith.addi %add3A_395, %get3A_402 : vector<16xi32>
    %swap3A_404 = arith.constant 80 : index
    %swap3A_405 = tpu.vector_load %arg12[%swap3A_404] {strides = array<i32>} : memref<6400xi32, #tpu.memory_space<vmem>>, vector<16xi32>,
    %swap3A_406 = vector.shape_cast %swap3A_405 : vector<16xi32> to vector<16xi32>
    %swap3A_407 = vector.shape_cast %add3A_403 : vector<16xi32> to vector<16xi32>
    tpu.vector_store %arg12[%swap3A_404], %swap3A_407 {strides = array<i32>} : memref<6400xi32, #tpu.memory_space<vmem>>, vector<16xi32>,
    %get3A_408 = arith.constant 0 : i32
    %get3A_409 = arith.constant 0 : i32
    %get3A_410 = arith.index_cast %get3A_408 : i32 to index
    %get3A_411 = arith.index_cast %get3A_409 : i32 to index
    %get3A_412 = arith.constant 96 : index
    %get3A_413 = tpu.vector_load %arg11[%get3A_410, %get3A_411, %get3A_412] {strides = array<i32>} : memref<4x32x200xi32, #tpu.memory_space<vmem>>, vector<1x1x16xi32>,
    %get3A_414 = vector.shape_cast %get3A_413 : vector<1x1x16xi32> to vector<16xi32>
    %mul3A_415 = arith.constant 180 : i32
    %mul3A_416 = vector.broadcast %mul3A_415 : i32 to vector<16xi32>
    %mul3A_417 = arith.muli %get3A_414, %mul3A_416 : vector<16xi32>
    %get3A_418 = arith.constant 1 : i32
    %get3A_419 = arith.constant 0 : i32
    %get3A_420 = arith.index_cast %get3A_418 : i32 to index
    %get3A_421 = arith.index_cast %get3A_419 : i32 to index
    %get3A_422 = arith.constant 96 : index
    %get3A_423 = tpu.vector_load %arg11[%get3A_420, %get3A_421, %get3A_422] {strides = array<i32>} : memref<4x32x200xi32, #tpu.memory_space<vmem>>, vector<1x1x16xi32>,
    %get3A_424 = vector.shape_cast %get3A_423 : vector<1x1x16xi32> to vector<16xi32>
    %mul3A_425 = arith.constant 45 : i32
    %mul3A_426 = vector.broadcast %mul3A_425 : i32 to vector<16xi32>
    %mul3A_427 = arith.muli %get3A_424, %mul3A_426 : vector<16xi32>
    %add3A_428 = arith.addi %mul3A_417, %mul3A_427 : vector<16xi32>
    %get3A_429 = arith.constant 2 : i32
    %get3A_430 = arith.constant 0 : i32
    %get3A_431 = arith.index_cast %get3A_429 : i32 to index
    %get3A_432 = arith.index_cast %get3A_430 : i32 to index
    %get3A_433 = arith.constant 96 : index
    %get3A_434 = tpu.vector_load %arg11[%get3A_431, %get3A_432, %get3A_433] {strides = array<i32>} : memref<4x32x200xi32, #tpu.memory_space<vmem>>, vector<1x1x16xi32>,
    %get3A_435 = vector.shape_cast %get3A_434 : vector<1x1x16xi32> to vector<16xi32>
    %mul3A_436 = arith.constant 5 : i32
    %mul3A_437 = vector.broadcast %mul3A_436 : i32 to vector<16xi32>
    %mul3A_438 = arith.muli %get3A_435, %mul3A_437 : vector<16xi32>
    %add3A_439 = arith.addi %add3A_428, %mul3A_438 : vector<16xi32>
    %get3A_440 = arith.constant 3 : i32
    %get3A_441 = arith.constant 0 : i32
    %get3A_442 = arith.index_cast %get3A_440 : i32 to index
    %get3A_443 = arith.index_cast %get3A_441 : i32 to index
    %get3A_444 = arith.constant 96 : index
    %get3A_445 = tpu.vector_load %arg11[%get3A_442, %get3A_443, %get3A_444] {strides = array<i32>} : memref<4x32x200xi32, #tpu.memory_space<vmem>>, vector<1x1x16xi32>,
    %get3A_446 = vector.shape_cast %get3A_445 : vector<1x1x16xi32> to vector<16xi32>
    %add3A_447 = arith.addi %add3A_439, %get3A_446 : vector<16xi32>
    %swap3A_448 = arith.constant 96 : index
    %swap3A_449 = tpu.vector_load %arg12[%swap3A_448] {strides = array<i32>} : memref<6400xi32, #tpu.memory_space<vmem>>, vector<16xi32>,
    %swap3A_450 = vector.shape_cast %swap3A_449 : vector<16xi32> to vector<16xi32>
    %swap3A_451 = vector.shape_cast %add3A_447 : vector<16xi32> to vector<16xi32>
    tpu.vector_store %arg12[%swap3A_448], %swap3A_451 {strides = array<i32>} : memref<6400xi32, #tpu.memory_space<vmem>>, vector<16xi32>,
    %get3A_452 = arith.constant 0 : i32
    %get3A_453 = arith.constant 0 : i32
    %get3A_454 = arith.index_cast %get3A_452 : i32 to index
    %get3A_455 = arith.index_cast %get3A_453 : i32 to index
    %get3A_456 = arith.constant 112 : index
    %get3A_457 = tpu.vector_load %arg11[%get3A_454, %get3A_455, %get3A_456] {strides = array<i32>} : memref<4x32x200xi32, #tpu.memory_space<vmem>>, vector<1x1x16xi32>,
    %get3A_458 = vector.shape_cast %get3A_457 : vector<1x1x16xi32> to vector<16xi32>
    %mul3A_459 = arith.constant 180 : i32
    %mul3A_460 = vector.broadcast %mul3A_459 : i32 to vector<16xi32>
    %mul3A_461 = arith.muli %get3A_458, %mul3A_460 : vector<16xi32>
    %get3A_462 = arith.constant 1 : i32
    %get3A_463 = arith.constant 0 : i32
    %get3A_464 = arith.index_cast %get3A_462 : i32 to index
    %get3A_465 = arith.index_cast %get3A_463 : i32 to index
    %get3A_466 = arith.constant 112 : index
    %get3A_467 = tpu.vector_load %arg11[%get3A_464, %get3A_465, %get3A_466] {strides = array<i32>} : memref<4x32x200xi32, #tpu.memory_space<vmem>>, vector<1x1x16xi32>,
    %get3A_468 = vector.shape_cast %get3A_467 : vector<1x1x16xi32> to vector<16xi32>
    %mul3A_469 = arith.constant 45 : i32
    %mul3A_470 = vector.broadcast %mul3A_469 : i32 to vector<16xi32>
    %mul3A_471 = arith.muli %get3A_468, %mul3A_470 : vector<16xi32>
    %add3A_472 = arith.addi %mul3A_461, %mul3A_471 : vector<16xi32>
    %get3A_473 = arith.constant 2 : i32
    %get3A_474 = arith.constant 0 : i32
    %get3A_475 = arith.index_cast %get3A_473 : i32 to index
    %get3A_476 = arith.index_cast %get3A_474 : i32 to index
    %get3A_477 = arith.constant 112 : index
    %get3A_478 = tpu.vector_load %arg11[%get3A_475, %get3A_476, %get3A_477] {strides = array<i32>} : memref<4x32x200xi32, #tpu.memory_space<vmem>>, vector<1x1x16xi32>,
    %get3A_479 = vector.shape_cast %get3A_478 : vector<1x1x16xi32> to vector<16xi32>
    %mul3A_480 = arith.constant 5 : i32
    %mul3A_481 = vector.broadcast %mul3A_480 : i32 to vector<16xi32>
    %mul3A_482 = arith.muli %get3A_479, %mul3A_481 : vector<16xi32>
    %add3A_483 = arith.addi %add3A_472, %mul3A_482 : vector<16xi32>
    %get3A_484 = arith.constant 3 : i32
    %get3A_485 = arith.constant 0 : i32
    %get3A_486 = arith.index_cast %get3A_484 : i32 to index
    %get3A_487 = arith.index_cast %get3A_485 : i32 to index
    %get3A_488 = arith.constant 112 : index
    %get3A_489 = tpu.vector_load %arg11[%get3A_486, %get3A_487, %get3A_488] {strides = array<i32>} : memref<4x32x200xi32, #tpu.memory_space<vmem>>, vector<1x1x16xi32>,
    %get3A_490 = vector.shape_cast %get3A_489 : vector<1x1x16xi32> to vector<16xi32>
    %add3A_491 = arith.addi %add3A_483, %get3A_490 : vector<16xi32>
    %swap3A_492 = arith.constant 112 : index
    %swap3A_493 = tpu.vector_load %arg12[%swap3A_492] {strides = array<i32>} : memref<6400xi32, #tpu.memory_space<vmem>>, vector<16xi32>,
    %swap3A_494 = vector.shape_cast %swap3A_493 : vector<16xi32> to vector<16xi32>
    %swap3A_495 = vector.shape_cast %add3A_491 : vector<16xi32> to vector<16xi32>
    tpu.vector_store %arg12[%swap3A_492], %swap3A_495 {strides = array<i32>} : memref<6400xi32, #tpu.memory_space<vmem>>, vector<16xi32>,
    %get3A_496 = arith.constant 0 : i32
    %get3A_497 = arith.constant 0 : i32
    %get3A_498 = arith.index_cast %get3A_496 : i32 to index
    %get3A_499 = arith.index_cast %get3A_497 : i32 to index
    %get3A_500 = arith.constant 128 : index
    %get3A_501 = tpu.vector_load %arg11[%get3A_498, %get3A_499, %get3A_500] {strides = array<i32>} : memref<4x32x200xi32, #tpu.memory_space<vmem>>, vector<1x1x16xi32>,
    %get3A_502 = vector.shape_cast %get3A_501 : vector<1x1x16xi32> to vector<16xi32>
    %mul3A_503 = arith.constant 180 : i32
    %mul3A_504 = vector.broadcast %mul3A_503 : i32 to vector<16xi32>
    %mul3A_505 = arith.muli %get3A_502, %mul3A_504 : vector<16xi32>
    %get3A_506 = arith.constant 1 : i32
    %get3A_507 = arith.constant 0 : i32
    %get3A_508 = arith.index_cast %get3A_506 : i32 to index
    %get3A_509 = arith.index_cast %get3A_507 : i32 to index
    %get3A_510 = arith.constant 128 : index
    %get3A_511 = tpu.vector_load %arg11[%get3A_508, %get3A_509, %get3A_510] {strides = array<i32>} : memref<4x32x200xi32, #tpu.memory_space<vmem>>, vector<1x1x16xi32>,
    %get3A_512 = vector.shape_cast %get3A_511 : vector<1x1x16xi32> to vector<16xi32>
    %mul3A_513 = arith.constant 45 : i32
    %mul3A_514 = vector.broadcast %mul3A_513 : i32 to vector<16xi32>
    %mul3A_515 = arith.muli %get3A_512, %mul3A_514 : vector<16xi32>
    %add3A_516 = arith.addi %mul3A_505, %mul3A_515 : vector<16xi32>
    %get3A_517 = arith.constant 2 : i32
    %get3A_518 = arith.constant 0 : i32
    %get3A_519 = arith.index_cast %get3A_517 : i32 to index
    %get3A_520 = arith.index_cast %get3A_518 : i32 to index
    %get3A_521 = arith.constant 128 : index
    %get3A_522 = tpu.vector_load %arg11[%get3A_519, %get3A_520, %get3A_521] {strides = array<i32>} : memref<4x32x200xi32, #tpu.memory_space<vmem>>, vector<1x1x16xi32>,
    %get3A_523 = vector.shape_cast %get3A_522 : vector<1x1x16xi32> to vector<16xi32>
    %mul3A_524 = arith.constant 5 : i32
    %mul3A_525 = vector.broadcast %mul3A_524 : i32 to vector<16xi32>
    %mul3A_526 = arith.muli %get3A_523, %mul3A_525 : vector<16xi32>
    %add3A_527 = arith.addi %add3A_516, %mul3A_526 : vector<16xi32>
    %get3A_528 = arith.constant 3 : i32
    %get3A_529 = arith.constant 0 : i32
    %get3A_530 = arith.index_cast %get3A_528 : i32 to index
    %get3A_531 = arith.index_cast %get3A_529 : i32 to index
    %get3A_532 = arith.constant 128 : index
    %get3A_533 = tpu.vector_load %arg11[%get3A_530, %get3A_531, %get3A_532] {strides = array<i32>} : memref<4x32x200xi32, #tpu.memory_space<vmem>>, vector<1x1x16xi32>,
    %get3A_534 = vector.shape_cast %get3A_533 : vector<1x1x16xi32> to vector<16xi32>
    %add3A_535 = arith.addi %add3A_527, %get3A_534 : vector<16xi32>
    %swap3A_536 = arith.constant 128 : index
    %swap3A_537 = tpu.vector_load %arg12[%swap3A_536] {strides = array<i32>} : memref<6400xi32, #tpu.memory_space<vmem>>, vector<16xi32>,
    %swap3A_538 = vector.shape_cast %swap3A_537 : vector<16xi32> to vector<16xi32>
    %swap3A_539 = vector.shape_cast %add3A_535 : vector<16xi32> to vector<16xi32>
    tpu.vector_store %arg12[%swap3A_536], %swap3A_539 {strides = array<i32>} : memref<6400xi32, #tpu.memory_space<vmem>>, vector<16xi32>,
    %get3A_540 = arith.constant 0 : i32
    %get3A_541 = arith.constant 0 : i32
    %get3A_542 = arith.index_cast %get3A_540 : i32 to index
    %get3A_543 = arith.index_cast %get3A_541 : i32 to index
    %get3A_544 = arith.constant 144 : index
    %get3A_545 = tpu.vector_load %arg11[%get3A_542, %get3A_543, %get3A_544] {strides = array<i32>} : memref<4x32x200xi32, #tpu.memory_space<vmem>>, vector<1x1x16xi32>,
    %get3A_546 = vector.shape_cast %get3A_545 : vector<1x1x16xi32> to vector<16xi32>
    %mul3A_547 = arith.constant 180 : i32
    %mul3A_548 = vector.broadcast %mul3A_547 : i32 to vector<16xi32>
    %mul3A_549 = arith.muli %get3A_546, %mul3A_548 : vector<16xi32>
    %get3A_550 = arith.constant 1 : i32
    %get3A_551 = arith.constant 0 : i32
    %get3A_552 = arith.index_cast %get3A_550 : i32 to index
    %get3A_553 = arith.index_cast %get3A_551 : i32 to index
    %get3A_554 = arith.constant 144 : index
    %get3A_555 = tpu.vector_load %arg11[%get3A_552, %get3A_553, %get3A_554] {strides = array<i32>} : memref<4x32x200xi32, #tpu.memory_space<vmem>>, vector<1x1x16xi32>,
    %get3A_556 = vector.shape_cast %get3A_555 : vector<1x1x16xi32> to vector<16xi32>
    %mul3A_557 = arith.constant 45 : i32
    %mul3A_558 = vector.broadcast %mul3A_557 : i32 to vector<16xi32>
    %mul3A_559 = arith.muli %get3A_556, %mul3A_558 : vector<16xi32>
    %add3A_560 = arith.addi %mul3A_549, %mul3A_559 : vector<16xi32>
    %get3A_561 = arith.constant 2 : i32
    %get3A_562 = arith.constant 0 : i32
    %get3A_563 = arith.index_cast %get3A_561 : i32 to index
    %get3A_564 = arith.index_cast %get3A_562 : i32 to index
    %get3A_565 = arith.constant 144 : index
    %get3A_566 = tpu.vector_load %arg11[%get3A_563, %get3A_564, %get3A_565] {strides = array<i32>} : memref<4x32x200xi32, #tpu.memory_space<vmem>>, vector<1x1x16xi32>,
    %get3A_567 = vector.shape_cast %get3A_566 : vector<1x1x16xi32> to vector<16xi32>
    %mul3A_568 = arith.constant 5 : i32
    %mul3A_569 = vector.broadcast %mul3A_568 : i32 to vector<16xi32>
    %mul3A_570 = arith.muli %get3A_567, %mul3A_569 : vector<16xi32>
    %add3A_571 = arith.addi %add3A_560, %mul3A_570 : vector<16xi32>
    %get3A_572 = arith.constant 3 : i32
    %get3A_573 = arith.constant 0 : i32
    %get3A_574 = arith.index_cast %get3A_572 : i32 to index
    %get3A_575 = arith.index_cast %get3A_573 : i32 to index
    %get3A_576 = arith.constant 144 : index
    %get3A_577 = tpu.vector_load %arg11[%get3A_574, %get3A_575, %get3A_576] {strides = array<i32>} : memref<4x32x200xi32, #tpu.memory_space<vmem>>, vector<1x1x16xi32>,
    %get3A_578 = vector.shape_cast %get3A_577 : vector<1x1x16xi32> to vector<16xi32>
    %add3A_579 = arith.addi %add3A_571, %get3A_578 : vector<16xi32>
    %swap3A_580 = arith.constant 144 : index
    %swap3A_581 = tpu.vector_load %arg12[%swap3A_580] {strides = array<i32>} : memref<6400xi32, #tpu.memory_space<vmem>>, vector<16xi32>,
    %swap3A_582 = vector.shape_cast %swap3A_581 : vector<16xi32> to vector<16xi32>
    %swap3A_583 = vector.shape_cast %add3A_579 : vector<16xi32> to vector<16xi32>
    tpu.vector_store %arg12[%swap3A_580], %swap3A_583 {strides = array<i32>} : memref<6400xi32, #tpu.memory_space<vmem>>, vector<16xi32>,
    %get3A_584 = arith.constant 0 : i32
    %get3A_585 = arith.constant 0 : i32
    %get3A_586 = arith.index_cast %get3A_584 : i32 to index
    %get3A_587 = arith.index_cast %get3A_585 : i32 to index
    %get3A_588 = arith.constant 160 : index
    %get3A_589 = tpu.vector_load %arg11[%get3A_586, %get3A_587, %get3A_588] {strides = array<i32>} : memref<4x32x200xi32, #tpu.memory_space<vmem>>, vector<1x1x16xi32>,
    %get3A_590 = vector.shape_cast %get3A_589 : vector<1x1x16xi32> to vector<16xi32>
    %mul3A_591 = arith.constant 180 : i32
    %mul3A_592 = vector.broadcast %mul3A_591 : i32 to vector<16xi32>
    %mul3A_593 = arith.muli %get3A_590, %mul3A_592 : vector<16xi32>
    %get3A_594 = arith.constant 1 : i32
    %get3A_595 = arith.constant 0 : i32
    %get3A_596 = arith.index_cast %get3A_594 : i32 to index
    %get3A_597 = arith.index_cast %get3A_595 : i32 to index
    %get3A_598 = arith.constant 160 : index
    %get3A_599 = tpu.vector_load %arg11[%get3A_596, %get3A_597, %get3A_598] {strides = array<i32>} : memref<4x32x200xi32, #tpu.memory_space<vmem>>, vector<1x1x16xi32>,
    %get3A_600 = vector.shape_cast %get3A_599 : vector<1x1x16xi32> to vector<16xi32>
    %mul3A_601 = arith.constant 45 : i32
    %mul3A_602 = vector.broadcast %mul3A_601 : i32 to vector<16xi32>
    %mul3A_603 = arith.muli %get3A_600, %mul3A_602 : vector<16xi32>
    %add3A_604 = arith.addi %mul3A_593, %mul3A_603 : vector<16xi32>
    %get3A_605 = arith.constant 2 : i32
    %get3A_606 = arith.constant 0 : i32
    %get3A_607 = arith.index_cast %get3A_605 : i32 to index
    %get3A_608 = arith.index_cast %get3A_606 : i32 to index
    %get3A_609 = arith.constant 160 : index
    %get3A_610 = tpu.vector_load %arg11[%get3A_607, %get3A_608, %get3A_609] {strides = array<i32>} : memref<4x32x200xi32, #tpu.memory_space<vmem>>, vector<1x1x16xi32>,
    %get3A_611 = vector.shape_cast %get3A_610 : vector<1x1x16xi32> to vector<16xi32>
    %mul3A_612 = arith.constant 5 : i32
    %mul3A_613 = vector.broadcast %mul3A_612 : i32 to vector<16xi32>
    %mul3A_614 = arith.muli %get3A_611, %mul3A_613 : vector<16xi32>
    %add3A_615 = arith.addi %add3A_604, %mul3A_614 : vector<16xi32>
    %get3A_616 = arith.constant 3 : i32
    %get3A_617 = arith.constant 0 : i32
    %get3A_618 = arith.index_cast %get3A_616 : i32 to index
    %get3A_619 = arith.index_cast %get3A_617 : i32 to index
    %get3A_620 = arith.constant 160 : index
    %get3A_621 = tpu.vector_load %arg11[%get3A_618, %get3A_619, %get3A_620] {strides = array<i32>} : memref<4x32x200xi32, #tpu.memory_space<vmem>>, vector<1x1x16xi32>,
    %get3A_622 = vector.shape_cast %get3A_621 : vector<1x1x16xi32> to vector<16xi32>
    %add3A_623 = arith.addi %add3A_615, %get3A_622 : vector<16xi32>
    %swap3A_624 = arith.constant 160 : index
    %swap3A_625 = tpu.vector_load %arg12[%swap3A_624] {strides = array<i32>} : memref<6400xi32, #tpu.memory_space<vmem>>, vector<16xi32>,
    %swap3A_626 = vector.shape_cast %swap3A_625 : vector<16xi32> to vector<16xi32>
    %swap3A_627 = vector.shape_cast %add3A_623 : vector<16xi32> to vector<16xi32>
    tpu.vector_store %arg12[%swap3A_624], %swap3A_627 {strides = array<i32>} : memref<6400xi32, #tpu.memory_space<vmem>>, vector<16xi32>,
    %get3A_628 = arith.constant 0 : i32
    %get3A_629 = arith.constant 0 : i32
    %get3A_630 = arith.index_cast %get3A_628 : i32 to index
    %get3A_631 = arith.index_cast %get3A_629 : i32 to index
    %get3A_632 = arith.constant 176 : index
    %get3A_633 = tpu.vector_load %arg11[%get3A_630, %get3A_631, %get3A_632] {strides = array<i32>} : memref<4x32x200xi32, #tpu.memory_space<vmem>>, vector<1x1x16xi32>,
    %get3A_634 = vector.shape_cast %get3A_633 : vector<1x1x16xi32> to vector<16xi32>
    %mul3A_635 = arith.constant 180 : i32
    %mul3A_636 = vector.broadcast %mul3A_635 : i32 to vector<16xi32>
    %mul3A_637 = arith.muli %get3A_634, %mul3A_636 : vector<16xi32>
    %get3A_638 = arith.constant 1 : i32
    %get3A_639 = arith.constant 0 : i32
    %get3A_640 = arith.index_cast %get3A_638 : i32 to index
    %get3A_641 = arith.index_cast %get3A_639 : i32 to index
    %get3A_642 = arith.constant 176 : index
    %get3A_643 = tpu.vector_load %arg11[%get3A_640, %get3A_641, %get3A_642] {strides = array<i32>} : memref<4x32x200xi32, #tpu.memory_space<vmem>>, vector<1x1x16xi32>,
    %get3A_644 = vector.shape_cast %get3A_643 : vector<1x1x16xi32> to vector<16xi32>
    %mul3A_645 = arith.constant 45 : i32
    %mul3A_646 = vector.broadcast %mul3A_645 : i32 to vector<16xi32>
    %mul3A_647 = arith.muli %get3A_644, %mul3A_646 : vector<16xi32>
    %add3A_648 = arith.addi %mul3A_637, %mul3A_647 : vector<16xi32>
    %get3A_649 = arith.constant 2 : i32
    %get3A_650 = arith.constant 0 : i32
    %get3A_651 = arith.index_cast %get3A_649 : i32 to index
    %get3A_652 = arith.index_cast %get3A_650 : i32 to index
    %get3A_653 = arith.constant 176 : index
    %get3A_654 = tpu.vector_load %arg11[%get3A_651, %get3A_652, %get3A_653] {strides = array<i32>} : memref<4x32x200xi32, #tpu.memory_space<vmem>>, vector<1x1x16xi32>,
    %get3A_655 = vector.shape_cast %get3A_654 : vector<1x1x16xi32> to vector<16xi32>
    %mul3A_656 = arith.constant 5 : i32
    %mul3A_657 = vector.broadcast %mul3A_656 : i32 to vector<16xi32>
    %mul3A_658 = arith.muli %get3A_655, %mul3A_657 : vector<16xi32>
    %add3A_659 = arith.addi %add3A_648, %mul3A_658 : vector<16xi32>
    %get3A_660 = arith.constant 3 : i32
    %get3A_661 = arith.constant 0 : i32
    %get3A_662 = arith.index_cast %get3A_660 : i32 to index
    %get3A_663 = arith.index_cast %get3A_661 : i32 to index
    %get3A_664 = arith.constant 176 : index
    %get3A_665 = tpu.vector_load %arg11[%get3A_662, %get3A_663, %get3A_664] {strides = array<i32>} : memref<4x32x200xi32, #tpu.memory_space<vmem>>, vector<1x1x16xi32>,
    %get3A_666 = vector.shape_cast %get3A_665 : vector<1x1x16xi32> to vector<16xi32>
    %add3A_667 = arith.addi %add3A_659, %get3A_666 : vector<16xi32>
    %swap3A_668 = arith.constant 176 : index
    %swap3A_669 = tpu.vector_load %arg12[%swap3A_668] {strides = array<i32>} : memref<6400xi32, #tpu.memory_space<vmem>>, vector<16xi32>,
    %swap3A_670 = vector.shape_cast %swap3A_669 : vector<16xi32> to vector<16xi32>
    %swap3A_671 = vector.shape_cast %add3A_667 : vector<16xi32> to vector<16xi32>
    tpu.vector_store %arg12[%swap3A_668], %swap3A_671 {strides = array<i32>} : memref<6400xi32, #tpu.memory_space<vmem>>, vector<16xi32>,
    %get3A_672 = arith.constant 0 : i32
    %get3A_673 = arith.constant 0 : i32
    %get3A_674 = arith.index_cast %get3A_672 : i32 to index
    %get3A_675 = arith.index_cast %get3A_673 : i32 to index
    %get3A_676 = arith.constant 184 : index
    %get3A_677 = tpu.vector_load %arg11[%get3A_674, %get3A_675, %get3A_676] {strides = array<i32>} : memref<4x32x200xi32, #tpu.memory_space<vmem>>, vector<1x1x16xi32>,
    %get3A_678 = vector.shape_cast %get3A_677 : vector<1x1x16xi32> to vector<16xi32>
    %mul3A_679 = arith.constant 180 : i32
    %mul3A_680 = vector.broadcast %mul3A_679 : i32 to vector<16xi32>
    %mul3A_681 = arith.muli %get3A_678, %mul3A_680 : vector<16xi32>
    %get3A_682 = arith.constant 1 : i32
    %get3A_683 = arith.constant 0 : i32
    %get3A_684 = arith.index_cast %get3A_682 : i32 to index
    %get3A_685 = arith.index_cast %get3A_683 : i32 to index
    %get3A_686 = arith.constant 184 : index
    %get3A_687 = tpu.vector_load %arg11[%get3A_684, %get3A_685, %get3A_686] {strides = array<i32>} : memref<4x32x200xi32, #tpu.memory_space<vmem>>, vector<1x1x16xi32>,
    %get3A_688 = vector.shape_cast %get3A_687 : vector<1x1x16xi32> to vector<16xi32>
    %mul3A_689 = arith.constant 45 : i32
    %mul3A_690 = vector.broadcast %mul3A_689 : i32 to vector<16xi32>
    %mul3A_691 = arith.muli %get3A_688, %mul3A_690 : vector<16xi32>
    %add3A_692 = arith.addi %mul3A_681, %mul3A_691 : vector<16xi32>
    %get3A_693 = arith.constant 2 : i32
    %get3A_694 = arith.constant 0 : i32
    %get3A_695 = arith.index_cast %get3A_693 : i32 to index
    %get3A_696 = arith.index_cast %get3A_694 : i32 to index
    %get3A_697 = arith.constant 184 : index
    %get3A_698 = tpu.vector_load %arg11[%get3A_695, %get3A_696, %get3A_697] {strides = array<i32>} : memref<4x32x200xi32, #tpu.memory_space<vmem>>, vector<1x1x16xi32>,
    %get3A_699 = vector.shape_cast %get3A_698 : vector<1x1x16xi32> to vector<16xi32>
    %mul3A_700 = arith.constant 5 : i32
    %mul3A_701 = vector.broadcast %mul3A_700 : i32 to vector<16xi32>
    %mul3A_702 = arith.muli %get3A_699, %mul3A_701 : vector<16xi32>
    %add3A_703 = arith.addi %add3A_692, %mul3A_702 : vector<16xi32>
    %get3A_704 = arith.constant 3 : i32
    %get3A_705 = arith.constant 0 : i32
    %get3A_706 = arith.index_cast %get3A_704 : i32 to index
    %get3A_707 = arith.index_cast %get3A_705 : i32 to index
    %get3A_708 = arith.constant 184 : index
    %get3A_709 = tpu.vector_load %arg11[%get3A_706, %get3A_707, %get3A_708] {strides = array<i32>} : memref<4x32x200xi32, #tpu.memory_space<vmem>>, vector<1x1x16xi32>,
    %get3A_710 = vector.shape_cast %get3A_709 : vector<1x1x16xi32> to vector<16xi32>
    %add3A_711 = arith.addi %add3A_703, %get3A_710 : vector<16xi32>
    %swap3A_712 = arith.constant 184 : index
    %swap3A_713 = tpu.vector_load %arg12[%swap3A_712] {strides = array<i32>} : memref<6400xi32, #tpu.memory_space<vmem>>, vector<16xi32>,
    %swap3A_714 = vector.shape_cast %swap3A_713 : vector<16xi32> to vector<16xi32>
    %swap3A_715 = vector.shape_cast %add3A_711 : vector<16xi32> to vector<16xi32>
    tpu.vector_store %arg12[%swap3A_712], %swap3A_715 {strides = array<i32>} : memref<6400xi32, #tpu.memory_space<vmem>>, vector<16xi32>,
    %get3A_716 = arith.constant 0 : i32
    %get3A_717 = arith.constant 1 : i32
    %get3A_718 = arith.index_cast %get3A_716 : i32 to index
    %get3A_719 = arith.index_cast %get3A_717 : i32 to index
    %get3A_720 = arith.constant 0 : index
    %get3A_721 = tpu.vector_load %arg11[%get3A_718, %get3A_719, %get3A_720] {strides = array<i32>} : memref<4x32x200xi32, #tpu.memory_space<vmem>>, vector<1x1x16xi32>,
    %get3A_722 = vector.shape_cast %get3A_721 : vector<1x1x16xi32> to vector<16xi32>
    %mul3A_723 = arith.constant 180 : i32
    %mul3A_724 = vector.broadcast %mul3A_723 : i32 to vector<16xi32>
    %mul3A_725 = arith.muli %get3A_722, %mul3A_724 : vector<16xi32>
    %get3A_726 = arith.constant 1 : i32
    %get3A_727 = arith.constant 1 : i32
    %get3A_728 = arith.index_cast %get3A_726 : i32 to index
    %get3A_729 = arith.index_cast %get3A_727 : i32 to index
    %get3A_730 = arith.constant 0 : index
    %get3A_731 = tpu.vector_load %arg11[%get3A_728, %get3A_729, %get3A_730] {strides = array<i32>} : memref<4x32x200xi32, #tpu.memory_space<vmem>>, vector<1x1x16xi32>,
    %get3A_732 = vector.shape_cast %get3A_731 : vector<1x1x16xi32> to vector<16xi32>
    %mul3A_733 = arith.constant 45 : i32
    %mul3A_734 = vector.broadcast %mul3A_733 : i32 to vector<16xi32>
    %mul3A_735 = arith.muli %get3A_732, %mul3A_734 : vector<16xi32>
    %add3A_736 = arith.addi %mul3A_725, %mul3A_735 : vector<16xi32>
    %get3A_737 = arith.constant 2 : i32
    %get3A_738 = arith.constant 1 : i32
    %get3A_739 = arith.index_cast %get3A_737 : i32 to index
    %get3A_740 = arith.index_cast %get3A_738 : i32 to index
    %get3A_741 = arith.constant 0 : index
    %get3A_742 = tpu.vector_load %arg11[%get3A_739, %get3A_740, %get3A_741] {strides = array<i32>} : memref<4x32x200xi32, #tpu.memory_space<vmem>>, vector<1x1x16xi32>,
    %get3A_743 = vector.shape_cast %get3A_742 : vector<1x1x16xi32> to vector<16xi32>
    %mul3A_744 = arith.constant 5 : i32
    %mul3A_745 = vector.broadcast %mul3A_744 : i32 to vector<16xi32>
    %mul3A_746 = arith.muli %get3A_743, %mul3A_745 : vector<16xi32>
    %add3A_747 = arith.addi %add3A_736, %mul3A_746 : vector<16xi32>
    %get3A_748 = arith.constant 3 : i32
    %get3A_749 = arith.constant 1 : i32
    %get3A_750 = arith.index_cast %get3A_748 : i32 to index
    %get3A_751 = arith.index_cast %get3A_749 : i32 to index
    %get3A_752 = arith.constant 0 : index
    %get3A_753 = tpu.vector_load %arg11[%get3A_750, %get3A_751, %get3A_752] {strides = array<i32>} : memref<4x32x200xi32, #tpu.memory_space<vmem>>, vector<1x1x16xi32>,
    %get3A_754 = vector.shape_cast %get3A_753 : vector<1x1x16xi32> to vector<16xi32>
    %add3A_755 = arith.addi %add3A_747, %get3A_754 : vector<16xi32>
    %swap3A_756 = arith.constant 200 : index
    %swap3A_757 = tpu.vector_load %arg12[%swap3A_756] {strides = array<i32>} : memref<6400xi32, #tpu.memory_space<vmem>>, vector<16xi32>,
    %swap3A_758 = vector.shape_cast %swap3A_757 : vector<16xi32> to vector<16xi32>
    %swap3A_759 = vector.shape_cast %add3A_755 : vector<16xi32> to vector<16xi32>
    tpu.vector_store %arg12[%swap3A_756], %swap3A_759 {strides = array<i32>} : memref<6400xi32, #tpu.memory_space<vmem>>, vector<16xi32>,
    %get3A_760 = arith.constant 0 : i32
    %get3A_761 = arith.constant 1 : i32
    %get3A_762 = arith.index_cast %get3A_760 : i32 to index
    %get3A_763 = arith.index_cast %get3A_761 : i32 to index
    %get3A_764 = arith.constant 16 : index
    %get3A_765 = tpu.vector_load %arg11[%get3A_762, %get3A_763, %get3A_764] {strides = array<i32>} : memref<4x32x200xi32, #tpu.memory_space<vmem>>, vector<1x1x16xi32>,
    %get3A_766 = vector.shape_cast %get3A_765 : vector<1x1x16xi32> to vector<16xi32>
    %mul3A_767 = arith.constant 180 : i32
    %mul3A_768 = vector.broadcast %mul3A_767 : i32 to vector<16xi32>
    %mul3A_769 = arith.muli %get3A_766, %mul3A_768 : vector<16xi32>
    %get3A_770 = arith.constant 1 : i32
    %get3A_771 = arith.constant 1 : i32
    %get3A_772 = arith.index_cast %get3A_770 : i32 to index
    %get3A_773 = arith.index_cast %get3A_771 : i32 to index
    %get3A_774 = arith.constant 16 : index
    %get3A_775 = tpu.vector_load %arg11[%get3A_772, %get3A_773, %get3A_774] {strides = array<i32>} : memref<4x32x200xi32, #tpu.memory_space<vmem>>, vector<1x1x16xi32>,
    %get3A_776 = vector.shape_cast %get3A_775 : vector<1x1x16xi32> to vector<16xi32>
    %mul3A_777 = arith.constant 45 : i32
    %mul3A_778 = vector.broadcast %mul3A_777 : i32 to vector<16xi32>
    %mul3A_779 = arith.muli %get3A_776, %mul3A_778 : vector<16xi32>
    %add3A_780 = arith.addi %mul3A_769, %mul3A_779 : vector<16xi32>
    %get3A_781 = arith.constant 2 : i32
    %get3A_782 = arith.constant 1 : i32
    %get3A_783 = arith.index_cast %get3A_781 : i32 to index
    %get3A_784 = arith.index_cast %get3A_782 : i32 to index
    %get3A_785 = arith.constant 16 : index
    %get3A_786 = tpu.vector_load %arg11[%get3A_783, %get3A_784, %get3A_785] {strides = array<i32>} : memref<4x32x200xi32, #tpu.memory_space<vmem>>, vector<1x1x16xi32>,
    %get3A_787 = vector.shape_cast %get3A_786 : vector<1x1x16xi32> to vector<16xi32>
    %mul3A_788 = arith.constant 5 : i32
    %mul3A_789 = vector.broadcast %mul3A_788 : i32 to vector<16xi32>
    %mul3A_790 = arith.muli %get3A_787, %mul3A_789 : vector<16xi32>
    %add3A_791 = arith.addi %add3A_780, %mul3A_790 : vector<16xi32>
    %get3A_792 = arith.constant 3 : i32
    %get3A_793 = arith.constant 1 : i32
    %get3A_794 = arith.index_cast %get3A_792 : i32 to index
    %get3A_795 = arith.index_cast %get3A_793 : i32 to index
    %get3A_796 = arith.constant 16 : index
    %get3A_797 = tpu.vector_load %arg11[%get3A_794, %get3A_795, %get3A_796] {strides = array<i32>} : memref<4x32x200xi32, #tpu.memory_space<vmem>>, vector<1x1x16xi32>,
    %get3A_798 = vector.shape_cast %get3A_797 : vector<1x1x16xi32> to vector<16xi32>
    %add3A_799 = arith.addi %add3A_791, %get3A_798 : vector<16xi32>
    %swap3A_800 = arith.constant 216 : index
    %swap3A_801 = tpu.vector_load %arg12[%swap3A_800] {strides = array<i32>} : memref<6400xi32, #tpu.memory_space<vmem>>, vector<16xi32>,
    %swap3A_802 = vector.shape_cast %swap3A_801 : vector<16xi32> to vector<16xi32>
    %swap3A_803 = vector.shape_cast %add3A_799 : vector<16xi32> to vector<16xi32>
    tpu.vector_store %arg12[%swap3A_800], %swap3A_803 {strides = array<i32>} : memref<6400xi32, #tpu.memory_space<vmem>>, vector<16xi32>,
    %get3A_804 = arith.constant 0 : i32
    %get3A_805 = arith.constant 1 : i32
    %get3A_806 = arith.index_cast %get3A_804 : i32 to index
    %get3A_807 = arith.index_cast %get3A_805 : i32 to index
    %get3A_808 = arith.constant 32 : index
    %get3A_809 = tpu.vector_load %arg11[%get3A_806, %get3A_807, %get3A_808] {strides = array<i32>} : memref<4x32x200xi32, #tpu.memory_space<vmem>>, vector<1x1x16xi32>,
    %get3A_810 = vector.shape_cast %get3A_809 : vector<1x1x16xi32> to vector<16xi32>
    %mul3A_811 = arith.constant 180 : i32
    %mul3A_812 = vector.broadcast %mul3A_811 : i32 to vector<16xi32>
    %mul3A_813 = arith.muli %get3A_810, %mul3A_812 : vector<16xi32>
    %get3A_814 = arith.constant 1 : i32
    %get3A_815 = arith.constant 1 : i32
    %get3A_816 = arith.index_cast %get3A_814 : i32 to index
    %get3A_817 = arith.index_cast %get3A_815 : i32 to index
    %get3A_818 = arith.constant 32 : index
    %get3A_819 = tpu.vector_load %arg11[%get3A_816, %get3A_817, %get3A_818] {strides = array<i32>} : memref<4x32x200xi32, #tpu.memory_space<vmem>>, vector<1x1x16xi32>,
    %get3A_820 = vector.shape_cast %get3A_819 : vector<1x1x16xi32> to vector<16xi32>
    %mul3A_821 = arith.constant 45 : i32
    %mul3A_822 = vector.broadcast %mul3A_821 : i32 to vector<16xi32>
    %mul3A_823 = arith.muli %get3A_820, %mul3A_822 : vector<16xi32>
    %add3A_824 = arith.addi %mul3A_813, %mul3A_823 : vector<16xi32>
    %get3A_825 = arith.constant 2 : i32
    %get3A_826 = arith.constant 1 : i32
    %get3A_827 = arith.index_cast %get3A_825 : i32 to index
    %get3A_828 = arith.index_cast %get3A_826 : i32 to index
    %get3A_829 = arith.constant 32 : index
    %get3A_830 = tpu.vector_load %arg11[%get3A_827, %get3A_828, %get3A_829] {strides = array<i32>} : memref<4x32x200xi32, #tpu.memory_space<vmem>>, vector<1x1x16xi32>,
    %get3A_831 = vector.shape_cast %get3A_830 : vector<1x1x16xi32> to vector<16xi32>
    %mul3A_832 = arith.constant 5 : i32
    %mul3A_833 = vector.broadcast %mul3A_832 : i32 to vector<16xi32>
    %mul3A_834 = arith.muli %get3A_831, %mul3A_833 : vector<16xi32>
    %add3A_835 = arith.addi %add3A_824, %mul3A_834 : vector<16xi32>
    %get3A_836 = arith.constant 3 : i32
    %get3A_837 = arith.constant 1 : i32
    %get3A_838 = arith.index_cast %get3A_836 : i32 to index
    %get3A_839 = arith.index_cast %get3A_837 : i32 to index
    %get3A_840 = arith.constant 32 : index
    %get3A_841 = tpu.vector_load %arg11[%get3A_838, %get3A_839, %get3A_840] {strides = array<i32>} : memref<4x32x200xi32, #tpu.memory_space<vmem>>, vector<1x1x16xi32>,
    %get3A_842 = vector.shape_cast %get3A_841 : vector<1x1x16xi32> to vector<16xi32>
    %add3A_843 = arith.addi %add3A_835, %get3A_842 : vector<16xi32>
    %swap3A_844 = arith.constant 232 : index
    %swap3A_845 = tpu.vector_load %arg12[%swap3A_844] {strides = array<i32>} : memref<6400xi32, #tpu.memory_space<vmem>>, vector<16xi32>,
    %swap3A_846 = vector.shape_cast %swap3A_845 : vector<16xi32> to vector<16xi32>
    %swap3A_847 = vector.shape_cast %add3A_843 : vector<16xi32> to vector<16xi32>
    tpu.vector_store %arg12[%swap3A_844], %swap3A_847 {strides = array<i32>} : memref<6400xi32, #tpu.memory_space<vmem>>, vector<16xi32>,
    %get3A_848 = arith.constant 0 : i32
    %get3A_849 = arith.constant 1 : i32
    %get3A_850 = arith.index_cast %get3A_848 : i32 to index
    %get3A_851 = arith.index_cast %get3A_849 : i32 to index
    %get3A_852 = arith.constant 48 : index
    %get3A_853 = tpu.vector_load %arg11[%get3A_850, %get3A_851, %get3A_852] {strides = array<i32>} : memref<4x32x200xi32, #tpu.memory_space<vmem>>, vector<1x1x16xi32>,
    %get3A_854 = vector.shape_cast %get3A_853 : vector<1x1x16xi32> to vector<16xi32>
    %mul3A_855 = arith.constant 180 : i32
    %mul3A_856 = vector.broadcast %mul3A_855 : i32 to vector<16xi32>
    %mul3A_857 = arith.muli %get3A_854, %mul3A_856 : vector<16xi32>
    %get3A_858 = arith.constant 1 : i32
    %get3A_859 = arith.constant 1 : i32
    %get3A_860 = arith.index_cast %get3A_858 : i32 to index
    %get3A_861 = arith.index_cast %get3A_859 : i32 to index
    %get3A_862 = arith.constant 48 : index
    %get3A_863 = tpu.vector_load %arg11[%get3A_860, %get3A_861, %get3A_862] {strides = array<i32>} : memref<4x32x200xi32, #tpu.memory_space<vmem>>, vector<1x1x16xi32>,
    %get3A_864 = vector.shape_cast %get3A_863 : vector<1x1x16xi32> to vector<16xi32>
    %mul3A_865 = arith.constant 45 : i32
    %mul3A_866 = vector.broadcast %mul3A_865 : i32 to vector<16xi32>
    %mul3A_867 = arith.muli %get3A_864, %mul3A_866 : vector<16xi32>
    %add3A_868 = arith.addi %mul3A_857, %mul3A_867 : vector<16xi32>
    %get3A_869 = arith.constant 2 : i32
    %get3A_870 = arith.constant 1 : i32
    %get3A_871 = arith.index_cast %get3A_869 : i32 to index
    %get3A_872 = arith.index_cast %get3A_870 : i32 to index
    %get3A_873 = arith.constant 48 : index
    %get3A_874 = tpu.vector_load %arg11[%get3A_871, %get3A_872, %get3A_873] {strides = array<i32>} : memref<4x32x200xi32, #tpu.memory_space<vmem>>, vector<1x1x16xi32>,
    %get3A_875 = vector.shape_cast %get3A_874 : vector<1x1x16xi32> to vector<16xi32>
    %mul3A_876 = arith.constant 5 : i32
    %mul3A_877 = vector.broadcast %mul3A_876 : i32 to vector<16xi32>
    %mul3A_878 = arith.muli %get3A_875, %mul3A_877 : vector<16xi32>
    %add3A_879 = arith.addi %add3A_868, %mul3A_878 : vector<16xi32>
    %get3A_880 = arith.constant 3 : i32
    %get3A_881 = arith.constant 1 : i32
    %get3A_882 = arith.index_cast %get3A_880 : i32 to index
    %get3A_883 = arith.index_cast %get3A_881 : i32 to index
    %get3A_884 = arith.constant 48 : index
    %get3A_885 = tpu.vector_load %arg11[%get3A_882, %get3A_883, %get3A_884] {strides = array<i32>} : memref<4x32x200xi32, #tpu.memory_space<vmem>>, vector<1x1x16xi32>,
    %get3A_886 = vector.shape_cast %get3A_885 : vector<1x1x16xi32> to vector<16xi32>
    %add3A_887 = arith.addi %add3A_879, %get3A_886 : vector<16xi32>
    %swap3A_888 = arith.constant 248 : index
    %swap3A_889 = tpu.vector_load %arg12[%swap3A_888] {strides = array<i32>} : memref<6400xi32, #tpu.memory_space<vmem>>, vector<16xi32>,
    %swap3A_890 = vector.shape_cast %swap3A_889 : vector<16xi32> to vector<16xi32>
    %swap3A_891 = vector.shape_cast %add3A_887 : vector<16xi32> to vector<16xi32>
    tpu.vector_store %arg12[%swap3A_888], %swap3A_891 {strides = array<i32>} : memref<6400xi32, #tpu.memory_space<vmem>>, vector<16xi32>,
    %get3A_892 = arith.constant 0 : i32
    %get3A_893 = arith.constant 1 : i32
    %get3A_894 = arith.index_cast %get3A_892 : i32 to index
    %get3A_895 = arith.index_cast %get3A_893 : i32 to index
    %get3A_896 = arith.constant 64 : index
    %get3A_897 = tpu.vector_load %arg11[%get3A_894, %get3A_895, %get3A_896] {strides = array<i32>} : memref<4x32x200xi32, #tpu.memory_space<vmem>>, vector<1x1x16xi32>,
    %get3A_898 = vector.shape_cast %get3A_897 : vector<1x1x16xi32> to vector<16xi32>
    %mul3A_899 = arith.constant 180 : i32
    %mul3A_900 = vector.broadcast %mul3A_899 : i32 to vector<16xi32>
    %mul3A_901 = arith.muli %get3A_898, %mul3A_900 : vector<16xi32>
    %get3A_902 = arith.constant 1 : i32
    %get3A_903 = arith.constant 1 : i32
    %get3A_904 = arith.index_cast %get3A_902 : i32 to index
    %get3A_905 = arith.index_cast %get3A_903 : i32 to index
    %get3A_906 = arith.constant 64 : index
    %get3A_907 = tpu.vector_load %arg11[%get3A_904, %get3A_905, %get3A_906] {strides = array<i32>} : memref<4x32x200xi32, #tpu.memory_space<vmem>>, vector<1x1x16xi32>,
    %get3A_908 = vector.shape_cast %get3A_907 : vector<1x1x16xi32> to vector<16xi32>
    %mul3A_909 = arith.constant 45 : i32
    %mul3A_910 = vector.broadcast %mul3A_909 : i32 to vector<16xi32>
    %mul3A_911 = arith.muli %get3A_908, %mul3A_910 : vector<16xi32>
    %add3A_912 = arith.addi %mul3A_901, %mul3A_911 : vector<16xi32>
    %get3A_913 = arith.constant 2 : i32
    %get3A_914 = arith.constant 1 : i32
    %get3A_915 = arith.index_cast %get3A_913 : i32 to index
    %get3A_916 = arith.index_cast %get3A_914 : i32 to index
    %get3A_917 = arith.constant 64 : index
    %get3A_918 = tpu.vector_load %arg11[%get3A_915, %get3A_916, %get3A_917] {strides = array<i32>} : memref<4x32x200xi32, #tpu.memory_space<vmem>>, vector<1x1x16xi32>,
    %get3A_919 = vector.shape_cast %get3A_918 : vector<1x1x16xi32> to vector<16xi32>
    %mul3A_920 = arith.constant 5 : i32
    %mul3A_921 = vector.broadcast %mul3A_920 : i32 to vector<16xi32>
    %mul3A_922 = arith.muli %get3A_919, %mul3A_921 : vector<16xi32>
    %add3A_923 = arith.addi %add3A_912, %mul3A_922 : vector<16xi32>
    %get3A_924 = arith.constant 3 : i32
    %get3A_925 = arith.constant 1 : i32
    %get3A_926 = arith.index_cast %get3A_924 : i32 to index
    %get3A_927 = arith.index_cast %get3A_925 : i32 to index
    %get3A_928 = arith.constant 64 : index
    %get3A_929 = tpu.vector_load %arg11[%get3A_926, %get3A_927, %get3A_928] {strides = array<i32>} : memref<4x32x200xi32, #tpu.memory_space<vmem>>, vector<1x1x16xi32>,
    %get3A_930 = vector.shape_cast %get3A_929 : vector<1x1x16xi32> to vector<16xi32>
    %add3A_931 = arith.addi %add3A_923, %get3A_930 : vector<16xi32>
    %swap3A_932 = arith.constant 264 : index
    %swap3A_933 = tpu.vector_load %arg12[%swap3A_932] {strides = array<i32>} : memref<6400xi32, #tpu.memory_space<vmem>>, vector<16xi32>,
    %swap3A_934 = vector.shape_cast %swap3A_933 : vector<16xi32> to vector<16xi32>
    %swap3A_935 = vector.shape_cast %add3A_931 : vector<16xi32> to vector<16xi32>
    tpu.vector_store %arg12[%swap3A_932], %swap3A_935 {strides = array<i32>} : memref<6400xi32, #tpu.memory_space<vmem>>, vector<16xi32>,
    %get3A_936 = arith.constant 0 : i32
    %get3A_937 = arith.constant 1 : i32
    %get3A_938 = arith.index_cast %get3A_936 : i32 to index
    %get3A_939 = arith.index_cast %get3A_937 : i32 to index
    %get3A_940 = arith.constant 80 : index
    %get3A_941 = tpu.vector_load %arg11[%get3A_938, %get3A_939, %get3A_940] {strides = array<i32>} : memref<4x32x200xi32, #tpu.memory_space<vmem>>, vector<1x1x16xi32>,
    %get3A_942 = vector.shape_cast %get3A_941 : vector<1x1x16xi32> to vector<16xi32>
    %mul3A_943 = arith.constant 180 : i32
    %mul3A_944 = vector.broadcast %mul3A_943 : i32 to vector<16xi32>
    %mul3A_945 = arith.muli %get3A_942, %mul3A_944 : vector<16xi32>
    %get3A_946 = arith.constant 1 : i32
    %get3A_947 = arith.constant 1 : i32
    %get3A_948 = arith.index_cast %get3A_946 : i32 to index
    %get3A_949 = arith.index_cast %get3A_947 : i32 to index
    %get3A_950 = arith.constant 80 : index
    %get3A_951 = tpu.vector_load %arg11[%get3A_948, %get3A_949, %get3A_950] {strides = array<i32>} : memref<4x32x200xi32, #tpu.memory_space<vmem>>, vector<1x1x16xi32>,
    %get3A_952 = vector.shape_cast %get3A_951 : vector<1x1x16xi32> to vector<16xi32>
    %mul3A_953 = arith.constant 45 : i32
    %mul3A_954 = vector.broadcast %mul3A_953 : i32 to vector<16xi32>
    %mul3A_955 = arith.muli %get3A_952, %mul3A_954 : vector<16xi32>
    %add3A_956 = arith.addi %mul3A_945, %mul3A_955 : vector<16xi32>
    %get3A_957 = arith.constant 2 : i32
    %get3A_958 = arith.constant 1 : i32
    %get3A_959 = arith.index_cast %get3A_957 : i32 to index
    %get3A_960 = arith.index_cast %get3A_958 : i32 to index
    %get3A_961 = arith.constant 80 : index
    %get3A_962 = tpu.vector_load %arg11[%get3A_959, %get3A_960, %get3A_961] {strides = array<i32>} : memref<4x32x200xi32, #tpu.memory_space<vmem>>, vector<1x1x16xi32>,
    %get3A_963 = vector.shape_cast %get3A_962 : vector<1x1x16xi32> to vector<16xi32>
    %mul3A_964 = arith.constant 5 : i32
    %mul3A_965 = vector.broadcast %mul3A_964 : i32 to vector<16xi32>
    %mul3A_966 = arith.muli %get3A_963, %mul3A_965 : vector<16xi32>
    %add3A_967 = arith.addi %add3A_956, %mul3A_966 : vector<16xi32>
    %get3A_968 = arith.constant 3 : i32
    %get3A_969 = arith.constant 1 : i32
    %get3A_970 = arith.index_cast %get3A_968 : i32 to index
    %get3A_971 = arith.index_cast %get3A_969 : i32 to index
    %get3A_972 = arith.constant 80 : index
    %get3A_973 = tpu.vector_load %arg11[%get3A_970, %get3A_971, %get3A_972] {strides = array<i32>} : memref<4x32x200xi32, #tpu.memory_space<vmem>>, vector<1x1x16xi32>,
    %get3A_974 = vector.shape_cast %get3A_973 : vector<1x1x16xi32> to vector<16xi32>
    %add3A_975 = arith.addi %add3A_967, %get3A_974 : vector<16xi32>
    %swap3A_976 = arith.constant 280 : index
    %swap3A_977 = tpu.vector_load %arg12[%swap3A_976] {strides = array<i32>} : memref<6400xi32, #tpu.memory_space<vmem>>, vector<16xi32>,
    %swap3A_978 = vector.shape_cast %swap3A_977 : vector<16xi32> to vector<16xi32>
    %swap3A_979 = vector.shape_cast %add3A_975 : vector<16xi32> to vector<16xi32>
    tpu.vector_store %arg12[%swap3A_976], %swap3A_979 {strides = array<i32>} : memref<6400xi32, #tpu.memory_space<vmem>>, vector<16xi32>,
    %get3A_980 = arith.constant 0 : i32
    %get3A_981 = arith.constant 1 : i32
    %get3A_982 = arith.index_cast %get3A_980 : i32 to index
    %get3A_983 = arith.index_cast %get3A_981 : i32 to index
    %get3A_984 = arith.constant 96 : index
    %get3A_985 = tpu.vector_load %arg11[%get3A_982, %get3A_983, %get3A_984] {strides = array<i32>} : memref<4x32x200xi32, #tpu.memory_space<vmem>>, vector<1x1x16xi32>,
    %get3A_986 = vector.shape_cast %get3A_985 : vector<1x1x16xi32> to vector<16xi32>
    %mul3A_987 = arith.constant 180 : i32
    %mul3A_988 = vector.broadcast %mul3A_987 : i32 to vector<16xi32>
    %mul3A_989 = arith.muli %get3A_986, %mul3A_988 : vector<16xi32>
    %get3A_990 = arith.constant 1 : i32
    %get3A_991 = arith.constant 1 : i32
    %get3A_992 = arith.index_cast %get3A_990 : i32 to index
    %get3A_993 = arith.index_cast %get3A_991 : i32 to index
    %get3A_994 = arith.constant 96 : index
    %get3A_995 = tpu.vector_load %arg11[%get3A_992, %get3A_993, %get3A_994] {strides = array<i32>} : memref<4x32x200xi32, #tpu.memory_space<vmem>>, vector<1x1x16xi32>,
    %get3A_996 = vector.shape_cast %get3A_995 : vector<1x1x16xi32> to vector<16xi32>
    %mul3A_997 = arith.constant 45 : i32
    %mul3A_998 = vector.broadcast %mul3A_997 : i32 to vector<16xi32>
    %mul3A_999 = arith.muli %get3A_996, %mul3A_998 : vector<16xi32>
    %add3A_1000 = arith.addi %mul3A_989, %mul3A_999 : vector<16xi32>
    %get3A_1001 = arith.constant 2 : i32
    %get3A_1002 = arith.constant 1 : i32
    %get3A_1003 = arith.index_cast %get3A_1001 : i32 to index
    %get3A_1004 = arith.index_cast %get3A_1002 : i32 to index
    %get3A_1005 = arith.constant 96 : index
    %get3A_1006 = tpu.vector_load %arg11[%get3A_1003, %get3A_1004, %get3A_1005] {strides = array<i32>} : memref<4x32x200xi32, #tpu.memory_space<vmem>>, vector<1x1x16xi32>,
    %get3A_1007 = vector.shape_cast %get3A_1006 : vector<1x1x16xi32> to vector<16xi32>
    %mul3A_1008 = arith.constant 5 : i32
    %mul3A_1009 = vector.broadcast %mul3A_1008 : i32 to vector<16xi32>
    %mul3A_1010 = arith.muli %get3A_1007, %mul3A_1009 : vector<16xi32>
    %add3A_1011 = arith.addi %add3A_1000, %mul3A_1010 : vector<16xi32>
    %get3A_1012 = arith.constant 3 : i32
    %get3A_1013 = arith.constant 1 : i32
    %get3A_1014 = arith.index_cast %get3A_1012 : i32 to index
    %get3A_1015 = arith.index_cast %get3A_1013 : i32 to index
    %get3A_1016 = arith.constant 96 : index
    %get3A_1017 = tpu.vector_load %arg11[%get3A_1014, %get3A_1015, %get3A_1016] {strides = array<i32>} : memref<4x32x200xi32, #tpu.memory_space<vmem>>, vector<1x1x16xi32>,
    %get3A_1018 = vector.shape_cast %get3A_1017 : vector<1x1x16xi32> to vector<16xi32>
    %add3A_1019 = arith.addi %add3A_1011, %get3A_1018 : vector<16xi32>
    %swap3A_1020 = arith.constant 296 : index
    %swap3A_1021 = tpu.vector_load %arg12[%swap3A_1020] {strides = array<i32>} : memref<6400xi32, #tpu.memory_space<vmem>>, vector<16xi32>,
    %swap3A_1022 = vector.shape_cast %swap3A_1021 : vector<16xi32> to vector<16xi32>
    %swap3A_1023 = vector.shape_cast %add3A_1019 : vector<16xi32> to vector<16xi32>
    tpu.vector_store %arg12[%swap3A_1020], %swap3A_1023 {strides = array<i32>} : memref<6400xi32, #tpu.memory_space<vmem>>, vector<16xi32>,
    %get3A_1024 = arith.constant 0 : i32
    %get3A_1025 = arith.constant 1 : i32
    %get3A_1026 = arith.index_cast %get3A_1024 : i32 to index
    %get3A_1027 = arith.index_cast %get3A_1025 : i32 to index
    %get3A_1028 = arith.constant 112 : index
    %get3A_1029 = tpu.vector_load %arg11[%get3A_1026, %get3A_1027, %get3A_1028] {strides = array<i32>} : memref<4x32x200xi32, #tpu.memory_space<vmem>>, vector<1x1x16xi32>,
    %get3A_1030 = vector.shape_cast %get3A_1029 : vector<1x1x16xi32> to vector<16xi32>
    %mul3A_1031 = arith.constant 180 : i32
    %mul3A_1032 = vector.broadcast %mul3A_1031 : i32 to vector<16xi32>
    %mul3A_1033 = arith.muli %get3A_1030, %mul3A_1032 : vector<16xi32>
    %get3A_1034 = arith.constant 1 : i32
    %get3A_1035 = arith.constant 1 : i32
    %get3A_1036 = arith.index_cast %get3A_1034 : i32 to index
    %get3A_1037 = arith.index_cast %get3A_1035 : i32 to index
    %get3A_1038 = arith.constant 112 : index
    %get3A_1039 = tpu.vector_load %arg11[%get3A_1036, %get3A_1037, %get3A_1038] {strides = array<i32>} : memref<4x32x200xi32, #tpu.memory_space<vmem>>, vector<1x1x16xi32>,
    %get3A_1040 = vector.shape_cast %get3A_1039 : vector<1x1x16xi32> to vector<16xi32>
    %mul3A_1041 = arith.constant 45 : i32
    %mul3A_1042 = vector.broadcast %mul3A_1041 : i32 to vector<16xi32>
    %mul3A_1043 = arith.muli %get3A_1040, %mul3A_1042 : vector<16xi32>
    %add3A_1044 = arith.addi %mul3A_1033, %mul3A_1043 : vector<16xi32>
    %get3A_1045 = arith.constant 2 : i32
    %get3A_1046 = arith.constant 1 : i32
    %get3A_1047 = arith.index_cast %get3A_1045 : i32 to index
    %get3A_1048 = arith.index_cast %get3A_1046 : i32 to index
    %get3A_1049 = arith.constant 112 : index
    %get3A_1050 = tpu.vector_load %arg11[%get3A_1047, %get3A_1048, %get3A_1049] {strides = array<i32>} : memref<4x32x200xi32, #tpu.memory_space<vmem>>, vector<1x1x16xi32>,
    %get3A_1051 = vector.shape_cast %get3A_1050 : vector<1x1x16xi32> to vector<16xi32>
    %mul3A_1052 = arith.constant 5 : i32
    %mul3A_1053 = vector.broadcast %mul3A_1052 : i32 to vector<16xi32>
    %mul3A_1054 = arith.muli %get3A_1051, %mul3A_1053 : vector<16xi32>
    %add3A_1055 = arith.addi %add3A_1044, %mul3A_1054 : vector<16xi32>
    %get3A_1056 = arith.constant 3 : i32
    %get3A_1057 = arith.constant 1 : i32
    %get3A_1058 = arith.index_cast %get3A_1056 : i32 to index
    %get3A_1059 = arith.index_cast %get3A_1057 : i32 to index
    %get3A_1060 = arith.constant 112 : index
    %get3A_1061 = tpu.vector_load %arg11[%get3A_1058, %get3A_1059, %get3A_1060] {strides = array<i32>} : memref<4x32x200xi32, #tpu.memory_space<vmem>>, vector<1x1x16xi32>,
    %get3A_1062 = vector.shape_cast %get3A_1061 : vector<1x1x16xi32> to vector<16xi32>
    %add3A_1063 = arith.addi %add3A_1055, %get3A_1062 : vector<16xi32>
    %swap3A_1064 = arith.constant 312 : index
    %swap3A_1065 = tpu.vector_load %arg12[%swap3A_1064] {strides = array<i32>} : memref<6400xi32, #tpu.memory_space<vmem>>, vector<16xi32>,
    %swap3A_1066 = vector.shape_cast %swap3A_1065 : vector<16xi32> to vector<16xi32>
    %swap3A_1067 = vector.shape_cast %add3A_1063 : vector<16xi32> to vector<16xi32>
    tpu.vector_store %arg12[%swap3A_1064], %swap3A_1067 {strides = array<i32>} : memref<6400xi32, #tpu.memory_space<vmem>>, vector<16xi32>,
    %get3A_1068 = arith.constant 0 : i32
    %get3A_1069 = arith.constant 1 : i32
    %get3A_1070 = arith.index_cast %get3A_1068 : i32 to index
    %get3A_1071 = arith.index_cast %get3A_1069 : i32 to index
    %get3A_1072 = arith.constant 128 : index
    %get3A_1073 = tpu.vector_load %arg11[%get3A_1070, %get3A_1071, %get3A_1072] {strides = array<i32>} : memref<4x32x200xi32, #tpu.memory_space<vmem>>, vector<1x1x16xi32>,
    %get3A_1074 = vector.shape_cast %get3A_1073 : vector<1x1x16xi32> to vector<16xi32>
    %mul3A_1075 = arith.constant 180 : i32
    %mul3A_1076 = vector.broadcast %mul3A_1075 : i32 to vector<16xi32>
    %mul3A_1077 = arith.muli %get3A_1074, %mul3A_1076 : vector<16xi32>
    %get3A_1078 = arith.constant 1 : i32
    %get3A_1079 = arith.constant 1 : i32
    %get3A_1080 = arith.index_cast %get3A_1078 : i32 to index
    %get3A_1081 = arith.index_cast %get3A_1079 : i32 to index
    %get3A_1082 = arith.constant 128 : index
    %get3A_1083 = tpu.vector_load %arg11[%get3A_1080, %get3A_1081, %get3A_1082] {strides = array<i32>} : memref<4x32x200xi32, #tpu.memory_space<vmem>>, vector<1x1x16xi32>,
    %get3A_1084 = vector.shape_cast %get3A_1083 : vector<1x1x16xi32> to vector<16xi32>
    %mul3A_1085 = arith.constant 45 : i32
    %mul3A_1086 = vector.broadcast %mul3A_1085 : i32 to vector<16xi32>
    %mul3A_1087 = arith.muli %get3A_1084, %mul3A_1086 : vector<16xi32>
    %add3A_1088 = arith.addi %mul3A_1077, %mul3A_1087 : vector<16xi32>
    %get3A_1089 = arith.constant 2 : i32
    %get3A_1090 = arith.constant 1 : i32
    %get3A_1091 = arith.index_cast %get3A_1089 : i32 to index
    %get3A_1092 = arith.index_cast %get3A_1090 : i32 to index
    %get3A_1093 = arith.constant 128 : index
    %get3A_1094 = tpu.vector_load %arg11[%get3A_1091, %get3A_1092, %get3A_1093] {strides = array<i32>} : memref<4x32x200xi32, #tpu.memory_space<vmem>>, vector<1x1x16xi32>,
    %get3A_1095 = vector.shape_cast %get3A_1094 : vector<1x1x16xi32> to vector<16xi32>
    %mul3A_1096 = arith.constant 5 : i32
    %mul3A_1097 = vector.broadcast %mul3A_1096 : i32 to vector<16xi32>
    %mul3A_1098 = arith.muli %get3A_1095, %mul3A_1097 : vector<16xi32>
    %add3A_1099 = arith.addi %add3A_1088, %mul3A_1098 : vector<16xi32>
    %get3A_1100 = arith.constant 3 : i32
    %get3A_1101 = arith.constant 1 : i32
    %get3A_1102 = arith.index_cast %get3A_1100 : i32 to index
    %get3A_1103 = arith.index_cast %get3A_1101 : i32 to index
    %get3A_1104 = arith.constant 128 : index
    %get3A_1105 = tpu.vector_load %arg11[%get3A_1102, %get3A_1103, %get3A_1104] {strides = array<i32>} : memref<4x32x200xi32, #tpu.memory_space<vmem>>, vector<1x1x16xi32>,
    %get3A_1106 = vector.shape_cast %get3A_1105 : vector<1x1x16xi32> to vector<16xi32>
    %add3A_1107 = arith.addi %add3A_1099, %get3A_1106 : vector<16xi32>
    %swap3A_1108 = arith.constant 328 : index
    %swap3A_1109 = tpu.vector_load %arg12[%swap3A_1108] {strides = array<i32>} : memref<6400xi32, #tpu.memory_space<vmem>>, vector<16xi32>,
    %swap3A_1110 = vector.shape_cast %swap3A_1109 : vector<16xi32> to vector<16xi32>
    %swap3A_1111 = vector.shape_cast %add3A_1107 : vector<16xi32> to vector<16xi32>
    tpu.vector_store %arg12[%swap3A_1108], %swap3A_1111 {strides = array<i32>} : memref<6400xi32, #tpu.memory_space<vmem>>, vector<16xi32>,
    %get3A_1112 = arith.constant 0 : i32
    %get3A_1113 = arith.constant 1 : i32
    %get3A_1114 = arith.index_cast %get3A_1112 : i32 to index
    %get3A_1115 = arith.index_cast %get3A_1113 : i32 to index
    %get3A_1116 = arith.constant 144 : index
    %get3A_1117 = tpu.vector_load %arg11[%get3A_1114, %get3A_1115, %get3A_1116] {strides = array<i32>} : memref<4x32x200xi32, #tpu.memory_space<vmem>>, vector<1x1x16xi32>,
    %get3A_1118 = vector.shape_cast %get3A_1117 : vector<1x1x16xi32> to vector<16xi32>
    %mul3A_1119 = arith.constant 180 : i32
    %mul3A_1120 = vector.broadcast %mul3A_1119 : i32 to vector<16xi32>
    %mul3A_1121 = arith.muli %get3A_1118, %mul3A_1120 : vector<16xi32>
    %get3A_1122 = arith.constant 1 : i32
    %get3A_1123 = arith.constant 1 : i32
    %get3A_1124 = arith.index_cast %get3A_1122 : i32 to index
    %get3A_1125 = arith.index_cast %get3A_1123 : i32 to index
    %get3A_1126 = arith.constant 144 : index
    %get3A_1127 = tpu.vector_load %arg11[%get3A_1124, %get3A_1125, %get3A_1126] {strides = array<i32>} : memref<4x32x200xi32, #tpu.memory_space<vmem>>, vector<1x1x16xi32>,
    %get3A_1128 = vector.shape_cast %get3A_1127 : vector<1x1x16xi32> to vector<16xi32>
    %mul3A_1129 = arith.constant 45 : i32
    %mul3A_1130 = vector.broadcast %mul3A_1129 : i32 to vector<16xi32>
    %mul3A_1131 = arith.muli %get3A_1128, %mul3A_1130 : vector<16xi32>
    %add3A_1132 = arith.addi %mul3A_1121, %mul3A_1131 : vector<16xi32>
    %get3A_1133 = arith.constant 2 : i32
    %get3A_1134 = arith.constant 1 : i32
    %get3A_1135 = arith.index_cast %get3A_1133 : i32 to index
    %get3A_1136 = arith.index_cast %get3A_1134 : i32 to index
    %get3A_1137 = arith.constant 144 : index
    %get3A_1138 = tpu.vector_load %arg11[%get3A_1135, %get3A_1136, %get3A_1137] {strides = array<i32>} : memref<4x32x200xi32, #tpu.memory_space<vmem>>, vector<1x1x16xi32>,
    %get3A_1139 = vector.shape_cast %get3A_1138 : vector<1x1x16xi32> to vector<16xi32>
    %mul3A_1140 = arith.constant 5 : i32
    %mul3A_1141 = vector.broadcast %mul3A_1140 : i32 to vector<16xi32>
    %mul3A_1142 = arith.muli %get3A_1139, %mul3A_1141 : vector<16xi32>
    %add3A_1143 = arith.addi %add3A_1132, %mul3A_1142 : vector<16xi32>
    %get3A_1144 = arith.constant 3 : i32
    %get3A_1145 = arith.constant 1 : i32
    %get3A_1146 = arith.index_cast %get3A_1144 : i32 to index
    %get3A_1147 = arith.index_cast %get3A_1145 : i32 to index
    %get3A_1148 = arith.constant 144 : index
    %get3A_1149 = tpu.vector_load %arg11[%get3A_1146, %get3A_1147, %get3A_1148] {strides = array<i32>} : memref<4x32x200xi32, #tpu.memory_space<vmem>>, vector<1x1x16xi32>,
    %get3A_1150 = vector.shape_cast %get3A_1149 : vector<1x1x16xi32> to vector<16xi32>
    %add3A_1151 = arith.addi %add3A_1143, %get3A_1150 : vector<16xi32>
    %swap3A_1152 = arith.constant 344 : index
    %swap3A_1153 = tpu.vector_load %arg12[%swap3A_1152] {strides = array<i32>} : memref<6400xi32, #tpu.memory_space<vmem>>, vector<16xi32>,
    %swap3A_1154 = vector.shape_cast %swap3A_1153 : vector<16xi32> to vector<16xi32>
    %swap3A_1155 = vector.shape_cast %add3A_1151 : vector<16xi32> to vector<16xi32>
    tpu.vector_store %arg12[%swap3A_1152], %swap3A_1155 {strides = array<i32>} : memref<6400xi32, #tpu.memory_space<vmem>>, vector<16xi32>,
    %get3A_1156 = arith.constant 0 : i32
    %get3A_1157 = arith.constant 1 : i32
    %get3A_1158 = arith.index_cast %get3A_1156 : i32 to index
    %get3A_1159 = arith.index_cast %get3A_1157 : i32 to index
    %get3A_1160 = arith.constant 160 : index
    %get3A_1161 = tpu.vector_load %arg11[%get3A_1158, %get3A_1159, %get3A_1160] {strides = array<i32>} : memref<4x32x200xi32, #tpu.memory_space<vmem>>, vector<1x1x16xi32>,
    %get3A_1162 = vector.shape_cast %get3A_1161 : vector<1x1x16xi32> to vector<16xi32>
    %mul3A_1163 = arith.constant 180 : i32
    %mul3A_1164 = vector.broadcast %mul3A_1163 : i32 to vector<16xi32>
    %mul3A_1165 = arith.muli %get3A_1162, %mul3A_1164 : vector<16xi32>
    %get3A_1166 = arith.constant 1 : i32
    %get3A_1167 = arith.constant 1 : i32
    %get3A_1168 = arith.index_cast %get3A_1166 : i32 to index
    %get3A_1169 = arith.index_cast %get3A_1167 : i32 to index
    %get3A_1170 = arith.constant 160 : index
    %get3A_1171 = tpu.vector_load %arg11[%get3A_1168, %get3A_1169, %get3A_1170] {strides = array<i32>} : memref<4x32x200xi32, #tpu.memory_space<vmem>>, vector<1x1x16xi32>,
    %get3A_1172 = vector.shape_cast %get3A_1171 : vector<1x1x16xi32> to vector<16xi32>
    %mul3A_1173 = arith.constant 45 : i32
    %mul3A_1174 = vector.broadcast %mul3A_1173 : i32 to vector<16xi32>
    %mul3A_1175 = arith.muli %get3A_1172, %mul3A_1174 : vector<16xi32>
    %add3A_1176 = arith.addi %mul3A_1165, %mul3A_1175 : vector<16xi32>
    %get3A_1177 = arith.constant 2 : i32
    %get3A_1178 = arith.constant 1 : i32
    %get3A_1179 = arith.index_cast %get3A_1177 : i32 to index
    %get3A_1180 = arith.index_cast %get3A_1178 : i32 to index
    %get3A_1181 = arith.constant 160 : index
    %get3A_1182 = tpu.vector_load %arg11[%get3A_1179, %get3A_1180, %get3A_1181] {strides = array<i32>} : memref<4x32x200xi32, #tpu.memory_space<vmem>>, vector<1x1x16xi32>,
    %get3A_1183 = vector.shape_cast %get3A_1182 : vector<1x1x16xi32> to vector<16xi32>
    %mul3A_1184 = arith.constant 5 : i32
    %mul3A_1185 = vector.broadcast %mul3A_1184 : i32 to vector<16xi32>
    %mul3A_1186 = arith.muli %get3A_1183, %mul3A_1185 : vector<16xi32>
    %add3A_1187 = arith.addi %add3A_1176, %mul3A_1186 : vector<16xi32>
    %get3A_1188 = arith.constant 3 : i32
    %get3A_1189 = arith.constant 1 : i32
    %get3A_1190 = arith.index_cast %get3A_1188 : i32 to index
    %get3A_1191 = arith.index_cast %get3A_1189 : i32 to index
    %get3A_1192 = arith.constant 160 : index
    %get3A_1193 = tpu.vector_load %arg11[%get3A_1190, %get3A_1191, %get3A_1192] {strides = array<i32>} : memref<4x32x200xi32, #tpu.memory_space<vmem>>, vector<1x1x16xi32>,
    %get3A_1194 = vector.shape_cast %get3A_1193 : vector<1x1x16xi32> to vector<16xi32>
    %add3A_1195 = arith.addi %add3A_1187, %get3A_1194 : vector<16xi32>
    %swap3A_1196 = arith.constant 360 : index
    %swap3A_1197 = tpu.vector_load %arg12[%swap3A_1196] {strides = array<i32>} : memref<6400xi32, #tpu.memory_space<vmem>>, vector<16xi32>,
    %swap3A_1198 = vector.shape_cast %swap3A_1197 : vector<16xi32> to vector<16xi32>
    %swap3A_1199 = vector.shape_cast %add3A_1195 : vector<16xi32> to vector<16xi32>
    tpu.vector_store %arg12[%swap3A_1196], %swap3A_1199 {strides = array<i32>} : memref<6400xi32, #tpu.memory_space<vmem>>, vector<16xi32>,
    %get3A_1200 = arith.constant 0 : i32
    %get3A_1201 = arith.constant 1 : i32
    %get3A_1202 = arith.index_cast %get3A_1200 : i32 to index
    %get3A_1203 = arith.index_cast %get3A_1201 : i32 to index
    %get3A_1204 = arith.constant 176 : index
    %get3A_1205 = tpu.vector_load %arg11[%get3A_1202, %get3A_1203, %get3A_1204] {strides = array<i32>} : memref<4x32x200xi32, #tpu.memory_space<vmem>>, vector<1x1x16xi32>,
    %get3A_1206 = vector.shape_cast %get3A_1205 : vector<1x1x16xi32> to vector<16xi32>
    %mul3A_1207 = arith.constant 180 : i32
    %mul3A_1208 = vector.broadcast %mul3A_1207 : i32 to vector<16xi32>
    %mul3A_1209 = arith.muli %get3A_1206, %mul3A_1208 : vector<16xi32>
    %get3A_1210 = arith.constant 1 : i32
    %get3A_1211 = arith.constant 1 : i32
    %get3A_1212 = arith.index_cast %get3A_1210 : i32 to index
    %get3A_1213 = arith.index_cast %get3A_1211 : i32 to index
    %get3A_1214 = arith.constant 176 : index
    %get3A_1215 = tpu.vector_load %arg11[%get3A_1212, %get3A_1213, %get3A_1214] {strides = array<i32>} : memref<4x32x200xi32, #tpu.memory_space<vmem>>, vector<1x1x16xi32>,
    %get3A_1216 = vector.shape_cast %get3A_1215 : vector<1x1x16xi32> to vector<16xi32>
    %mul3A_1217 = arith.constant 45 : i32
    %mul3A_1218 = vector.broadcast %mul3A_1217 : i32 to vector<16xi32>
    %mul3A_1219 = arith.muli %get3A_1216, %mul3A_1218 : vector<16xi32>
    %add3A_1220 = arith.addi %mul3A_1209, %mul3A_1219 : vector<16xi32>
    %get3A_1221 = arith.constant 2 : i32
    %get3A_1222 = arith.constant 1 : i32
    %get3A_1223 = arith.index_cast %get3A_1221 : i32 to index
    %get3A_1224 = arith.index_cast %get3A_1222 : i32 to index
    %get3A_1225 = arith.constant 176 : index
    %get3A_1226 = tpu.vector_load %arg11[%get3A_1223, %get3A_1224, %get3A_1225] {strides = array<i32>} : memref<4x32x200xi32, #tpu.memory_space<vmem>>, vector<1x1x16xi32>,
    %get3A_1227 = vector.shape_cast %get3A_1226 : vector<1x1x16xi32> to vector<16xi32>
    %mul3A_1228 = arith.constant 5 : i32
    %mul3A_1229 = vector.broadcast %mul3A_1228 : i32 to vector<16xi32>
    %mul3A_1230 = arith.muli %get3A_1227, %mul3A_1229 : vector<16xi32>
    %add3A_1231 = arith.addi %add3A_1220, %mul3A_1230 : vector<16xi32>
    %get3A_1232 = arith.constant 3 : i32
    %get3A_1233 = arith.constant 1 : i32
    %get3A_1234 = arith.index_cast %get3A_1232 : i32 to index
    %get3A_1235 = arith.index_cast %get3A_1233 : i32 to index
    %get3A_1236 = arith.constant 176 : index
    %get3A_1237 = tpu.vector_load %arg11[%get3A_1234, %get3A_1235, %get3A_1236] {strides = array<i32>} : memref<4x32x200xi32, #tpu.memory_space<vmem>>, vector<1x1x16xi32>,
    %get3A_1238 = vector.shape_cast %get3A_1237 : vector<1x1x16xi32> to vector<16xi32>
    %add3A_1239 = arith.addi %add3A_1231, %get3A_1238 : vector<16xi32>
    %swap3A_1240 = arith.constant 376 : index
    %swap3A_1241 = tpu.vector_load %arg12[%swap3A_1240] {strides = array<i32>} : memref<6400xi32, #tpu.memory_space<vmem>>, vector<16xi32>,
    %swap3A_1242 = vector.shape_cast %swap3A_1241 : vector<16xi32> to vector<16xi32>
    %swap3A_1243 = vector.shape_cast %add3A_1239 : vector<16xi32> to vector<16xi32>
    tpu.vector_store %arg12[%swap3A_1240], %swap3A_1243 {strides = array<i32>} : memref<6400xi32, #tpu.memory_space<vmem>>, vector<16xi32>,
    %get3A_1244 = arith.constant 0 : i32
    %get3A_1245 = arith.constant 1 : i32
    %get3A_1246 = arith.index_cast %get3A_1244 : i32 to index
    %get3A_1247 = arith.index_cast %get3A_1245 : i32 to index
    %get3A_1248 = arith.constant 184 : index
    %get3A_1249 = tpu.vector_load %arg11[%get3A_1246, %get3A_1247, %get3A_1248] {strides = array<i32>} : memref<4x32x200xi32, #tpu.memory_space<vmem>>, vector<1x1x16xi32>,
    %get3A_1250 = vector.shape_cast %get3A_1249 : vector<1x1x16xi32> to vector<16xi32>
    %mul3A_1251 = arith.constant 180 : i32
    %mul3A_1252 = vector.broadcast %mul3A_1251 : i32 to vector<16xi32>
    %mul3A_1253 = arith.muli %get3A_1250, %mul3A_1252 : vector<16xi32>
    %get3A_1254 = arith.constant 1 : i32
    %get3A_1255 = arith.constant 1 : i32
    %get3A_1256 = arith.index_cast %get3A_1254 : i32 to index
    %get3A_1257 = arith.index_cast %get3A_1255 : i32 to index
    %get3A_1258 = arith.constant 184 : index
    %get3A_1259 = tpu.vector_load %arg11[%get3A_1256, %get3A_1257, %get3A_1258] {strides = array<i32>} : memref<4x32x200xi32, #tpu.memory_space<vmem>>, vector<1x1x16xi32>,
    %get3A_1260 = vector.shape_cast %get3A_1259 : vector<1x1x16xi32> to vector<16xi32>
    %mul3A_1261 = arith.constant 45 : i32
    %mul3A_1262 = vector.broadcast %mul3A_1261 : i32 to vector<16xi32>
    %mul3A_1263 = arith.muli %get3A_1260, %mul3A_1262 : vector<16xi32>
    %add3A_1264 = arith.addi %mul3A_1253, %mul3A_1263 : vector<16xi32>
    %get3A_1265 = arith.constant 2 : i32
    %get3A_1266 = arith.constant 1 : i32
    %get3A_1267 = arith.index_cast %get3A_1265 : i32 to index
    %get3A_1268 = arith.index_cast %get3A_1266 : i32 to index
    %get3A_1269 = arith.constant 184 : index
    %get3A_1270 = tpu.vector_load %arg11[%get3A_1267, %get3A_1268, %get3A_1269] {strides = array<i32>} : memref<4x32x200xi32, #tpu.memory_space<vmem>>, vector<1x1x16xi32>,
    %get3A_1271 = vector.shape_cast %get3A_1270 : vector<1x1x16xi32> to vector<16xi32>
    %mul3A_1272 = arith.constant 5 : i32
    %mul3A_1273 = vector.broadcast %mul3A_1272 : i32 to vector<16xi32>
    %mul3A_1274 = arith.muli %get3A_1271, %mul3A_1273 : vector<16xi32>
    %add3A_1275 = arith.addi %add3A_1264, %mul3A_1274 : vector<16xi32>
    %get3A_1276 = arith.constant 3 : i32
    %get3A_1277 = arith.constant 1 : i32
    %get3A_1278 = arith.index_cast %get3A_1276 : i32 to index
    %get3A_1279 = arith.index_cast %get3A_1277 : i32 to index
    %get3A_1280 = arith.constant 184 : index
    %get3A_1281 = tpu.vector_load %arg11[%get3A_1278, %get3A_1279, %get3A_1280] {strides = array<i32>} : memref<4x32x200xi32, #tpu.memory_space<vmem>>, vector<1x1x16xi32>,
    %get3A_1282 = vector.shape_cast %get3A_1281 : vector<1x1x16xi32> to vector<16xi32>
    %add3A_1283 = arith.addi %add3A_1275, %get3A_1282 : vector<16xi32>
    %swap3A_1284 = arith.constant 384 : index
    %swap3A_1285 = tpu.vector_load %arg12[%swap3A_1284] {strides = array<i32>} : memref<6400xi32, #tpu.memory_space<vmem>>, vector<16xi32>,
    %swap3A_1286 = vector.shape_cast %swap3A_1285 : vector<16xi32> to vector<16xi32>
    %swap3A_1287 = vector.shape_cast %add3A_1283 : vector<16xi32> to vector<16xi32>
    tpu.vector_store %arg12[%swap3A_1284], %swap3A_1287 {strides = array<i32>} : memref<6400xi32, #tpu.memory_space<vmem>>, vector<16xi32>,
    %get3A_1288 = arith.constant 0 : i32
    %get3A_1289 = arith.constant 2 : i32
    %get3A_1290 = arith.index_cast %get3A_1288 : i32 to index
    %get3A_1291 = arith.index_cast %get3A_1289 : i32 to index
    %get3A_1292 = arith.constant 0 : index
    %get3A_1293 = tpu.vector_load %arg11[%get3A_1290, %get3A_1291, %get3A_1292] {strides = array<i32>} : memref<4x32x200xi32, #tpu.memory_space<vmem>>, vector<1x1x16xi32>,
    %get3A_1294 = vector.shape_cast %get3A_1293 : vector<1x1x16xi32> to vector<16xi32>
    %mul3A_1295 = arith.constant 180 : i32
    %mul3A_1296 = vector.broadcast %mul3A_1295 : i32 to vector<16xi32>
    %mul3A_1297 = arith.muli %get3A_1294, %mul3A_1296 : vector<16xi32>
    %get3A_1298 = arith.constant 1 : i32
    %get3A_1299 = arith.constant 2 : i32
    %get3A_1300 = arith.index_cast %get3A_1298 : i32 to index
    %get3A_1301 = arith.index_cast %get3A_1299 : i32 to index
    %get3A_1302 = arith.constant 0 : index
    %get3A_1303 = tpu.vector_load %arg11[%get3A_1300, %get3A_1301, %get3A_1302] {strides = array<i32>} : memref<4x32x200xi32, #tpu.memory_space<vmem>>, vector<1x1x16xi32>,
    %get3A_1304 = vector.shape_cast %get3A_1303 : vector<1x1x16xi32> to vector<16xi32>
    %mul3A_1305 = arith.constant 45 : i32
    %mul3A_1306 = vector.broadcast %mul3A_1305 : i32 to vector<16xi32>
    %mul3A_1307 = arith.muli %get3A_1304, %mul3A_1306 : vector<16xi32>
    %add3A_1308 = arith.addi %mul3A_1297, %mul3A_1307 : vector<16xi32>
    %get3A_1309 = arith.constant 2 : i32
    %get3A_1310 = arith.constant 2 : i32
    %get3A_1311 = arith.index_cast %get3A_1309 : i32 to index
    %get3A_1312 = arith.index_cast %get3A_1310 : i32 to index
    %get3A_1313 = arith.constant 0 : index
    %get3A_1314 = tpu.vector_load %arg11[%get3A_1311, %get3A_1312, %get3A_1313] {strides = array<i32>} : memref<4x32x200xi32, #tpu.memory_space<vmem>>, vector<1x1x16xi32>,
    %get3A_1315 = vector.shape_cast %get3A_1314 : vector<1x1x16xi32> to vector<16xi32>
    %mul3A_1316 = arith.constant 5 : i32
    %mul3A_1317 = vector.broadcast %mul3A_1316 : i32 to vector<16xi32>
    %mul3A_1318 = arith.muli %get3A_1315, %mul3A_1317 : vector<16xi32>
    %add3A_1319 = arith.addi %add3A_1308, %mul3A_1318 : vector<16xi32>
    %get3A_1320 = arith.constant 3 : i32
    %get3A_1321 = arith.constant 2 : i32
    %get3A_1322 = arith.index_cast %get3A_1320 : i32 to index
    %get3A_1323 = arith.index_cast %get3A_1321 : i32 to index
    %get3A_1324 = arith.constant 0 : index
    %get3A_1325 = tpu.vector_load %arg11[%get3A_1322, %get3A_1323, %get3A_1324] {strides = array<i32>} : memref<4x32x200xi32, #tpu.memory_space<vmem>>, vector<1x1x16xi32>,
    %get3A_1326 = vector.shape_cast %get3A_1325 : vector<1x1x16xi32> to vector<16xi32>
    %add3A_1327 = arith.addi %add3A_1319, %get3A_1326 : vector<16xi32>
    %swap3A_1328 = arith.constant 400 : index
    %swap3A_1329 = tpu.vector_load %arg12[%swap3A_1328] {strides = array<i32>} : memref<6400xi32, #tpu.memory_space<vmem>>, vector<16xi32>,
    %swap3A_1330 = vector.shape_cast %swap3A_1329 : vector<16xi32> to vector<16xi32>
    %swap3A_1331 = vector.shape_cast %add3A_1327 : vector<16xi32> to vector<16xi32>
    tpu.vector_store %arg12[%swap3A_1328], %swap3A_1331 {strides = array<i32>} : memref<6400xi32, #tpu.memory_space<vmem>>, vector<16xi32>,
    %get3A_1332 = arith.constant 0 : i32
    %get3A_1333 = arith.constant 2 : i32
    %get3A_1334 = arith.index_cast %get3A_1332 : i32 to index
    %get3A_1335 = arith.index_cast %get3A_1333 : i32 to index
    %get3A_1336 = arith.constant 16 : index
    %get3A_1337 = tpu.vector_load %arg11[%get3A_1334, %get3A_1335, %get3A_1336] {strides = array<i32>} : memref<4x32x200xi32, #tpu.memory_space<vmem>>, vector<1x1x16xi32>,
    %get3A_1338 = vector.shape_cast %get3A_1337 : vector<1x1x16xi32> to vector<16xi32>
    %mul3A_1339 = arith.constant 180 : i32
    %mul3A_1340 = vector.broadcast %mul3A_1339 : i32 to vector<16xi32>
    %mul3A_1341 = arith.muli %get3A_1338, %mul3A_1340 : vector<16xi32>
    %get3A_1342 = arith.constant 1 : i32
    %get3A_1343 = arith.constant 2 : i32
    %get3A_1344 = arith.index_cast %get3A_1342 : i32 to index
    %get3A_1345 = arith.index_cast %get3A_1343 : i32 to index
    %get3A_1346 = arith.constant 16 : index
    %get3A_1347 = tpu.vector_load %arg11[%get3A_1344, %get3A_1345, %get3A_1346] {strides = array<i32>} : memref<4x32x200xi32, #tpu.memory_space<vmem>>, vector<1x1x16xi32>,
    %get3A_1348 = vector.shape_cast %get3A_1347 : vector<1x1x16xi32> to vector<16xi32>
    %mul3A_1349 = arith.constant 45 : i32
    %mul3A_1350 = vector.broadcast %mul3A_1349 : i32 to vector<16xi32>
    %mul3A_1351 = arith.muli %get3A_1348, %mul3A_1350 : vector<16xi32>
    %add3A_1352 = arith.addi %mul3A_1341, %mul3A_1351 : vector<16xi32>
    %get3A_1353 = arith.constant 2 : i32
    %get3A_1354 = arith.constant 2 : i32
    %get3A_1355 = arith.index_cast %get3A_1353 : i32 to index
    %get3A_1356 = arith.index_cast %get3A_1354 : i32 to index
    %get3A_1357 = arith.constant 16 : index
    %get3A_1358 = tpu.vector_load %arg11[%get3A_1355, %get3A_1356, %get3A_1357] {strides = array<i32>} : memref<4x32x200xi32, #tpu.memory_space<vmem>>, vector<1x1x16xi32>,
    %get3A_1359 = vector.shape_cast %get3A_1358 : vector<1x1x16xi32> to vector<16xi32>
    %mul3A_1360 = arith.constant 5 : i32
    %mul3A_1361 = vector.broadcast %mul3A_1360 : i32 to vector<16xi32>
    %mul3A_1362 = arith.muli %get3A_1359, %mul3A_1361 : vector<16xi32>
    %add3A_1363 = arith.addi %add3A_1352, %mul3A_1362 : vector<16xi32>
    %get3A_1364 = arith.constant 3 : i32
    %get3A_1365 = arith.constant 2 : i32
    %get3A_1366 = arith.index_cast %get3A_1364 : i32 to index
    %get3A_1367 = arith.index_cast %get3A_1365 : i32 to index
    %get3A_1368 = arith.constant 16 : index
    %get3A_1369 = tpu.vector_load %arg11[%get3A_1366, %get3A_1367, %get3A_1368] {strides = array<i32>} : memref<4x32x200xi32, #tpu.memory_space<vmem>>, vector<1x1x16xi32>,
    %get3A_1370 = vector.shape_cast %get3A_1369 : vector<1x1x16xi32> to vector<16xi32>
    %add3A_1371 = arith.addi %add3A_1363, %get3A_1370 : vector<16xi32>
    %swap3A_1372 = arith.constant 416 : index
    %swap3A_1373 = tpu.vector_load %arg12[%swap3A_1372] {strides = array<i32>} : memref<6400xi32, #tpu.memory_space<vmem>>, vector<16xi32>,
    %swap3A_1374 = vector.shape_cast %swap3A_1373 : vector<16xi32> to vector<16xi32>
    %swap3A_1375 = vector.shape_cast %add3A_1371 : vector<16xi32> to vector<16xi32>
    tpu.vector_store %arg12[%swap3A_1372], %swap3A_1375 {strides = array<i32>} : memref<6400xi32, #tpu.memory_space<vmem>>, vector<16xi32>,
    %get3A_1376 = arith.constant 0 : i32
    %get3A_1377 = arith.constant 2 : i32
    %get3A_1378 = arith.index_cast %get3A_1376 : i32 to index
    %get3A_1379 = arith.index_cast %get3A_1377 : i32 to index
    %get3A_1380 = arith.constant 32 : index
    %get3A_1381 = tpu.vector_load %arg11[%get3A_1378, %get3A_1379, %get3A_1380] {strides = array<i32>} : memref<4x32x200xi32, #tpu.memory_space<vmem>>, vector<1x1x16xi32>,
    %get3A_1382 = vector.shape_cast %get3A_1381 : vector<1x1x16xi32> to vector<16xi32>
    %mul3A_1383 = arith.constant 180 : i32
    %mul3A_1384 = vector.broadcast %mul3A_1383 : i32 to vector<16xi32>
    %mul3A_1385 = arith.muli %get3A_1382, %mul3A_1384 : vector<16xi32>
    %get3A_1386 = arith.constant 1 : i32
    %get3A_1387 = arith.constant 2 : i32
    %get3A_1388 = arith.index_cast %get3A_1386 : i32 to index
    %get3A_1389 = arith.index_cast %get3A_1387 : i32 to index
    %get3A_1390 = arith.constant 32 : index
    %get3A_1391 = tpu.vector_load %arg11[%get3A_1388, %get3A_1389, %get3A_1390] {strides = array<i32>} : memref<4x32x200xi32, #tpu.memory_space<vmem>>, vector<1x1x16xi32>,
    %get3A_1392 = vector.shape_cast %get3A_1391 : vector<1x1x16xi32> to vector<16xi32>
    %mul3A_1393 = arith.constant 45 : i32
    %mul3A_1394 = vector.broadcast %mul3A_1393 : i32 to vector<16xi32>
    %mul3A_1395 = arith.muli %get3A_1392, %mul3A_1394 : vector<16xi32>
    %add3A_1396 = arith.addi %mul3A_1385, %mul3A_1395 : vector<16xi32>
    %get3A_1397 = arith.constant 2 : i32
    %get3A_1398 = arith.constant 2 : i32
    %get3A_1399 = arith.index_cast %get3A_1397 : i32 to index
    %get3A_1400 = arith.index_cast %get3A_1398 : i32 to index
    %get3A_1401 = arith.constant 32 : index
    %get3A_1402 = tpu.vector_load %arg11[%get3A_1399, %get3A_1400, %get3A_1401] {strides = array<i32>} : memref<4x32x200xi32, #tpu.memory_space<vmem>>, vector<1x1x16xi32>,
    %get3A_1403 = vector.shape_cast %get3A_1402 : vector<1x1x16xi32> to vector<16xi32>
    %mul3A_1404 = arith.constant 5 : i32
    %mul3A_1405 = vector.broadcast %mul3A_1404 : i32 to vector<16xi32>
    %mul3A_1406 = arith.muli %get3A_1403, %mul3A_1405 : vector<16xi32>
    %add3A_1407 = arith.addi %add3A_1396, %mul3A_1406 : vector<16xi32>
    %get3A_1408 = arith.constant 3 : i32
    %get3A_1409 = arith.constant 2 : i32
    %get3A_1410 = arith.index_cast %get3A_1408 : i32 to index
    %get3A_1411 = arith.index_cast %get3A_1409 : i32 to index
    %get3A_1412 = arith.constant 32 : index
    %get3A_1413 = tpu.vector_load %arg11[%get3A_1410, %get3A_1411, %get3A_1412] {strides = array<i32>} : memref<4x32x200xi32, #tpu.memory_space<vmem>>, vector<1x1x16xi32>,
    %get3A_1414 = vector.shape_cast %get3A_1413 : vector<1x1x16xi32> to vector<16xi32>
    %add3A_1415 = arith.addi %add3A_1407, %get3A_1414 : vector<16xi32>
    %swap3A_1416 = arith.constant 432 : index
    %swap3A_1417 = tpu.vector_load %arg12[%swap3A_1416] {strides = array<i32>} : memref<6400xi32, #tpu.memory_space<vmem>>, vector<16xi32>,
    %swap3A_1418 = vector.shape_cast %swap3A_1417 : vector<16xi32> to vector<16xi32>
    %swap3A_1419 = vector.shape_cast %add3A_1415 : vector<16xi32> to vector<16xi32>
    tpu.vector_store %arg12[%swap3A_1416], %swap3A_1419 {strides = array<i32>} : memref<6400xi32, #tpu.memory_space<vmem>>, vector<16xi32>,
    %get3A_1420 = arith.constant 0 : i32
    %get3A_1421 = arith.constant 2 : i32
    %get3A_1422 = arith.index_cast %get3A_1420 : i32 to index
    %get3A_1423 = arith.index_cast %get3A_1421 : i32 to index
    %get3A_1424 = arith.constant 48 : index
    %get3A_1425 = tpu.vector_load %arg11[%get3A_1422, %get3A_1423, %get3A_1424] {strides = array<i32>} : memref<4x32x200xi32, #tpu.memory_space<vmem>>, vector<1x1x16xi32>,
    %get3A_1426 = vector.shape_cast %get3A_1425 : vector<1x1x16xi32> to vector<16xi32>
    %mul3A_1427 = arith.constant 180 : i32
    %mul3A_1428 = vector.broadcast %mul3A_1427 : i32 to vector<16xi32>
    %mul3A_1429 = arith.muli %get3A_1426, %mul3A_1428 : vector<16xi32>
    %get3A_1430 = arith.constant 1 : i32
    %get3A_1431 = arith.constant 2 : i32
    %get3A_1432 = arith.index_cast %get3A_1430 : i32 to index
    %get3A_1433 = arith.index_cast %get3A_1431 : i32 to index
    %get3A_1434 = arith.constant 48 : index
    %get3A_1435 = tpu.vector_load %arg11[%get3A_1432, %get3A_1433, %get3A_1434] {strides = array<i32>} : memref<4x32x200xi32, #tpu.memory_space<vmem>>, vector<1x1x16xi32>,
    %get3A_1436 = vector.shape_cast %get3A_1435 : vector<1x1x16xi32> to vector<16xi32>
    %mul3A_1437 = arith.constant 45 : i32
    %mul3A_1438 = vector.broadcast %mul3A_1437 : i32 to vector<16xi32>
    %mul3A_1439 = arith.muli %get3A_1436, %mul3A_1438 : vector<16xi32>
    %add3A_1440 = arith.addi %mul3A_1429, %mul3A_1439 : vector<16xi32>
    %get3A_1441 = arith.constant 2 : i32
    %get3A_1442 = arith.constant 2 : i32
    %get3A_1443 = arith.index_cast %get3A_1441 : i32 to index
    %get3A_1444 = arith.index_cast %get3A_1442 : i32 to index
    %get3A_1445 = arith.constant 48 : index
    %get3A_1446 = tpu.vector_load %arg11[%get3A_1443, %get3A_1444, %get3A_1445] {strides = array<i32>} : memref<4x32x200xi32, #tpu.memory_space<vmem>>, vector<1x1x16xi32>,
    %get3A_1447 = vector.shape_cast %get3A_1446 : vector<1x1x16xi32> to vector<16xi32>
    %mul3A_1448 = arith.constant 5 : i32
    %mul3A_1449 = vector.broadcast %mul3A_1448 : i32 to vector<16xi32>
    %mul3A_1450 = arith.muli %get3A_1447, %mul3A_1449 : vector<16xi32>
    %add3A_1451 = arith.addi %add3A_1440, %mul3A_1450 : vector<16xi32>
    %get3A_1452 = arith.constant 3 : i32
    %get3A_1453 = arith.constant 2 : i32
    %get3A_1454 = arith.index_cast %get3A_1452 : i32 to index
    %get3A_1455 = arith.index_cast %get3A_1453 : i32 to index
    %get3A_1456 = arith.constant 48 : index
    %get3A_1457 = tpu.vector_load %arg11[%get3A_1454, %get3A_1455, %get3A_1456] {strides = array<i32>} : memref<4x32x200xi32, #tpu.memory_space<vmem>>, vector<1x1x16xi32>,
    %get3A_1458 = vector.shape_cast %get3A_1457 : vector<1x1x16xi32> to vector<16xi32>
    %add3A_1459 = arith.addi %add3A_1451, %get3A_1458 : vector<16xi32>
    %swap3A_1460 = arith.constant 448 : index
    %swap3A_1461 = tpu.vector_load %arg12[%swap3A_1460] {strides = array<i32>} : memref<6400xi32, #tpu.memory_space<vmem>>, vector<16xi32>,
    %swap3A_1462 = vector.shape_cast %swap3A_1461 : vector<16xi32> to vector<16xi32>
    %swap3A_1463 = vector.shape_cast %add3A_1459 : vector<16xi32> to vector<16xi32>
    tpu.vector_store %arg12[%swap3A_1460], %swap3A_1463 {strides = array<i32>} : memref<6400xi32, #tpu.memory_space<vmem>>, vector<16xi32>,
    %get3A_1464 = arith.constant 0 : i32
    %get3A_1465 = arith.constant 2 : i32
    %get3A_1466 = arith.index_cast %get3A_1464 : i32 to index
    %get3A_1467 = arith.index_cast %get3A_1465 : i32 to index
    %get3A_1468 = arith.constant 64 : index
    %get3A_1469 = tpu.vector_load %arg11[%get3A_1466, %get3A_1467, %get3A_1468] {strides = array<i32>} : memref<4x32x200xi32, #tpu.memory_space<vmem>>, vector<1x1x16xi32>,
    %get3A_1470 = vector.shape_cast %get3A_1469 : vector<1x1x16xi32> to vector<16xi32>
    %mul3A_1471 = arith.constant 180 : i32
    %mul3A_1472 = vector.broadcast %mul3A_1471 : i32 to vector<16xi32>
    %mul3A_1473 = arith.muli %get3A_1470, %mul3A_1472 : vector<16xi32>
    %get3A_1474 = arith.constant 1 : i32
    %get3A_1475 = arith.constant 2 : i32
    %get3A_1476 = arith.index_cast %get3A_1474 : i32 to index
    %get3A_1477 = arith.index_cast %get3A_1475 : i32 to index
    %get3A_1478 = arith.constant 64 : index
    %get3A_1479 = tpu.vector_load %arg11[%get3A_1476, %get3A_1477, %get3A_1478] {strides = array<i32>} : memref<4x32x200xi32, #tpu.memory_space<vmem>>, vector<1x1x16xi32>,
    %get3A_1480 = vector.shape_cast %get3A_1479 : vector<1x1x16xi32> to vector<16xi32>
    %mul3A_1481 = arith.constant 45 : i32
    %mul3A_1482 = vector.broadcast %mul3A_1481 : i32 to vector<16xi32>
    %mul3A_1483 = arith.muli %get3A_1480, %mul3A_1482 : vector<16xi32>
    %add3A_1484 = arith.addi %mul3A_1473, %mul3A_1483 : vector<16xi32>
    %get3A_1485 = arith.constant 2 : i32
    %get3A_1486 = arith.constant 2 : i32
    %get3A_1487 = arith.index_cast %get3A_1485 : i32 to index
    %get3A_1488 = arith.index_cast %get3A_1486 : i32 to index
    %get3A_1489 = arith.constant 64 : index
    %get3A_1490 = tpu.vector_load %arg11[%get3A_1487, %get3A_1488, %get3A_1489] {strides = array<i32>} : memref<4x32x200xi32, #tpu.memory_space<vmem>>, vector<1x1x16xi32>,
    %get3A_1491 = vector.shape_cast %get3A_1490 : vector<1x1x16xi32> to vector<16xi32>
    %mul3A_1492 = arith.constant 5 : i32
    %mul3A_1493 = vector.broadcast %mul3A_1492 : i32 to vector<16xi32>
    %mul3A_1494 = arith.muli %get3A_1491, %mul3A_1493 : vector<16xi32>
    %add3A_1495 = arith.addi %add3A_1484, %mul3A_1494 : vector<16xi32>
    %get3A_1496 = arith.constant 3 : i32
    %get3A_1497 = arith.constant 2 : i32
    %get3A_1498 = arith.index_cast %get3A_1496 : i32 to index
    %get3A_1499 = arith.index_cast %get3A_1497 : i32 to index
    %get3A_1500 = arith.constant 64 : index
    %get3A_1501 = tpu.vector_load %arg11[%get3A_1498, %get3A_1499, %get3A_1500] {strides = array<i32>} : memref<4x32x200xi32, #tpu.memory_space<vmem>>, vector<1x1x16xi32>,
    %get3A_1502 = vector.shape_cast %get3A_1501 : vector<1x1x16xi32> to vector<16xi32>
    %add3A_1503 = arith.addi %add3A_1495, %get3A_1502 : vector<16xi32>
    %swap3A_1504 = arith.constant 464 : index
    %swap3A_1505 = tpu.vector_load %arg12[%swap3A_1504] {strides = array<i32>} : memref<6400xi32, #tpu.memory_space<vmem>>, vector<16xi32>,
    %swap3A_1506 = vector.shape_cast %swap3A_1505 : vector<16xi32> to vector<16xi32>
    %swap3A_1507 = vector.shape_cast %add3A_1503 : vector<16xi32> to vector<16xi32>
    tpu.vector_store %arg12[%swap3A_1504], %swap3A_1507 {strides = array<i32>} : memref<6400xi32, #tpu.memory_space<vmem>>, vector<16xi32>,
    %get3A_1508 = arith.constant 0 : i32
    %get3A_1509 = arith.constant 2 : i32
    %get3A_1510 = arith.index_cast %get3A_1508 : i32 to index
    %get3A_1511 = arith.index_cast %get3A_1509 : i32 to index
    %get3A_1512 = arith.constant 80 : index
    %get3A_1513 = tpu.vector_load %arg11[%get3A_1510, %get3A_1511, %get3A_1512] {strides = array<i32>} : memref<4x32x200xi32, #tpu.memory_space<vmem>>, vector<1x1x16xi32>,
    %get3A_1514 = vector.shape_cast %get3A_1513 : vector<1x1x16xi32> to vector<16xi32>
    %mul3A_1515 = arith.constant 180 : i32
    %mul3A_1516 = vector.broadcast %mul3A_1515 : i32 to vector<16xi32>
    %mul3A_1517 = arith.muli %get3A_1514, %mul3A_1516 : vector<16xi32>
    %get3A_1518 = arith.constant 1 : i32
    %get3A_1519 = arith.constant 2 : i32
    %get3A_1520 = arith.index_cast %get3A_1518 : i32 to index
    %get3A_1521 = arith.index_cast %get3A_1519 : i32 to index
    %get3A_1522 = arith.constant 80 : index
    %get3A_1523 = tpu.vector_load %arg11[%get3A_1520, %get3A_1521, %get3A_1522] {strides = array<i32>} : memref<4x32x200xi32, #tpu.memory_space<vmem>>, vector<1x1x16xi32>,
    %get3A_1524 = vector.shape_cast %get3A_1523 : vector<1x1x16xi32> to vector<16xi32>
    %mul3A_1525 = arith.constant 45 : i32
    %mul3A_1526 = vector.broadcast %mul3A_1525 : i32 to vector<16xi32>
    %mul3A_1527 = arith.muli %get3A_1524, %mul3A_1526 : vector<16xi32>
    %add3A_1528 = arith.addi %mul3A_1517, %mul3A_1527 : vector<16xi32>
    %get3A_1529 = arith.constant 2 : i32
    %get3A_1530 = arith.constant 2 : i32
    %get3A_1531 = arith.index_cast %get3A_1529 : i32 to index
    %get3A_1532 = arith.index_cast %get3A_1530 : i32 to index
    %get3A_1533 = arith.constant 80 : index
    %get3A_1534 = tpu.vector_load %arg11[%get3A_1531, %get3A_1532, %get3A_1533] {strides = array<i32>} : memref<4x32x200xi32, #tpu.memory_space<vmem>>, vector<1x1x16xi32>,
    %get3A_1535 = vector.shape_cast %get3A_1534 : vector<1x1x16xi32> to vector<16xi32>
    %mul3A_1536 = arith.constant 5 : i32
    %mul3A_1537 = vector.broadcast %mul3A_1536 : i32 to vector<16xi32>
    %mul3A_1538 = arith.muli %get3A_1535, %mul3A_1537 : vector<16xi32>
    %add3A_1539 = arith.addi %add3A_1528, %mul3A_1538 : vector<16xi32>
    %get3A_1540 = arith.constant 3 : i32
    %get3A_1541 = arith.constant 2 : i32
    %get3A_1542 = arith.index_cast %get3A_1540 : i32 to index
    %get3A_1543 = arith.index_cast %get3A_1541 : i32 to index
    %get3A_1544 = arith.constant 80 : index
    %get3A_1545 = tpu.vector_load %arg11[%get3A_1542, %get3A_1543, %get3A_1544] {strides = array<i32>} : memref<4x32x200xi32, #tpu.memory_space<vmem>>, vector<1x1x16xi32>,
    %get3A_1546 = vector.shape_cast %get3A_1545 : vector<1x1x16xi32> to vector<16xi32>
    %add3A_1547 = arith.addi %add3A_1539, %get3A_1546 : vector<16xi32>
    %swap3A_1548 = arith.constant 480 : index
    %swap3A_1549 = tpu.vector_load %arg12[%swap3A_1548] {strides = array<i32>} : memref<6400xi32, #tpu.memory_space<vmem>>, vector<16xi32>,
    %swap3A_1550 = vector.shape_cast %swap3A_1549 : vector<16xi32> to vector<16xi32>
    %swap3A_1551 = vector.shape_cast %add3A_1547 : vector<16xi32> to vector<16xi32>
    tpu.vector_store %arg12[%swap3A_1548], %swap3A_1551 {strides = array<i32>} : memref<6400xi32, #tpu.memory_space<vmem>>, vector<16xi32>,
    %get3A_1552 = arith.constant 0 : i32
    %get3A_1553 = arith.constant 2 : i32
    %get3A_1554 = arith.index_cast %get3A_1552 : i32 to index
    %get3A_1555 = arith.index_cast %get3A_1553 : i32 to index
    %get3A_1556 = arith.constant 96 : index
    %get3A_1557 = tpu.vector_load %arg11[%get3A_1554, %get3A_1555, %get3A_1556] {strides = array<i32>} : memref<4x32x200xi32, #tpu.memory_space<vmem>>, vector<1x1x16xi32>,
    %get3A_1558 = vector.shape_cast %get3A_1557 : vector<1x1x16xi32> to vector<16xi32>
    %mul3A_1559 = arith.constant 180 : i32
    %mul3A_1560 = vector.broadcast %mul3A_1559 : i32 to vector<16xi32>
    %mul3A_1561 = arith.muli %get3A_1558, %mul3A_1560 : vector<16xi32>
    %get3A_1562 = arith.constant 1 : i32
    %get3A_1563 = arith.constant 2 : i32
    %get3A_1564 = arith.index_cast %get3A_1562 : i32 to index
    %get3A_1565 = arith.index_cast %get3A_1563 : i32 to index
    %get3A_1566 = arith.constant 96 : index
    %get3A_1567 = tpu.vector_load %arg11[%get3A_1564, %get3A_1565, %get3A_1566] {strides = array<i32>} : memref<4x32x200xi32, #tpu.memory_space<vmem>>, vector<1x1x16xi32>,
    %get3A_1568 = vector.shape_cast %get3A_1567 : vector<1x1x16xi32> to vector<16xi32>
    %mul3A_1569 = arith.constant 45 : i32
    %mul3A_1570 = vector.broadcast %mul3A_1569 : i32 to vector<16xi32>
    %mul3A_1571 = arith.muli %get3A_1568, %mul3A_1570 : vector<16xi32>
    %add3A_1572 = arith.addi %mul3A_1561, %mul3A_1571 : vector<16xi32>
    %get3A_1573 = arith.constant 2 : i32
    %get3A_1574 = arith.constant 2 : i32
    %get3A_1575 = arith.index_cast %get3A_1573 : i32 to index
    %get3A_1576 = arith.index_cast %get3A_1574 : i32 to index
    %get3A_1577 = arith.constant 96 : index
    %get3A_1578 = tpu.vector_load %arg11[%get3A_1575, %get3A_1576, %get3A_1577] {strides = array<i32>} : memref<4x32x200xi32, #tpu.memory_space<vmem>>, vector<1x1x16xi32>,
    %get3A_1579 = vector.shape_cast %get3A_1578 : vector<1x1x16xi32> to vector<16xi32>
    %mul3A_1580 = arith.constant 5 : i32
    %mul3A_1581 = vector.broadcast %mul3A_1580 : i32 to vector<16xi32>
    %mul3A_1582 = arith.muli %get3A_1579, %mul3A_1581 : vector<16xi32>
    %add3A_1583 = arith.addi %add3A_1572, %mul3A_1582 : vector<16xi32>
    %get3A_1584 = arith.constant 3 : i32
    %get3A_1585 = arith.constant 2 : i32
    %get3A_1586 = arith.index_cast %get3A_1584 : i32 to index
    %get3A_1587 = arith.index_cast %get3A_1585 : i32 to index
    %get3A_1588 = arith.constant 96 : index
    %get3A_1589 = tpu.vector_load %arg11[%get3A_1586, %get3A_1587, %get3A_1588] {strides = array<i32>} : memref<4x32x200xi32, #tpu.memory_space<vmem>>, vector<1x1x16xi32>,
    %get3A_1590 = vector.shape_cast %get3A_1589 : vector<1x1x16xi32> to vector<16xi32>
    %add3A_1591 = arith.addi %add3A_1583, %get3A_1590 : vector<16xi32>
    %swap3A_1592 = arith.constant 496 : index
    %swap3A_1593 = tpu.vector_load %arg12[%swap3A_1592] {strides = array<i32>} : memref<6400xi32, #tpu.memory_space<vmem>>, vector<16xi32>,
    %swap3A_1594 = vector.shape_cast %swap3A_1593 : vector<16xi32> to vector<16xi32>
    %swap3A_1595 = vector.shape_cast %add3A_1591 : vector<16xi32> to vector<16xi32>
    tpu.vector_store %arg12[%swap3A_1592], %swap3A_1595 {strides = array<i32>} : memref<6400xi32, #tpu.memory_space<vmem>>, vector<16xi32>,
    %get3A_1596 = arith.constant 0 : i32
    %get3A_1597 = arith.constant 2 : i32
    %get3A_1598 = arith.index_cast %get3A_1596 : i32 to index
    %get3A_1599 = arith.index_cast %get3A_1597 : i32 to index
    %get3A_1600 = arith.constant 112 : index
    %get3A_1601 = tpu.vector_load %arg11[%get3A_1598, %get3A_1599, %get3A_1600] {strides = array<i32>} : memref<4x32x200xi32, #tpu.memory_space<vmem>>, vector<1x1x16xi32>,
    %get3A_1602 = vector.shape_cast %get3A_1601 : vector<1x1x16xi32> to vector<16xi32>
    %mul3A_1603 = arith.constant 180 : i32
    %mul3A_1604 = vector.broadcast %mul3A_1603 : i32 to vector<16xi32>
    %mul3A_1605 = arith.muli %get3A_1602, %mul3A_1604 : vector<16xi32>
    %get3A_1606 = arith.constant 1 : i32
    %get3A_1607 = arith.constant 2 : i32
    %get3A_1608 = arith.index_cast %get3A_1606 : i32 to index
    %get3A_1609 = arith.index_cast %get3A_1607 : i32 to index
    %get3A_1610 = arith.constant 112 : index
    %get3A_1611 = tpu.vector_load %arg11[%get3A_1608, %get3A_1609, %get3A_1610] {strides = array<i32>} : memref<4x32x200xi32, #tpu.memory_space<vmem>>, vector<1x1x16xi32>,
    %get3A_1612 = vector.shape_cast %get3A_1611 : vector<1x1x16xi32> to vector<16xi32>
    %mul3A_1613 = arith.constant 45 : i32
    %mul3A_1614 = vector.broadcast %mul3A_1613 : i32 to vector<16xi32>
    %mul3A_1615 = arith.muli %get3A_1612, %mul3A_1614 : vector<16xi32>
    %add3A_1616 = arith.addi %mul3A_1605, %mul3A_1615 : vector<16xi32>
    %get3A_1617 = arith.constant 2 : i32
    %get3A_1618 = arith.constant 2 : i32
    %get3A_1619 = arith.index_cast %get3A_1617 : i32 to index
    %get3A_1620 = arith.index_cast %get3A_1618 : i32 to index
    %get3A_1621 = arith.constant 112 : index
    %get3A_1622 = tpu.vector_load %arg11[%get3A_1619, %get3A_1620, %get3A_1621] {strides = array<i32>} : memref<4x32x200xi32, #tpu.memory_space<vmem>>, vector<1x1x16xi32>,
    %get3A_1623 = vector.shape_cast %get3A_1622 : vector<1x1x16xi32> to vector<16xi32>
    %mul3A_1624 = arith.constant 5 : i32
    %mul3A_1625 = vector.broadcast %mul3A_1624 : i32 to vector<16xi32>
    %mul3A_1626 = arith.muli %get3A_1623, %mul3A_1625 : vector<16xi32>
    %add3A_1627 = arith.addi %add3A_1616, %mul3A_1626 : vector<16xi32>
    %get3A_1628 = arith.constant 3 : i32
    %get3A_1629 = arith.constant 2 : i32
    %get3A_1630 = arith.index_cast %get3A_1628 : i32 to index
    %get3A_1631 = arith.index_cast %get3A_1629 : i32 to index
    %get3A_1632 = arith.constant 112 : index
    %get3A_1633 = tpu.vector_load %arg11[%get3A_1630, %get3A_1631, %get3A_1632] {strides = array<i32>} : memref<4x32x200xi32, #tpu.memory_space<vmem>>, vector<1x1x16xi32>,
    %get3A_1634 = vector.shape_cast %get3A_1633 : vector<1x1x16xi32> to vector<16xi32>
    %add3A_1635 = arith.addi %add3A_1627, %get3A_1634 : vector<16xi32>
    %swap3A_1636 = arith.constant 512 : index
    %swap3A_1637 = tpu.vector_load %arg12[%swap3A_1636] {strides = array<i32>} : memref<6400xi32, #tpu.memory_space<vmem>>, vector<16xi32>,
    %swap3A_1638 = vector.shape_cast %swap3A_1637 : vector<16xi32> to vector<16xi32>
    %swap3A_1639 = vector.shape_cast %add3A_1635 : vector<16xi32> to vector<16xi32>
    tpu.vector_store %arg12[%swap3A_1636], %swap3A_1639 {strides = array<i32>} : memref<6400xi32, #tpu.memory_space<vmem>>, vector<16xi32>,
    %get3A_1640 = arith.constant 0 : i32
    %get3A_1641 = arith.constant 2 : i32
    %get3A_1642 = arith.index_cast %get3A_1640 : i32 to index
    %get3A_1643 = arith.index_cast %get3A_1641 : i32 to index
    %get3A_1644 = arith.constant 128 : index
    %get3A_1645 = tpu.vector_load %arg11[%get3A_1642, %get3A_1643, %get3A_1644] {strides = array<i32>} : memref<4x32x200xi32, #tpu.memory_space<vmem>>, vector<1x1x16xi32>,
    %get3A_1646 = vector.shape_cast %get3A_1645 : vector<1x1x16xi32> to vector<16xi32>
    %mul3A_1647 = arith.constant 180 : i32
    %mul3A_1648 = vector.broadcast %mul3A_1647 : i32 to vector<16xi32>
    %mul3A_1649 = arith.muli %get3A_1646, %mul3A_1648 : vector<16xi32>
    %get3A_1650 = arith.constant 1 : i32
    %get3A_1651 = arith.constant 2 : i32
    %get3A_1652 = arith.index_cast %get3A_1650 : i32 to index
    %get3A_1653 = arith.index_cast %get3A_1651 : i32 to index
    %get3A_1654 = arith.constant 128 : index
    %get3A_1655 = tpu.vector_load %arg11[%get3A_1652, %get3A_1653, %get3A_1654] {strides = array<i32>} : memref<4x32x200xi32, #tpu.memory_space<vmem>>, vector<1x1x16xi32>,
    %get3A_1656 = vector.shape_cast %get3A_1655 : vector<1x1x16xi32> to vector<16xi32>
    %mul3A_1657 = arith.constant 45 : i32
    %mul3A_1658 = vector.broadcast %mul3A_1657 : i32 to vector<16xi32>
    %mul3A_1659 = arith.muli %get3A_1656, %mul3A_1658 : vector<16xi32>
    %add3A_1660 = arith.addi %mul3A_1649, %mul3A_1659 : vector<16xi32>
    %get3A_1661 = arith.constant 2 : i32
    %get3A_1662 = arith.constant 2 : i32
    %get3A_1663 = arith.index_cast %get3A_1661 : i32 to index
    %get3A_1664 = arith.index_cast %get3A_1662 : i32 to index
    %get3A_1665 = arith.constant 128 : index
    %get3A_1666 = tpu.vector_load %arg11[%get3A_1663, %get3A_1664, %get3A_1665] {strides = array<i32>} : memref<4x32x200xi32, #tpu.memory_space<vmem>>, vector<1x1x16xi32>,
    %get3A_1667 = vector.shape_cast %get3A_1666 : vector<1x1x16xi32> to vector<16xi32>
    %mul3A_1668 = arith.constant 5 : i32
    %mul3A_1669 = vector.broadcast %mul3A_1668 : i32 to vector<16xi32>
    %mul3A_1670 = arith.muli %get3A_1667, %mul3A_1669 : vector<16xi32>
    %add3A_1671 = arith.addi %add3A_1660, %mul3A_1670 : vector<16xi32>
    %get3A_1672 = arith.constant 3 : i32
    %get3A_1673 = arith.constant 2 : i32
    %get3A_1674 = arith.index_cast %get3A_1672 : i32 to index
    %get3A_1675 = arith.index_cast %get3A_1673 : i32 to index
    %get3A_1676 = arith.constant 128 : index
    %get3A_1677 = tpu.vector_load %arg11[%get3A_1674, %get3A_1675, %get3A_1676] {strides = array<i32>} : memref<4x32x200xi32, #tpu.memory_space<vmem>>, vector<1x1x16xi32>,
    %get3A_1678 = vector.shape_cast %get3A_1677 : vector<1x1x16xi32> to vector<16xi32>
    %add3A_1679 = arith.addi %add3A_1671, %get3A_1678 : vector<16xi32>
    %swap3A_1680 = arith.constant 528 : index
    %swap3A_1681 = tpu.vector_load %arg12[%swap3A_1680] {strides = array<i32>} : memref<6400xi32, #tpu.memory_space<vmem>>, vector<16xi32>,
    %swap3A_1682 = vector.shape_cast %swap3A_1681 : vector<16xi32> to vector<16xi32>
    %swap3A_1683 = vector.shape_cast %add3A_1679 : vector<16xi32> to vector<16xi32>
    tpu.vector_store %arg12[%swap3A_1680], %swap3A_1683 {strides = array<i32>} : memref<6400xi32, #tpu.memory_space<vmem>>, vector<16xi32>,
    %get3A_1684 = arith.constant 0 : i32
    %get3A_1685 = arith.constant 2 : i32
    %get3A_1686 = arith.index_cast %get3A_1684 : i32 to index
    %get3A_1687 = arith.index_cast %get3A_1685 : i32 to index
    %get3A_1688 = arith.constant 144 : index
    %get3A_1689 = tpu.vector_load %arg11[%get3A_1686, %get3A_1687, %get3A_1688] {strides = array<i32>} : memref<4x32x200xi32, #tpu.memory_space<vmem>>, vector<1x1x16xi32>,
    %get3A_1690 = vector.shape_cast %get3A_1689 : vector<1x1x16xi32> to vector<16xi32>
    %mul3A_1691 = arith.constant 180 : i32
    %mul3A_1692 = vector.broadcast %mul3A_1691 : i32 to vector<16xi32>
    %mul3A_1693 = arith.muli %get3A_1690, %mul3A_1692 : vector<16xi32>
    %get3A_1694 = arith.constant 1 : i32
    %get3A_1695 = arith.constant 2 : i32
    %get3A_1696 = arith.index_cast %get3A_1694 : i32 to index
    %get3A_1697 = arith.index_cast %get3A_1695 : i32 to index
    %get3A_1698 = arith.constant 144 : index
    %get3A_1699 = tpu.vector_load %arg11[%get3A_1696, %get3A_1697, %get3A_1698] {strides = array<i32>} : memref<4x32x200xi32, #tpu.memory_space<vmem>>, vector<1x1x16xi32>,
    %get3A_1700 = vector.shape_cast %get3A_1699 : vector<1x1x16xi32> to vector<16xi32>
    %mul3A_1701 = arith.constant 45 : i32
    %mul3A_1702 = vector.broadcast %mul3A_1701 : i32 to vector<16xi32>
    %mul3A_1703 = arith.muli %get3A_1700, %mul3A_1702 : vector<16xi32>
    %add3A_1704 = arith.addi %mul3A_1693, %mul3A_1703 : vector<16xi32>
    %get3A_1705 = arith.constant 2 : i32
    %get3A_1706 = arith.constant 2 : i32
    %get3A_1707 = arith.index_cast %get3A_1705 : i32 to index
    %get3A_1708 = arith.index_cast %get3A_1706 : i32 to index
    %get3A_1709 = arith.constant 144 : index
    %get3A_1710 = tpu.vector_load %arg11[%get3A_1707, %get3A_1708, %get3A_1709] {strides = array<i32>} : memref<4x32x200xi32, #tpu.memory_space<vmem>>, vector<1x1x16xi32>,
    %get3A_1711 = vector.shape_cast %get3A_1710 : vector<1x1x16xi32> to vector<16xi32>
    %mul3A_1712 = arith.constant 5 : i32
    %mul3A_1713 = vector.broadcast %mul3A_1712 : i32 to vector<16xi32>
    %mul3A_1714 = arith.muli %get3A_1711, %mul3A_1713 : vector<16xi32>
    %add3A_1715 = arith.addi %add3A_1704, %mul3A_1714 : vector<16xi32>
    %get3A_1716 = arith.constant 3 : i32
    %get3A_1717 = arith.constant 2 : i32
    %get3A_1718 = arith.index_cast %get3A_1716 : i32 to index
    %get3A_1719 = arith.index_cast %get3A_1717 : i32 to index
    %get3A_1720 = arith.constant 144 : index
    %get3A_1721 = tpu.vector_load %arg11[%get3A_1718, %get3A_1719, %get3A_1720] {strides = array<i32>} : memref<4x32x200xi32, #tpu.memory_space<vmem>>, vector<1x1x16xi32>,
    %get3A_1722 = vector.shape_cast %get3A_1721 : vector<1x1x16xi32> to vector<16xi32>
    %add3A_1723 = arith.addi %add3A_1715, %get3A_1722 : vector<16xi32>
    %swap3A_1724 = arith.constant 544 : index
    %swap3A_1725 = tpu.vector_load %arg12[%swap3A_1724] {strides = array<i32>} : memref<6400xi32, #tpu.memory_space<vmem>>, vector<16xi32>,
    %swap3A_1726 = vector.shape_cast %swap3A_1725 : vector<16xi32> to vector<16xi32>
    %swap3A_1727 = vector.shape_cast %add3A_1723 : vector<16xi32> to vector<16xi32>
    tpu.vector_store %arg12[%swap3A_1724], %swap3A_1727 {strides = array<i32>} : memref<6400xi32, #tpu.memory_space<vmem>>, vector<16xi32>,
    %get3A_1728 = arith.constant 0 : i32
    %get3A_1729 = arith.constant 2 : i32
    %get3A_1730 = arith.index_cast %get3A_1728 : i32 to index
    %get3A_1731 = arith.index_cast %get3A_1729 : i32 to index
    %get3A_1732 = arith.constant 160 : index
    %get3A_1733 = tpu.vector_load %arg11[%get3A_1730, %get3A_1731, %get3A_1732] {strides = array<i32>} : memref<4x32x200xi32, #tpu.memory_space<vmem>>, vector<1x1x16xi32>,
    %get3A_1734 = vector.shape_cast %get3A_1733 : vector<1x1x16xi32> to vector<16xi32>
    %mul3A_1735 = arith.constant 180 : i32
    %mul3A_1736 = vector.broadcast %mul3A_1735 : i32 to vector<16xi32>
    %mul3A_1737 = arith.muli %get3A_1734, %mul3A_1736 : vector<16xi32>
    %get3A_1738 = arith.constant 1 : i32
    %get3A_1739 = arith.constant 2 : i32
    %get3A_1740 = arith.index_cast %get3A_1738 : i32 to index
    %get3A_1741 = arith.index_cast %get3A_1739 : i32 to index
    %get3A_1742 = arith.constant 160 : index
    %get3A_1743 = tpu.vector_load %arg11[%get3A_1740, %get3A_1741, %get3A_1742] {strides = array<i32>} : memref<4x32x200xi32, #tpu.memory_space<vmem>>, vector<1x1x16xi32>,
    %get3A_1744 = vector.shape_cast %get3A_1743 : vector<1x1x16xi32> to vector<16xi32>
    %mul3A_1745 = arith.constant 45 : i32
    %mul3A_1746 = vector.broadcast %mul3A_1745 : i32 to vector<16xi32>
    %mul3A_1747 = arith.muli %get3A_1744, %mul3A_1746 : vector<16xi32>
    %add3A_1748 = arith.addi %mul3A_1737, %mul3A_1747 : vector<16xi32>
    %get3A_1749 = arith.constant 2 : i32
    %get3A_1750 = arith.constant 2 : i32
    %get3A_1751 = arith.index_cast %get3A_1749 : i32 to index
    %get3A_1752 = arith.index_cast %get3A_1750 : i32 to index
    %get3A_1753 = arith.constant 160 : index
    %get3A_1754 = tpu.vector_load %arg11[%get3A_1751, %get3A_1752, %get3A_1753] {strides = array<i32>} : memref<4x32x200xi32, #tpu.memory_space<vmem>>, vector<1x1x16xi32>,
    %get3A_1755 = vector.shape_cast %get3A_1754 : vector<1x1x16xi32> to vector<16xi32>
    %mul3A_1756 = arith.constant 5 : i32
    %mul3A_1757 = vector.broadcast %mul3A_1756 : i32 to vector<16xi32>
    %mul3A_1758 = arith.muli %get3A_1755, %mul3A_1757 : vector<16xi32>
    %add3A_1759 = arith.addi %add3A_1748, %mul3A_1758 : vector<16xi32>
    %get3A_1760 = arith.constant 3 : i32
    %get3A_1761 = arith.constant 2 : i32
    %get3A_1762 = arith.index_cast %get3A_1760 : i32 to index
    %get3A_1763 = arith.index_cast %get3A_1761 : i32 to index
    %get3A_1764 = arith.constant 160 : index
    %get3A_1765 = tpu.vector_load %arg11[%get3A_1762, %get3A_1763, %get3A_1764] {strides = array<i32>} : memref<4x32x200xi32, #tpu.memory_space<vmem>>, vector<1x1x16xi32>,
    %get3A_1766 = vector.shape_cast %get3A_1765 : vector<1x1x16xi32> to vector<16xi32>
    %add3A_1767 = arith.addi %add3A_1759, %get3A_1766 : vector<16xi32>
    %swap3A_1768 = arith.constant 560 : index
    %swap3A_1769 = tpu.vector_load %arg12[%swap3A_1768] {strides = array<i32>} : memref<6400xi32, #tpu.memory_space<vmem>>, vector<16xi32>,
    %swap3A_1770 = vector.shape_cast %swap3A_1769 : vector<16xi32> to vector<16xi32>
    %swap3A_1771 = vector.shape_cast %add3A_1767 : vector<16xi32> to vector<16xi32>
    tpu.vector_store %arg12[%swap3A_1768], %swap3A_1771 {strides = array<i32>} : memref<6400xi32, #tpu.memory_space<vmem>>, vector<16xi32>,
    %get3A_1772 = arith.constant 0 : i32
    %get3A_1773 = arith.constant 2 : i32
    %get3A_1774 = arith.index_cast %get3A_1772 : i32 to index
    %get3A_1775 = arith.index_cast %get3A_1773 : i32 to index
    %get3A_1776 = arith.constant 176 : index
    %get3A_1777 = tpu.vector_load %arg11[%get3A_1774, %get3A_1775, %get3A_1776] {strides = array<i32>} : memref<4x32x200xi32, #tpu.memory_space<vmem>>, vector<1x1x16xi32>,
    %get3A_1778 = vector.shape_cast %get3A_1777 : vector<1x1x16xi32> to vector<16xi32>
    %mul3A_1779 = arith.constant 180 : i32
    %mul3A_1780 = vector.broadcast %mul3A_1779 : i32 to vector<16xi32>
    %mul3A_1781 = arith.muli %get3A_1778, %mul3A_1780 : vector<16xi32>
    %get3A_1782 = arith.constant 1 : i32
    %get3A_1783 = arith.constant 2 : i32
    %get3A_1784 = arith.index_cast %get3A_1782 : i32 to index
    %get3A_1785 = arith.index_cast %get3A_1783 : i32 to index
    %get3A_1786 = arith.constant 176 : index
    %get3A_1787 = tpu.vector_load %arg11[%get3A_1784, %get3A_1785, %get3A_1786] {strides = array<i32>} : memref<4x32x200xi32, #tpu.memory_space<vmem>>, vector<1x1x16xi32>,
    %get3A_1788 = vector.shape_cast %get3A_1787 : vector<1x1x16xi32> to vector<16xi32>
    %mul3A_1789 = arith.constant 45 : i32
    %mul3A_1790 = vector.broadcast %mul3A_1789 : i32 to vector<16xi32>
    %mul3A_1791 = arith.muli %get3A_1788, %mul3A_1790 : vector<16xi32>
    %add3A_1792 = arith.addi %mul3A_1781, %mul3A_1791 : vector<16xi32>
    %get3A_1793 = arith.constant 2 : i32
    %get3A_1794 = arith.constant 2 : i32
    %get3A_1795 = arith.index_cast %get3A_1793 : i32 to index
    %get3A_1796 = arith.index_cast %get3A_1794 : i32 to index
    %get3A_1797 = arith.constant 176 : index
    %get3A_1798 = tpu.vector_load %arg11[%get3A_1795, %get3A_1796, %get3A_1797] {strides = array<i32>} : memref<4x32x200xi32, #tpu.memory_space<vmem>>, vector<1x1x16xi32>,
    %get3A_1799 = vector.shape_cast %get3A_1798 : vector<1x1x16xi32> to vector<16xi32>
    %mul3A_1800 = arith.constant 5 : i32
    %mul3A_1801 = vector.broadcast %mul3A_1800 : i32 to vector<16xi32>
    %mul3A_1802 = arith.muli %get3A_1799, %mul3A_1801 : vector<16xi32>
    %add3A_1803 = arith.addi %add3A_1792, %mul3A_1802 : vector<16xi32>
    %get3A_1804 = arith.constant 3 : i32
    %get3A_1805 = arith.constant 2 : i32
    %get3A_1806 = arith.index_cast %get3A_1804 : i32 to index
    %get3A_1807 = arith.index_cast %get3A_1805 : i32 to index
    %get3A_1808 = arith.constant 176 : index
    %get3A_1809 = tpu.vector_load %arg11[%get3A_1806, %get3A_1807, %get3A_1808] {strides = array<i32>} : memref<4x32x200xi32, #tpu.memory_space<vmem>>, vector<1x1x16xi32>,
    %get3A_1810 = vector.shape_cast %get3A_1809 : vector<1x1x16xi32> to vector<16xi32>
    %add3A_1811 = arith.addi %add3A_1803, %get3A_1810 : vector<16xi32>
    %swap3A_1812 = arith.constant 576 : index
    %swap3A_1813 = tpu.vector_load %arg12[%swap3A_1812] {strides = array<i32>} : memref<6400xi32, #tpu.memory_space<vmem>>, vector<16xi32>,
    %swap3A_1814 = vector.shape_cast %swap3A_1813 : vector<16xi32> to vector<16xi32>
    %swap3A_1815 = vector.shape_cast %add3A_1811 : vector<16xi32> to vector<16xi32>
    tpu.vector_store %arg12[%swap3A_1812], %swap3A_1815 {strides = array<i32>} : memref<6400xi32, #tpu.memory_space<vmem>>, vector<16xi32>,
    %get3A_1816 = arith.constant 0 : i32
    %get3A_1817 = arith.constant 2 : i32
    %get3A_1818 = arith.index_cast %get3A_1816 : i32 to index
    %get3A_1819 = arith.index_cast %get3A_1817 : i32 to index
    %get3A_1820 = arith.constant 184 : index
    %get3A_1821 = tpu.vector_load %arg11[%get3A_1818, %get3A_1819, %get3A_1820] {strides = array<i32>} : memref<4x32x200xi32, #tpu.memory_space<vmem>>, vector<1x1x16xi32>,
    %get3A_1822 = vector.shape_cast %get3A_1821 : vector<1x1x16xi32> to vector<16xi32>
    %mul3A_1823 = arith.constant 180 : i32
    %mul3A_1824 = vector.broadcast %mul3A_1823 : i32 to vector<16xi32>
    %mul3A_1825 = arith.muli %get3A_1822, %mul3A_1824 : vector<16xi32>
    %get3A_1826 = arith.constant 1 : i32
    %get3A_1827 = arith.constant 2 : i32
    %get3A_1828 = arith.index_cast %get3A_1826 : i32 to index
    %get3A_1829 = arith.index_cast %get3A_1827 : i32 to index
    %get3A_1830 = arith.constant 184 : index
    %get3A_1831 = tpu.vector_load %arg11[%get3A_1828, %get3A_1829, %get3A_1830] {strides = array<i32>} : memref<4x32x200xi32, #tpu.memory_space<vmem>>, vector<1x1x16xi32>,
    %get3A_1832 = vector.shape_cast %get3A_1831 : vector<1x1x16xi32> to vector<16xi32>
    %mul3A_1833 = arith.constant 45 : i32
    %mul3A_1834 = vector.broadcast %mul3A_1833 : i32 to vector<16xi32>
    %mul3A_1835 = arith.muli %get3A_1832, %mul3A_1834 : vector<16xi32>
    %add3A_1836 = arith.addi %mul3A_1825, %mul3A_1835 : vector<16xi32>
    %get3A_1837 = arith.constant 2 : i32
    %get3A_1838 = arith.constant 2 : i32
    %get3A_1839 = arith.index_cast %get3A_1837 : i32 to index
    %get3A_1840 = arith.index_cast %get3A_1838 : i32 to index
    %get3A_1841 = arith.constant 184 : index
    %get3A_1842 = tpu.vector_load %arg11[%get3A_1839, %get3A_1840, %get3A_1841] {strides = array<i32>} : memref<4x32x200xi32, #tpu.memory_space<vmem>>, vector<1x1x16xi32>,
    %get3A_1843 = vector.shape_cast %get3A_1842 : vector<1x1x16xi32> to vector<16xi32>
    %mul3A_1844 = arith.constant 5 : i32
    %mul3A_1845 = vector.broadcast %mul3A_1844 : i32 to vector<16xi32>
    %mul3A_1846 = arith.muli %get3A_1843, %mul3A_1845 : vector<16xi32>
    %add3A_1847 = arith.addi %add3A_1836, %mul3A_1846 : vector<16xi32>
    %get3A_1848 = arith.constant 3 : i32
    %get3A_1849 = arith.constant 2 : i32
    %get3A_1850 = arith.index_cast %get3A_1848 : i32 to index
    %get3A_1851 = arith.index_cast %get3A_1849 : i32 to index
    %get3A_1852 = arith.constant 184 : index
    %get3A_1853 = tpu.vector_load %arg11[%get3A_1850, %get3A_1851, %get3A_1852] {strides = array<i32>} : memref<4x32x200xi32, #tpu.memory_space<vmem>>, vector<1x1x16xi32>,
    %get3A_1854 = vector.shape_cast %get3A_1853 : vector<1x1x16xi32> to vector<16xi32>
    %add3A_1855 = arith.addi %add3A_1847, %get3A_1854 : vector<16xi32>
    %swap3A_1856 = arith.constant 584 : index
    %swap3A_1857 = tpu.vector_load %arg12[%swap3A_1856] {strides = array<i32>} : memref<6400xi32, #tpu.memory_space<vmem>>, vector<16xi32>,
    %swap3A_1858 = vector.shape_cast %swap3A_1857 : vector<16xi32> to vector<16xi32>
    %swap3A_1859 = vector.shape_cast %add3A_1855 : vector<16xi32> to vector<16xi32>
    tpu.vector_store %arg12[%swap3A_1856], %swap3A_1859 {strides = array<i32>} : memref<6400xi32, #tpu.memory_space<vmem>>, vector<16xi32>,
    %get3A_1860 = arith.constant 0 : i32
    %get3A_1861 = arith.constant 3 : i32
    %get3A_1862 = arith.index_cast %get3A_1860 : i32 to index
    %get3A_1863 = arith.index_cast %get3A_1861 : i32 to index
    %get3A_1864 = arith.constant 0 : index
    %get3A_1865 = tpu.vector_load %arg11[%get3A_1862, %get3A_1863, %get3A_1864] {strides = array<i32>} : memref<4x32x200xi32, #tpu.memory_space<vmem>>, vector<1x1x16xi32>,
    %get3A_1866 = vector.shape_cast %get3A_1865 : vector<1x1x16xi32> to vector<16xi32>
    %mul3A_1867 = arith.constant 180 : i32
    %mul3A_1868 = vector.broadcast %mul3A_1867 : i32 to vector<16xi32>
    %mul3A_1869 = arith.muli %get3A_1866, %mul3A_1868 : vector<16xi32>
    %get3A_1870 = arith.constant 1 : i32
    %get3A_1871 = arith.constant 3 : i32
    %get3A_1872 = arith.index_cast %get3A_1870 : i32 to index
    %get3A_1873 = arith.index_cast %get3A_1871 : i32 to index
    %get3A_1874 = arith.constant 0 : index
    %get3A_1875 = tpu.vector_load %arg11[%get3A_1872, %get3A_1873, %get3A_1874] {strides = array<i32>} : memref<4x32x200xi32, #tpu.memory_space<vmem>>, vector<1x1x16xi32>,
    %get3A_1876 = vector.shape_cast %get3A_1875 : vector<1x1x16xi32> to vector<16xi32>
    %mul3A_1877 = arith.constant 45 : i32
    %mul3A_1878 = vector.broadcast %mul3A_1877 : i32 to vector<16xi32>
    %mul3A_1879 = arith.muli %get3A_1876, %mul3A_1878 : vector<16xi32>
    %add3A_1880 = arith.addi %mul3A_1869, %mul3A_1879 : vector<16xi32>
    %get3A_1881 = arith.constant 2 : i32
    %get3A_1882 = arith.constant 3 : i32
    %get3A_1883 = arith.index_cast %get3A_1881 : i32 to index
    %get3A_1884 = arith.index_cast %get3A_1882 : i32 to index
    %get3A_1885 = arith.constant 0 : index
    %get3A_1886 = tpu.vector_load %arg11[%get3A_1883, %get3A_1884, %get3A_1885] {strides = array<i32>} : memref<4x32x200xi32, #tpu.memory_space<vmem>>, vector<1x1x16xi32>,
    %get3A_1887 = vector.shape_cast %get3A_1886 : vector<1x1x16xi32> to vector<16xi32>
    %mul3A_1888 = arith.constant 5 : i32
    %mul3A_1889 = vector.broadcast %mul3A_1888 : i32 to vector<16xi32>
    %mul3A_1890 = arith.muli %get3A_1887, %mul3A_1889 : vector<16xi32>
    %add3A_1891 = arith.addi %add3A_1880, %mul3A_1890 : vector<16xi32>
    %get3A_1892 = arith.constant 3 : i32
    %get3A_1893 = arith.constant 3 : i32
    %get3A_1894 = arith.index_cast %get3A_1892 : i32 to index
    %get3A_1895 = arith.index_cast %get3A_1893 : i32 to index
    %get3A_1896 = arith.constant 0 : index
    %get3A_1897 = tpu.vector_load %arg11[%get3A_1894, %get3A_1895, %get3A_1896] {strides = array<i32>} : memref<4x32x200xi32, #tpu.memory_space<vmem>>, vector<1x1x16xi32>,
    %get3A_1898 = vector.shape_cast %get3A_1897 : vector<1x1x16xi32> to vector<16xi32>
    %add3A_1899 = arith.addi %add3A_1891, %get3A_1898 : vector<16xi32>
    %swap3A_1900 = arith.constant 600 : index
    %swap3A_1901 = tpu.vector_load %arg12[%swap3A_1900] {strides = array<i32>} : memref<6400xi32, #tpu.memory_space<vmem>>, vector<16xi32>,
    %swap3A_1902 = vector.shape_cast %swap3A_1901 : vector<16xi32> to vector<16xi32>
    %swap3A_1903 = vector.shape_cast %add3A_1899 : vector<16xi32> to vector<16xi32>
    tpu.vector_store %arg12[%swap3A_1900], %swap3A_1903 {strides = array<i32>} : memref<6400xi32, #tpu.memory_space<vmem>>, vector<16xi32>,
    %get3A_1904 = arith.constant 0 : i32
    %get3A_1905 = arith.constant 3 : i32
    %get3A_1906 = arith.index_cast %get3A_1904 : i32 to index
    %get3A_1907 = arith.index_cast %get3A_1905 : i32 to index
    %get3A_1908 = arith.constant 16 : index
    %get3A_1909 = tpu.vector_load %arg11[%get3A_1906, %get3A_1907, %get3A_1908] {strides = array<i32>} : memref<4x32x200xi32, #tpu.memory_space<vmem>>, vector<1x1x16xi32>,
    %get3A_1910 = vector.shape_cast %get3A_1909 : vector<1x1x16xi32> to vector<16xi32>
    %mul3A_1911 = arith.constant 180 : i32
    %mul3A_1912 = vector.broadcast %mul3A_1911 : i32 to vector<16xi32>
    %mul3A_1913 = arith.muli %get3A_1910, %mul3A_1912 : vector<16xi32>
    %get3A_1914 = arith.constant 1 : i32
    %get3A_1915 = arith.constant 3 : i32
    %get3A_1916 = arith.index_cast %get3A_1914 : i32 to index
    %get3A_1917 = arith.index_cast %get3A_1915 : i32 to index
    %get3A_1918 = arith.constant 16 : index
    %get3A_1919 = tpu.vector_load %arg11[%get3A_1916, %get3A_1917, %get3A_1918] {strides = array<i32>} : memref<4x32x200xi32, #tpu.memory_space<vmem>>, vector<1x1x16xi32>,
    %get3A_1920 = vector.shape_cast %get3A_1919 : vector<1x1x16xi32> to vector<16xi32>
    %mul3A_1921 = arith.constant 45 : i32
    %mul3A_1922 = vector.broadcast %mul3A_1921 : i32 to vector<16xi32>
    %mul3A_1923 = arith.muli %get3A_1920, %mul3A_1922 : vector<16xi32>
    %add3A_1924 = arith.addi %mul3A_1913, %mul3A_1923 : vector<16xi32>
    %get3A_1925 = arith.constant 2 : i32
    %get3A_1926 = arith.constant 3 : i32
    %get3A_1927 = arith.index_cast %get3A_1925 : i32 to index
    %get3A_1928 = arith.index_cast %get3A_1926 : i32 to index
    %get3A_1929 = arith.constant 16 : index
    %get3A_1930 = tpu.vector_load %arg11[%get3A_1927, %get3A_1928, %get3A_1929] {strides = array<i32>} : memref<4x32x200xi32, #tpu.memory_space<vmem>>, vector<1x1x16xi32>,
    %get3A_1931 = vector.shape_cast %get3A_1930 : vector<1x1x16xi32> to vector<16xi32>
    %mul3A_1932 = arith.constant 5 : i32
    %mul3A_1933 = vector.broadcast %mul3A_1932 : i32 to vector<16xi32>
    %mul3A_1934 = arith.muli %get3A_1931, %mul3A_1933 : vector<16xi32>
    %add3A_1935 = arith.addi %add3A_1924, %mul3A_1934 : vector<16xi32>
    %get3A_1936 = arith.constant 3 : i32
    %get3A_1937 = arith.constant 3 : i32
    %get3A_1938 = arith.index_cast %get3A_1936 : i32 to index
    %get3A_1939 = arith.index_cast %get3A_1937 : i32 to index
    %get3A_1940 = arith.constant 16 : index
    %get3A_1941 = tpu.vector_load %arg11[%get3A_1938, %get3A_1939, %get3A_1940] {strides = array<i32>} : memref<4x32x200xi32, #tpu.memory_space<vmem>>, vector<1x1x16xi32>,
    %get3A_1942 = vector.shape_cast %get3A_1941 : vector<1x1x16xi32> to vector<16xi32>
    %add3A_1943 = arith.addi %add3A_1935, %get3A_1942 : vector<16xi32>
    %swap3A_1944 = arith.constant 616 : index
    %swap3A_1945 = tpu.vector_load %arg12[%swap3A_1944] {strides = array<i32>} : memref<6400xi32, #tpu.memory_space<vmem>>, vector<16xi32>,
    %swap3A_1946 = vector.shape_cast %swap3A_1945 : vector<16xi32> to vector<16xi32>
    %swap3A_1947 = vector.shape_cast %add3A_1943 : vector<16xi32> to vector<16xi32>
    tpu.vector_store %arg12[%swap3A_1944], %swap3A_1947 {strides = array<i32>} : memref<6400xi32, #tpu.memory_space<vmem>>, vector<16xi32>,
    %get3A_1948 = arith.constant 0 : i32
    %get3A_1949 = arith.constant 3 : i32
    %get3A_1950 = arith.index_cast %get3A_1948 : i32 to index
    %get3A_1951 = arith.index_cast %get3A_1949 : i32 to index
    %get3A_1952 = arith.constant 32 : index
    %get3A_1953 = tpu.vector_load %arg11[%get3A_1950, %get3A_1951, %get3A_1952] {strides = array<i32>} : memref<4x32x200xi32, #tpu.memory_space<vmem>>, vector<1x1x16xi32>,
    %get3A_1954 = vector.shape_cast %get3A_1953 : vector<1x1x16xi32> to vector<16xi32>
    %mul3A_1955 = arith.constant 180 : i32
    %mul3A_1956 = vector.broadcast %mul3A_1955 : i32 to vector<16xi32>
    %mul3A_1957 = arith.muli %get3A_1954, %mul3A_1956 : vector<16xi32>
    %get3A_1958 = arith.constant 1 : i32
    %get3A_1959 = arith.constant 3 : i32
    %get3A_1960 = arith.index_cast %get3A_1958 : i32 to index
    %get3A_1961 = arith.index_cast %get3A_1959 : i32 to index
    %get3A_1962 = arith.constant 32 : index
    %get3A_1963 = tpu.vector_load %arg11[%get3A_1960, %get3A_1961, %get3A_1962] {strides = array<i32>} : memref<4x32x200xi32, #tpu.memory_space<vmem>>, vector<1x1x16xi32>,
    %get3A_1964 = vector.shape_cast %get3A_1963 : vector<1x1x16xi32> to vector<16xi32>
    %mul3A_1965 = arith.constant 45 : i32
    %mul3A_1966 = vector.broadcast %mul3A_1965 : i32 to vector<16xi32>
    %mul3A_1967 = arith.muli %get3A_1964, %mul3A_1966 : vector<16xi32>
    %add3A_1968 = arith.addi %mul3A_1957, %mul3A_1967 : vector<16xi32>
    %get3A_1969 = arith.constant 2 : i32
    %get3A_1970 = arith.constant 3 : i32
    %get3A_1971 = arith.index_cast %get3A_1969 : i32 to index
    %get3A_1972 = arith.index_cast %get3A_1970 : i32 to index
    %get3A_1973 = arith.constant 32 : index
    %get3A_1974 = tpu.vector_load %arg11[%get3A_1971, %get3A_1972, %get3A_1973] {strides = array<i32>} : memref<4x32x200xi32, #tpu.memory_space<vmem>>, vector<1x1x16xi32>,
    %get3A_1975 = vector.shape_cast %get3A_1974 : vector<1x1x16xi32> to vector<16xi32>
    %mul3A_1976 = arith.constant 5 : i32
    %mul3A_1977 = vector.broadcast %mul3A_1976 : i32 to vector<16xi32>
    %mul3A_1978 = arith.muli %get3A_1975, %mul3A_1977 : vector<16xi32>
    %add3A_1979 = arith.addi %add3A_1968, %mul3A_1978 : vector<16xi32>
    %get3A_1980 = arith.constant 3 : i32
    %get3A_1981 = arith.constant 3 : i32
    %get3A_1982 = arith.index_cast %get3A_1980 : i32 to index
    %get3A_1983 = arith.index_cast %get3A_1981 : i32 to index
    %get3A_1984 = arith.constant 32 : index
    %get3A_1985 = tpu.vector_load %arg11[%get3A_1982, %get3A_1983, %get3A_1984] {strides = array<i32>} : memref<4x32x200xi32, #tpu.memory_space<vmem>>, vector<1x1x16xi32>,
    %get3A_1986 = vector.shape_cast %get3A_1985 : vector<1x1x16xi32> to vector<16xi32>
    %add3A_1987 = arith.addi %add3A_1979, %get3A_1986 : vector<16xi32>
    %swap3A_1988 = arith.constant 632 : index
    %swap3A_1989 = tpu.vector_load %arg12[%swap3A_1988] {strides = array<i32>} : memref<6400xi32, #tpu.memory_space<vmem>>, vector<16xi32>,
    %swap3A_1990 = vector.shape_cast %swap3A_1989 : vector<16xi32> to vector<16xi32>
    %swap3A_1991 = vector.shape_cast %add3A_1987 : vector<16xi32> to vector<16xi32>
    tpu.vector_store %arg12[%swap3A_1988], %swap3A_1991 {strides = array<i32>} : memref<6400xi32, #tpu.memory_space<vmem>>, vector<16xi32>,
    %get3A_1992 = arith.constant 0 : i32
    %get3A_1993 = arith.constant 3 : i32
    %get3A_1994 = arith.index_cast %get3A_1992 : i32 to index
    %get3A_1995 = arith.index_cast %get3A_1993 : i32 to index
    %get3A_1996 = arith.constant 48 : index
    %get3A_1997 = tpu.vector_load %arg11[%get3A_1994, %get3A_1995, %get3A_1996] {strides = array<i32>} : memref<4x32x200xi32, #tpu.memory_space<vmem>>, vector<1x1x16xi32>,
    %get3A_1998 = vector.shape_cast %get3A_1997 : vector<1x1x16xi32> to vector<16xi32>
    %mul3A_1999 = arith.constant 180 : i32
    %mul3A_2000 = vector.broadcast %mul3A_1999 : i32 to vector<16xi32>
    %mul3A_2001 = arith.muli %get3A_1998, %mul3A_2000 : vector<16xi32>
    %get3A_2002 = arith.constant 1 : i32
    %get3A_2003 = arith.constant 3 : i32
    %get3A_2004 = arith.index_cast %get3A_2002 : i32 to index
    %get3A_2005 = arith.index_cast %get3A_2003 : i32 to index
    %get3A_2006 = arith.constant 48 : index
    %get3A_2007 = tpu.vector_load %arg11[%get3A_2004, %get3A_2005, %get3A_2006] {strides = array<i32>} : memref<4x32x200xi32, #tpu.memory_space<vmem>>, vector<1x1x16xi32>,
    %get3A_2008 = vector.shape_cast %get3A_2007 : vector<1x1x16xi32> to vector<16xi32>
    %mul3A_2009 = arith.constant 45 : i32
    %mul3A_2010 = vector.broadcast %mul3A_2009 : i32 to vector<16xi32>
    %mul3A_2011 = arith.muli %get3A_2008, %mul3A_2010 : vector<16xi32>
    %add3A_2012 = arith.addi %mul3A_2001, %mul3A_2011 : vector<16xi32>
    %get3A_2013 = arith.constant 2 : i32
    %get3A_2014 = arith.constant 3 : i32
    %get3A_2015 = arith.index_cast %get3A_2013 : i32 to index
    %get3A_2016 = arith.index_cast %get3A_2014 : i32 to index
    %get3A_2017 = arith.constant 48 : index
    %get3A_2018 = tpu.vector_load %arg11[%get3A_2015, %get3A_2016, %get3A_2017] {strides = array<i32>} : memref<4x32x200xi32, #tpu.memory_space<vmem>>, vector<1x1x16xi32>,
    %get3A_2019 = vector.shape_cast %get3A_2018 : vector<1x1x16xi32> to vector<16xi32>
    %mul3A_2020 = arith.constant 5 : i32
    %mul3A_2021 = vector.broadcast %mul3A_2020 : i32 to vector<16xi32>
    %mul3A_2022 = arith.muli %get3A_2019, %mul3A_2021 : vector<16xi32>
    %add3A_2023 = arith.addi %add3A_2012, %mul3A_2022 : vector<16xi32>
    %get3A_2024 = arith.constant 3 : i32
    %get3A_2025 = arith.constant 3 : i32
    %get3A_2026 = arith.index_cast %get3A_2024 : i32 to index
    %get3A_2027 = arith.index_cast %get3A_2025 : i32 to index
    %get3A_2028 = arith.constant 48 : index
    %get3A_2029 = tpu.vector_load %arg11[%get3A_2026, %get3A_2027, %get3A_2028] {strides = array<i32>} : memref<4x32x200xi32, #tpu.memory_space<vmem>>, vector<1x1x16xi32>,
    %get3A_2030 = vector.shape_cast %get3A_2029 : vector<1x1x16xi32> to vector<16xi32>
    %add3A_2031 = arith.addi %add3A_2023, %get3A_2030 : vector<16xi32>
    %swap3A_2032 = arith.constant 648 : index
    %swap3A_2033 = tpu.vector_load %arg12[%swap3A_2032] {strides = array<i32>} : memref<6400xi32, #tpu.memory_space<vmem>>, vector<16xi32>,
    %swap3A_2034 = vector.shape_cast %swap3A_2033 : vector<16xi32> to vector<16xi32>
    %swap3A_2035 = vector.shape_cast %add3A_2031 : vector<16xi32> to vector<16xi32>
    tpu.vector_store %arg12[%swap3A_2032], %swap3A_2035 {strides = array<i32>} : memref<6400xi32, #tpu.memory_space<vmem>>, vector<16xi32>,
    %get3A_2036 = arith.constant 0 : i32
    %get3A_2037 = arith.constant 3 : i32
    %get3A_2038 = arith.index_cast %get3A_2036 : i32 to index
    %get3A_2039 = arith.index_cast %get3A_2037 : i32 to index
    %get3A_2040 = arith.constant 64 : index
    %get3A_2041 = tpu.vector_load %arg11[%get3A_2038, %get3A_2039, %get3A_2040] {strides = array<i32>} : memref<4x32x200xi32, #tpu.memory_space<vmem>>, vector<1x1x16xi32>,
    %get3A_2042 = vector.shape_cast %get3A_2041 : vector<1x1x16xi32> to vector<16xi32>
    %mul3A_2043 = arith.constant 180 : i32
    %mul3A_2044 = vector.broadcast %mul3A_2043 : i32 to vector<16xi32>
    %mul3A_2045 = arith.muli %get3A_2042, %mul3A_2044 : vector<16xi32>
    %get3A_2046 = arith.constant 1 : i32
    %get3A_2047 = arith.constant 3 : i32
    %get3A_2048 = arith.index_cast %get3A_2046 : i32 to index
    %get3A_2049 = arith.index_cast %get3A_2047 : i32 to index
    %get3A_2050 = arith.constant 64 : index
    %get3A_2051 = tpu.vector_load %arg11[%get3A_2048, %get3A_2049, %get3A_2050] {strides = array<i32>} : memref<4x32x200xi32, #tpu.memory_space<vmem>>, vector<1x1x16xi32>,
    %get3A_2052 = vector.shape_cast %get3A_2051 : vector<1x1x16xi32> to vector<16xi32>
    %mul3A_2053 = arith.constant 45 : i32
    %mul3A_2054 = vector.broadcast %mul3A_2053 : i32 to vector<16xi32>
    %mul3A_2055 = arith.muli %get3A_2052, %mul3A_2054 : vector<16xi32>
    %add3A_2056 = arith.addi %mul3A_2045, %mul3A_2055 : vector<16xi32>
    %get3A_2057 = arith.constant 2 : i32
    %get3A_2058 = arith.constant 3 : i32
    %get3A_2059 = arith.index_cast %get3A_2057 : i32 to index
    %get3A_2060 = arith.index_cast %get3A_2058 : i32 to index
    %get3A_2061 = arith.constant 64 : index
    %get3A_2062 = tpu.vector_load %arg11[%get3A_2059, %get3A_2060, %get3A_2061] {strides = array<i32>} : memref<4x32x200xi32, #tpu.memory_space<vmem>>, vector<1x1x16xi32>,
    %get3A_2063 = vector.shape_cast %get3A_2062 : vector<1x1x16xi32> to vector<16xi32>
    %mul3A_2064 = arith.constant 5 : i32
    %mul3A_2065 = vector.broadcast %mul3A_2064 : i32 to vector<16xi32>
    %mul3A_2066 = arith.muli %get3A_2063, %mul3A_2065 : vector<16xi32>
    %add3A_2067 = arith.addi %add3A_2056, %mul3A_2066 : vector<16xi32>
    %get3A_2068 = arith.constant 3 : i32
    %get3A_2069 = arith.constant 3 : i32
    %get3A_2070 = arith.index_cast %get3A_2068 : i32 to index
    %get3A_2071 = arith.index_cast %get3A_2069 : i32 to index
    %get3A_2072 = arith.constant 64 : index
    %get3A_2073 = tpu.vector_load %arg11[%get3A_2070, %get3A_2071, %get3A_2072] {strides = array<i32>} : memref<4x32x200xi32, #tpu.memory_space<vmem>>, vector<1x1x16xi32>,
    %get3A_2074 = vector.shape_cast %get3A_2073 : vector<1x1x16xi32> to vector<16xi32>
    %add3A_2075 = arith.addi %add3A_2067, %get3A_2074 : vector<16xi32>
    %swap3A_2076 = arith.constant 664 : index
    %swap3A_2077 = tpu.vector_load %arg12[%swap3A_2076] {strides = array<i32>} : memref<6400xi32, #tpu.memory_space<vmem>>, vector<16xi32>,
    %swap3A_2078 = vector.shape_cast %swap3A_2077 : vector<16xi32> to vector<16xi32>
    %swap3A_2079 = vector.shape_cast %add3A_2075 : vector<16xi32> to vector<16xi32>
    tpu.vector_store %arg12[%swap3A_2076], %swap3A_2079 {strides = array<i32>} : memref<6400xi32, #tpu.memory_space<vmem>>, vector<16xi32>,
    %get3A_2080 = arith.constant 0 : i32
    %get3A_2081 = arith.constant 3 : i32
    %get3A_2082 = arith.index_cast %get3A_2080 : i32 to index
    %get3A_2083 = arith.index_cast %get3A_2081 : i32 to index
    %get3A_2084 = arith.constant 80 : index
    %get3A_2085 = tpu.vector_load %arg11[%get3A_2082, %get3A_2083, %get3A_2084] {strides = array<i32>} : memref<4x32x200xi32, #tpu.memory_space<vmem>>, vector<1x1x16xi32>,
    %get3A_2086 = vector.shape_cast %get3A_2085 : vector<1x1x16xi32> to vector<16xi32>
    %mul3A_2087 = arith.constant 180 : i32
    %mul3A_2088 = vector.broadcast %mul3A_2087 : i32 to vector<16xi32>
    %mul3A_2089 = arith.muli %get3A_2086, %mul3A_2088 : vector<16xi32>
    %get3A_2090 = arith.constant 1 : i32
    %get3A_2091 = arith.constant 3 : i32
    %get3A_2092 = arith.index_cast %get3A_2090 : i32 to index
    %get3A_2093 = arith.index_cast %get3A_2091 : i32 to index
    %get3A_2094 = arith.constant 80 : index
    %get3A_2095 = tpu.vector_load %arg11[%get3A_2092, %get3A_2093, %get3A_2094] {strides = array<i32>} : memref<4x32x200xi32, #tpu.memory_space<vmem>>, vector<1x1x16xi32>,
    %get3A_2096 = vector.shape_cast %get3A_2095 : vector<1x1x16xi32> to vector<16xi32>
    %mul3A_2097 = arith.constant 45 : i32
    %mul3A_2098 = vector.broadcast %mul3A_2097 : i32 to vector<16xi32>
    %mul3A_2099 = arith.muli %get3A_2096, %mul3A_2098 : vector<16xi32>
    %add3A_2100 = arith.addi %mul3A_2089, %mul3A_2099 : vector<16xi32>
    %get3A_2101 = arith.constant 2 : i32
    %get3A_2102 = arith.constant 3 : i32
    %get3A_2103 = arith.index_cast %get3A_2101 : i32 to index
    %get3A_2104 = arith.index_cast %get3A_2102 : i32 to index
    %get3A_2105 = arith.constant 80 : index
    %get3A_2106 = tpu.vector_load %arg11[%get3A_2103, %get3A_2104, %get3A_2105] {strides = array<i32>} : memref<4x32x200xi32, #tpu.memory_space<vmem>>, vector<1x1x16xi32>,
    %get3A_2107 = vector.shape_cast %get3A_2106 : vector<1x1x16xi32> to vector<16xi32>
    %mul3A_2108 = arith.constant 5 : i32
    %mul3A_2109 = vector.broadcast %mul3A_2108 : i32 to vector<16xi32>
    %mul3A_2110 = arith.muli %get3A_2107, %mul3A_2109 : vector<16xi32>
    %add3A_2111 = arith.addi %add3A_2100, %mul3A_2110 : vector<16xi32>
    %get3A_2112 = arith.constant 3 : i32
    %get3A_2113 = arith.constant 3 : i32
    %get3A_2114 = arith.index_cast %get3A_2112 : i32 to index
    %get3A_2115 = arith.index_cast %get3A_2113 : i32 to index
    %get3A_2116 = arith.constant 80 : index
    %get3A_2117 = tpu.vector_load %arg11[%get3A_2114, %get3A_2115, %get3A_2116] {strides = array<i32>} : memref<4x32x200xi32, #tpu.memory_space<vmem>>, vector<1x1x16xi32>,
    %get3A_2118 = vector.shape_cast %get3A_2117 : vector<1x1x16xi32> to vector<16xi32>
    %add3A_2119 = arith.addi %add3A_2111, %get3A_2118 : vector<16xi32>
    %swap3A_2120 = arith.constant 680 : index
    %swap3A_2121 = tpu.vector_load %arg12[%swap3A_2120] {strides = array<i32>} : memref<6400xi32, #tpu.memory_space<vmem>>, vector<16xi32>,
    %swap3A_2122 = vector.shape_cast %swap3A_2121 : vector<16xi32> to vector<16xi32>
    %swap3A_2123 = vector.shape_cast %add3A_2119 : vector<16xi32> to vector<16xi32>
    tpu.vector_store %arg12[%swap3A_2120], %swap3A_2123 {strides = array<i32>} : memref<6400xi32, #tpu.memory_space<vmem>>, vector<16xi32>,
    %get3A_2124 = arith.constant 0 : i32
    %get3A_2125 = arith.constant 3 : i32
    %get3A_2126 = arith.index_cast %get3A_2124 : i32 to index
    %get3A_2127 = arith.index_cast %get3A_2125 : i32 to index
    %get3A_2128 = arith.constant 96 : index
    %get3A_2129 = tpu.vector_load %arg11[%get3A_2126, %get3A_2127, %get3A_2128] {strides = array<i32>} : memref<4x32x200xi32, #tpu.memory_space<vmem>>, vector<1x1x16xi32>,
    %get3A_2130 = vector.shape_cast %get3A_2129 : vector<1x1x16xi32> to vector<16xi32>
    %mul3A_2131 = arith.constant 180 : i32
    %mul3A_2132 = vector.broadcast %mul3A_2131 : i32 to vector<16xi32>
    %mul3A_2133 = arith.muli %get3A_2130, %mul3A_2132 : vector<16xi32>
    %get3A_2134 = arith.constant 1 : i32
    %get3A_2135 = arith.constant 3 : i32
    %get3A_2136 = arith.index_cast %get3A_2134 : i32 to index
    %get3A_2137 = arith.index_cast %get3A_2135 : i32 to index
    %get3A_2138 = arith.constant 96 : index
    %get3A_2139 = tpu.vector_load %arg11[%get3A_2136, %get3A_2137, %get3A_2138] {strides = array<i32>} : memref<4x32x200xi32, #tpu.memory_space<vmem>>, vector<1x1x16xi32>,
    %get3A_2140 = vector.shape_cast %get3A_2139 : vector<1x1x16xi32> to vector<16xi32>
    %mul3A_2141 = arith.constant 45 : i32
    %mul3A_2142 = vector.broadcast %mul3A_2141 : i32 to vector<16xi32>
    %mul3A_2143 = arith.muli %get3A_2140, %mul3A_2142 : vector<16xi32>
    %add3A_2144 = arith.addi %mul3A_2133, %mul3A_2143 : vector<16xi32>
    %get3A_2145 = arith.constant 2 : i32
    %get3A_2146 = arith.constant 3 : i32
    %get3A_2147 = arith.index_cast %get3A_2145 : i32 to index
    %get3A_2148 = arith.index_cast %get3A_2146 : i32 to index
    %get3A_2149 = arith.constant 96 : index
    %get3A_2150 = tpu.vector_load %arg11[%get3A_2147, %get3A_2148, %get3A_2149] {strides = array<i32>} : memref<4x32x200xi32, #tpu.memory_space<vmem>>, vector<1x1x16xi32>,
    %get3A_2151 = vector.shape_cast %get3A_2150 : vector<1x1x16xi32> to vector<16xi32>
    %mul3A_2152 = arith.constant 5 : i32
    %mul3A_2153 = vector.broadcast %mul3A_2152 : i32 to vector<16xi32>
    %mul3A_2154 = arith.muli %get3A_2151, %mul3A_2153 : vector<16xi32>
    %add3A_2155 = arith.addi %add3A_2144, %mul3A_2154 : vector<16xi32>
    %get3A_2156 = arith.constant 3 : i32
    %get3A_2157 = arith.constant 3 : i32
    %get3A_2158 = arith.index_cast %get3A_2156 : i32 to index
    %get3A_2159 = arith.index_cast %get3A_2157 : i32 to index
    %get3A_2160 = arith.constant 96 : index
    %get3A_2161 = tpu.vector_load %arg11[%get3A_2158, %get3A_2159, %get3A_2160] {strides = array<i32>} : memref<4x32x200xi32, #tpu.memory_space<vmem>>, vector<1x1x16xi32>,
    %get3A_2162 = vector.shape_cast %get3A_2161 : vector<1x1x16xi32> to vector<16xi32>
    %add3A_2163 = arith.addi %add3A_2155, %get3A_2162 : vector<16xi32>
    %swap3A_2164 = arith.constant 696 : index
    %swap3A_2165 = tpu.vector_load %arg12[%swap3A_2164] {strides = array<i32>} : memref<6400xi32, #tpu.memory_space<vmem>>, vector<16xi32>,
    %swap3A_2166 = vector.shape_cast %swap3A_2165 : vector<16xi32> to vector<16xi32>
    %swap3A_2167 = vector.shape_cast %add3A_2163 : vector<16xi32> to vector<16xi32>
    tpu.vector_store %arg12[%swap3A_2164], %swap3A_2167 {strides = array<i32>} : memref<6400xi32, #tpu.memory_space<vmem>>, vector<16xi32>,
    %get3A_2168 = arith.constant 0 : i32
    %get3A_2169 = arith.constant 3 : i32
    %get3A_2170 = arith.index_cast %get3A_2168 : i32 to index
    %get3A_2171 = arith.index_cast %get3A_2169 : i32 to index
    %get3A_2172 = arith.constant 112 : index
    %get3A_2173 = tpu.vector_load %arg11[%get3A_2170, %get3A_2171, %get3A_2172] {strides = array<i32>} : memref<4x32x200xi32, #tpu.memory_space<vmem>>, vector<1x1x16xi32>,
    %get3A_2174 = vector.shape_cast %get3A_2173 : vector<1x1x16xi32> to vector<16xi32>
    %mul3A_2175 = arith.constant 180 : i32
    %mul3A_2176 = vector.broadcast %mul3A_2175 : i32 to vector<16xi32>
    %mul3A_2177 = arith.muli %get3A_2174, %mul3A_2176 : vector<16xi32>
    %get3A_2178 = arith.constant 1 : i32
    %get3A_2179 = arith.constant 3 : i32
    %get3A_2180 = arith.index_cast %get3A_2178 : i32 to index
    %get3A_2181 = arith.index_cast %get3A_2179 : i32 to index
    %get3A_2182 = arith.constant 112 : index
    %get3A_2183 = tpu.vector_load %arg11[%get3A_2180, %get3A_2181, %get3A_2182] {strides = array<i32>} : memref<4x32x200xi32, #tpu.memory_space<vmem>>, vector<1x1x16xi32>,
    %get3A_2184 = vector.shape_cast %get3A_2183 : vector<1x1x16xi32> to vector<16xi32>
    %mul3A_2185 = arith.constant 45 : i32
    %mul3A_2186 = vector.broadcast %mul3A_2185 : i32 to vector<16xi32>
    %mul3A_2187 = arith.muli %get3A_2184, %mul3A_2186 : vector<16xi32>
    %add3A_2188 = arith.addi %mul3A_2177, %mul3A_2187 : vector<16xi32>
    %get3A_2189 = arith.constant 2 : i32
    %get3A_2190 = arith.constant 3 : i32
    %get3A_2191 = arith.index_cast %get3A_2189 : i32 to index
    %get3A_2192 = arith.index_cast %get3A_2190 : i32 to index
    %get3A_2193 = arith.constant 112 : index
    %get3A_2194 = tpu.vector_load %arg11[%get3A_2191, %get3A_2192, %get3A_2193] {strides = array<i32>} : memref<4x32x200xi32, #tpu.memory_space<vmem>>, vector<1x1x16xi32>,
    %get3A_2195 = vector.shape_cast %get3A_2194 : vector<1x1x16xi32> to vector<16xi32>
    %mul3A_2196 = arith.constant 5 : i32
    %mul3A_2197 = vector.broadcast %mul3A_2196 : i32 to vector<16xi32>
    %mul3A_2198 = arith.muli %get3A_2195, %mul3A_2197 : vector<16xi32>
    %add3A_2199 = arith.addi %add3A_2188, %mul3A_2198 : vector<16xi32>
    %get3A_2200 = arith.constant 3 : i32
    %get3A_2201 = arith.constant 3 : i32
    %get3A_2202 = arith.index_cast %get3A_2200 : i32 to index
    %get3A_2203 = arith.index_cast %get3A_2201 : i32 to index
    %get3A_2204 = arith.constant 112 : index
    %get3A_2205 = tpu.vector_load %arg11[%get3A_2202, %get3A_2203, %get3A_2204] {strides = array<i32>} : memref<4x32x200xi32, #tpu.memory_space<vmem>>, vector<1x1x16xi32>,
    %get3A_2206 = vector.shape_cast %get3A_2205 : vector<1x1x16xi32> to vector<16xi32>
    %add3A_2207 = arith.addi %add3A_2199, %get3A_2206 : vector<16xi32>
    %swap3A_2208 = arith.constant 712 : index
    %swap3A_2209 = tpu.vector_load %arg12[%swap3A_2208] {strides = array<i32>} : memref<6400xi32, #tpu.memory_space<vmem>>, vector<16xi32>,
    %swap3A_2210 = vector.shape_cast %swap3A_2209 : vector<16xi32> to vector<16xi32>
    %swap3A_2211 = vector.shape_cast %add3A_2207 : vector<16xi32> to vector<16xi32>
    tpu.vector_store %arg12[%swap3A_2208], %swap3A_2211 {strides = array<i32>} : memref<6400xi32, #tpu.memory_space<vmem>>, vector<16xi32>,
    %get3A_2212 = arith.constant 0 : i32
    %get3A_2213 = arith.constant 3 : i32
    %get3A_2214 = arith.index_cast %get3A_2212 : i32 to index
    %get3A_2215 = arith.index_cast %get3A_2213 : i32 to index
    %get3A_2216 = arith.constant 128 : index
    %get3A_2217 = tpu.vector_load %arg11[%get3A_2214, %get3A_2215, %get3A_2216] {strides = array<i32>} : memref<4x32x200xi32, #tpu.memory_space<vmem>>, vector<1x1x16xi32>,
    %get3A_2218 = vector.shape_cast %get3A_2217 : vector<1x1x16xi32> to vector<16xi32>
    %mul3A_2219 = arith.constant 180 : i32
    %mul3A_2220 = vector.broadcast %mul3A_2219 : i32 to vector<16xi32>
    %mul3A_2221 = arith.muli %get3A_2218, %mul3A_2220 : vector<16xi32>
    %get3A_2222 = arith.constant 1 : i32
    %get3A_2223 = arith.constant 3 : i32
    %get3A_2224 = arith.index_cast %get3A_2222 : i32 to index
    %get3A_2225 = arith.index_cast %get3A_2223 : i32 to index
    %get3A_2226 = arith.constant 128 : index
    %get3A_2227 = tpu.vector_load %arg11[%get3A_2224, %get3A_2225, %get3A_2226] {strides = array<i32>} : memref<4x32x200xi32, #tpu.memory_space<vmem>>, vector<1x1x16xi32>,
    %get3A_2228 = vector.shape_cast %get3A_2227 : vector<1x1x16xi32> to vector<16xi32>
    %mul3A_2229 = arith.constant 45 : i32
    %mul3A_2230 = vector.broadcast %mul3A_2229 : i32 to vector<16xi32>
    %mul3A_2231 = arith.muli %get3A_2228, %mul3A_2230 : vector<16xi32>
    %add3A_2232 = arith.addi %mul3A_2221, %mul3A_2231 : vector<16xi32>
    %get3A_2233 = arith.constant 2 : i32
    %get3A_2234 = arith.constant 3 : i32
    %get3A_2235 = arith.index_cast %get3A_2233 : i32 to index
    %get3A_2236 = arith.index_cast %get3A_2234 : i32 to index
    %get3A_2237 = arith.constant 128 : index
    %get3A_2238 = tpu.vector_load %arg11[%get3A_2235, %get3A_2236, %get3A_2237] {strides = array<i32>} : memref<4x32x200xi32, #tpu.memory_space<vmem>>, vector<1x1x16xi32>,
    %get3A_2239 = vector.shape_cast %get3A_2238 : vector<1x1x16xi32> to vector<16xi32>
    %mul3A_2240 = arith.constant 5 : i32
    %mul3A_2241 = vector.broadcast %mul3A_2240 : i32 to vector<16xi32>
    %mul3A_2242 = arith.muli %get3A_2239, %mul3A_2241 : vector<16xi32>
    %add3A_2243 = arith.addi %add3A_2232, %mul3A_2242 : vector<16xi32>
    %get3A_2244 = arith.constant 3 : i32
    %get3A_2245 = arith.constant 3 : i32
    %get3A_2246 = arith.index_cast %get3A_2244 : i32 to index
    %get3A_2247 = arith.index_cast %get3A_2245 : i32 to index
    %get3A_2248 = arith.constant 128 : index
    %get3A_2249 = tpu.vector_load %arg11[%get3A_2246, %get3A_2247, %get3A_2248] {strides = array<i32>} : memref<4x32x200xi32, #tpu.memory_space<vmem>>, vector<1x1x16xi32>,
    %get3A_2250 = vector.shape_cast %get3A_2249 : vector<1x1x16xi32> to vector<16xi32>
    %add3A_2251 = arith.addi %add3A_2243, %get3A_2250 : vector<16xi32>
    %swap3A_2252 = arith.constant 728 : index
    %swap3A_2253 = tpu.vector_load %arg12[%swap3A_2252] {strides = array<i32>} : memref<6400xi32, #tpu.memory_space<vmem>>, vector<16xi32>,
    %swap3A_2254 = vector.shape_cast %swap3A_2253 : vector<16xi32> to vector<16xi32>
    %swap3A_2255 = vector.shape_cast %add3A_2251 : vector<16xi32> to vector<16xi32>
    tpu.vector_store %arg12[%swap3A_2252], %swap3A_2255 {strides = array<i32>} : memref<6400xi32, #tpu.memory_space<vmem>>, vector<16xi32>,
    %get3A_2256 = arith.constant 0 : i32
    %get3A_2257 = arith.constant 3 : i32
    %get3A_2258 = arith.index_cast %get3A_2256 : i32 to index
    %get3A_2259 = arith.index_cast %get3A_2257 : i32 to index
    %get3A_2260 = arith.constant 144 : index
    %get3A_2261 = tpu.vector_load %arg11[%get3A_2258, %get3A_2259, %get3A_2260] {strides = array<i32>} : memref<4x32x200xi32, #tpu.memory_space<vmem>>, vector<1x1x16xi32>,
    %get3A_2262 = vector.shape_cast %get3A_2261 : vector<1x1x16xi32> to vector<16xi32>
    %mul3A_2263 = arith.constant 180 : i32
    %mul3A_2264 = vector.broadcast %mul3A_2263 : i32 to vector<16xi32>
    %mul3A_2265 = arith.muli %get3A_2262, %mul3A_2264 : vector<16xi32>
    %get3A_2266 = arith.constant 1 : i32
    %get3A_2267 = arith.constant 3 : i32
    %get3A_2268 = arith.index_cast %get3A_2266 : i32 to index
    %get3A_2269 = arith.index_cast %get3A_2267 : i32 to index
    %get3A_2270 = arith.constant 144 : index
    %get3A_2271 = tpu.vector_load %arg11[%get3A_2268, %get3A_2269, %get3A_2270] {strides = array<i32>} : memref<4x32x200xi32, #tpu.memory_space<vmem>>, vector<1x1x16xi32>,
    %get3A_2272 = vector.shape_cast %get3A_2271 : vector<1x1x16xi32> to vector<16xi32>
    %mul3A_2273 = arith.constant 45 : i32
    %mul3A_2274 = vector.broadcast %mul3A_2273 : i32 to vector<16xi32>
    %mul3A_2275 = arith.muli %get3A_2272, %mul3A_2274 : vector<16xi32>
    %add3A_2276 = arith.addi %mul3A_2265, %mul3A_2275 : vector<16xi32>
    %get3A_2277 = arith.constant 2 : i32
    %get3A_2278 = arith.constant 3 : i32
    %get3A_2279 = arith.index_cast %get3A_2277 : i32 to index
    %get3A_2280 = arith.index_cast %get3A_2278 : i32 to index
    %get3A_2281 = arith.constant 144 : index
    %get3A_2282 = tpu.vector_load %arg11[%get3A_2279, %get3A_2280, %get3A_2281] {strides = array<i32>} : memref<4x32x200xi32, #tpu.memory_space<vmem>>, vector<1x1x16xi32>,
    %get3A_2283 = vector.shape_cast %get3A_2282 : vector<1x1x16xi32> to vector<16xi32>
    %mul3A_2284 = arith.constant 5 : i32
    %mul3A_2285 = vector.broadcast %mul3A_2284 : i32 to vector<16xi32>
    %mul3A_2286 = arith.muli %get3A_2283, %mul3A_2285 : vector<16xi32>
    %add3A_2287 = arith.addi %add3A_2276, %mul3A_2286 : vector<16xi32>
    %get3A_2288 = arith.constant 3 : i32
    %get3A_2289 = arith.constant 3 : i32
    %get3A_2290 = arith.index_cast %get3A_2288 : i32 to index
    %get3A_2291 = arith.index_cast %get3A_2289 : i32 to index
    %get3A_2292 = arith.constant 144 : index
    %get3A_2293 = tpu.vector_load %arg11[%get3A_2290, %get3A_2291, %get3A_2292] {strides = array<i32>} : memref<4x32x200xi32, #tpu.memory_space<vmem>>, vector<1x1x16xi32>,
    %get3A_2294 = vector.shape_cast %get3A_2293 : vector<1x1x16xi32> to vector<16xi32>
    %add3A_2295 = arith.addi %add3A_2287, %get3A_2294 : vector<16xi32>
    %swap3A_2296 = arith.constant 744 : index
    %swap3A_2297 = tpu.vector_load %arg12[%swap3A_2296] {strides = array<i32>} : memref<6400xi32, #tpu.memory_space<vmem>>, vector<16xi32>,
    %swap3A_2298 = vector.shape_cast %swap3A_2297 : vector<16xi32> to vector<16xi32>
    %swap3A_2299 = vector.shape_cast %add3A_2295 : vector<16xi32> to vector<16xi32>
    tpu.vector_store %arg12[%swap3A_2296], %swap3A_2299 {strides = array<i32>} : memref<6400xi32, #tpu.memory_space<vmem>>, vector<16xi32>,
    %get3A_2300 = arith.constant 0 : i32
    %get3A_2301 = arith.constant 3 : i32
    %get3A_2302 = arith.index_cast %get3A_2300 : i32 to index
    %get3A_2303 = arith.index_cast %get3A_2301 : i32 to index
    %get3A_2304 = arith.constant 160 : index
    %get3A_2305 = tpu.vector_load %arg11[%get3A_2302, %get3A_2303, %get3A_2304] {strides = array<i32>} : memref<4x32x200xi32, #tpu.memory_space<vmem>>, vector<1x1x16xi32>,
    %get3A_2306 = vector.shape_cast %get3A_2305 : vector<1x1x16xi32> to vector<16xi32>
    %mul3A_2307 = arith.constant 180 : i32
    %mul3A_2308 = vector.broadcast %mul3A_2307 : i32 to vector<16xi32>
    %mul3A_2309 = arith.muli %get3A_2306, %mul3A_2308 : vector<16xi32>
    %get3A_2310 = arith.constant 1 : i32
    %get3A_2311 = arith.constant 3 : i32
    %get3A_2312 = arith.index_cast %get3A_2310 : i32 to index
    %get3A_2313 = arith.index_cast %get3A_2311 : i32 to index
    %get3A_2314 = arith.constant 160 : index
    %get3A_2315 = tpu.vector_load %arg11[%get3A_2312, %get3A_2313, %get3A_2314] {strides = array<i32>} : memref<4x32x200xi32, #tpu.memory_space<vmem>>, vector<1x1x16xi32>,
    %get3A_2316 = vector.shape_cast %get3A_2315 : vector<1x1x16xi32> to vector<16xi32>
    %mul3A_2317 = arith.constant 45 : i32
    %mul3A_2318 = vector.broadcast %mul3A_2317 : i32 to vector<16xi32>
    %mul3A_2319 = arith.muli %get3A_2316, %mul3A_2318 : vector<16xi32>
    %add3A_2320 = arith.addi %mul3A_2309, %mul3A_2319 : vector<16xi32>
    %get3A_2321 = arith.constant 2 : i32
    %get3A_2322 = arith.constant 3 : i32
    %get3A_2323 = arith.index_cast %get3A_2321 : i32 to index
    %get3A_2324 = arith.index_cast %get3A_2322 : i32 to index
    %get3A_2325 = arith.constant 160 : index
    %get3A_2326 = tpu.vector_load %arg11[%get3A_2323, %get3A_2324, %get3A_2325] {strides = array<i32>} : memref<4x32x200xi32, #tpu.memory_space<vmem>>, vector<1x1x16xi32>,
    %get3A_2327 = vector.shape_cast %get3A_2326 : vector<1x1x16xi32> to vector<16xi32>
    %mul3A_2328 = arith.constant 5 : i32
    %mul3A_2329 = vector.broadcast %mul3A_2328 : i32 to vector<16xi32>
    %mul3A_2330 = arith.muli %get3A_2327, %mul3A_2329 : vector<16xi32>
    %add3A_2331 = arith.addi %add3A_2320, %mul3A_2330 : vector<16xi32>
    %get3A_2332 = arith.constant 3 : i32
    %get3A_2333 = arith.constant 3 : i32
    %get3A_2334 = arith.index_cast %get3A_2332 : i32 to index
    %get3A_2335 = arith.index_cast %get3A_2333 : i32 to index
    %get3A_2336 = arith.constant 160 : index
    %get3A_2337 = tpu.vector_load %arg11[%get3A_2334, %get3A_2335, %get3A_2336] {strides = array<i32>} : memref<4x32x200xi32, #tpu.memory_space<vmem>>, vector<1x1x16xi32>,
    %get3A_2338 = vector.shape_cast %get3A_2337 : vector<1x1x16xi32> to vector<16xi32>
    %add3A_2339 = arith.addi %add3A_2331, %get3A_2338 : vector<16xi32>
    %swap3A_2340 = arith.constant 760 : index
    %swap3A_2341 = tpu.vector_load %arg12[%swap3A_2340] {strides = array<i32>} : memref<6400xi32, #tpu.memory_space<vmem>>, vector<16xi32>,
    %swap3A_2342 = vector.shape_cast %swap3A_2341 : vector<16xi32> to vector<16xi32>
    %swap3A_2343 = vector.shape_cast %add3A_2339 : vector<16xi32> to vector<16xi32>
    tpu.vector_store %arg12[%swap3A_2340], %swap3A_2343 {strides = array<i32>} : memref<6400xi32, #tpu.memory_space<vmem>>, vector<16xi32>,
    %get3A_2344 = arith.constant 0 : i32
    %get3A_2345 = arith.constant 3 : i32
    %get3A_2346 = arith.index_cast %get3A_2344 : i32 to index
    %get3A_2347 = arith.index_cast %get3A_2345 : i32 to index
    %get3A_2348 = arith.constant 176 : index
    %get3A_2349 = tpu.vector_load %arg11[%get3A_2346, %get3A_2347, %get3A_2348] {strides = array<i32>} : memref<4x32x200xi32, #tpu.memory_space<vmem>>, vector<1x1x16xi32>,
    %get3A_2350 = vector.shape_cast %get3A_2349 : vector<1x1x16xi32> to vector<16xi32>
    %mul3A_2351 = arith.constant 180 : i32
    %mul3A_2352 = vector.broadcast %mul3A_2351 : i32 to vector<16xi32>
    %mul3A_2353 = arith.muli %get3A_2350, %mul3A_2352 : vector<16xi32>
    %get3A_2354 = arith.constant 1 : i32
    %get3A_2355 = arith.constant 3 : i32
    %get3A_2356 = arith.index_cast %get3A_2354 : i32 to index
    %get3A_2357 = arith.index_cast %get3A_2355 : i32 to index
    %get3A_2358 = arith.constant 176 : index
    %get3A_2359 = tpu.vector_load %arg11[%get3A_2356, %get3A_2357, %get3A_2358] {strides = array<i32>} : memref<4x32x200xi32, #tpu.memory_space<vmem>>, vector<1x1x16xi32>,
    %get3A_2360 = vector.shape_cast %get3A_2359 : vector<1x1x16xi32> to vector<16xi32>
    %mul3A_2361 = arith.constant 45 : i32
    %mul3A_2362 = vector.broadcast %mul3A_2361 : i32 to vector<16xi32>
    %mul3A_2363 = arith.muli %get3A_2360, %mul3A_2362 : vector<16xi32>
    %add3A_2364 = arith.addi %mul3A_2353, %mul3A_2363 : vector<16xi32>
    %get3A_2365 = arith.constant 2 : i32
    %get3A_2366 = arith.constant 3 : i32
    %get3A_2367 = arith.index_cast %get3A_2365 : i32 to index
    %get3A_2368 = arith.index_cast %get3A_2366 : i32 to index
    %get3A_2369 = arith.constant 176 : index
    %get3A_2370 = tpu.vector_load %arg11[%get3A_2367, %get3A_2368, %get3A_2369] {strides = array<i32>} : memref<4x32x200xi32, #tpu.memory_space<vmem>>, vector<1x1x16xi32>,
    %get3A_2371 = vector.shape_cast %get3A_2370 : vector<1x1x16xi32> to vector<16xi32>
    %mul3A_2372 = arith.constant 5 : i32
    %mul3A_2373 = vector.broadcast %mul3A_2372 : i32 to vector<16xi32>
    %mul3A_2374 = arith.muli %get3A_2371, %mul3A_2373 : vector<16xi32>
    %add3A_2375 = arith.addi %add3A_2364, %mul3A_2374 : vector<16xi32>
    %get3A_2376 = arith.constant 3 : i32
    %get3A_2377 = arith.constant 3 : i32
    %get3A_2378 = arith.index_cast %get3A_2376 : i32 to index
    %get3A_2379 = arith.index_cast %get3A_2377 : i32 to index
    %get3A_2380 = arith.constant 176 : index
    %get3A_2381 = tpu.vector_load %arg11[%get3A_2378, %get3A_2379, %get3A_2380] {strides = array<i32>} : memref<4x32x200xi32, #tpu.memory_space<vmem>>, vector<1x1x16xi32>,
    %get3A_2382 = vector.shape_cast %get3A_2381 : vector<1x1x16xi32> to vector<16xi32>
    %add3A_2383 = arith.addi %add3A_2375, %get3A_2382 : vector<16xi32>
    %swap3A_2384 = arith.constant 776 : index
    %swap3A_2385 = tpu.vector_load %arg12[%swap3A_2384] {strides = array<i32>} : memref<6400xi32, #tpu.memory_space<vmem>>, vector<16xi32>,
    %swap3A_2386 = vector.shape_cast %swap3A_2385 : vector<16xi32> to vector<16xi32>
    %swap3A_2387 = vector.shape_cast %add3A_2383 : vector<16xi32> to vector<16xi32>
    tpu.vector_store %arg12[%swap3A_2384], %swap3A_2387 {strides = array<i32>} : memref<6400xi32, #tpu.memory_space<vmem>>, vector<16xi32>,
    %get3A_2388 = arith.constant 0 : i32
    %get3A_2389 = arith.constant 3 : i32
    %get3A_2390 = arith.index_cast %get3A_2388 : i32 to index
    %get3A_2391 = arith.index_cast %get3A_2389 : i32 to index
    %get3A_2392 = arith.constant 184 : index
    %get3A_2393 = tpu.vector_load %arg11[%get3A_2390, %get3A_2391, %get3A_2392] {strides = array<i32>} : memref<4x32x200xi32, #tpu.memory_space<vmem>>, vector<1x1x16xi32>,
    %get3A_2394 = vector.shape_cast %get3A_2393 : vector<1x1x16xi32> to vector<16xi32>
    %mul3A_2395 = arith.constant 180 : i32
    %mul3A_2396 = vector.broadcast %mul3A_2395 : i32 to vector<16xi32>
    %mul3A_2397 = arith.muli %get3A_2394, %mul3A_2396 : vector<16xi32>
    %get3A_2398 = arith.constant 1 : i32
    %get3A_2399 = arith.constant 3 : i32
    %get3A_2400 = arith.index_cast %get3A_2398 : i32 to index
    %get3A_2401 = arith.index_cast %get3A_2399 : i32 to index
    %get3A_2402 = arith.constant 184 : index
    %get3A_2403 = tpu.vector_load %arg11[%get3A_2400, %get3A_2401, %get3A_2402] {strides = array<i32>} : memref<4x32x200xi32, #tpu.memory_space<vmem>>, vector<1x1x16xi32>,
    %get3A_2404 = vector.shape_cast %get3A_2403 : vector<1x1x16xi32> to vector<16xi32>
    %mul3A_2405 = arith.constant 45 : i32
    %mul3A_2406 = vector.broadcast %mul3A_2405 : i32 to vector<16xi32>
    %mul3A_2407 = arith.muli %get3A_2404, %mul3A_2406 : vector<16xi32>
    %add3A_2408 = arith.addi %mul3A_2397, %mul3A_2407 : vector<16xi32>
    %get3A_2409 = arith.constant 2 : i32
    %get3A_2410 = arith.constant 3 : i32
    %get3A_2411 = arith.index_cast %get3A_2409 : i32 to index
    %get3A_2412 = arith.index_cast %get3A_2410 : i32 to index
    %get3A_2413 = arith.constant 184 : index
    %get3A_2414 = tpu.vector_load %arg11[%get3A_2411, %get3A_2412, %get3A_2413] {strides = array<i32>} : memref<4x32x200xi32, #tpu.memory_space<vmem>>, vector<1x1x16xi32>,
    %get3A_2415 = vector.shape_cast %get3A_2414 : vector<1x1x16xi32> to vector<16xi32>
    %mul3A_2416 = arith.constant 5 : i32
    %mul3A_2417 = vector.broadcast %mul3A_2416 : i32 to vector<16xi32>
    %mul3A_2418 = arith.muli %get3A_2415, %mul3A_2417 : vector<16xi32>
    %add3A_2419 = arith.addi %add3A_2408, %mul3A_2418 : vector<16xi32>
    %get3A_2420 = arith.constant 3 : i32
    %get3A_2421 = arith.constant 3 : i32
    %get3A_2422 = arith.index_cast %get3A_2420 : i32 to index
    %get3A_2423 = arith.index_cast %get3A_2421 : i32 to index
    %get3A_2424 = arith.constant 184 : index
    %get3A_2425 = tpu.vector_load %arg11[%get3A_2422, %get3A_2423, %get3A_2424] {strides = array<i32>} : memref<4x32x200xi32, #tpu.memory_space<vmem>>, vector<1x1x16xi32>,
    %get3A_2426 = vector.shape_cast %get3A_2425 : vector<1x1x16xi32> to vector<16xi32>
    %add3A_2427 = arith.addi %add3A_2419, %get3A_2426 : vector<16xi32>
    %swap3A_2428 = arith.constant 784 : index
    %swap3A_2429 = tpu.vector_load %arg12[%swap3A_2428] {strides = array<i32>} : memref<6400xi32, #tpu.memory_space<vmem>>, vector<16xi32>,
    %swap3A_2430 = vector.shape_cast %swap3A_2429 : vector<16xi32> to vector<16xi32>
    %swap3A_2431 = vector.shape_cast %add3A_2427 : vector<16xi32> to vector<16xi32>
    tpu.vector_store %arg12[%swap3A_2428], %swap3A_2431 {strides = array<i32>} : memref<6400xi32, #tpu.memory_space<vmem>>, vector<16xi32>,
    %barrier3A = arith.constant 0 : index
    tpu.barrier barrier_id(%barrier3A)
    %scan3A_2432 = arith.constant 0 : i32
    %scan3A_2433 = arith.constant 0 : i32
    %scan3A_2434 = arith.constant 25 : i32
    %scan3A_2435 = arith.addi %scan3A_2433, %scan3A_2434 : i32
    %scan3A_2436 = arith.constant 1 : i32
    scf.for %scan3A_2493 = %scan3A_2433 to %scan3A_2435 step %scan3A_2436  : i32 {
      %mul3A_2494 = arith.constant 2 : i32
      %mul3A_2495 = arith.muli %scan3A_2493, %mul3A_2494 : i32
      %add3A_2496 = arith.constant 0 : i32
      %add3A_2497 = arith.addi %mul3A_2495, %add3A_2496 : i32
      %gt3A = arith.constant 0 : i32
      %gt3A_2498 = arith.cmpi sgt, %scan3A_2493, %gt3A : i32
      %convert_element_type3A = arith.extui %gt3A_2498 : i1 to i32
      %cond3A = arith.constant 0 : i32
      %cond3A_2499 = arith.cmpi ne, %convert_element_type3A, %cond3A : i32
      scf.if %cond3A_2499 {
        %sub3A_2572 = arith.constant 2 : i32
        %sub3A_2573 = arith.subi %add3A_2497, %sub3A_2572 : i32
        %mul3A_2574 = arith.constant 128 : i32
        %mul3A_2575 = arith.muli %sub3A_2573, %mul3A_2574 : i32
        %add3A_2576 = arith.addi %mul3A_2, %mul3A_2575 : i32
        %dma_wait3A_2577 = arith.constant 0 : i32
        %dma_wait3A_2578 = arith.constant 0 : i32
        %dma_wait3A_2579 = arith.constant 0 : i32
        %dma_wait3A_2580 = tpu.memref_slice %arg18[%dma_wait3A_2577, %dma_wait3A_2578, %dma_wait3A_2579] : memref<2x128x128xf32, #tpu.memory_space<vmem>> -> memref<1x128x128xf32, #tpu.memory_space<vmem>>
        %dma_wait3A_2581 = tpu.memref_squeeze %dma_wait3A_2580 : memref<1x128x128xf32, #tpu.memory_space<vmem>> -> memref<128x128xf32, #tpu.memory_space<vmem>>
        %dma_wait3A_2582 = arith.constant 0 : i32
        %dma_wait3A_2583 = tpu.memref_slice %arg10[%add3A_2576, %dma_wait3A_2582] : memref<204800x128xf32, #tpu.memory_space<hbm>> -> memref<128x128xf32, #tpu.memory_space<hbm>>
        %dma_wait3A_2584 = arith.constant 0 : i32
        %dma_wait3A_2585 = tpu.memref_slice %arg10[%add3A_2576, %dma_wait3A_2584] : memref<204800x128xf32, #tpu.memory_space<hbm>> -> memref<128x128xf32, #tpu.memory_space<hbm>>
        %dma_wait3A_2586 = arith.constant 0 : i32
        %dma_wait3A_2587 = arith.constant 0 : i32
        %dma_wait3A_2588 = tpu.memref_slice %arg18[%dma_wait3A_2577, %dma_wait3A_2586, %dma_wait3A_2587] : memref<2x128x128xf32, #tpu.memory_space<vmem>> -> memref<1x128x128xf32, #tpu.memory_space<vmem>>
        %dma_wait3A_2589 = tpu.memref_squeeze %dma_wait3A_2588 : memref<1x128x128xf32, #tpu.memory_space<vmem>> -> memref<128x128xf32, #tpu.memory_space<vmem>>
        tpu.wait_dma2 semaphore(%arg24 : memref<!tpu.dma_semaphore, #tpu.memory_space<semaphore_mem>>) src(%dma_wait3A_2589 : memref<128x128xf32, #tpu.memory_space<vmem>>) dst(%dma_wait3A_2585 : memref<128x128xf32, #tpu.memory_space<hbm>>)
        %mul3A_2590 = arith.constant 128 : i32
        %mul3A_2591 = arith.muli %add3A_2497, %mul3A_2590 : i32
        %dma_start3A_2592 = arith.constant 0 : i32
        %dma_start3A_2593 = arith.constant 0 : i32
        %dma_start3A_2594 = arith.constant 0 : i32
        %dma_start3A_2595 = tpu.memref_slice %arg18[%dma_start3A_2592, %dma_start3A_2593, %dma_start3A_2594] : memref<2x128x128xf32, #tpu.memory_space<vmem>> -> memref<1x128x128xf32, #tpu.memory_space<vmem>>
        %dma_start3A_2596 = tpu.memref_squeeze %dma_start3A_2595 : memref<1x128x128xf32, #tpu.memory_space<vmem>> -> memref<128x128xf32, #tpu.memory_space<vmem>>
        %dma_start3A_2597 = tpu.memref_slice %arg12[%mul3A_2591] : memref<6400xi32, #tpu.memory_space<vmem>> -> memref<128xi32, #tpu.memory_space<vmem>>
        %dma_start3A_2598 = arith.constant 0 : i32
        %dma_start3A_2599 = arith.constant 0 : i32
        %dma_start3A_2600 = tpu.memref_slice %arg19[%dma_start3A_2598, %dma_start3A_2599] : memref<544x128xf32, #tpu.memory_space<vmem_shared>> -> memref<544x128xf32, #tpu.memory_space<vmem_shared>>
        tpu.enqueue_indirect_dma source(%dma_start3A_2600 : memref<544x128xf32, #tpu.memory_space<vmem_shared>>) target(%dma_start3A_2596 : memref<128x128xf32, #tpu.memory_space<vmem>>) offsets(%dma_start3A_2597 : memref<128xi32, #tpu.memory_space<vmem>>) semaphore(%arg22 : memref<!tpu.dma_semaphore, #tpu.memory_space<semaphore_mem>>)
      } else {
      }
      %eq3A = arith.constant 0 : i32
      %eq3A_2500 = arith.cmpi eq, %scan3A_2493, %eq3A : i32
      %convert_element_type3A_2501 = arith.extui %eq3A_2500 : i1 to i32
      %cond3A_2502 = arith.constant 0 : i32
      %cond3A_2503 = arith.cmpi ne, %convert_element_type3A_2501, %cond3A_2502 : i32
      scf.if %cond3A_2503 {
        %mul3A_2572 = arith.constant 128 : i32
        %mul3A_2573 = arith.muli %add3A_2497, %mul3A_2572 : i32
        %dma_start3A_2574 = arith.constant 0 : i32
        %dma_start3A_2575 = arith.constant 0 : i32
        %dma_start3A_2576 = arith.constant 0 : i32
        %dma_start3A_2577 = tpu.memref_slice %arg18[%dma_start3A_2574, %dma_start3A_2575, %dma_start3A_2576] : memref<2x128x128xf32, #tpu.memory_space<vmem>> -> memref<1x128x128xf32, #tpu.memory_space<vmem>>
        %dma_start3A_2578 = tpu.memref_squeeze %dma_start3A_2577 : memref<1x128x128xf32, #tpu.memory_space<vmem>> -> memref<128x128xf32, #tpu.memory_space<vmem>>
        %dma_start3A_2579 = tpu.memref_slice %arg12[%mul3A_2573] : memref<6400xi32, #tpu.memory_space<vmem>> -> memref<128xi32, #tpu.memory_space<vmem>>
        %dma_start3A_2580 = arith.constant 0 : i32
        %dma_start3A_2581 = arith.constant 0 : i32
        %dma_start3A_2582 = tpu.memref_slice %arg19[%dma_start3A_2580, %dma_start3A_2581] : memref<544x128xf32, #tpu.memory_space<vmem_shared>> -> memref<544x128xf32, #tpu.memory_space<vmem_shared>>
        tpu.enqueue_indirect_dma source(%dma_start3A_2582 : memref<544x128xf32, #tpu.memory_space<vmem_shared>>) target(%dma_start3A_2578 : memref<128x128xf32, #tpu.memory_space<vmem>>) offsets(%dma_start3A_2579 : memref<128xi32, #tpu.memory_space<vmem>>) semaphore(%arg22 : memref<!tpu.dma_semaphore, #tpu.memory_space<semaphore_mem>>)
      } else {
      }
      %add3A_2504 = arith.constant 4 : i32
      %add3A_2505 = arith.addi %add3A_2504, %add3A_2497 : i32
      %lt3A = arith.constant 32 : i32
      %lt3A_2506 = arith.cmpi slt, %add3A_2505, %lt3A : i32
      %convert_element_type3A_2507 = arith.extui %lt3A_2506 : i1 to i32
      %cond3A_2508 = arith.constant 0 : i32
      %cond3A_2509 = arith.cmpi ne, %convert_element_type3A_2507, %cond3A_2508 : i32
      scf.if %cond3A_2509 {
        %add3A_2572 = arith.constant 4 : i32
        %add3A_2573 = arith.addi %add3A_2572, %add3A_2497 : i32
        %get3A_2574 = arith.constant 0 : i32
        %get3A_2575 = arith.index_cast %get3A_2574 : i32 to index
        %get3A_2576 = arith.index_cast %add3A_2573 : i32 to index
        %get3A_2577 = arith.constant 0 : index
        %get3A_2578 = tpu.vector_load %arg11[%get3A_2575, %get3A_2576, %get3A_2577] {strides = array<i32>} : memref<4x32x200xi32, #tpu.memory_space<vmem>>, vector<1x1x16xi32>,
        %get3A_2579 = vector.shape_cast %get3A_2578 : vector<1x1x16xi32> to vector<16xi32>
        %mul3A_2580 = arith.constant 180 : i32
        %mul3A_2581 = vector.broadcast %mul3A_2580 : i32 to vector<16xi32>
        %mul3A_2582 = arith.muli %get3A_2579, %mul3A_2581 : vector<16xi32>
        %get3A_2583 = arith.constant 1 : i32
        %get3A_2584 = arith.index_cast %get3A_2583 : i32 to index
        %get3A_2585 = arith.index_cast %add3A_2573 : i32 to index
        %get3A_2586 = arith.constant 0 : index
        %get3A_2587 = tpu.vector_load %arg11[%get3A_2584, %get3A_2585, %get3A_2586] {strides = array<i32>} : memref<4x32x200xi32, #tpu.memory_space<vmem>>, vector<1x1x16xi32>,
        %get3A_2588 = vector.shape_cast %get3A_2587 : vector<1x1x16xi32> to vector<16xi32>
        %mul3A_2589 = arith.constant 45 : i32
        %mul3A_2590 = vector.broadcast %mul3A_2589 : i32 to vector<16xi32>
        %mul3A_2591 = arith.muli %get3A_2588, %mul3A_2590 : vector<16xi32>
        %add3A_2592 = arith.addi %mul3A_2582, %mul3A_2591 : vector<16xi32>
        %get3A_2593 = arith.constant 2 : i32
        %get3A_2594 = arith.index_cast %get3A_2593 : i32 to index
        %get3A_2595 = arith.index_cast %add3A_2573 : i32 to index
        %get3A_2596 = arith.constant 0 : index
        %get3A_2597 = tpu.vector_load %arg11[%get3A_2594, %get3A_2595, %get3A_2596] {strides = array<i32>} : memref<4x32x200xi32, #tpu.memory_space<vmem>>, vector<1x1x16xi32>,
        %get3A_2598 = vector.shape_cast %get3A_2597 : vector<1x1x16xi32> to vector<16xi32>
        %mul3A_2599 = arith.constant 5 : i32
        %mul3A_2600 = vector.broadcast %mul3A_2599 : i32 to vector<16xi32>
        %mul3A_2601 = arith.muli %get3A_2598, %mul3A_2600 : vector<16xi32>
        %add3A_2602 = arith.addi %add3A_2592, %mul3A_2601 : vector<16xi32>
        %get3A_2603 = arith.constant 3 : i32
        %get3A_2604 = arith.index_cast %get3A_2603 : i32 to index
        %get3A_2605 = arith.index_cast %add3A_2573 : i32 to index
        %get3A_2606 = arith.constant 0 : index
        %get3A_2607 = tpu.vector_load %arg11[%get3A_2604, %get3A_2605, %get3A_2606] {strides = array<i32>} : memref<4x32x200xi32, #tpu.memory_space<vmem>>, vector<1x1x16xi32>,
        %get3A_2608 = vector.shape_cast %get3A_2607 : vector<1x1x16xi32> to vector<16xi32>
        %add3A_2609 = arith.addi %add3A_2602, %get3A_2608 : vector<16xi32>
        %mul3A_2610 = arith.constant 200 : i32
        %mul3A_2611 = arith.muli %add3A_2573, %mul3A_2610 : i32
        %add3A_2612 = arith.constant 0 : i32
        %add3A_2613 = arith.addi %mul3A_2611, %add3A_2612 : i32
        %swap3A_2614 = arith.index_cast %add3A_2613 : i32 to index
        %swap3A_2615 = tpu.vector_load %arg12[%swap3A_2614] {strides = array<i32>} : memref<6400xi32, #tpu.memory_space<vmem>>, vector<16xi32>,
        %swap3A_2616 = vector.shape_cast %swap3A_2615 : vector<16xi32> to vector<16xi32>
        %swap3A_2617 = vector.shape_cast %add3A_2609 : vector<16xi32> to vector<16xi32>
        tpu.vector_store %arg12[%swap3A_2614], %swap3A_2617 {strides = array<i32>} : memref<6400xi32, #tpu.memory_space<vmem>>, vector<16xi32>,
        %get3A_2618 = arith.constant 0 : i32
        %get3A_2619 = arith.index_cast %get3A_2618 : i32 to index
        %get3A_2620 = arith.index_cast %add3A_2573 : i32 to index
        %get3A_2621 = arith.constant 16 : index
        %get3A_2622 = tpu.vector_load %arg11[%get3A_2619, %get3A_2620, %get3A_2621] {strides = array<i32>} : memref<4x32x200xi32, #tpu.memory_space<vmem>>, vector<1x1x16xi32>,
        %get3A_2623 = vector.shape_cast %get3A_2622 : vector<1x1x16xi32> to vector<16xi32>
        %mul3A_2624 = arith.constant 180 : i32
        %mul3A_2625 = vector.broadcast %mul3A_2624 : i32 to vector<16xi32>
        %mul3A_2626 = arith.muli %get3A_2623, %mul3A_2625 : vector<16xi32>
        %get3A_2627 = arith.constant 1 : i32
        %get3A_2628 = arith.index_cast %get3A_2627 : i32 to index
        %get3A_2629 = arith.index_cast %add3A_2573 : i32 to index
        %get3A_2630 = arith.constant 16 : index
        %get3A_2631 = tpu.vector_load %arg11[%get3A_2628, %get3A_2629, %get3A_2630] {strides = array<i32>} : memref<4x32x200xi32, #tpu.memory_space<vmem>>, vector<1x1x16xi32>,
        %get3A_2632 = vector.shape_cast %get3A_2631 : vector<1x1x16xi32> to vector<16xi32>
        %mul3A_2633 = arith.constant 45 : i32
        %mul3A_2634 = vector.broadcast %mul3A_2633 : i32 to vector<16xi32>
        %mul3A_2635 = arith.muli %get3A_2632, %mul3A_2634 : vector<16xi32>
        %add3A_2636 = arith.addi %mul3A_2626, %mul3A_2635 : vector<16xi32>
        %get3A_2637 = arith.constant 2 : i32
        %get3A_2638 = arith.index_cast %get3A_2637 : i32 to index
        %get3A_2639 = arith.index_cast %add3A_2573 : i32 to index
        %get3A_2640 = arith.constant 16 : index
        %get3A_2641 = tpu.vector_load %arg11[%get3A_2638, %get3A_2639, %get3A_2640] {strides = array<i32>} : memref<4x32x200xi32, #tpu.memory_space<vmem>>, vector<1x1x16xi32>,
        %get3A_2642 = vector.shape_cast %get3A_2641 : vector<1x1x16xi32> to vector<16xi32>
        %mul3A_2643 = arith.constant 5 : i32
        %mul3A_2644 = vector.broadcast %mul3A_2643 : i32 to vector<16xi32>
        %mul3A_2645 = arith.muli %get3A_2642, %mul3A_2644 : vector<16xi32>
        %add3A_2646 = arith.addi %add3A_2636, %mul3A_2645 : vector<16xi32>
        %get3A_2647 = arith.constant 3 : i32
        %get3A_2648 = arith.index_cast %get3A_2647 : i32 to index
        %get3A_2649 = arith.index_cast %add3A_2573 : i32 to index
        %get3A_2650 = arith.constant 16 : index
        %get3A_2651 = tpu.vector_load %arg11[%get3A_2648, %get3A_2649, %get3A_2650] {strides = array<i32>} : memref<4x32x200xi32, #tpu.memory_space<vmem>>, vector<1x1x16xi32>,
        %get3A_2652 = vector.shape_cast %get3A_2651 : vector<1x1x16xi32> to vector<16xi32>
        %add3A_2653 = arith.addi %add3A_2646, %get3A_2652 : vector<16xi32>
        %mul3A_2654 = arith.constant 200 : i32
        %mul3A_2655 = arith.muli %add3A_2573, %mul3A_2654 : i32
        %add3A_2656 = arith.constant 16 : i32
        %add3A_2657 = arith.addi %mul3A_2655, %add3A_2656 : i32
        %swap3A_2658 = arith.index_cast %add3A_2657 : i32 to index
        %swap3A_2659 = tpu.vector_load %arg12[%swap3A_2658] {strides = array<i32>} : memref<6400xi32, #tpu.memory_space<vmem>>, vector<16xi32>,
        %swap3A_2660 = vector.shape_cast %swap3A_2659 : vector<16xi32> to vector<16xi32>
        %swap3A_2661 = vector.shape_cast %add3A_2653 : vector<16xi32> to vector<16xi32>
        tpu.vector_store %arg12[%swap3A_2658], %swap3A_2661 {strides = array<i32>} : memref<6400xi32, #tpu.memory_space<vmem>>, vector<16xi32>,
        %get3A_2662 = arith.constant 0 : i32
        %get3A_2663 = arith.index_cast %get3A_2662 : i32 to index
        %get3A_2664 = arith.index_cast %add3A_2573 : i32 to index
        %get3A_2665 = arith.constant 32 : index
        %get3A_2666 = tpu.vector_load %arg11[%get3A_2663, %get3A_2664, %get3A_2665] {strides = array<i32>} : memref<4x32x200xi32, #tpu.memory_space<vmem>>, vector<1x1x16xi32>,
        %get3A_2667 = vector.shape_cast %get3A_2666 : vector<1x1x16xi32> to vector<16xi32>
        %mul3A_2668 = arith.constant 180 : i32
        %mul3A_2669 = vector.broadcast %mul3A_2668 : i32 to vector<16xi32>
        %mul3A_2670 = arith.muli %get3A_2667, %mul3A_2669 : vector<16xi32>
        %get3A_2671 = arith.constant 1 : i32
        %get3A_2672 = arith.index_cast %get3A_2671 : i32 to index
        %get3A_2673 = arith.index_cast %add3A_2573 : i32 to index
        %get3A_2674 = arith.constant 32 : index
        %get3A_2675 = tpu.vector_load %arg11[%get3A_2672, %get3A_2673, %get3A_2674] {strides = array<i32>} : memref<4x32x200xi32, #tpu.memory_space<vmem>>, vector<1x1x16xi32>,
        %get3A_2676 = vector.shape_cast %get3A_2675 : vector<1x1x16xi32> to vector<16xi32>
        %mul3A_2677 = arith.constant 45 : i32
        %mul3A_2678 = vector.broadcast %mul3A_2677 : i32 to vector<16xi32>
        %mul3A_2679 = arith.muli %get3A_2676, %mul3A_2678 : vector<16xi32>
        %add3A_2680 = arith.addi %mul3A_2670, %mul3A_2679 : vector<16xi32>
        %get3A_2681 = arith.constant 2 : i32
        %get3A_2682 = arith.index_cast %get3A_2681 : i32 to index
        %get3A_2683 = arith.index_cast %add3A_2573 : i32 to index
        %get3A_2684 = arith.constant 32 : index
        %get3A_2685 = tpu.vector_load %arg11[%get3A_2682, %get3A_2683, %get3A_2684] {strides = array<i32>} : memref<4x32x200xi32, #tpu.memory_space<vmem>>, vector<1x1x16xi32>,
        %get3A_2686 = vector.shape_cast %get3A_2685 : vector<1x1x16xi32> to vector<16xi32>
        %mul3A_2687 = arith.constant 5 : i32
        %mul3A_2688 = vector.broadcast %mul3A_2687 : i32 to vector<16xi32>
        %mul3A_2689 = arith.muli %get3A_2686, %mul3A_2688 : vector<16xi32>
        %add3A_2690 = arith.addi %add3A_2680, %mul3A_2689 : vector<16xi32>
        %get3A_2691 = arith.constant 3 : i32
        %get3A_2692 = arith.index_cast %get3A_2691 : i32 to index
        %get3A_2693 = arith.index_cast %add3A_2573 : i32 to index
        %get3A_2694 = arith.constant 32 : index
        %get3A_2695 = tpu.vector_load %arg11[%get3A_2692, %get3A_2693, %get3A_2694] {strides = array<i32>} : memref<4x32x200xi32, #tpu.memory_space<vmem>>, vector<1x1x16xi32>,
        %get3A_2696 = vector.shape_cast %get3A_2695 : vector<1x1x16xi32> to vector<16xi32>
        %add3A_2697 = arith.addi %add3A_2690, %get3A_2696 : vector<16xi32>
        %mul3A_2698 = arith.constant 200 : i32
        %mul3A_2699 = arith.muli %add3A_2573, %mul3A_2698 : i32
        %add3A_2700 = arith.constant 32 : i32
        %add3A_2701 = arith.addi %mul3A_2699, %add3A_2700 : i32
        %swap3A_2702 = arith.index_cast %add3A_2701 : i32 to index
        %swap3A_2703 = tpu.vector_load %arg12[%swap3A_2702] {strides = array<i32>} : memref<6400xi32, #tpu.memory_space<vmem>>, vector<16xi32>,
        %swap3A_2704 = vector.shape_cast %swap3A_2703 : vector<16xi32> to vector<16xi32>
        %swap3A_2705 = vector.shape_cast %add3A_2697 : vector<16xi32> to vector<16xi32>
        tpu.vector_store %arg12[%swap3A_2702], %swap3A_2705 {strides = array<i32>} : memref<6400xi32, #tpu.memory_space<vmem>>, vector<16xi32>,
        %get3A_2706 = arith.constant 0 : i32
        %get3A_2707 = arith.index_cast %get3A_2706 : i32 to index
        %get3A_2708 = arith.index_cast %add3A_2573 : i32 to index
        %get3A_2709 = arith.constant 48 : index
        %get3A_2710 = tpu.vector_load %arg11[%get3A_2707, %get3A_2708, %get3A_2709] {strides = array<i32>} : memref<4x32x200xi32, #tpu.memory_space<vmem>>, vector<1x1x16xi32>,
        %get3A_2711 = vector.shape_cast %get3A_2710 : vector<1x1x16xi32> to vector<16xi32>
        %mul3A_2712 = arith.constant 180 : i32
        %mul3A_2713 = vector.broadcast %mul3A_2712 : i32 to vector<16xi32>
        %mul3A_2714 = arith.muli %get3A_2711, %mul3A_2713 : vector<16xi32>
        %get3A_2715 = arith.constant 1 : i32
        %get3A_2716 = arith.index_cast %get3A_2715 : i32 to index
        %get3A_2717 = arith.index_cast %add3A_2573 : i32 to index
        %get3A_2718 = arith.constant 48 : index
        %get3A_2719 = tpu.vector_load %arg11[%get3A_2716, %get3A_2717, %get3A_2718] {strides = array<i32>} : memref<4x32x200xi32, #tpu.memory_space<vmem>>, vector<1x1x16xi32>,
        %get3A_2720 = vector.shape_cast %get3A_2719 : vector<1x1x16xi32> to vector<16xi32>
        %mul3A_2721 = arith.constant 45 : i32
        %mul3A_2722 = vector.broadcast %mul3A_2721 : i32 to vector<16xi32>
        %mul3A_2723 = arith.muli %get3A_2720, %mul3A_2722 : vector<16xi32>
        %add3A_2724 = arith.addi %mul3A_2714, %mul3A_2723 : vector<16xi32>
        %get3A_2725 = arith.constant 2 : i32
        %get3A_2726 = arith.index_cast %get3A_2725 : i32 to index
        %get3A_2727 = arith.index_cast %add3A_2573 : i32 to index
        %get3A_2728 = arith.constant 48 : index
        %get3A_2729 = tpu.vector_load %arg11[%get3A_2726, %get3A_2727, %get3A_2728] {strides = array<i32>} : memref<4x32x200xi32, #tpu.memory_space<vmem>>, vector<1x1x16xi32>,
        %get3A_2730 = vector.shape_cast %get3A_2729 : vector<1x1x16xi32> to vector<16xi32>
        %mul3A_2731 = arith.constant 5 : i32
        %mul3A_2732 = vector.broadcast %mul3A_2731 : i32 to vector<16xi32>
        %mul3A_2733 = arith.muli %get3A_2730, %mul3A_2732 : vector<16xi32>
        %add3A_2734 = arith.addi %add3A_2724, %mul3A_2733 : vector<16xi32>
        %get3A_2735 = arith.constant 3 : i32
        %get3A_2736 = arith.index_cast %get3A_2735 : i32 to index
        %get3A_2737 = arith.index_cast %add3A_2573 : i32 to index
        %get3A_2738 = arith.constant 48 : index
        %get3A_2739 = tpu.vector_load %arg11[%get3A_2736, %get3A_2737, %get3A_2738] {strides = array<i32>} : memref<4x32x200xi32, #tpu.memory_space<vmem>>, vector<1x1x16xi32>,
        %get3A_2740 = vector.shape_cast %get3A_2739 : vector<1x1x16xi32> to vector<16xi32>
        %add3A_2741 = arith.addi %add3A_2734, %get3A_2740 : vector<16xi32>
        %mul3A_2742 = arith.constant 200 : i32
        %mul3A_2743 = arith.muli %add3A_2573, %mul3A_2742 : i32
        %add3A_2744 = arith.constant 48 : i32
        %add3A_2745 = arith.addi %mul3A_2743, %add3A_2744 : i32
        %swap3A_2746 = arith.index_cast %add3A_2745 : i32 to index
        %swap3A_2747 = tpu.vector_load %arg12[%swap3A_2746] {strides = array<i32>} : memref<6400xi32, #tpu.memory_space<vmem>>, vector<16xi32>,
        %swap3A_2748 = vector.shape_cast %swap3A_2747 : vector<16xi32> to vector<16xi32>
        %swap3A_2749 = vector.shape_cast %add3A_2741 : vector<16xi32> to vector<16xi32>
        tpu.vector_store %arg12[%swap3A_2746], %swap3A_2749 {strides = array<i32>} : memref<6400xi32, #tpu.memory_space<vmem>>, vector<16xi32>,
        %get3A_2750 = arith.constant 0 : i32
        %get3A_2751 = arith.index_cast %get3A_2750 : i32 to index
        %get3A_2752 = arith.index_cast %add3A_2573 : i32 to index
        %get3A_2753 = arith.constant 64 : index
        %get3A_2754 = tpu.vector_load %arg11[%get3A_2751, %get3A_2752, %get3A_2753] {strides = array<i32>} : memref<4x32x200xi32, #tpu.memory_space<vmem>>, vector<1x1x16xi32>,
        %get3A_2755 = vector.shape_cast %get3A_2754 : vector<1x1x16xi32> to vector<16xi32>
        %mul3A_2756 = arith.constant 180 : i32
        %mul3A_2757 = vector.broadcast %mul3A_2756 : i32 to vector<16xi32>
        %mul3A_2758 = arith.muli %get3A_2755, %mul3A_2757 : vector<16xi32>
        %get3A_2759 = arith.constant 1 : i32
        %get3A_2760 = arith.index_cast %get3A_2759 : i32 to index
        %get3A_2761 = arith.index_cast %add3A_2573 : i32 to index
        %get3A_2762 = arith.constant 64 : index
        %get3A_2763 = tpu.vector_load %arg11[%get3A_2760, %get3A_2761, %get3A_2762] {strides = array<i32>} : memref<4x32x200xi32, #tpu.memory_space<vmem>>, vector<1x1x16xi32>,
        %get3A_2764 = vector.shape_cast %get3A_2763 : vector<1x1x16xi32> to vector<16xi32>
        %mul3A_2765 = arith.constant 45 : i32
        %mul3A_2766 = vector.broadcast %mul3A_2765 : i32 to vector<16xi32>
        %mul3A_2767 = arith.muli %get3A_2764, %mul3A_2766 : vector<16xi32>
        %add3A_2768 = arith.addi %mul3A_2758, %mul3A_2767 : vector<16xi32>
        %get3A_2769 = arith.constant 2 : i32
        %get3A_2770 = arith.index_cast %get3A_2769 : i32 to index
        %get3A_2771 = arith.index_cast %add3A_2573 : i32 to index
        %get3A_2772 = arith.constant 64 : index
        %get3A_2773 = tpu.vector_load %arg11[%get3A_2770, %get3A_2771, %get3A_2772] {strides = array<i32>} : memref<4x32x200xi32, #tpu.memory_space<vmem>>, vector<1x1x16xi32>,
        %get3A_2774 = vector.shape_cast %get3A_2773 : vector<1x1x16xi32> to vector<16xi32>
        %mul3A_2775 = arith.constant 5 : i32
        %mul3A_2776 = vector.broadcast %mul3A_2775 : i32 to vector<16xi32>
        %mul3A_2777 = arith.muli %get3A_2774, %mul3A_2776 : vector<16xi32>
        %add3A_2778 = arith.addi %add3A_2768, %mul3A_2777 : vector<16xi32>
        %get3A_2779 = arith.constant 3 : i32
        %get3A_2780 = arith.index_cast %get3A_2779 : i32 to index
        %get3A_2781 = arith.index_cast %add3A_2573 : i32 to index
        %get3A_2782 = arith.constant 64 : index
        %get3A_2783 = tpu.vector_load %arg11[%get3A_2780, %get3A_2781, %get3A_2782] {strides = array<i32>} : memref<4x32x200xi32, #tpu.memory_space<vmem>>, vector<1x1x16xi32>,
        %get3A_2784 = vector.shape_cast %get3A_2783 : vector<1x1x16xi32> to vector<16xi32>
        %add3A_2785 = arith.addi %add3A_2778, %get3A_2784 : vector<16xi32>
        %mul3A_2786 = arith.constant 200 : i32
        %mul3A_2787 = arith.muli %add3A_2573, %mul3A_2786 : i32
        %add3A_2788 = arith.constant 64 : i32
        %add3A_2789 = arith.addi %mul3A_2787, %add3A_2788 : i32
        %swap3A_2790 = arith.index_cast %add3A_2789 : i32 to index
        %swap3A_2791 = tpu.vector_load %arg12[%swap3A_2790] {strides = array<i32>} : memref<6400xi32, #tpu.memory_space<vmem>>, vector<16xi32>,
        %swap3A_2792 = vector.shape_cast %swap3A_2791 : vector<16xi32> to vector<16xi32>
        %swap3A_2793 = vector.shape_cast %add3A_2785 : vector<16xi32> to vector<16xi32>
        tpu.vector_store %arg12[%swap3A_2790], %swap3A_2793 {strides = array<i32>} : memref<6400xi32, #tpu.memory_space<vmem>>, vector<16xi32>,
        %get3A_2794 = arith.constant 0 : i32
        %get3A_2795 = arith.index_cast %get3A_2794 : i32 to index
        %get3A_2796 = arith.index_cast %add3A_2573 : i32 to index
        %get3A_2797 = arith.constant 80 : index
        %get3A_2798 = tpu.vector_load %arg11[%get3A_2795, %get3A_2796, %get3A_2797] {strides = array<i32>} : memref<4x32x200xi32, #tpu.memory_space<vmem>>, vector<1x1x16xi32>,
        %get3A_2799 = vector.shape_cast %get3A_2798 : vector<1x1x16xi32> to vector<16xi32>
        %mul3A_2800 = arith.constant 180 : i32
        %mul3A_2801 = vector.broadcast %mul3A_2800 : i32 to vector<16xi32>
        %mul3A_2802 = arith.muli %get3A_2799, %mul3A_2801 : vector<16xi32>
        %get3A_2803 = arith.constant 1 : i32
        %get3A_2804 = arith.index_cast %get3A_2803 : i32 to index
        %get3A_2805 = arith.index_cast %add3A_2573 : i32 to index
        %get3A_2806 = arith.constant 80 : index
        %get3A_2807 = tpu.vector_load %arg11[%get3A_2804, %get3A_2805, %get3A_2806] {strides = array<i32>} : memref<4x32x200xi32, #tpu.memory_space<vmem>>, vector<1x1x16xi32>,
        %get3A_2808 = vector.shape_cast %get3A_2807 : vector<1x1x16xi32> to vector<16xi32>
        %mul3A_2809 = arith.constant 45 : i32
        %mul3A_2810 = vector.broadcast %mul3A_2809 : i32 to vector<16xi32>
        %mul3A_2811 = arith.muli %get3A_2808, %mul3A_2810 : vector<16xi32>
        %add3A_2812 = arith.addi %mul3A_2802, %mul3A_2811 : vector<16xi32>
        %get3A_2813 = arith.constant 2 : i32
        %get3A_2814 = arith.index_cast %get3A_2813 : i32 to index
        %get3A_2815 = arith.index_cast %add3A_2573 : i32 to index
        %get3A_2816 = arith.constant 80 : index
        %get3A_2817 = tpu.vector_load %arg11[%get3A_2814, %get3A_2815, %get3A_2816] {strides = array<i32>} : memref<4x32x200xi32, #tpu.memory_space<vmem>>, vector<1x1x16xi32>,
        %get3A_2818 = vector.shape_cast %get3A_2817 : vector<1x1x16xi32> to vector<16xi32>
        %mul3A_2819 = arith.constant 5 : i32
        %mul3A_2820 = vector.broadcast %mul3A_2819 : i32 to vector<16xi32>
        %mul3A_2821 = arith.muli %get3A_2818, %mul3A_2820 : vector<16xi32>
        %add3A_2822 = arith.addi %add3A_2812, %mul3A_2821 : vector<16xi32>
        %get3A_2823 = arith.constant 3 : i32
        %get3A_2824 = arith.index_cast %get3A_2823 : i32 to index
        %get3A_2825 = arith.index_cast %add3A_2573 : i32 to index
        %get3A_2826 = arith.constant 80 : index
        %get3A_2827 = tpu.vector_load %arg11[%get3A_2824, %get3A_2825, %get3A_2826] {strides = array<i32>} : memref<4x32x200xi32, #tpu.memory_space<vmem>>, vector<1x1x16xi32>,
        %get3A_2828 = vector.shape_cast %get3A_2827 : vector<1x1x16xi32> to vector<16xi32>
        %add3A_2829 = arith.addi %add3A_2822, %get3A_2828 : vector<16xi32>
        %mul3A_2830 = arith.constant 200 : i32
        %mul3A_2831 = arith.muli %add3A_2573, %mul3A_2830 : i32
        %add3A_2832 = arith.constant 80 : i32
        %add3A_2833 = arith.addi %mul3A_2831, %add3A_2832 : i32
        %swap3A_2834 = arith.index_cast %add3A_2833 : i32 to index
        %swap3A_2835 = tpu.vector_load %arg12[%swap3A_2834] {strides = array<i32>} : memref<6400xi32, #tpu.memory_space<vmem>>, vector<16xi32>,
        %swap3A_2836 = vector.shape_cast %swap3A_2835 : vector<16xi32> to vector<16xi32>
        %swap3A_2837 = vector.shape_cast %add3A_2829 : vector<16xi32> to vector<16xi32>
        tpu.vector_store %arg12[%swap3A_2834], %swap3A_2837 {strides = array<i32>} : memref<6400xi32, #tpu.memory_space<vmem>>, vector<16xi32>,
        %get3A_2838 = arith.constant 0 : i32
        %get3A_2839 = arith.index_cast %get3A_2838 : i32 to index
        %get3A_2840 = arith.index_cast %add3A_2573 : i32 to index
        %get3A_2841 = arith.constant 96 : index
        %get3A_2842 = tpu.vector_load %arg11[%get3A_2839, %get3A_2840, %get3A_2841] {strides = array<i32>} : memref<4x32x200xi32, #tpu.memory_space<vmem>>, vector<1x1x16xi32>,
        %get3A_2843 = vector.shape_cast %get3A_2842 : vector<1x1x16xi32> to vector<16xi32>
        %mul3A_2844 = arith.constant 180 : i32
        %mul3A_2845 = vector.broadcast %mul3A_2844 : i32 to vector<16xi32>
        %mul3A_2846 = arith.muli %get3A_2843, %mul3A_2845 : vector<16xi32>
        %get3A_2847 = arith.constant 1 : i32
        %get3A_2848 = arith.index_cast %get3A_2847 : i32 to index
        %get3A_2849 = arith.index_cast %add3A_2573 : i32 to index
        %get3A_2850 = arith.constant 96 : index
        %get3A_2851 = tpu.vector_load %arg11[%get3A_2848, %get3A_2849, %get3A_2850] {strides = array<i32>} : memref<4x32x200xi32, #tpu.memory_space<vmem>>, vector<1x1x16xi32>,
        %get3A_2852 = vector.shape_cast %get3A_2851 : vector<1x1x16xi32> to vector<16xi32>
        %mul3A_2853 = arith.constant 45 : i32
        %mul3A_2854 = vector.broadcast %mul3A_2853 : i32 to vector<16xi32>
        %mul3A_2855 = arith.muli %get3A_2852, %mul3A_2854 : vector<16xi32>
        %add3A_2856 = arith.addi %mul3A_2846, %mul3A_2855 : vector<16xi32>
        %get3A_2857 = arith.constant 2 : i32
        %get3A_2858 = arith.index_cast %get3A_2857 : i32 to index
        %get3A_2859 = arith.index_cast %add3A_2573 : i32 to index
        %get3A_2860 = arith.constant 96 : index
        %get3A_2861 = tpu.vector_load %arg11[%get3A_2858, %get3A_2859, %get3A_2860] {strides = array<i32>} : memref<4x32x200xi32, #tpu.memory_space<vmem>>, vector<1x1x16xi32>,
        %get3A_2862 = vector.shape_cast %get3A_2861 : vector<1x1x16xi32> to vector<16xi32>
        %mul3A_2863 = arith.constant 5 : i32
        %mul3A_2864 = vector.broadcast %mul3A_2863 : i32 to vector<16xi32>
        %mul3A_2865 = arith.muli %get3A_2862, %mul3A_2864 : vector<16xi32>
        %add3A_2866 = arith.addi %add3A_2856, %mul3A_2865 : vector<16xi32>
        %get3A_2867 = arith.constant 3 : i32
        %get3A_2868 = arith.index_cast %get3A_2867 : i32 to index
        %get3A_2869 = arith.index_cast %add3A_2573 : i32 to index
        %get3A_2870 = arith.constant 96 : index
        %get3A_2871 = tpu.vector_load %arg11[%get3A_2868, %get3A_2869, %get3A_2870] {strides = array<i32>} : memref<4x32x200xi32, #tpu.memory_space<vmem>>, vector<1x1x16xi32>,
        %get3A_2872 = vector.shape_cast %get3A_2871 : vector<1x1x16xi32> to vector<16xi32>
        %add3A_2873 = arith.addi %add3A_2866, %get3A_2872 : vector<16xi32>
        %mul3A_2874 = arith.constant 200 : i32
        %mul3A_2875 = arith.muli %add3A_2573, %mul3A_2874 : i32
        %add3A_2876 = arith.constant 96 : i32
        %add3A_2877 = arith.addi %mul3A_2875, %add3A_2876 : i32
        %swap3A_2878 = arith.index_cast %add3A_2877 : i32 to index
        %swap3A_2879 = tpu.vector_load %arg12[%swap3A_2878] {strides = array<i32>} : memref<6400xi32, #tpu.memory_space<vmem>>, vector<16xi32>,
        %swap3A_2880 = vector.shape_cast %swap3A_2879 : vector<16xi32> to vector<16xi32>
        %swap3A_2881 = vector.shape_cast %add3A_2873 : vector<16xi32> to vector<16xi32>
        tpu.vector_store %arg12[%swap3A_2878], %swap3A_2881 {strides = array<i32>} : memref<6400xi32, #tpu.memory_space<vmem>>, vector<16xi32>,
        %get3A_2882 = arith.constant 0 : i32
        %get3A_2883 = arith.index_cast %get3A_2882 : i32 to index
        %get3A_2884 = arith.index_cast %add3A_2573 : i32 to index
        %get3A_2885 = arith.constant 112 : index
        %get3A_2886 = tpu.vector_load %arg11[%get3A_2883, %get3A_2884, %get3A_2885] {strides = array<i32>} : memref<4x32x200xi32, #tpu.memory_space<vmem>>, vector<1x1x16xi32>,
        %get3A_2887 = vector.shape_cast %get3A_2886 : vector<1x1x16xi32> to vector<16xi32>
        %mul3A_2888 = arith.constant 180 : i32
        %mul3A_2889 = vector.broadcast %mul3A_2888 : i32 to vector<16xi32>
        %mul3A_2890 = arith.muli %get3A_2887, %mul3A_2889 : vector<16xi32>
        %get3A_2891 = arith.constant 1 : i32
        %get3A_2892 = arith.index_cast %get3A_2891 : i32 to index
        %get3A_2893 = arith.index_cast %add3A_2573 : i32 to index
        %get3A_2894 = arith.constant 112 : index
        %get3A_2895 = tpu.vector_load %arg11[%get3A_2892, %get3A_2893, %get3A_2894] {strides = array<i32>} : memref<4x32x200xi32, #tpu.memory_space<vmem>>, vector<1x1x16xi32>,
        %get3A_2896 = vector.shape_cast %get3A_2895 : vector<1x1x16xi32> to vector<16xi32>
        %mul3A_2897 = arith.constant 45 : i32
        %mul3A_2898 = vector.broadcast %mul3A_2897 : i32 to vector<16xi32>
        %mul3A_2899 = arith.muli %get3A_2896, %mul3A_2898 : vector<16xi32>
        %add3A_2900 = arith.addi %mul3A_2890, %mul3A_2899 : vector<16xi32>
        %get3A_2901 = arith.constant 2 : i32
        %get3A_2902 = arith.index_cast %get3A_2901 : i32 to index
        %get3A_2903 = arith.index_cast %add3A_2573 : i32 to index
        %get3A_2904 = arith.constant 112 : index
        %get3A_2905 = tpu.vector_load %arg11[%get3A_2902, %get3A_2903, %get3A_2904] {strides = array<i32>} : memref<4x32x200xi32, #tpu.memory_space<vmem>>, vector<1x1x16xi32>,
        %get3A_2906 = vector.shape_cast %get3A_2905 : vector<1x1x16xi32> to vector<16xi32>
        %mul3A_2907 = arith.constant 5 : i32
        %mul3A_2908 = vector.broadcast %mul3A_2907 : i32 to vector<16xi32>
        %mul3A_2909 = arith.muli %get3A_2906, %mul3A_2908 : vector<16xi32>
        %add3A_2910 = arith.addi %add3A_2900, %mul3A_2909 : vector<16xi32>
        %get3A_2911 = arith.constant 3 : i32
        %get3A_2912 = arith.index_cast %get3A_2911 : i32 to index
        %get3A_2913 = arith.index_cast %add3A_2573 : i32 to index
        %get3A_2914 = arith.constant 112 : index
        %get3A_2915 = tpu.vector_load %arg11[%get3A_2912, %get3A_2913, %get3A_2914] {strides = array<i32>} : memref<4x32x200xi32, #tpu.memory_space<vmem>>, vector<1x1x16xi32>,
        %get3A_2916 = vector.shape_cast %get3A_2915 : vector<1x1x16xi32> to vector<16xi32>
        %add3A_2917 = arith.addi %add3A_2910, %get3A_2916 : vector<16xi32>
        %mul3A_2918 = arith.constant 200 : i32
        %mul3A_2919 = arith.muli %add3A_2573, %mul3A_2918 : i32
        %add3A_2920 = arith.constant 112 : i32
        %add3A_2921 = arith.addi %mul3A_2919, %add3A_2920 : i32
        %swap3A_2922 = arith.index_cast %add3A_2921 : i32 to index
        %swap3A_2923 = tpu.vector_load %arg12[%swap3A_2922] {strides = array<i32>} : memref<6400xi32, #tpu.memory_space<vmem>>, vector<16xi32>,
        %swap3A_2924 = vector.shape_cast %swap3A_2923 : vector<16xi32> to vector<16xi32>
        %swap3A_2925 = vector.shape_cast %add3A_2917 : vector<16xi32> to vector<16xi32>
        tpu.vector_store %arg12[%swap3A_2922], %swap3A_2925 {strides = array<i32>} : memref<6400xi32, #tpu.memory_space<vmem>>, vector<16xi32>,
        %get3A_2926 = arith.constant 0 : i32
        %get3A_2927 = arith.index_cast %get3A_2926 : i32 to index
        %get3A_2928 = arith.index_cast %add3A_2573 : i32 to index
        %get3A_2929 = arith.constant 128 : index
        %get3A_2930 = tpu.vector_load %arg11[%get3A_2927, %get3A_2928, %get3A_2929] {strides = array<i32>} : memref<4x32x200xi32, #tpu.memory_space<vmem>>, vector<1x1x16xi32>,
        %get3A_2931 = vector.shape_cast %get3A_2930 : vector<1x1x16xi32> to vector<16xi32>
        %mul3A_2932 = arith.constant 180 : i32
        %mul3A_2933 = vector.broadcast %mul3A_2932 : i32 to vector<16xi32>
        %mul3A_2934 = arith.muli %get3A_2931, %mul3A_2933 : vector<16xi32>
        %get3A_2935 = arith.constant 1 : i32
        %get3A_2936 = arith.index_cast %get3A_2935 : i32 to index
        %get3A_2937 = arith.index_cast %add3A_2573 : i32 to index
        %get3A_2938 = arith.constant 128 : index
        %get3A_2939 = tpu.vector_load %arg11[%get3A_2936, %get3A_2937, %get3A_2938] {strides = array<i32>} : memref<4x32x200xi32, #tpu.memory_space<vmem>>, vector<1x1x16xi32>,
        %get3A_2940 = vector.shape_cast %get3A_2939 : vector<1x1x16xi32> to vector<16xi32>
        %mul3A_2941 = arith.constant 45 : i32
        %mul3A_2942 = vector.broadcast %mul3A_2941 : i32 to vector<16xi32>
        %mul3A_2943 = arith.muli %get3A_2940, %mul3A_2942 : vector<16xi32>
        %add3A_2944 = arith.addi %mul3A_2934, %mul3A_2943 : vector<16xi32>
        %get3A_2945 = arith.constant 2 : i32
        %get3A_2946 = arith.index_cast %get3A_2945 : i32 to index
        %get3A_2947 = arith.index_cast %add3A_2573 : i32 to index
        %get3A_2948 = arith.constant 128 : index
        %get3A_2949 = tpu.vector_load %arg11[%get3A_2946, %get3A_2947, %get3A_2948] {strides = array<i32>} : memref<4x32x200xi32, #tpu.memory_space<vmem>>, vector<1x1x16xi32>,
        %get3A_2950 = vector.shape_cast %get3A_2949 : vector<1x1x16xi32> to vector<16xi32>
        %mul3A_2951 = arith.constant 5 : i32
        %mul3A_2952 = vector.broadcast %mul3A_2951 : i32 to vector<16xi32>
        %mul3A_2953 = arith.muli %get3A_2950, %mul3A_2952 : vector<16xi32>
        %add3A_2954 = arith.addi %add3A_2944, %mul3A_2953 : vector<16xi32>
        %get3A_2955 = arith.constant 3 : i32
        %get3A_2956 = arith.index_cast %get3A_2955 : i32 to index
        %get3A_2957 = arith.index_cast %add3A_2573 : i32 to index
        %get3A_2958 = arith.constant 128 : index
        %get3A_2959 = tpu.vector_load %arg11[%get3A_2956, %get3A_2957, %get3A_2958] {strides = array<i32>} : memref<4x32x200xi32, #tpu.memory_space<vmem>>, vector<1x1x16xi32>,
        %get3A_2960 = vector.shape_cast %get3A_2959 : vector<1x1x16xi32> to vector<16xi32>
        %add3A_2961 = arith.addi %add3A_2954, %get3A_2960 : vector<16xi32>
        %mul3A_2962 = arith.constant 200 : i32
        %mul3A_2963 = arith.muli %add3A_2573, %mul3A_2962 : i32
        %add3A_2964 = arith.constant 128 : i32
        %add3A_2965 = arith.addi %mul3A_2963, %add3A_2964 : i32
        %swap3A_2966 = arith.index_cast %add3A_2965 : i32 to index
        %swap3A_2967 = tpu.vector_load %arg12[%swap3A_2966] {strides = array<i32>} : memref<6400xi32, #tpu.memory_space<vmem>>, vector<16xi32>,
        %swap3A_2968 = vector.shape_cast %swap3A_2967 : vector<16xi32> to vector<16xi32>
        %swap3A_2969 = vector.shape_cast %add3A_2961 : vector<16xi32> to vector<16xi32>
        tpu.vector_store %arg12[%swap3A_2966], %swap3A_2969 {strides = array<i32>} : memref<6400xi32, #tpu.memory_space<vmem>>, vector<16xi32>,
        %get3A_2970 = arith.constant 0 : i32
        %get3A_2971 = arith.index_cast %get3A_2970 : i32 to index
        %get3A_2972 = arith.index_cast %add3A_2573 : i32 to index
        %get3A_2973 = arith.constant 144 : index
        %get3A_2974 = tpu.vector_load %arg11[%get3A_2971, %get3A_2972, %get3A_2973] {strides = array<i32>} : memref<4x32x200xi32, #tpu.memory_space<vmem>>, vector<1x1x16xi32>,
        %get3A_2975 = vector.shape_cast %get3A_2974 : vector<1x1x16xi32> to vector<16xi32>
        %mul3A_2976 = arith.constant 180 : i32
        %mul3A_2977 = vector.broadcast %mul3A_2976 : i32 to vector<16xi32>
        %mul3A_2978 = arith.muli %get3A_2975, %mul3A_2977 : vector<16xi32>
        %get3A_2979 = arith.constant 1 : i32
        %get3A_2980 = arith.index_cast %get3A_2979 : i32 to index
        %get3A_2981 = arith.index_cast %add3A_2573 : i32 to index
        %get3A_2982 = arith.constant 144 : index
        %get3A_2983 = tpu.vector_load %arg11[%get3A_2980, %get3A_2981, %get3A_2982] {strides = array<i32>} : memref<4x32x200xi32, #tpu.memory_space<vmem>>, vector<1x1x16xi32>,
        %get3A_2984 = vector.shape_cast %get3A_2983 : vector<1x1x16xi32> to vector<16xi32>
        %mul3A_2985 = arith.constant 45 : i32
        %mul3A_2986 = vector.broadcast %mul3A_2985 : i32 to vector<16xi32>
        %mul3A_2987 = arith.muli %get3A_2984, %mul3A_2986 : vector<16xi32>
        %add3A_2988 = arith.addi %mul3A_2978, %mul3A_2987 : vector<16xi32>
        %get3A_2989 = arith.constant 2 : i32
        %get3A_2990 = arith.index_cast %get3A_2989 : i32 to index
        %get3A_2991 = arith.index_cast %add3A_2573 : i32 to index
        %get3A_2992 = arith.constant 144 : index
        %get3A_2993 = tpu.vector_load %arg11[%get3A_2990, %get3A_2991, %get3A_2992] {strides = array<i32>} : memref<4x32x200xi32, #tpu.memory_space<vmem>>, vector<1x1x16xi32>,
        %get3A_2994 = vector.shape_cast %get3A_2993 : vector<1x1x16xi32> to vector<16xi32>
        %mul3A_2995 = arith.constant 5 : i32
        %mul3A_2996 = vector.broadcast %mul3A_2995 : i32 to vector<16xi32>
        %mul3A_2997 = arith.muli %get3A_2994, %mul3A_2996 : vector<16xi32>
        %add3A_2998 = arith.addi %add3A_2988, %mul3A_2997 : vector<16xi32>
        %get3A_2999 = arith.constant 3 : i32
        %get3A_3000 = arith.index_cast %get3A_2999 : i32 to index
        %get3A_3001 = arith.index_cast %add3A_2573 : i32 to index
        %get3A_3002 = arith.constant 144 : index
        %get3A_3003 = tpu.vector_load %arg11[%get3A_3000, %get3A_3001, %get3A_3002] {strides = array<i32>} : memref<4x32x200xi32, #tpu.memory_space<vmem>>, vector<1x1x16xi32>,
        %get3A_3004 = vector.shape_cast %get3A_3003 : vector<1x1x16xi32> to vector<16xi32>
        %add3A_3005 = arith.addi %add3A_2998, %get3A_3004 : vector<16xi32>
        %mul3A_3006 = arith.constant 200 : i32
        %mul3A_3007 = arith.muli %add3A_2573, %mul3A_3006 : i32
        %add3A_3008 = arith.constant 144 : i32
        %add3A_3009 = arith.addi %mul3A_3007, %add3A_3008 : i32
        %swap3A_3010 = arith.index_cast %add3A_3009 : i32 to index
        %swap3A_3011 = tpu.vector_load %arg12[%swap3A_3010] {strides = array<i32>} : memref<6400xi32, #tpu.memory_space<vmem>>, vector<16xi32>,
        %swap3A_3012 = vector.shape_cast %swap3A_3011 : vector<16xi32> to vector<16xi32>
        %swap3A_3013 = vector.shape_cast %add3A_3005 : vector<16xi32> to vector<16xi32>
        tpu.vector_store %arg12[%swap3A_3010], %swap3A_3013 {strides = array<i32>} : memref<6400xi32, #tpu.memory_space<vmem>>, vector<16xi32>,
        %get3A_3014 = arith.constant 0 : i32
        %get3A_3015 = arith.index_cast %get3A_3014 : i32 to index
        %get3A_3016 = arith.index_cast %add3A_2573 : i32 to index
        %get3A_3017 = arith.constant 160 : index
        %get3A_3018 = tpu.vector_load %arg11[%get3A_3015, %get3A_3016, %get3A_3017] {strides = array<i32>} : memref<4x32x200xi32, #tpu.memory_space<vmem>>, vector<1x1x16xi32>,
        %get3A_3019 = vector.shape_cast %get3A_3018 : vector<1x1x16xi32> to vector<16xi32>
        %mul3A_3020 = arith.constant 180 : i32
        %mul3A_3021 = vector.broadcast %mul3A_3020 : i32 to vector<16xi32>
        %mul3A_3022 = arith.muli %get3A_3019, %mul3A_3021 : vector<16xi32>
        %get3A_3023 = arith.constant 1 : i32
        %get3A_3024 = arith.index_cast %get3A_3023 : i32 to index
        %get3A_3025 = arith.index_cast %add3A_2573 : i32 to index
        %get3A_3026 = arith.constant 160 : index
        %get3A_3027 = tpu.vector_load %arg11[%get3A_3024, %get3A_3025, %get3A_3026] {strides = array<i32>} : memref<4x32x200xi32, #tpu.memory_space<vmem>>, vector<1x1x16xi32>,
        %get3A_3028 = vector.shape_cast %get3A_3027 : vector<1x1x16xi32> to vector<16xi32>
        %mul3A_3029 = arith.constant 45 : i32
        %mul3A_3030 = vector.broadcast %mul3A_3029 : i32 to vector<16xi32>
        %mul3A_3031 = arith.muli %get3A_3028, %mul3A_3030 : vector<16xi32>
        %add3A_3032 = arith.addi %mul3A_3022, %mul3A_3031 : vector<16xi32>
        %get3A_3033 = arith.constant 2 : i32
        %get3A_3034 = arith.index_cast %get3A_3033 : i32 to index
        %get3A_3035 = arith.index_cast %add3A_2573 : i32 to index
        %get3A_3036 = arith.constant 160 : index
        %get3A_3037 = tpu.vector_load %arg11[%get3A_3034, %get3A_3035, %get3A_3036] {strides = array<i32>} : memref<4x32x200xi32, #tpu.memory_space<vmem>>, vector<1x1x16xi32>,
        %get3A_3038 = vector.shape_cast %get3A_3037 : vector<1x1x16xi32> to vector<16xi32>
        %mul3A_3039 = arith.constant 5 : i32
        %mul3A_3040 = vector.broadcast %mul3A_3039 : i32 to vector<16xi32>
        %mul3A_3041 = arith.muli %get3A_3038, %mul3A_3040 : vector<16xi32>
        %add3A_3042 = arith.addi %add3A_3032, %mul3A_3041 : vector<16xi32>
        %get3A_3043 = arith.constant 3 : i32
        %get3A_3044 = arith.index_cast %get3A_3043 : i32 to index
        %get3A_3045 = arith.index_cast %add3A_2573 : i32 to index
        %get3A_3046 = arith.constant 160 : index
        %get3A_3047 = tpu.vector_load %arg11[%get3A_3044, %get3A_3045, %get3A_3046] {strides = array<i32>} : memref<4x32x200xi32, #tpu.memory_space<vmem>>, vector<1x1x16xi32>,
        %get3A_3048 = vector.shape_cast %get3A_3047 : vector<1x1x16xi32> to vector<16xi32>
        %add3A_3049 = arith.addi %add3A_3042, %get3A_3048 : vector<16xi32>
        %mul3A_3050 = arith.constant 200 : i32
        %mul3A_3051 = arith.muli %add3A_2573, %mul3A_3050 : i32
        %add3A_3052 = arith.constant 160 : i32
        %add3A_3053 = arith.addi %mul3A_3051, %add3A_3052 : i32
        %swap3A_3054 = arith.index_cast %add3A_3053 : i32 to index
        %swap3A_3055 = tpu.vector_load %arg12[%swap3A_3054] {strides = array<i32>} : memref<6400xi32, #tpu.memory_space<vmem>>, vector<16xi32>,
        %swap3A_3056 = vector.shape_cast %swap3A_3055 : vector<16xi32> to vector<16xi32>
        %swap3A_3057 = vector.shape_cast %add3A_3049 : vector<16xi32> to vector<16xi32>
        tpu.vector_store %arg12[%swap3A_3054], %swap3A_3057 {strides = array<i32>} : memref<6400xi32, #tpu.memory_space<vmem>>, vector<16xi32>,
        %get3A_3058 = arith.constant 0 : i32
        %get3A_3059 = arith.index_cast %get3A_3058 : i32 to index
        %get3A_3060 = arith.index_cast %add3A_2573 : i32 to index
        %get3A_3061 = arith.constant 176 : index
        %get3A_3062 = tpu.vector_load %arg11[%get3A_3059, %get3A_3060, %get3A_3061] {strides = array<i32>} : memref<4x32x200xi32, #tpu.memory_space<vmem>>, vector<1x1x16xi32>,
        %get3A_3063 = vector.shape_cast %get3A_3062 : vector<1x1x16xi32> to vector<16xi32>
        %mul3A_3064 = arith.constant 180 : i32
        %mul3A_3065 = vector.broadcast %mul3A_3064 : i32 to vector<16xi32>
        %mul3A_3066 = arith.muli %get3A_3063, %mul3A_3065 : vector<16xi32>
        %get3A_3067 = arith.constant 1 : i32
        %get3A_3068 = arith.index_cast %get3A_3067 : i32 to index
        %get3A_3069 = arith.index_cast %add3A_2573 : i32 to index
        %get3A_3070 = arith.constant 176 : index
        %get3A_3071 = tpu.vector_load %arg11[%get3A_3068, %get3A_3069, %get3A_3070] {strides = array<i32>} : memref<4x32x200xi32, #tpu.memory_space<vmem>>, vector<1x1x16xi32>,
        %get3A_3072 = vector.shape_cast %get3A_3071 : vector<1x1x16xi32> to vector<16xi32>
        %mul3A_3073 = arith.constant 45 : i32
        %mul3A_3074 = vector.broadcast %mul3A_3073 : i32 to vector<16xi32>
        %mul3A_3075 = arith.muli %get3A_3072, %mul3A_3074 : vector<16xi32>
        %add3A_3076 = arith.addi %mul3A_3066, %mul3A_3075 : vector<16xi32>
        %get3A_3077 = arith.constant 2 : i32
        %get3A_3078 = arith.index_cast %get3A_3077 : i32 to index
        %get3A_3079 = arith.index_cast %add3A_2573 : i32 to index
        %get3A_3080 = arith.constant 176 : index
        %get3A_3081 = tpu.vector_load %arg11[%get3A_3078, %get3A_3079, %get3A_3080] {strides = array<i32>} : memref<4x32x200xi32, #tpu.memory_space<vmem>>, vector<1x1x16xi32>,
        %get3A_3082 = vector.shape_cast %get3A_3081 : vector<1x1x16xi32> to vector<16xi32>
        %mul3A_3083 = arith.constant 5 : i32
        %mul3A_3084 = vector.broadcast %mul3A_3083 : i32 to vector<16xi32>
        %mul3A_3085 = arith.muli %get3A_3082, %mul3A_3084 : vector<16xi32>
        %add3A_3086 = arith.addi %add3A_3076, %mul3A_3085 : vector<16xi32>
        %get3A_3087 = arith.constant 3 : i32
        %get3A_3088 = arith.index_cast %get3A_3087 : i32 to index
        %get3A_3089 = arith.index_cast %add3A_2573 : i32 to index
        %get3A_3090 = arith.constant 176 : index
        %get3A_3091 = tpu.vector_load %arg11[%get3A_3088, %get3A_3089, %get3A_3090] {strides = array<i32>} : memref<4x32x200xi32, #tpu.memory_space<vmem>>, vector<1x1x16xi32>,
        %get3A_3092 = vector.shape_cast %get3A_3091 : vector<1x1x16xi32> to vector<16xi32>
        %add3A_3093 = arith.addi %add3A_3086, %get3A_3092 : vector<16xi32>
        %mul3A_3094 = arith.constant 200 : i32
        %mul3A_3095 = arith.muli %add3A_2573, %mul3A_3094 : i32
        %add3A_3096 = arith.constant 176 : i32
        %add3A_3097 = arith.addi %mul3A_3095, %add3A_3096 : i32
        %swap3A_3098 = arith.index_cast %add3A_3097 : i32 to index
        %swap3A_3099 = tpu.vector_load %arg12[%swap3A_3098] {strides = array<i32>} : memref<6400xi32, #tpu.memory_space<vmem>>, vector<16xi32>,
        %swap3A_3100 = vector.shape_cast %swap3A_3099 : vector<16xi32> to vector<16xi32>
        %swap3A_3101 = vector.shape_cast %add3A_3093 : vector<16xi32> to vector<16xi32>
        tpu.vector_store %arg12[%swap3A_3098], %swap3A_3101 {strides = array<i32>} : memref<6400xi32, #tpu.memory_space<vmem>>, vector<16xi32>,
        %get3A_3102 = arith.constant 0 : i32
        %get3A_3103 = arith.index_cast %get3A_3102 : i32 to index
        %get3A_3104 = arith.index_cast %add3A_2573 : i32 to index
        %get3A_3105 = arith.constant 184 : index
        %get3A_3106 = tpu.vector_load %arg11[%get3A_3103, %get3A_3104, %get3A_3105] {strides = array<i32>} : memref<4x32x200xi32, #tpu.memory_space<vmem>>, vector<1x1x16xi32>,
        %get3A_3107 = vector.shape_cast %get3A_3106 : vector<1x1x16xi32> to vector<16xi32>
        %mul3A_3108 = arith.constant 180 : i32
        %mul3A_3109 = vector.broadcast %mul3A_3108 : i32 to vector<16xi32>
        %mul3A_3110 = arith.muli %get3A_3107, %mul3A_3109 : vector<16xi32>
        %get3A_3111 = arith.constant 1 : i32
        %get3A_3112 = arith.index_cast %get3A_3111 : i32 to index
        %get3A_3113 = arith.index_cast %add3A_2573 : i32 to index
        %get3A_3114 = arith.constant 184 : index
        %get3A_3115 = tpu.vector_load %arg11[%get3A_3112, %get3A_3113, %get3A_3114] {strides = array<i32>} : memref<4x32x200xi32, #tpu.memory_space<vmem>>, vector<1x1x16xi32>,
        %get3A_3116 = vector.shape_cast %get3A_3115 : vector<1x1x16xi32> to vector<16xi32>
        %mul3A_3117 = arith.constant 45 : i32
        %mul3A_3118 = vector.broadcast %mul3A_3117 : i32 to vector<16xi32>
        %mul3A_3119 = arith.muli %get3A_3116, %mul3A_3118 : vector<16xi32>
        %add3A_3120 = arith.addi %mul3A_3110, %mul3A_3119 : vector<16xi32>
        %get3A_3121 = arith.constant 2 : i32
        %get3A_3122 = arith.index_cast %get3A_3121 : i32 to index
        %get3A_3123 = arith.index_cast %add3A_2573 : i32 to index
        %get3A_3124 = arith.constant 184 : index
        %get3A_3125 = tpu.vector_load %arg11[%get3A_3122, %get3A_3123, %get3A_3124] {strides = array<i32>} : memref<4x32x200xi32, #tpu.memory_space<vmem>>, vector<1x1x16xi32>,
        %get3A_3126 = vector.shape_cast %get3A_3125 : vector<1x1x16xi32> to vector<16xi32>
        %mul3A_3127 = arith.constant 5 : i32
        %mul3A_3128 = vector.broadcast %mul3A_3127 : i32 to vector<16xi32>
        %mul3A_3129 = arith.muli %get3A_3126, %mul3A_3128 : vector<16xi32>
        %add3A_3130 = arith.addi %add3A_3120, %mul3A_3129 : vector<16xi32>
        %get3A_3131 = arith.constant 3 : i32
        %get3A_3132 = arith.index_cast %get3A_3131 : i32 to index
        %get3A_3133 = arith.index_cast %add3A_2573 : i32 to index
        %get3A_3134 = arith.constant 184 : index
        %get3A_3135 = tpu.vector_load %arg11[%get3A_3132, %get3A_3133, %get3A_3134] {strides = array<i32>} : memref<4x32x200xi32, #tpu.memory_space<vmem>>, vector<1x1x16xi32>,
        %get3A_3136 = vector.shape_cast %get3A_3135 : vector<1x1x16xi32> to vector<16xi32>
        %add3A_3137 = arith.addi %add3A_3130, %get3A_3136 : vector<16xi32>
        %mul3A_3138 = arith.constant 200 : i32
        %mul3A_3139 = arith.muli %add3A_2573, %mul3A_3138 : i32
        %add3A_3140 = arith.constant 184 : i32
        %add3A_3141 = arith.addi %mul3A_3139, %add3A_3140 : i32
        %swap3A_3142 = arith.index_cast %add3A_3141 : i32 to index
        %swap3A_3143 = tpu.vector_load %arg12[%swap3A_3142] {strides = array<i32>} : memref<6400xi32, #tpu.memory_space<vmem>>, vector<16xi32>,
        %swap3A_3144 = vector.shape_cast %swap3A_3143 : vector<16xi32> to vector<16xi32>
        %swap3A_3145 = vector.shape_cast %add3A_3137 : vector<16xi32> to vector<16xi32>
        tpu.vector_store %arg12[%swap3A_3142], %swap3A_3145 {strides = array<i32>} : memref<6400xi32, #tpu.memory_space<vmem>>, vector<16xi32>,
      } else {
      }
      %gt3A_2510 = arith.constant 0 : i32
      %gt3A_2511 = arith.cmpi sgt, %scan3A_2493, %gt3A_2510 : i32
      %convert_element_type3A_2512 = arith.extui %gt3A_2511 : i1 to i32
      %cond3A_2513 = arith.constant 0 : i32
      %cond3A_2514 = arith.cmpi ne, %convert_element_type3A_2512, %cond3A_2513 : i32
      scf.if %cond3A_2514 {
        %sub3A_2572 = arith.constant 1 : i32
        %sub3A_2573 = arith.subi %add3A_2497, %sub3A_2572 : i32
        %mul3A_2574 = arith.constant 128 : i32
        %mul3A_2575 = arith.muli %sub3A_2573, %mul3A_2574 : i32
        %dma_wait3A_2576 = arith.constant 1 : i32
        %dma_wait3A_2577 = arith.constant 0 : i32
        %dma_wait3A_2578 = arith.constant 0 : i32
        %dma_wait3A_2579 = tpu.memref_slice %arg18[%dma_wait3A_2576, %dma_wait3A_2577, %dma_wait3A_2578] : memref<2x128x128xf32, #tpu.memory_space<vmem>> -> memref<1x128x128xf32, #tpu.memory_space<vmem>>
        %dma_wait3A_2580 = tpu.memref_squeeze %dma_wait3A_2579 : memref<1x128x128xf32, #tpu.memory_space<vmem>> -> memref<128x128xf32, #tpu.memory_space<vmem>>
        %dma_wait3A_2581 = tpu.memref_slice %arg12[%mul3A_2575] : memref<6400xi32, #tpu.memory_space<vmem>> -> memref<128xi32, #tpu.memory_space<vmem>>
        %dma_wait3A_2582 = arith.constant 0 : i32
        %dma_wait3A_2583 = arith.constant 0 : i32
        %dma_wait3A_2584 = tpu.memref_slice %arg19[%dma_wait3A_2582, %dma_wait3A_2583] : memref<544x128xf32, #tpu.memory_space<vmem_shared>> -> memref<544x128xf32, #tpu.memory_space<vmem_shared>>
        tpu.wait_indirect_dma semaphore(%arg23 : memref<!tpu.dma_semaphore, #tpu.memory_space<semaphore_mem>>) src(%dma_wait3A_2584 : memref<544x128xf32, #tpu.memory_space<vmem_shared>>) dst(%dma_wait3A_2580 : memref<128x128xf32, #tpu.memory_space<vmem>>)
        %sub3A_2585 = arith.constant 1 : i32
        %sub3A_2586 = arith.subi %add3A_2497, %sub3A_2585 : i32
        %mul3A_2587 = arith.constant 128 : i32
        %mul3A_2588 = arith.muli %sub3A_2586, %mul3A_2587 : i32
        %add3A_2589 = arith.addi %mul3A_2, %mul3A_2588 : i32
        %dma_start3A_2590 = arith.constant 1 : i32
        %dma_start3A_2591 = arith.constant 0 : i32
        %dma_start3A_2592 = arith.constant 0 : i32
        %dma_start3A_2593 = tpu.memref_slice %arg18[%dma_start3A_2590, %dma_start3A_2591, %dma_start3A_2592] : memref<2x128x128xf32, #tpu.memory_space<vmem>> -> memref<1x128x128xf32, #tpu.memory_space<vmem>>
        %dma_start3A_2594 = tpu.memref_squeeze %dma_start3A_2593 : memref<1x128x128xf32, #tpu.memory_space<vmem>> -> memref<128x128xf32, #tpu.memory_space<vmem>>
        %dma_start3A_2595 = arith.constant 0 : i32
        %dma_start3A_2596 = tpu.memref_slice %arg10[%add3A_2589, %dma_start3A_2595] : memref<204800x128xf32, #tpu.memory_space<hbm>> -> memref<128x128xf32, #tpu.memory_space<hbm>>
        %dma_start3A_2597 = arith.constant 0 : i32
        %dma_start3A_2598 = tpu.memref_slice %arg10[%add3A_2589, %dma_start3A_2597] : memref<204800x128xf32, #tpu.memory_space<hbm>> -> memref<128x128xf32, #tpu.memory_space<hbm>>
        %dma_start3A_2599 = arith.constant 0 : i32
        %dma_start3A_2600 = arith.constant 0 : i32
        %dma_start3A_2601 = tpu.memref_slice %arg18[%dma_start3A_2590, %dma_start3A_2599, %dma_start3A_2600] : memref<2x128x128xf32, #tpu.memory_space<vmem>> -> memref<1x128x128xf32, #tpu.memory_space<vmem>>
        %dma_start3A_2602 = tpu.memref_squeeze %dma_start3A_2601 : memref<1x128x128xf32, #tpu.memory_space<vmem>> -> memref<128x128xf32, #tpu.memory_space<vmem>>
        tpu.enqueue_dma source(%dma_start3A_2602 : memref<128x128xf32, #tpu.memory_space<vmem>>) target(%dma_start3A_2598 : memref<128x128xf32, #tpu.memory_space<hbm>>) target_semaphore(%arg25 : memref<!tpu.dma_semaphore, #tpu.memory_space<semaphore_mem>>)
      } else {
      }
      %mul3A_2515 = arith.constant 2 : i32
      %mul3A_2516 = arith.muli %scan3A_2493, %mul3A_2515 : i32
      %add3A_2517 = arith.constant 1 : i32
      %add3A_2518 = arith.addi %mul3A_2516, %add3A_2517 : i32
      %gt3A_2519 = arith.constant 0 : i32
      %gt3A_2520 = arith.cmpi sgt, %scan3A_2493, %gt3A_2519 : i32
      %convert_element_type3A_2521 = arith.extui %gt3A_2520 : i1 to i32
      %cond3A_2522 = arith.constant 0 : i32
      %cond3A_2523 = arith.cmpi ne, %convert_element_type3A_2521, %cond3A_2522 : i32
      scf.if %cond3A_2523 {
        %sub3A_2572 = arith.constant 2 : i32
        %sub3A_2573 = arith.subi %add3A_2518, %sub3A_2572 : i32
        %mul3A_2574 = arith.constant 128 : i32
        %mul3A_2575 = arith.muli %sub3A_2573, %mul3A_2574 : i32
        %add3A_2576 = arith.addi %mul3A_2, %mul3A_2575 : i32
        %dma_wait3A_2577 = arith.constant 1 : i32
        %dma_wait3A_2578 = arith.constant 0 : i32
        %dma_wait3A_2579 = arith.constant 0 : i32
        %dma_wait3A_2580 = tpu.memref_slice %arg18[%dma_wait3A_2577, %dma_wait3A_2578, %dma_wait3A_2579] : memref<2x128x128xf32, #tpu.memory_space<vmem>> -> memref<1x128x128xf32, #tpu.memory_space<vmem>>
        %dma_wait3A_2581 = tpu.memref_squeeze %dma_wait3A_2580 : memref<1x128x128xf32, #tpu.memory_space<vmem>> -> memref<128x128xf32, #tpu.memory_space<vmem>>
        %dma_wait3A_2582 = arith.constant 0 : i32
        %dma_wait3A_2583 = tpu.memref_slice %arg10[%add3A_2576, %dma_wait3A_2582] : memref<204800x128xf32, #tpu.memory_space<hbm>> -> memref<128x128xf32, #tpu.memory_space<hbm>>
        %dma_wait3A_2584 = arith.constant 0 : i32
        %dma_wait3A_2585 = tpu.memref_slice %arg10[%add3A_2576, %dma_wait3A_2584] : memref<204800x128xf32, #tpu.memory_space<hbm>> -> memref<128x128xf32, #tpu.memory_space<hbm>>
        %dma_wait3A_2586 = arith.constant 0 : i32
        %dma_wait3A_2587 = arith.constant 0 : i32
        %dma_wait3A_2588 = tpu.memref_slice %arg18[%dma_wait3A_2577, %dma_wait3A_2586, %dma_wait3A_2587] : memref<2x128x128xf32, #tpu.memory_space<vmem>> -> memref<1x128x128xf32, #tpu.memory_space<vmem>>
        %dma_wait3A_2589 = tpu.memref_squeeze %dma_wait3A_2588 : memref<1x128x128xf32, #tpu.memory_space<vmem>> -> memref<128x128xf32, #tpu.memory_space<vmem>>
        tpu.wait_dma2 semaphore(%arg25 : memref<!tpu.dma_semaphore, #tpu.memory_space<semaphore_mem>>) src(%dma_wait3A_2589 : memref<128x128xf32, #tpu.memory_space<vmem>>) dst(%dma_wait3A_2585 : memref<128x128xf32, #tpu.memory_space<hbm>>)
      } else {
      }
      %mul3A_2524 = arith.constant 128 : i32
      %mul3A_2525 = arith.muli %add3A_2518, %mul3A_2524 : i32
      %dma_start3A_2526 = arith.constant 1 : i32
      %dma_start3A_2527 = arith.constant 0 : i32
      %dma_start3A_2528 = arith.constant 0 : i32
      %dma_start3A_2529 = tpu.memref_slice %arg18[%dma_start3A_2526, %dma_start3A_2527, %dma_start3A_2528] : memref<2x128x128xf32, #tpu.memory_space<vmem>> -> memref<1x128x128xf32, #tpu.memory_space<vmem>>
      %dma_start3A_2530 = tpu.memref_squeeze %dma_start3A_2529 : memref<1x128x128xf32, #tpu.memory_space<vmem>> -> memref<128x128xf32, #tpu.memory_space<vmem>>
      %dma_start3A_2531 = tpu.memref_slice %arg12[%mul3A_2525] : memref<6400xi32, #tpu.memory_space<vmem>> -> memref<128xi32, #tpu.memory_space<vmem>>
      %dma_start3A_2532 = arith.constant 0 : i32
      %dma_start3A_2533 = arith.constant 0 : i32
      %dma_start3A_2534 = tpu.memref_slice %arg19[%dma_start3A_2532, %dma_start3A_2533] : memref<544x128xf32, #tpu.memory_space<vmem_shared>> -> memref<544x128xf32, #tpu.memory_space<vmem_shared>>
      tpu.enqueue_indirect_dma source(%dma_start3A_2534 : memref<544x128xf32, #tpu.memory_space<vmem_shared>>) target(%dma_start3A_2530 : memref<128x128xf32, #tpu.memory_space<vmem>>) offsets(%dma_start3A_2531 : memref<128xi32, #tpu.memory_space<vmem>>) semaphore(%arg23 : memref<!tpu.dma_semaphore, #tpu.memory_space<semaphore_mem>>)
      %add3A_2535 = arith.constant 4 : i32
      %add3A_2536 = arith.addi %add3A_2535, %add3A_2518 : i32
      %lt3A_2537 = arith.constant 32 : i32
      %lt3A_2538 = arith.cmpi slt, %add3A_2536, %lt3A_2537 : i32
      %convert_element_type3A_2539 = arith.extui %lt3A_2538 : i1 to i32
      %cond3A_2540 = arith.constant 0 : i32
      %cond3A_2541 = arith.cmpi ne, %convert_element_type3A_2539, %cond3A_2540 : i32
      scf.if %cond3A_2541 {
        %add3A_2572 = arith.constant 4 : i32
        %add3A_2573 = arith.addi %add3A_2572, %add3A_2518 : i32
        %get3A_2574 = arith.constant 0 : i32
        %get3A_2575 = arith.index_cast %get3A_2574 : i32 to index
        %get3A_2576 = arith.index_cast %add3A_2573 : i32 to index
        %get3A_2577 = arith.constant 0 : index
        %get3A_2578 = tpu.vector_load %arg11[%get3A_2575, %get3A_2576, %get3A_2577] {strides = array<i32>} : memref<4x32x200xi32, #tpu.memory_space<vmem>>, vector<1x1x16xi32>,
        %get3A_2579 = vector.shape_cast %get3A_2578 : vector<1x1x16xi32> to vector<16xi32>
        %mul3A_2580 = arith.constant 180 : i32
        %mul3A_2581 = vector.broadcast %mul3A_2580 : i32 to vector<16xi32>
        %mul3A_2582 = arith.muli %get3A_2579, %mul3A_2581 : vector<16xi32>
        %get3A_2583 = arith.constant 1 : i32
        %get3A_2584 = arith.index_cast %get3A_2583 : i32 to index
        %get3A_2585 = arith.index_cast %add3A_2573 : i32 to index
        %get3A_2586 = arith.constant 0 : index
        %get3A_2587 = tpu.vector_load %arg11[%get3A_2584, %get3A_2585, %get3A_2586] {strides = array<i32>} : memref<4x32x200xi32, #tpu.memory_space<vmem>>, vector<1x1x16xi32>,
        %get3A_2588 = vector.shape_cast %get3A_2587 : vector<1x1x16xi32> to vector<16xi32>
        %mul3A_2589 = arith.constant 45 : i32
        %mul3A_2590 = vector.broadcast %mul3A_2589 : i32 to vector<16xi32>
        %mul3A_2591 = arith.muli %get3A_2588, %mul3A_2590 : vector<16xi32>
        %add3A_2592 = arith.addi %mul3A_2582, %mul3A_2591 : vector<16xi32>
        %get3A_2593 = arith.constant 2 : i32
        %get3A_2594 = arith.index_cast %get3A_2593 : i32 to index
        %get3A_2595 = arith.index_cast %add3A_2573 : i32 to index
        %get3A_2596 = arith.constant 0 : index
        %get3A_2597 = tpu.vector_load %arg11[%get3A_2594, %get3A_2595, %get3A_2596] {strides = array<i32>} : memref<4x32x200xi32, #tpu.memory_space<vmem>>, vector<1x1x16xi32>,
        %get3A_2598 = vector.shape_cast %get3A_2597 : vector<1x1x16xi32> to vector<16xi32>
        %mul3A_2599 = arith.constant 5 : i32
        %mul3A_2600 = vector.broadcast %mul3A_2599 : i32 to vector<16xi32>
        %mul3A_2601 = arith.muli %get3A_2598, %mul3A_2600 : vector<16xi32>
        %add3A_2602 = arith.addi %add3A_2592, %mul3A_2601 : vector<16xi32>
        %get3A_2603 = arith.constant 3 : i32
        %get3A_2604 = arith.index_cast %get3A_2603 : i32 to index
        %get3A_2605 = arith.index_cast %add3A_2573 : i32 to index
        %get3A_2606 = arith.constant 0 : index
        %get3A_2607 = tpu.vector_load %arg11[%get3A_2604, %get3A_2605, %get3A_2606] {strides = array<i32>} : memref<4x32x200xi32, #tpu.memory_space<vmem>>, vector<1x1x16xi32>,
        %get3A_2608 = vector.shape_cast %get3A_2607 : vector<1x1x16xi32> to vector<16xi32>
        %add3A_2609 = arith.addi %add3A_2602, %get3A_2608 : vector<16xi32>
        %mul3A_2610 = arith.constant 200 : i32
        %mul3A_2611 = arith.muli %add3A_2573, %mul3A_2610 : i32
        %add3A_2612 = arith.constant 0 : i32
        %add3A_2613 = arith.addi %mul3A_2611, %add3A_2612 : i32
        %swap3A_2614 = arith.index_cast %add3A_2613 : i32 to index
        %swap3A_2615 = tpu.vector_load %arg12[%swap3A_2614] {strides = array<i32>} : memref<6400xi32, #tpu.memory_space<vmem>>, vector<16xi32>,
        %swap3A_2616 = vector.shape_cast %swap3A_2615 : vector<16xi32> to vector<16xi32>
        %swap3A_2617 = vector.shape_cast %add3A_2609 : vector<16xi32> to vector<16xi32>
        tpu.vector_store %arg12[%swap3A_2614], %swap3A_2617 {strides = array<i32>} : memref<6400xi32, #tpu.memory_space<vmem>>, vector<16xi32>,
        %get3A_2618 = arith.constant 0 : i32
        %get3A_2619 = arith.index_cast %get3A_2618 : i32 to index
        %get3A_2620 = arith.index_cast %add3A_2573 : i32 to index
        %get3A_2621 = arith.constant 16 : index
        %get3A_2622 = tpu.vector_load %arg11[%get3A_2619, %get3A_2620, %get3A_2621] {strides = array<i32>} : memref<4x32x200xi32, #tpu.memory_space<vmem>>, vector<1x1x16xi32>,
        %get3A_2623 = vector.shape_cast %get3A_2622 : vector<1x1x16xi32> to vector<16xi32>
        %mul3A_2624 = arith.constant 180 : i32
        %mul3A_2625 = vector.broadcast %mul3A_2624 : i32 to vector<16xi32>
        %mul3A_2626 = arith.muli %get3A_2623, %mul3A_2625 : vector<16xi32>
        %get3A_2627 = arith.constant 1 : i32
        %get3A_2628 = arith.index_cast %get3A_2627 : i32 to index
        %get3A_2629 = arith.index_cast %add3A_2573 : i32 to index
        %get3A_2630 = arith.constant 16 : index
        %get3A_2631 = tpu.vector_load %arg11[%get3A_2628, %get3A_2629, %get3A_2630] {strides = array<i32>} : memref<4x32x200xi32, #tpu.memory_space<vmem>>, vector<1x1x16xi32>,
        %get3A_2632 = vector.shape_cast %get3A_2631 : vector<1x1x16xi32> to vector<16xi32>
        %mul3A_2633 = arith.constant 45 : i32
        %mul3A_2634 = vector.broadcast %mul3A_2633 : i32 to vector<16xi32>
        %mul3A_2635 = arith.muli %get3A_2632, %mul3A_2634 : vector<16xi32>
        %add3A_2636 = arith.addi %mul3A_2626, %mul3A_2635 : vector<16xi32>
        %get3A_2637 = arith.constant 2 : i32
        %get3A_2638 = arith.index_cast %get3A_2637 : i32 to index
        %get3A_2639 = arith.index_cast %add3A_2573 : i32 to index
        %get3A_2640 = arith.constant 16 : index
        %get3A_2641 = tpu.vector_load %arg11[%get3A_2638, %get3A_2639, %get3A_2640] {strides = array<i32>} : memref<4x32x200xi32, #tpu.memory_space<vmem>>, vector<1x1x16xi32>,
        %get3A_2642 = vector.shape_cast %get3A_2641 : vector<1x1x16xi32> to vector<16xi32>
        %mul3A_2643 = arith.constant 5 : i32
        %mul3A_2644 = vector.broadcast %mul3A_2643 : i32 to vector<16xi32>
        %mul3A_2645 = arith.muli %get3A_2642, %mul3A_2644 : vector<16xi32>
        %add3A_2646 = arith.addi %add3A_2636, %mul3A_2645 : vector<16xi32>
        %get3A_2647 = arith.constant 3 : i32
        %get3A_2648 = arith.index_cast %get3A_2647 : i32 to index
        %get3A_2649 = arith.index_cast %add3A_2573 : i32 to index
        %get3A_2650 = arith.constant 16 : index
        %get3A_2651 = tpu.vector_load %arg11[%get3A_2648, %get3A_2649, %get3A_2650] {strides = array<i32>} : memref<4x32x200xi32, #tpu.memory_space<vmem>>, vector<1x1x16xi32>,
        %get3A_2652 = vector.shape_cast %get3A_2651 : vector<1x1x16xi32> to vector<16xi32>
        %add3A_2653 = arith.addi %add3A_2646, %get3A_2652 : vector<16xi32>
        %mul3A_2654 = arith.constant 200 : i32
        %mul3A_2655 = arith.muli %add3A_2573, %mul3A_2654 : i32
        %add3A_2656 = arith.constant 16 : i32
        %add3A_2657 = arith.addi %mul3A_2655, %add3A_2656 : i32
        %swap3A_2658 = arith.index_cast %add3A_2657 : i32 to index
        %swap3A_2659 = tpu.vector_load %arg12[%swap3A_2658] {strides = array<i32>} : memref<6400xi32, #tpu.memory_space<vmem>>, vector<16xi32>,
        %swap3A_2660 = vector.shape_cast %swap3A_2659 : vector<16xi32> to vector<16xi32>
        %swap3A_2661 = vector.shape_cast %add3A_2653 : vector<16xi32> to vector<16xi32>
        tpu.vector_store %arg12[%swap3A_2658], %swap3A_2661 {strides = array<i32>} : memref<6400xi32, #tpu.memory_space<vmem>>, vector<16xi32>,
        %get3A_2662 = arith.constant 0 : i32
        %get3A_2663 = arith.index_cast %get3A_2662 : i32 to index
        %get3A_2664 = arith.index_cast %add3A_2573 : i32 to index
        %get3A_2665 = arith.constant 32 : index
        %get3A_2666 = tpu.vector_load %arg11[%get3A_2663, %get3A_2664, %get3A_2665] {strides = array<i32>} : memref<4x32x200xi32, #tpu.memory_space<vmem>>, vector<1x1x16xi32>,
        %get3A_2667 = vector.shape_cast %get3A_2666 : vector<1x1x16xi32> to vector<16xi32>
        %mul3A_2668 = arith.constant 180 : i32
        %mul3A_2669 = vector.broadcast %mul3A_2668 : i32 to vector<16xi32>
        %mul3A_2670 = arith.muli %get3A_2667, %mul3A_2669 : vector<16xi32>
        %get3A_2671 = arith.constant 1 : i32
        %get3A_2672 = arith.index_cast %get3A_2671 : i32 to index
        %get3A_2673 = arith.index_cast %add3A_2573 : i32 to index
        %get3A_2674 = arith.constant 32 : index
        %get3A_2675 = tpu.vector_load %arg11[%get3A_2672, %get3A_2673, %get3A_2674] {strides = array<i32>} : memref<4x32x200xi32, #tpu.memory_space<vmem>>, vector<1x1x16xi32>,
        %get3A_2676 = vector.shape_cast %get3A_2675 : vector<1x1x16xi32> to vector<16xi32>
        %mul3A_2677 = arith.constant 45 : i32
        %mul3A_2678 = vector.broadcast %mul3A_2677 : i32 to vector<16xi32>
        %mul3A_2679 = arith.muli %get3A_2676, %mul3A_2678 : vector<16xi32>
        %add3A_2680 = arith.addi %mul3A_2670, %mul3A_2679 : vector<16xi32>
        %get3A_2681 = arith.constant 2 : i32
        %get3A_2682 = arith.index_cast %get3A_2681 : i32 to index
        %get3A_2683 = arith.index_cast %add3A_2573 : i32 to index
        %get3A_2684 = arith.constant 32 : index
        %get3A_2685 = tpu.vector_load %arg11[%get3A_2682, %get3A_2683, %get3A_2684] {strides = array<i32>} : memref<4x32x200xi32, #tpu.memory_space<vmem>>, vector<1x1x16xi32>,
        %get3A_2686 = vector.shape_cast %get3A_2685 : vector<1x1x16xi32> to vector<16xi32>
        %mul3A_2687 = arith.constant 5 : i32
        %mul3A_2688 = vector.broadcast %mul3A_2687 : i32 to vector<16xi32>
        %mul3A_2689 = arith.muli %get3A_2686, %mul3A_2688 : vector<16xi32>
        %add3A_2690 = arith.addi %add3A_2680, %mul3A_2689 : vector<16xi32>
        %get3A_2691 = arith.constant 3 : i32
        %get3A_2692 = arith.index_cast %get3A_2691 : i32 to index
        %get3A_2693 = arith.index_cast %add3A_2573 : i32 to index
        %get3A_2694 = arith.constant 32 : index
        %get3A_2695 = tpu.vector_load %arg11[%get3A_2692, %get3A_2693, %get3A_2694] {strides = array<i32>} : memref<4x32x200xi32, #tpu.memory_space<vmem>>, vector<1x1x16xi32>,
        %get3A_2696 = vector.shape_cast %get3A_2695 : vector<1x1x16xi32> to vector<16xi32>
        %add3A_2697 = arith.addi %add3A_2690, %get3A_2696 : vector<16xi32>
        %mul3A_2698 = arith.constant 200 : i32
        %mul3A_2699 = arith.muli %add3A_2573, %mul3A_2698 : i32
        %add3A_2700 = arith.constant 32 : i32
        %add3A_2701 = arith.addi %mul3A_2699, %add3A_2700 : i32
        %swap3A_2702 = arith.index_cast %add3A_2701 : i32 to index
        %swap3A_2703 = tpu.vector_load %arg12[%swap3A_2702] {strides = array<i32>} : memref<6400xi32, #tpu.memory_space<vmem>>, vector<16xi32>,
        %swap3A_2704 = vector.shape_cast %swap3A_2703 : vector<16xi32> to vector<16xi32>
        %swap3A_2705 = vector.shape_cast %add3A_2697 : vector<16xi32> to vector<16xi32>
        tpu.vector_store %arg12[%swap3A_2702], %swap3A_2705 {strides = array<i32>} : memref<6400xi32, #tpu.memory_space<vmem>>, vector<16xi32>,
        %get3A_2706 = arith.constant 0 : i32
        %get3A_2707 = arith.index_cast %get3A_2706 : i32 to index
        %get3A_2708 = arith.index_cast %add3A_2573 : i32 to index
        %get3A_2709 = arith.constant 48 : index
        %get3A_2710 = tpu.vector_load %arg11[%get3A_2707, %get3A_2708, %get3A_2709] {strides = array<i32>} : memref<4x32x200xi32, #tpu.memory_space<vmem>>, vector<1x1x16xi32>,
        %get3A_2711 = vector.shape_cast %get3A_2710 : vector<1x1x16xi32> to vector<16xi32>
        %mul3A_2712 = arith.constant 180 : i32
        %mul3A_2713 = vector.broadcast %mul3A_2712 : i32 to vector<16xi32>
        %mul3A_2714 = arith.muli %get3A_2711, %mul3A_2713 : vector<16xi32>
        %get3A_2715 = arith.constant 1 : i32
        %get3A_2716 = arith.index_cast %get3A_2715 : i32 to index
        %get3A_2717 = arith.index_cast %add3A_2573 : i32 to index
        %get3A_2718 = arith.constant 48 : index
        %get3A_2719 = tpu.vector_load %arg11[%get3A_2716, %get3A_2717, %get3A_2718] {strides = array<i32>} : memref<4x32x200xi32, #tpu.memory_space<vmem>>, vector<1x1x16xi32>,
        %get3A_2720 = vector.shape_cast %get3A_2719 : vector<1x1x16xi32> to vector<16xi32>
        %mul3A_2721 = arith.constant 45 : i32
        %mul3A_2722 = vector.broadcast %mul3A_2721 : i32 to vector<16xi32>
        %mul3A_2723 = arith.muli %get3A_2720, %mul3A_2722 : vector<16xi32>
        %add3A_2724 = arith.addi %mul3A_2714, %mul3A_2723 : vector<16xi32>
        %get3A_2725 = arith.constant 2 : i32
        %get3A_2726 = arith.index_cast %get3A_2725 : i32 to index
        %get3A_2727 = arith.index_cast %add3A_2573 : i32 to index
        %get3A_2728 = arith.constant 48 : index
        %get3A_2729 = tpu.vector_load %arg11[%get3A_2726, %get3A_2727, %get3A_2728] {strides = array<i32>} : memref<4x32x200xi32, #tpu.memory_space<vmem>>, vector<1x1x16xi32>,
        %get3A_2730 = vector.shape_cast %get3A_2729 : vector<1x1x16xi32> to vector<16xi32>
        %mul3A_2731 = arith.constant 5 : i32
        %mul3A_2732 = vector.broadcast %mul3A_2731 : i32 to vector<16xi32>
        %mul3A_2733 = arith.muli %get3A_2730, %mul3A_2732 : vector<16xi32>
        %add3A_2734 = arith.addi %add3A_2724, %mul3A_2733 : vector<16xi32>
        %get3A_2735 = arith.constant 3 : i32
        %get3A_2736 = arith.index_cast %get3A_2735 : i32 to index
        %get3A_2737 = arith.index_cast %add3A_2573 : i32 to index
        %get3A_2738 = arith.constant 48 : index
        %get3A_2739 = tpu.vector_load %arg11[%get3A_2736, %get3A_2737, %get3A_2738] {strides = array<i32>} : memref<4x32x200xi32, #tpu.memory_space<vmem>>, vector<1x1x16xi32>,
        %get3A_2740 = vector.shape_cast %get3A_2739 : vector<1x1x16xi32> to vector<16xi32>
        %add3A_2741 = arith.addi %add3A_2734, %get3A_2740 : vector<16xi32>
        %mul3A_2742 = arith.constant 200 : i32
        %mul3A_2743 = arith.muli %add3A_2573, %mul3A_2742 : i32
        %add3A_2744 = arith.constant 48 : i32
        %add3A_2745 = arith.addi %mul3A_2743, %add3A_2744 : i32
        %swap3A_2746 = arith.index_cast %add3A_2745 : i32 to index
        %swap3A_2747 = tpu.vector_load %arg12[%swap3A_2746] {strides = array<i32>} : memref<6400xi32, #tpu.memory_space<vmem>>, vector<16xi32>,
        %swap3A_2748 = vector.shape_cast %swap3A_2747 : vector<16xi32> to vector<16xi32>
        %swap3A_2749 = vector.shape_cast %add3A_2741 : vector<16xi32> to vector<16xi32>
        tpu.vector_store %arg12[%swap3A_2746], %swap3A_2749 {strides = array<i32>} : memref<6400xi32, #tpu.memory_space<vmem>>, vector<16xi32>,
        %get3A_2750 = arith.constant 0 : i32
        %get3A_2751 = arith.index_cast %get3A_2750 : i32 to index
        %get3A_2752 = arith.index_cast %add3A_2573 : i32 to index
        %get3A_2753 = arith.constant 64 : index
        %get3A_2754 = tpu.vector_load %arg11[%get3A_2751, %get3A_2752, %get3A_2753] {strides = array<i32>} : memref<4x32x200xi32, #tpu.memory_space<vmem>>, vector<1x1x16xi32>,
        %get3A_2755 = vector.shape_cast %get3A_2754 : vector<1x1x16xi32> to vector<16xi32>
        %mul3A_2756 = arith.constant 180 : i32
        %mul3A_2757 = vector.broadcast %mul3A_2756 : i32 to vector<16xi32>
        %mul3A_2758 = arith.muli %get3A_2755, %mul3A_2757 : vector<16xi32>
        %get3A_2759 = arith.constant 1 : i32
        %get3A_2760 = arith.index_cast %get3A_2759 : i32 to index
        %get3A_2761 = arith.index_cast %add3A_2573 : i32 to index
        %get3A_2762 = arith.constant 64 : index
        %get3A_2763 = tpu.vector_load %arg11[%get3A_2760, %get3A_2761, %get3A_2762] {strides = array<i32>} : memref<4x32x200xi32, #tpu.memory_space<vmem>>, vector<1x1x16xi32>,
        %get3A_2764 = vector.shape_cast %get3A_2763 : vector<1x1x16xi32> to vector<16xi32>
        %mul3A_2765 = arith.constant 45 : i32
        %mul3A_2766 = vector.broadcast %mul3A_2765 : i32 to vector<16xi32>
        %mul3A_2767 = arith.muli %get3A_2764, %mul3A_2766 : vector<16xi32>
        %add3A_2768 = arith.addi %mul3A_2758, %mul3A_2767 : vector<16xi32>
        %get3A_2769 = arith.constant 2 : i32
        %get3A_2770 = arith.index_cast %get3A_2769 : i32 to index
        %get3A_2771 = arith.index_cast %add3A_2573 : i32 to index
        %get3A_2772 = arith.constant 64 : index
        %get3A_2773 = tpu.vector_load %arg11[%get3A_2770, %get3A_2771, %get3A_2772] {strides = array<i32>} : memref<4x32x200xi32, #tpu.memory_space<vmem>>, vector<1x1x16xi32>,
        %get3A_2774 = vector.shape_cast %get3A_2773 : vector<1x1x16xi32> to vector<16xi32>
        %mul3A_2775 = arith.constant 5 : i32
        %mul3A_2776 = vector.broadcast %mul3A_2775 : i32 to vector<16xi32>
        %mul3A_2777 = arith.muli %get3A_2774, %mul3A_2776 : vector<16xi32>
        %add3A_2778 = arith.addi %add3A_2768, %mul3A_2777 : vector<16xi32>
        %get3A_2779 = arith.constant 3 : i32
        %get3A_2780 = arith.index_cast %get3A_2779 : i32 to index
        %get3A_2781 = arith.index_cast %add3A_2573 : i32 to index
        %get3A_2782 = arith.constant 64 : index
        %get3A_2783 = tpu.vector_load %arg11[%get3A_2780, %get3A_2781, %get3A_2782] {strides = array<i32>} : memref<4x32x200xi32, #tpu.memory_space<vmem>>, vector<1x1x16xi32>,
        %get3A_2784 = vector.shape_cast %get3A_2783 : vector<1x1x16xi32> to vector<16xi32>
        %add3A_2785 = arith.addi %add3A_2778, %get3A_2784 : vector<16xi32>
        %mul3A_2786 = arith.constant 200 : i32
        %mul3A_2787 = arith.muli %add3A_2573, %mul3A_2786 : i32
        %add3A_2788 = arith.constant 64 : i32
        %add3A_2789 = arith.addi %mul3A_2787, %add3A_2788 : i32
        %swap3A_2790 = arith.index_cast %add3A_2789 : i32 to index
        %swap3A_2791 = tpu.vector_load %arg12[%swap3A_2790] {strides = array<i32>} : memref<6400xi32, #tpu.memory_space<vmem>>, vector<16xi32>,
        %swap3A_2792 = vector.shape_cast %swap3A_2791 : vector<16xi32> to vector<16xi32>
        %swap3A_2793 = vector.shape_cast %add3A_2785 : vector<16xi32> to vector<16xi32>
        tpu.vector_store %arg12[%swap3A_2790], %swap3A_2793 {strides = array<i32>} : memref<6400xi32, #tpu.memory_space<vmem>>, vector<16xi32>,
        %get3A_2794 = arith.constant 0 : i32
        %get3A_2795 = arith.index_cast %get3A_2794 : i32 to index
        %get3A_2796 = arith.index_cast %add3A_2573 : i32 to index
        %get3A_2797 = arith.constant 80 : index
        %get3A_2798 = tpu.vector_load %arg11[%get3A_2795, %get3A_2796, %get3A_2797] {strides = array<i32>} : memref<4x32x200xi32, #tpu.memory_space<vmem>>, vector<1x1x16xi32>,
        %get3A_2799 = vector.shape_cast %get3A_2798 : vector<1x1x16xi32> to vector<16xi32>
        %mul3A_2800 = arith.constant 180 : i32
        %mul3A_2801 = vector.broadcast %mul3A_2800 : i32 to vector<16xi32>
        %mul3A_2802 = arith.muli %get3A_2799, %mul3A_2801 : vector<16xi32>
        %get3A_2803 = arith.constant 1 : i32
        %get3A_2804 = arith.index_cast %get3A_2803 : i32 to index
        %get3A_2805 = arith.index_cast %add3A_2573 : i32 to index
        %get3A_2806 = arith.constant 80 : index
        %get3A_2807 = tpu.vector_load %arg11[%get3A_2804, %get3A_2805, %get3A_2806] {strides = array<i32>} : memref<4x32x200xi32, #tpu.memory_space<vmem>>, vector<1x1x16xi32>,
        %get3A_2808 = vector.shape_cast %get3A_2807 : vector<1x1x16xi32> to vector<16xi32>
        %mul3A_2809 = arith.constant 45 : i32
        %mul3A_2810 = vector.broadcast %mul3A_2809 : i32 to vector<16xi32>
        %mul3A_2811 = arith.muli %get3A_2808, %mul3A_2810 : vector<16xi32>
        %add3A_2812 = arith.addi %mul3A_2802, %mul3A_2811 : vector<16xi32>
        %get3A_2813 = arith.constant 2 : i32
        %get3A_2814 = arith.index_cast %get3A_2813 : i32 to index
        %get3A_2815 = arith.index_cast %add3A_2573 : i32 to index
        %get3A_2816 = arith.constant 80 : index
        %get3A_2817 = tpu.vector_load %arg11[%get3A_2814, %get3A_2815, %get3A_2816] {strides = array<i32>} : memref<4x32x200xi32, #tpu.memory_space<vmem>>, vector<1x1x16xi32>,
        %get3A_2818 = vector.shape_cast %get3A_2817 : vector<1x1x16xi32> to vector<16xi32>
        %mul3A_2819 = arith.constant 5 : i32
        %mul3A_2820 = vector.broadcast %mul3A_2819 : i32 to vector<16xi32>
        %mul3A_2821 = arith.muli %get3A_2818, %mul3A_2820 : vector<16xi32>
        %add3A_2822 = arith.addi %add3A_2812, %mul3A_2821 : vector<16xi32>
        %get3A_2823 = arith.constant 3 : i32
        %get3A_2824 = arith.index_cast %get3A_2823 : i32 to index
        %get3A_2825 = arith.index_cast %add3A_2573 : i32 to index
        %get3A_2826 = arith.constant 80 : index
        %get3A_2827 = tpu.vector_load %arg11[%get3A_2824, %get3A_2825, %get3A_2826] {strides = array<i32>} : memref<4x32x200xi32, #tpu.memory_space<vmem>>, vector<1x1x16xi32>,
        %get3A_2828 = vector.shape_cast %get3A_2827 : vector<1x1x16xi32> to vector<16xi32>
        %add3A_2829 = arith.addi %add3A_2822, %get3A_2828 : vector<16xi32>
        %mul3A_2830 = arith.constant 200 : i32
        %mul3A_2831 = arith.muli %add3A_2573, %mul3A_2830 : i32
        %add3A_2832 = arith.constant 80 : i32
        %add3A_2833 = arith.addi %mul3A_2831, %add3A_2832 : i32
        %swap3A_2834 = arith.index_cast %add3A_2833 : i32 to index
        %swap3A_2835 = tpu.vector_load %arg12[%swap3A_2834] {strides = array<i32>} : memref<6400xi32, #tpu.memory_space<vmem>>, vector<16xi32>,
        %swap3A_2836 = vector.shape_cast %swap3A_2835 : vector<16xi32> to vector<16xi32>
        %swap3A_2837 = vector.shape_cast %add3A_2829 : vector<16xi32> to vector<16xi32>
        tpu.vector_store %arg12[%swap3A_2834], %swap3A_2837 {strides = array<i32>} : memref<6400xi32, #tpu.memory_space<vmem>>, vector<16xi32>,
        %get3A_2838 = arith.constant 0 : i32
        %get3A_2839 = arith.index_cast %get3A_2838 : i32 to index
        %get3A_2840 = arith.index_cast %add3A_2573 : i32 to index
        %get3A_2841 = arith.constant 96 : index
        %get3A_2842 = tpu.vector_load %arg11[%get3A_2839, %get3A_2840, %get3A_2841] {strides = array<i32>} : memref<4x32x200xi32, #tpu.memory_space<vmem>>, vector<1x1x16xi32>,
        %get3A_2843 = vector.shape_cast %get3A_2842 : vector<1x1x16xi32> to vector<16xi32>
        %mul3A_2844 = arith.constant 180 : i32
        %mul3A_2845 = vector.broadcast %mul3A_2844 : i32 to vector<16xi32>
        %mul3A_2846 = arith.muli %get3A_2843, %mul3A_2845 : vector<16xi32>
        %get3A_2847 = arith.constant 1 : i32
        %get3A_2848 = arith.index_cast %get3A_2847 : i32 to index
        %get3A_2849 = arith.index_cast %add3A_2573 : i32 to index
        %get3A_2850 = arith.constant 96 : index
        %get3A_2851 = tpu.vector_load %arg11[%get3A_2848, %get3A_2849, %get3A_2850] {strides = array<i32>} : memref<4x32x200xi32, #tpu.memory_space<vmem>>, vector<1x1x16xi32>,
        %get3A_2852 = vector.shape_cast %get3A_2851 : vector<1x1x16xi32> to vector<16xi32>
        %mul3A_2853 = arith.constant 45 : i32
        %mul3A_2854 = vector.broadcast %mul3A_2853 : i32 to vector<16xi32>
        %mul3A_2855 = arith.muli %get3A_2852, %mul3A_2854 : vector<16xi32>
        %add3A_2856 = arith.addi %mul3A_2846, %mul3A_2855 : vector<16xi32>
        %get3A_2857 = arith.constant 2 : i32
        %get3A_2858 = arith.index_cast %get3A_2857 : i32 to index
        %get3A_2859 = arith.index_cast %add3A_2573 : i32 to index
        %get3A_2860 = arith.constant 96 : index
        %get3A_2861 = tpu.vector_load %arg11[%get3A_2858, %get3A_2859, %get3A_2860] {strides = array<i32>} : memref<4x32x200xi32, #tpu.memory_space<vmem>>, vector<1x1x16xi32>,
        %get3A_2862 = vector.shape_cast %get3A_2861 : vector<1x1x16xi32> to vector<16xi32>
        %mul3A_2863 = arith.constant 5 : i32
        %mul3A_2864 = vector.broadcast %mul3A_2863 : i32 to vector<16xi32>
        %mul3A_2865 = arith.muli %get3A_2862, %mul3A_2864 : vector<16xi32>
        %add3A_2866 = arith.addi %add3A_2856, %mul3A_2865 : vector<16xi32>
        %get3A_2867 = arith.constant 3 : i32
        %get3A_2868 = arith.index_cast %get3A_2867 : i32 to index
        %get3A_2869 = arith.index_cast %add3A_2573 : i32 to index
        %get3A_2870 = arith.constant 96 : index
        %get3A_2871 = tpu.vector_load %arg11[%get3A_2868, %get3A_2869, %get3A_2870] {strides = array<i32>} : memref<4x32x200xi32, #tpu.memory_space<vmem>>, vector<1x1x16xi32>,
        %get3A_2872 = vector.shape_cast %get3A_2871 : vector<1x1x16xi32> to vector<16xi32>
        %add3A_2873 = arith.addi %add3A_2866, %get3A_2872 : vector<16xi32>
        %mul3A_2874 = arith.constant 200 : i32
        %mul3A_2875 = arith.muli %add3A_2573, %mul3A_2874 : i32
        %add3A_2876 = arith.constant 96 : i32
        %add3A_2877 = arith.addi %mul3A_2875, %add3A_2876 : i32
        %swap3A_2878 = arith.index_cast %add3A_2877 : i32 to index
        %swap3A_2879 = tpu.vector_load %arg12[%swap3A_2878] {strides = array<i32>} : memref<6400xi32, #tpu.memory_space<vmem>>, vector<16xi32>,
        %swap3A_2880 = vector.shape_cast %swap3A_2879 : vector<16xi32> to vector<16xi32>
        %swap3A_2881 = vector.shape_cast %add3A_2873 : vector<16xi32> to vector<16xi32>
        tpu.vector_store %arg12[%swap3A_2878], %swap3A_2881 {strides = array<i32>} : memref<6400xi32, #tpu.memory_space<vmem>>, vector<16xi32>,
        %get3A_2882 = arith.constant 0 : i32
        %get3A_2883 = arith.index_cast %get3A_2882 : i32 to index
        %get3A_2884 = arith.index_cast %add3A_2573 : i32 to index
        %get3A_2885 = arith.constant 112 : index
        %get3A_2886 = tpu.vector_load %arg11[%get3A_2883, %get3A_2884, %get3A_2885] {strides = array<i32>} : memref<4x32x200xi32, #tpu.memory_space<vmem>>, vector<1x1x16xi32>,
        %get3A_2887 = vector.shape_cast %get3A_2886 : vector<1x1x16xi32> to vector<16xi32>
        %mul3A_2888 = arith.constant 180 : i32
        %mul3A_2889 = vector.broadcast %mul3A_2888 : i32 to vector<16xi32>
        %mul3A_2890 = arith.muli %get3A_2887, %mul3A_2889 : vector<16xi32>
        %get3A_2891 = arith.constant 1 : i32
        %get3A_2892 = arith.index_cast %get3A_2891 : i32 to index
        %get3A_2893 = arith.index_cast %add3A_2573 : i32 to index
        %get3A_2894 = arith.constant 112 : index
        %get3A_2895 = tpu.vector_load %arg11[%get3A_2892, %get3A_2893, %get3A_2894] {strides = array<i32>} : memref<4x32x200xi32, #tpu.memory_space<vmem>>, vector<1x1x16xi32>,
        %get3A_2896 = vector.shape_cast %get3A_2895 : vector<1x1x16xi32> to vector<16xi32>
        %mul3A_2897 = arith.constant 45 : i32
        %mul3A_2898 = vector.broadcast %mul3A_2897 : i32 to vector<16xi32>
        %mul3A_2899 = arith.muli %get3A_2896, %mul3A_2898 : vector<16xi32>
        %add3A_2900 = arith.addi %mul3A_2890, %mul3A_2899 : vector<16xi32>
        %get3A_2901 = arith.constant 2 : i32
        %get3A_2902 = arith.index_cast %get3A_2901 : i32 to index
        %get3A_2903 = arith.index_cast %add3A_2573 : i32 to index
        %get3A_2904 = arith.constant 112 : index
        %get3A_2905 = tpu.vector_load %arg11[%get3A_2902, %get3A_2903, %get3A_2904] {strides = array<i32>} : memref<4x32x200xi32, #tpu.memory_space<vmem>>, vector<1x1x16xi32>,
        %get3A_2906 = vector.shape_cast %get3A_2905 : vector<1x1x16xi32> to vector<16xi32>
        %mul3A_2907 = arith.constant 5 : i32
        %mul3A_2908 = vector.broadcast %mul3A_2907 : i32 to vector<16xi32>
        %mul3A_2909 = arith.muli %get3A_2906, %mul3A_2908 : vector<16xi32>
        %add3A_2910 = arith.addi %add3A_2900, %mul3A_2909 : vector<16xi32>
        %get3A_2911 = arith.constant 3 : i32
        %get3A_2912 = arith.index_cast %get3A_2911 : i32 to index
        %get3A_2913 = arith.index_cast %add3A_2573 : i32 to index
        %get3A_2914 = arith.constant 112 : index
        %get3A_2915 = tpu.vector_load %arg11[%get3A_2912, %get3A_2913, %get3A_2914] {strides = array<i32>} : memref<4x32x200xi32, #tpu.memory_space<vmem>>, vector<1x1x16xi32>,
        %get3A_2916 = vector.shape_cast %get3A_2915 : vector<1x1x16xi32> to vector<16xi32>
        %add3A_2917 = arith.addi %add3A_2910, %get3A_2916 : vector<16xi32>
        %mul3A_2918 = arith.constant 200 : i32
        %mul3A_2919 = arith.muli %add3A_2573, %mul3A_2918 : i32
        %add3A_2920 = arith.constant 112 : i32
        %add3A_2921 = arith.addi %mul3A_2919, %add3A_2920 : i32
        %swap3A_2922 = arith.index_cast %add3A_2921 : i32 to index
        %swap3A_2923 = tpu.vector_load %arg12[%swap3A_2922] {strides = array<i32>} : memref<6400xi32, #tpu.memory_space<vmem>>, vector<16xi32>,
        %swap3A_2924 = vector.shape_cast %swap3A_2923 : vector<16xi32> to vector<16xi32>
        %swap3A_2925 = vector.shape_cast %add3A_2917 : vector<16xi32> to vector<16xi32>
        tpu.vector_store %arg12[%swap3A_2922], %swap3A_2925 {strides = array<i32>} : memref<6400xi32, #tpu.memory_space<vmem>>, vector<16xi32>,
        %get3A_2926 = arith.constant 0 : i32
        %get3A_2927 = arith.index_cast %get3A_2926 : i32 to index
        %get3A_2928 = arith.index_cast %add3A_2573 : i32 to index
        %get3A_2929 = arith.constant 128 : index
        %get3A_2930 = tpu.vector_load %arg11[%get3A_2927, %get3A_2928, %get3A_2929] {strides = array<i32>} : memref<4x32x200xi32, #tpu.memory_space<vmem>>, vector<1x1x16xi32>,
        %get3A_2931 = vector.shape_cast %get3A_2930 : vector<1x1x16xi32> to vector<16xi32>
        %mul3A_2932 = arith.constant 180 : i32
        %mul3A_2933 = vector.broadcast %mul3A_2932 : i32 to vector<16xi32>
        %mul3A_2934 = arith.muli %get3A_2931, %mul3A_2933 : vector<16xi32>
        %get3A_2935 = arith.constant 1 : i32
        %get3A_2936 = arith.index_cast %get3A_2935 : i32 to index
        %get3A_2937 = arith.index_cast %add3A_2573 : i32 to index
        %get3A_2938 = arith.constant 128 : index
        %get3A_2939 = tpu.vector_load %arg11[%get3A_2936, %get3A_2937, %get3A_2938] {strides = array<i32>} : memref<4x32x200xi32, #tpu.memory_space<vmem>>, vector<1x1x16xi32>,
        %get3A_2940 = vector.shape_cast %get3A_2939 : vector<1x1x16xi32> to vector<16xi32>
        %mul3A_2941 = arith.constant 45 : i32
        %mul3A_2942 = vector.broadcast %mul3A_2941 : i32 to vector<16xi32>
        %mul3A_2943 = arith.muli %get3A_2940, %mul3A_2942 : vector<16xi32>
        %add3A_2944 = arith.addi %mul3A_2934, %mul3A_2943 : vector<16xi32>
        %get3A_2945 = arith.constant 2 : i32
        %get3A_2946 = arith.index_cast %get3A_2945 : i32 to index
        %get3A_2947 = arith.index_cast %add3A_2573 : i32 to index
        %get3A_2948 = arith.constant 128 : index
        %get3A_2949 = tpu.vector_load %arg11[%get3A_2946, %get3A_2947, %get3A_2948] {strides = array<i32>} : memref<4x32x200xi32, #tpu.memory_space<vmem>>, vector<1x1x16xi32>,
        %get3A_2950 = vector.shape_cast %get3A_2949 : vector<1x1x16xi32> to vector<16xi32>
        %mul3A_2951 = arith.constant 5 : i32
        %mul3A_2952 = vector.broadcast %mul3A_2951 : i32 to vector<16xi32>
        %mul3A_2953 = arith.muli %get3A_2950, %mul3A_2952 : vector<16xi32>
        %add3A_2954 = arith.addi %add3A_2944, %mul3A_2953 : vector<16xi32>
        %get3A_2955 = arith.constant 3 : i32
        %get3A_2956 = arith.index_cast %get3A_2955 : i32 to index
        %get3A_2957 = arith.index_cast %add3A_2573 : i32 to index
        %get3A_2958 = arith.constant 128 : index
        %get3A_2959 = tpu.vector_load %arg11[%get3A_2956, %get3A_2957, %get3A_2958] {strides = array<i32>} : memref<4x32x200xi32, #tpu.memory_space<vmem>>, vector<1x1x16xi32>,
        %get3A_2960 = vector.shape_cast %get3A_2959 : vector<1x1x16xi32> to vector<16xi32>
        %add3A_2961 = arith.addi %add3A_2954, %get3A_2960 : vector<16xi32>
        %mul3A_2962 = arith.constant 200 : i32
        %mul3A_2963 = arith.muli %add3A_2573, %mul3A_2962 : i32
        %add3A_2964 = arith.constant 128 : i32
        %add3A_2965 = arith.addi %mul3A_2963, %add3A_2964 : i32
        %swap3A_2966 = arith.index_cast %add3A_2965 : i32 to index
        %swap3A_2967 = tpu.vector_load %arg12[%swap3A_2966] {strides = array<i32>} : memref<6400xi32, #tpu.memory_space<vmem>>, vector<16xi32>,
        %swap3A_2968 = vector.shape_cast %swap3A_2967 : vector<16xi32> to vector<16xi32>
        %swap3A_2969 = vector.shape_cast %add3A_2961 : vector<16xi32> to vector<16xi32>
        tpu.vector_store %arg12[%swap3A_2966], %swap3A_2969 {strides = array<i32>} : memref<6400xi32, #tpu.memory_space<vmem>>, vector<16xi32>,
        %get3A_2970 = arith.constant 0 : i32
        %get3A_2971 = arith.index_cast %get3A_2970 : i32 to index
        %get3A_2972 = arith.index_cast %add3A_2573 : i32 to index
        %get3A_2973 = arith.constant 144 : index
        %get3A_2974 = tpu.vector_load %arg11[%get3A_2971, %get3A_2972, %get3A_2973] {strides = array<i32>} : memref<4x32x200xi32, #tpu.memory_space<vmem>>, vector<1x1x16xi32>,
        %get3A_2975 = vector.shape_cast %get3A_2974 : vector<1x1x16xi32> to vector<16xi32>
        %mul3A_2976 = arith.constant 180 : i32
        %mul3A_2977 = vector.broadcast %mul3A_2976 : i32 to vector<16xi32>
        %mul3A_2978 = arith.muli %get3A_2975, %mul3A_2977 : vector<16xi32>
        %get3A_2979 = arith.constant 1 : i32
        %get3A_2980 = arith.index_cast %get3A_2979 : i32 to index
        %get3A_2981 = arith.index_cast %add3A_2573 : i32 to index
        %get3A_2982 = arith.constant 144 : index
        %get3A_2983 = tpu.vector_load %arg11[%get3A_2980, %get3A_2981, %get3A_2982] {strides = array<i32>} : memref<4x32x200xi32, #tpu.memory_space<vmem>>, vector<1x1x16xi32>,
        %get3A_2984 = vector.shape_cast %get3A_2983 : vector<1x1x16xi32> to vector<16xi32>
        %mul3A_2985 = arith.constant 45 : i32
        %mul3A_2986 = vector.broadcast %mul3A_2985 : i32 to vector<16xi32>
        %mul3A_2987 = arith.muli %get3A_2984, %mul3A_2986 : vector<16xi32>
        %add3A_2988 = arith.addi %mul3A_2978, %mul3A_2987 : vector<16xi32>
        %get3A_2989 = arith.constant 2 : i32
        %get3A_2990 = arith.index_cast %get3A_2989 : i32 to index
        %get3A_2991 = arith.index_cast %add3A_2573 : i32 to index
        %get3A_2992 = arith.constant 144 : index
        %get3A_2993 = tpu.vector_load %arg11[%get3A_2990, %get3A_2991, %get3A_2992] {strides = array<i32>} : memref<4x32x200xi32, #tpu.memory_space<vmem>>, vector<1x1x16xi32>,
        %get3A_2994 = vector.shape_cast %get3A_2993 : vector<1x1x16xi32> to vector<16xi32>
        %mul3A_2995 = arith.constant 5 : i32
        %mul3A_2996 = vector.broadcast %mul3A_2995 : i32 to vector<16xi32>
        %mul3A_2997 = arith.muli %get3A_2994, %mul3A_2996 : vector<16xi32>
        %add3A_2998 = arith.addi %add3A_2988, %mul3A_2997 : vector<16xi32>
        %get3A_2999 = arith.constant 3 : i32
        %get3A_3000 = arith.index_cast %get3A_2999 : i32 to index
        %get3A_3001 = arith.index_cast %add3A_2573 : i32 to index
        %get3A_3002 = arith.constant 144 : index
        %get3A_3003 = tpu.vector_load %arg11[%get3A_3000, %get3A_3001, %get3A_3002] {strides = array<i32>} : memref<4x32x200xi32, #tpu.memory_space<vmem>>, vector<1x1x16xi32>,
        %get3A_3004 = vector.shape_cast %get3A_3003 : vector<1x1x16xi32> to vector<16xi32>
        %add3A_3005 = arith.addi %add3A_2998, %get3A_3004 : vector<16xi32>
        %mul3A_3006 = arith.constant 200 : i32
        %mul3A_3007 = arith.muli %add3A_2573, %mul3A_3006 : i32
        %add3A_3008 = arith.constant 144 : i32
        %add3A_3009 = arith.addi %mul3A_3007, %add3A_3008 : i32
        %swap3A_3010 = arith.index_cast %add3A_3009 : i32 to index
        %swap3A_3011 = tpu.vector_load %arg12[%swap3A_3010] {strides = array<i32>} : memref<6400xi32, #tpu.memory_space<vmem>>, vector<16xi32>,
        %swap3A_3012 = vector.shape_cast %swap3A_3011 : vector<16xi32> to vector<16xi32>
        %swap3A_3013 = vector.shape_cast %add3A_3005 : vector<16xi32> to vector<16xi32>
        tpu.vector_store %arg12[%swap3A_3010], %swap3A_3013 {strides = array<i32>} : memref<6400xi32, #tpu.memory_space<vmem>>, vector<16xi32>,
        %get3A_3014 = arith.constant 0 : i32
        %get3A_3015 = arith.index_cast %get3A_3014 : i32 to index
        %get3A_3016 = arith.index_cast %add3A_2573 : i32 to index
        %get3A_3017 = arith.constant 160 : index
        %get3A_3018 = tpu.vector_load %arg11[%get3A_3015, %get3A_3016, %get3A_3017] {strides = array<i32>} : memref<4x32x200xi32, #tpu.memory_space<vmem>>, vector<1x1x16xi32>,
        %get3A_3019 = vector.shape_cast %get3A_3018 : vector<1x1x16xi32> to vector<16xi32>
        %mul3A_3020 = arith.constant 180 : i32
        %mul3A_3021 = vector.broadcast %mul3A_3020 : i32 to vector<16xi32>
        %mul3A_3022 = arith.muli %get3A_3019, %mul3A_3021 : vector<16xi32>
        %get3A_3023 = arith.constant 1 : i32
        %get3A_3024 = arith.index_cast %get3A_3023 : i32 to index
        %get3A_3025 = arith.index_cast %add3A_2573 : i32 to index
        %get3A_3026 = arith.constant 160 : index
        %get3A_3027 = tpu.vector_load %arg11[%get3A_3024, %get3A_3025, %get3A_3026] {strides = array<i32>} : memref<4x32x200xi32, #tpu.memory_space<vmem>>, vector<1x1x16xi32>,
        %get3A_3028 = vector.shape_cast %get3A_3027 : vector<1x1x16xi32> to vector<16xi32>
        %mul3A_3029 = arith.constant 45 : i32
        %mul3A_3030 = vector.broadcast %mul3A_3029 : i32 to vector<16xi32>
        %mul3A_3031 = arith.muli %get3A_3028, %mul3A_3030 : vector<16xi32>
        %add3A_3032 = arith.addi %mul3A_3022, %mul3A_3031 : vector<16xi32>
        %get3A_3033 = arith.constant 2 : i32
        %get3A_3034 = arith.index_cast %get3A_3033 : i32 to index
        %get3A_3035 = arith.index_cast %add3A_2573 : i32 to index
        %get3A_3036 = arith.constant 160 : index
        %get3A_3037 = tpu.vector_load %arg11[%get3A_3034, %get3A_3035, %get3A_3036] {strides = array<i32>} : memref<4x32x200xi32, #tpu.memory_space<vmem>>, vector<1x1x16xi32>,
        %get3A_3038 = vector.shape_cast %get3A_3037 : vector<1x1x16xi32> to vector<16xi32>
        %mul3A_3039 = arith.constant 5 : i32
        %mul3A_3040 = vector.broadcast %mul3A_3039 : i32 to vector<16xi32>
        %mul3A_3041 = arith.muli %get3A_3038, %mul3A_3040 : vector<16xi32>
        %add3A_3042 = arith.addi %add3A_3032, %mul3A_3041 : vector<16xi32>
        %get3A_3043 = arith.constant 3 : i32
        %get3A_3044 = arith.index_cast %get3A_3043 : i32 to index
        %get3A_3045 = arith.index_cast %add3A_2573 : i32 to index
        %get3A_3046 = arith.constant 160 : index
        %get3A_3047 = tpu.vector_load %arg11[%get3A_3044, %get3A_3045, %get3A_3046] {strides = array<i32>} : memref<4x32x200xi32, #tpu.memory_space<vmem>>, vector<1x1x16xi32>,
        %get3A_3048 = vector.shape_cast %get3A_3047 : vector<1x1x16xi32> to vector<16xi32>
        %add3A_3049 = arith.addi %add3A_3042, %get3A_3048 : vector<16xi32>
        %mul3A_3050 = arith.constant 200 : i32
        %mul3A_3051 = arith.muli %add3A_2573, %mul3A_3050 : i32
        %add3A_3052 = arith.constant 160 : i32
        %add3A_3053 = arith.addi %mul3A_3051, %add3A_3052 : i32
        %swap3A_3054 = arith.index_cast %add3A_3053 : i32 to index
        %swap3A_3055 = tpu.vector_load %arg12[%swap3A_3054] {strides = array<i32>} : memref<6400xi32, #tpu.memory_space<vmem>>, vector<16xi32>,
        %swap3A_3056 = vector.shape_cast %swap3A_3055 : vector<16xi32> to vector<16xi32>
        %swap3A_3057 = vector.shape_cast %add3A_3049 : vector<16xi32> to vector<16xi32>
        tpu.vector_store %arg12[%swap3A_3054], %swap3A_3057 {strides = array<i32>} : memref<6400xi32, #tpu.memory_space<vmem>>, vector<16xi32>,
        %get3A_3058 = arith.constant 0 : i32
        %get3A_3059 = arith.index_cast %get3A_3058 : i32 to index
        %get3A_3060 = arith.index_cast %add3A_2573 : i32 to index
        %get3A_3061 = arith.constant 176 : index
        %get3A_3062 = tpu.vector_load %arg11[%get3A_3059, %get3A_3060, %get3A_3061] {strides = array<i32>} : memref<4x32x200xi32, #tpu.memory_space<vmem>>, vector<1x1x16xi32>,
        %get3A_3063 = vector.shape_cast %get3A_3062 : vector<1x1x16xi32> to vector<16xi32>
        %mul3A_3064 = arith.constant 180 : i32
        %mul3A_3065 = vector.broadcast %mul3A_3064 : i32 to vector<16xi32>
        %mul3A_3066 = arith.muli %get3A_3063, %mul3A_3065 : vector<16xi32>
        %get3A_3067 = arith.constant 1 : i32
        %get3A_3068 = arith.index_cast %get3A_3067 : i32 to index
        %get3A_3069 = arith.index_cast %add3A_2573 : i32 to index
        %get3A_3070 = arith.constant 176 : index
        %get3A_3071 = tpu.vector_load %arg11[%get3A_3068, %get3A_3069, %get3A_3070] {strides = array<i32>} : memref<4x32x200xi32, #tpu.memory_space<vmem>>, vector<1x1x16xi32>,
        %get3A_3072 = vector.shape_cast %get3A_3071 : vector<1x1x16xi32> to vector<16xi32>
        %mul3A_3073 = arith.constant 45 : i32
        %mul3A_3074 = vector.broadcast %mul3A_3073 : i32 to vector<16xi32>
        %mul3A_3075 = arith.muli %get3A_3072, %mul3A_3074 : vector<16xi32>
        %add3A_3076 = arith.addi %mul3A_3066, %mul3A_3075 : vector<16xi32>
        %get3A_3077 = arith.constant 2 : i32
        %get3A_3078 = arith.index_cast %get3A_3077 : i32 to index
        %get3A_3079 = arith.index_cast %add3A_2573 : i32 to index
        %get3A_3080 = arith.constant 176 : index
        %get3A_3081 = tpu.vector_load %arg11[%get3A_3078, %get3A_3079, %get3A_3080] {strides = array<i32>} : memref<4x32x200xi32, #tpu.memory_space<vmem>>, vector<1x1x16xi32>,
        %get3A_3082 = vector.shape_cast %get3A_3081 : vector<1x1x16xi32> to vector<16xi32>
        %mul3A_3083 = arith.constant 5 : i32
        %mul3A_3084 = vector.broadcast %mul3A_3083 : i32 to vector<16xi32>
        %mul3A_3085 = arith.muli %get3A_3082, %mul3A_3084 : vector<16xi32>
        %add3A_3086 = arith.addi %add3A_3076, %mul3A_3085 : vector<16xi32>
        %get3A_3087 = arith.constant 3 : i32
        %get3A_3088 = arith.index_cast %get3A_3087 : i32 to index
        %get3A_3089 = arith.index_cast %add3A_2573 : i32 to index
        %get3A_3090 = arith.constant 176 : index
        %get3A_3091 = tpu.vector_load %arg11[%get3A_3088, %get3A_3089, %get3A_3090] {strides = array<i32>} : memref<4x32x200xi32, #tpu.memory_space<vmem>>, vector<1x1x16xi32>,
        %get3A_3092 = vector.shape_cast %get3A_3091 : vector<1x1x16xi32> to vector<16xi32>
        %add3A_3093 = arith.addi %add3A_3086, %get3A_3092 : vector<16xi32>
        %mul3A_3094 = arith.constant 200 : i32
        %mul3A_3095 = arith.muli %add3A_2573, %mul3A_3094 : i32
        %add3A_3096 = arith.constant 176 : i32
        %add3A_3097 = arith.addi %mul3A_3095, %add3A_3096 : i32
        %swap3A_3098 = arith.index_cast %add3A_3097 : i32 to index
        %swap3A_3099 = tpu.vector_load %arg12[%swap3A_3098] {strides = array<i32>} : memref<6400xi32, #tpu.memory_space<vmem>>, vector<16xi32>,
        %swap3A_3100 = vector.shape_cast %swap3A_3099 : vector<16xi32> to vector<16xi32>
        %swap3A_3101 = vector.shape_cast %add3A_3093 : vector<16xi32> to vector<16xi32>
        tpu.vector_store %arg12[%swap3A_3098], %swap3A_3101 {strides = array<i32>} : memref<6400xi32, #tpu.memory_space<vmem>>, vector<16xi32>,
        %get3A_3102 = arith.constant 0 : i32
        %get3A_3103 = arith.index_cast %get3A_3102 : i32 to index
        %get3A_3104 = arith.index_cast %add3A_2573 : i32 to index
        %get3A_3105 = arith.constant 184 : index
        %get3A_3106 = tpu.vector_load %arg11[%get3A_3103, %get3A_3104, %get3A_3105] {strides = array<i32>} : memref<4x32x200xi32, #tpu.memory_space<vmem>>, vector<1x1x16xi32>,
        %get3A_3107 = vector.shape_cast %get3A_3106 : vector<1x1x16xi32> to vector<16xi32>
        %mul3A_3108 = arith.constant 180 : i32
        %mul3A_3109 = vector.broadcast %mul3A_3108 : i32 to vector<16xi32>
        %mul3A_3110 = arith.muli %get3A_3107, %mul3A_3109 : vector<16xi32>
        %get3A_3111 = arith.constant 1 : i32
        %get3A_3112 = arith.index_cast %get3A_3111 : i32 to index
        %get3A_3113 = arith.index_cast %add3A_2573 : i32 to index
        %get3A_3114 = arith.constant 184 : index
        %get3A_3115 = tpu.vector_load %arg11[%get3A_3112, %get3A_3113, %get3A_3114] {strides = array<i32>} : memref<4x32x200xi32, #tpu.memory_space<vmem>>, vector<1x1x16xi32>,
        %get3A_3116 = vector.shape_cast %get3A_3115 : vector<1x1x16xi32> to vector<16xi32>
        %mul3A_3117 = arith.constant 45 : i32
        %mul3A_3118 = vector.broadcast %mul3A_3117 : i32 to vector<16xi32>
        %mul3A_3119 = arith.muli %get3A_3116, %mul3A_3118 : vector<16xi32>
        %add3A_3120 = arith.addi %mul3A_3110, %mul3A_3119 : vector<16xi32>
        %get3A_3121 = arith.constant 2 : i32
        %get3A_3122 = arith.index_cast %get3A_3121 : i32 to index
        %get3A_3123 = arith.index_cast %add3A_2573 : i32 to index
        %get3A_3124 = arith.constant 184 : index
        %get3A_3125 = tpu.vector_load %arg11[%get3A_3122, %get3A_3123, %get3A_3124] {strides = array<i32>} : memref<4x32x200xi32, #tpu.memory_space<vmem>>, vector<1x1x16xi32>,
        %get3A_3126 = vector.shape_cast %get3A_3125 : vector<1x1x16xi32> to vector<16xi32>
        %mul3A_3127 = arith.constant 5 : i32
        %mul3A_3128 = vector.broadcast %mul3A_3127 : i32 to vector<16xi32>
        %mul3A_3129 = arith.muli %get3A_3126, %mul3A_3128 : vector<16xi32>
        %add3A_3130 = arith.addi %add3A_3120, %mul3A_3129 : vector<16xi32>
        %get3A_3131 = arith.constant 3 : i32
        %get3A_3132 = arith.index_cast %get3A_3131 : i32 to index
        %get3A_3133 = arith.index_cast %add3A_2573 : i32 to index
        %get3A_3134 = arith.constant 184 : index
        %get3A_3135 = tpu.vector_load %arg11[%get3A_3132, %get3A_3133, %get3A_3134] {strides = array<i32>} : memref<4x32x200xi32, #tpu.memory_space<vmem>>, vector<1x1x16xi32>,
        %get3A_3136 = vector.shape_cast %get3A_3135 : vector<1x1x16xi32> to vector<16xi32>
        %add3A_3137 = arith.addi %add3A_3130, %get3A_3136 : vector<16xi32>
        %mul3A_3138 = arith.constant 200 : i32
        %mul3A_3139 = arith.muli %add3A_2573, %mul3A_3138 : i32
        %add3A_3140 = arith.constant 184 : i32
        %add3A_3141 = arith.addi %mul3A_3139, %add3A_3140 : i32
        %swap3A_3142 = arith.index_cast %add3A_3141 : i32 to index
        %swap3A_3143 = tpu.vector_load %arg12[%swap3A_3142] {strides = array<i32>} : memref<6400xi32, #tpu.memory_space<vmem>>, vector<16xi32>,
        %swap3A_3144 = vector.shape_cast %swap3A_3143 : vector<16xi32> to vector<16xi32>
        %swap3A_3145 = vector.shape_cast %add3A_3137 : vector<16xi32> to vector<16xi32>
        tpu.vector_store %arg12[%swap3A_3142], %swap3A_3145 {strides = array<i32>} : memref<6400xi32, #tpu.memory_space<vmem>>, vector<16xi32>,
      } else {
      }
      %sub3A = arith.constant 1 : i32
      %sub3A_2542 = arith.subi %add3A_2518, %sub3A : i32
      %mul3A_2543 = arith.constant 128 : i32
      %mul3A_2544 = arith.muli %sub3A_2542, %mul3A_2543 : i32
      %dma_wait3A_2545 = arith.constant 0 : i32
      %dma_wait3A_2546 = arith.constant 0 : i32
      %dma_wait3A_2547 = arith.constant 0 : i32
      %dma_wait3A_2548 = tpu.memref_slice %arg18[%dma_wait3A_2545, %dma_wait3A_2546, %dma_wait3A_2547] : memref<2x128x128xf32, #tpu.memory_space<vmem>> -> memref<1x128x128xf32, #tpu.memory_space<vmem>>
      %dma_wait3A_2549 = tpu.memref_squeeze %dma_wait3A_2548 : memref<1x128x128xf32, #tpu.memory_space<vmem>> -> memref<128x128xf32, #tpu.memory_space<vmem>>
      %dma_wait3A_2550 = tpu.memref_slice %arg12[%mul3A_2544] : memref<6400xi32, #tpu.memory_space<vmem>> -> memref<128xi32, #tpu.memory_space<vmem>>
      %dma_wait3A_2551 = arith.constant 0 : i32
      %dma_wait3A_2552 = arith.constant 0 : i32
      %dma_wait3A_2553 = tpu.memref_slice %arg19[%dma_wait3A_2551, %dma_wait3A_2552] : memref<544x128xf32, #tpu.memory_space<vmem_shared>> -> memref<544x128xf32, #tpu.memory_space<vmem_shared>>
      tpu.wait_indirect_dma semaphore(%arg22 : memref<!tpu.dma_semaphore, #tpu.memory_space<semaphore_mem>>) src(%dma_wait3A_2553 : memref<544x128xf32, #tpu.memory_space<vmem_shared>>) dst(%dma_wait3A_2549 : memref<128x128xf32, #tpu.memory_space<vmem>>)
      %sub3A_2554 = arith.constant 1 : i32
      %sub3A_2555 = arith.subi %add3A_2518, %sub3A_2554 : i32
      %mul3A_2556 = arith.constant 128 : i32
      %mul3A_2557 = arith.muli %sub3A_2555, %mul3A_2556 : i32
      %add3A_2558 = arith.addi %mul3A_2, %mul3A_2557 : i32
      %dma_start3A_2559 = arith.constant 0 : i32
      %dma_start3A_2560 = arith.constant 0 : i32
      %dma_start3A_2561 = arith.constant 0 : i32
      %dma_start3A_2562 = tpu.memref_slice %arg18[%dma_start3A_2559, %dma_start3A_2560, %dma_start3A_2561] : memref<2x128x128xf32, #tpu.memory_space<vmem>> -> memref<1x128x128xf32, #tpu.memory_space<vmem>>
      %dma_start3A_2563 = tpu.memref_squeeze %dma_start3A_2562 : memref<1x128x128xf32, #tpu.memory_space<vmem>> -> memref<128x128xf32, #tpu.memory_space<vmem>>
      %dma_start3A_2564 = arith.constant 0 : i32
      %dma_start3A_2565 = tpu.memref_slice %arg10[%add3A_2558, %dma_start3A_2564] : memref<204800x128xf32, #tpu.memory_space<hbm>> -> memref<128x128xf32, #tpu.memory_space<hbm>>
      %dma_start3A_2566 = arith.constant 0 : i32
      %dma_start3A_2567 = tpu.memref_slice %arg10[%add3A_2558, %dma_start3A_2566] : memref<204800x128xf32, #tpu.memory_space<hbm>> -> memref<128x128xf32, #tpu.memory_space<hbm>>
      %dma_start3A_2568 = arith.constant 0 : i32
      %dma_start3A_2569 = arith.constant 0 : i32
      %dma_start3A_2570 = tpu.memref_slice %arg18[%dma_start3A_2559, %dma_start3A_2568, %dma_start3A_2569] : memref<2x128x128xf32, #tpu.memory_space<vmem>> -> memref<1x128x128xf32, #tpu.memory_space<vmem>>
      %dma_start3A_2571 = tpu.memref_squeeze %dma_start3A_2570 : memref<1x128x128xf32, #tpu.memory_space<vmem>> -> memref<128x128xf32, #tpu.memory_space<vmem>>
      tpu.enqueue_dma source(%dma_start3A_2571 : memref<128x128xf32, #tpu.memory_space<vmem>>) target(%dma_start3A_2567 : memref<128x128xf32, #tpu.memory_space<hbm>>) target_semaphore(%arg24 : memref<!tpu.dma_semaphore, #tpu.memory_space<semaphore_mem>>)
    }
    %scan3A_2437 = arith.constant 25 : i32
    %dma_wait3A_2438 = arith.constant 1 : i32
    %dma_wait3A_2439 = arith.constant 0 : i32
    %dma_wait3A_2440 = arith.constant 0 : i32
    %dma_wait3A_2441 = tpu.memref_slice %arg18[%dma_wait3A_2438, %dma_wait3A_2439, %dma_wait3A_2440] : memref<2x128x128xf32, #tpu.memory_space<vmem>> -> memref<1x128x128xf32, #tpu.memory_space<vmem>>
    %dma_wait3A_2442 = tpu.memref_squeeze %dma_wait3A_2441 : memref<1x128x128xf32, #tpu.memory_space<vmem>> -> memref<128x128xf32, #tpu.memory_space<vmem>>
    %dma_wait3A_2443 = arith.constant 6272 : i32
    %dma_wait3A_2444 = tpu.memref_slice %arg12[%dma_wait3A_2443] : memref<6400xi32, #tpu.memory_space<vmem>> -> memref<128xi32, #tpu.memory_space<vmem>>
    %dma_wait3A_2445 = arith.constant 0 : i32
    %dma_wait3A_2446 = arith.constant 0 : i32
    %dma_wait3A_2447 = tpu.memref_slice %arg19[%dma_wait3A_2445, %dma_wait3A_2446] : memref<544x128xf32, #tpu.memory_space<vmem_shared>> -> memref<544x128xf32, #tpu.memory_space<vmem_shared>>
    tpu.wait_indirect_dma semaphore(%arg23 : memref<!tpu.dma_semaphore, #tpu.memory_space<semaphore_mem>>) src(%dma_wait3A_2447 : memref<544x128xf32, #tpu.memory_space<vmem_shared>>) dst(%dma_wait3A_2442 : memref<128x128xf32, #tpu.memory_space<vmem>>)
    %add3A_2448 = arith.constant 6272 : i32
    %add3A_2449 = arith.addi %mul3A_2, %add3A_2448 : i32
    %dma_start3A_2450 = arith.constant 1 : i32
    %dma_start3A_2451 = arith.constant 0 : i32
    %dma_start3A_2452 = arith.constant 0 : i32
    %dma_start3A_2453 = tpu.memref_slice %arg18[%dma_start3A_2450, %dma_start3A_2451, %dma_start3A_2452] : memref<2x128x128xf32, #tpu.memory_space<vmem>> -> memref<1x128x128xf32, #tpu.memory_space<vmem>>
    %dma_start3A_2454 = tpu.memref_squeeze %dma_start3A_2453 : memref<1x128x128xf32, #tpu.memory_space<vmem>> -> memref<128x128xf32, #tpu.memory_space<vmem>>
    %dma_start3A_2455 = arith.constant 0 : i32
    %dma_start3A_2456 = tpu.memref_slice %arg10[%add3A_2449, %dma_start3A_2455] : memref<204800x128xf32, #tpu.memory_space<hbm>> -> memref<128x128xf32, #tpu.memory_space<hbm>>
    %dma_start3A_2457 = arith.constant 0 : i32
    %dma_start3A_2458 = tpu.memref_slice %arg10[%add3A_2449, %dma_start3A_2457] : memref<204800x128xf32, #tpu.memory_space<hbm>> -> memref<128x128xf32, #tpu.memory_space<hbm>>
    %dma_start3A_2459 = arith.constant 0 : i32
    %dma_start3A_2460 = arith.constant 0 : i32
    %dma_start3A_2461 = tpu.memref_slice %arg18[%dma_start3A_2450, %dma_start3A_2459, %dma_start3A_2460] : memref<2x128x128xf32, #tpu.memory_space<vmem>> -> memref<1x128x128xf32, #tpu.memory_space<vmem>>
    %dma_start3A_2462 = tpu.memref_squeeze %dma_start3A_2461 : memref<1x128x128xf32, #tpu.memory_space<vmem>> -> memref<128x128xf32, #tpu.memory_space<vmem>>
    tpu.enqueue_dma source(%dma_start3A_2462 : memref<128x128xf32, #tpu.memory_space<vmem>>) target(%dma_start3A_2458 : memref<128x128xf32, #tpu.memory_space<hbm>>) target_semaphore(%arg25 : memref<!tpu.dma_semaphore, #tpu.memory_space<semaphore_mem>>)
    %add3A_2463 = arith.constant 0 : i32
    %add3A_2464 = arith.addi %mul3A_2, %add3A_2463 : i32
    %dma_wait3A_2465 = arith.constant 0 : i32
    %dma_wait3A_2466 = arith.constant 0 : i32
    %dma_wait3A_2467 = arith.constant 0 : i32
    %dma_wait3A_2468 = tpu.memref_slice %arg18[%dma_wait3A_2465, %dma_wait3A_2466, %dma_wait3A_2467] : memref<2x128x128xf32, #tpu.memory_space<vmem>> -> memref<1x128x128xf32, #tpu.memory_space<vmem>>
    %dma_wait3A_2469 = tpu.memref_squeeze %dma_wait3A_2468 : memref<1x128x128xf32, #tpu.memory_space<vmem>> -> memref<128x128xf32, #tpu.memory_space<vmem>>
    %dma_wait3A_2470 = arith.constant 0 : i32
    %dma_wait3A_2471 = tpu.memref_slice %arg10[%add3A_2464, %dma_wait3A_2470] : memref<204800x128xf32, #tpu.memory_space<hbm>> -> memref<128x128xf32, #tpu.memory_space<hbm>>
    %dma_wait3A_2472 = arith.constant 0 : i32
    %dma_wait3A_2473 = tpu.memref_slice %arg10[%add3A_2464, %dma_wait3A_2472] : memref<204800x128xf32, #tpu.memory_space<hbm>> -> memref<128x128xf32, #tpu.memory_space<hbm>>
    %dma_wait3A_2474 = arith.constant 0 : i32
    %dma_wait3A_2475 = arith.constant 0 : i32
    %dma_wait3A_2476 = tpu.memref_slice %arg18[%dma_wait3A_2465, %dma_wait3A_2474, %dma_wait3A_2475] : memref<2x128x128xf32, #tpu.memory_space<vmem>> -> memref<1x128x128xf32, #tpu.memory_space<vmem>>
    %dma_wait3A_2477 = tpu.memref_squeeze %dma_wait3A_2476 : memref<1x128x128xf32, #tpu.memory_space<vmem>> -> memref<128x128xf32, #tpu.memory_space<vmem>>
    tpu.wait_dma2 semaphore(%arg24 : memref<!tpu.dma_semaphore, #tpu.memory_space<semaphore_mem>>) src(%dma_wait3A_2477 : memref<128x128xf32, #tpu.memory_space<vmem>>) dst(%dma_wait3A_2473 : memref<128x128xf32, #tpu.memory_space<hbm>>)
    %add3A_2478 = arith.constant 0 : i32
    %add3A_2479 = arith.addi %mul3A_2, %add3A_2478 : i32
    %dma_wait3A_2480 = arith.constant 1 : i32
    %dma_wait3A_2481 = arith.constant 0 : i32
    %dma_wait3A_2482 = arith.constant 0 : i32
    %dma_wait3A_2483 = tpu.memref_slice %arg18[%dma_wait3A_2480, %dma_wait3A_2481, %dma_wait3A_2482] : memref<2x128x128xf32, #tpu.memory_space<vmem>> -> memref<1x128x128xf32, #tpu.memory_space<vmem>>
    %dma_wait3A_2484 = tpu.memref_squeeze %dma_wait3A_2483 : memref<1x128x128xf32, #tpu.memory_space<vmem>> -> memref<128x128xf32, #tpu.memory_space<vmem>>
    %dma_wait3A_2485 = arith.constant 0 : i32
    %dma_wait3A_2486 = tpu.memref_slice %arg10[%add3A_2479, %dma_wait3A_2485] : memref<204800x128xf32, #tpu.memory_space<hbm>> -> memref<128x128xf32, #tpu.memory_space<hbm>>
    %dma_wait3A_2487 = arith.constant 0 : i32
    %dma_wait3A_2488 = tpu.memref_slice %arg10[%add3A_2479, %dma_wait3A_2487] : memref<204800x128xf32, #tpu.memory_space<hbm>> -> memref<128x128xf32, #tpu.memory_space<hbm>>
    %dma_wait3A_2489 = arith.constant 0 : i32
    %dma_wait3A_2490 = arith.constant 0 : i32
    %dma_wait3A_2491 = tpu.memref_slice %arg18[%dma_wait3A_2480, %dma_wait3A_2489, %dma_wait3A_2490] : memref<2x128x128xf32, #tpu.memory_space<vmem>> -> memref<1x128x128xf32, #tpu.memory_space<vmem>>
    %dma_wait3A_2492 = tpu.memref_squeeze %dma_wait3A_2491 : memref<1x128x128xf32, #tpu.memory_space<vmem>> -> memref<128x128xf32, #tpu.memory_space<vmem>>
    tpu.wait_dma2 semaphore(%arg25 : memref<!tpu.dma_semaphore, #tpu.memory_space<semaphore_mem>>) src(%dma_wait3A_2492 : memref<128x128xf32, #tpu.memory_space<vmem>>) dst(%dma_wait3A_2488 : memref<128x128xf32, #tpu.memory_space<hbm>>)
    return
  }
}

</mosaic_0001>

<sc_bundles>
// kernel: kernel.3.cloned.1.call-start
scs
__scs_entry_jumppad:
0x0: {  	(pc) =	sbr.rel $0x88, $3  }
0x1: {  	(tag) =	ssettag $0x0;
	lr =	simm.s32 $0x1  }
0x2: {  	[smem:$0x3F99] =	sst lr;
	_ =	strace $0xD0000000  }
0x3: {  	_ = 	snop  }
0x4: {  	_ = 	snop  }
0x5: {  	_ = 	snop  }
0x6: {  	_ = 	snop  }
0x7: {  	_ = 	snop  }
__scs_overlays_trampoline_lowered:
0x8: {  	[smem:$0x3FA8] =	sst s0  }
0x9: {  	[smem:$0x3FA9] =	sst s1  }
0xa: {  	[smem:$0x3FAA] =	sst s2  }
0xb: {  	[smem:$0x3FAB] =	sst s3  }
0xc: {  	[smem:$0x3FAC] =	sst s4  }
0xd: {  	[smem:$0x3FAD] =	sst s5  }
0xe: {  	[smem:$0x3FAE] =	sst s6  }
0xf: {  	[smem:$0x3FAF] =	sst s7  }
0x10: {  	[smem:$0x3FB0] =	sst s8  }
0x11: {  	[smem:$0x3FB1] =	sst s9;
	s0 =	simm.s32 @!p0 $0x0  }
0x12: {  	s1 =	sld [smem:$0x3F97];
	s0 =	simm.s32 @p0 $0x1  }
0x13: {  	[smem:$0x3FB2] =	sst s0;
	s0 =	simm.s32 @!p1 $0x0  }
0x14: {  	s2 =	sld [smem:$0x3F96];
	s0 =	simm.s32 @p1 $0x1  }
0x15: {  	[smem:$0x3FB3] =	sst s0;
	s0 =	simm.s32 @!p2 $0x0  }
0x16: {  	s3 =	sld [smem:$0x3FDB];
	s0 =	simm.s32 @p2 $0x1  }
0x17: {  	s4 =	simm.s32 $0x1BF5;
	[smem:$0x3FB5] =	sst s0  }
0x18: {  	s0 =	sld [smem:$0x3F98];
	_ =	swait.ge [sflag:s4], $0x0  }
0x19: {  	s7 =	sld [smem:$0x3F99]  }
0x1a: {  	s8 =	sadd.s32 $0xFFFFE003, lr  }
0x1b: {  	s9 =	sadd.s32 $0xFFFFFEF7, lr;
	s5 =	simm.s32 $0xFFFFFFFF;
	p2 =	slt.u32 s8, $0xFFFFF086  }
0x1c: {  	p1 =	slt.u32 s9, $0xF7A;
	s5 =	simm.s32 @!p2 $0x0  }
0x1d: {  	s5 =	simm.s32 @p1 $0x1;
	p0 =	seq.s32 s7, s2  }
0x1e: {  	s7 =	smul.u32 @!p0 $0xF7A, s2;
	p2 =	seq.s32 @!p0 s5, $0x0  }
0x1f: {  	s9 =	smul.u32 $0xF7A, s1;
	s8 =	simm.s32 @!p0 $0x1BF5;
	p2 =	por !p2, p0  }
0x20: {  	[sflag:s8] =	ssyncset.s32 @!p0 $0xFFFFF086;
	s6 =	sadd.s32 @!p0 s3, s7;
	s7 =	simm.s32 @!p0 $0x108  }
0x21: {  	s3 =	sadd.s32 s3, s9;
	s6 =	sadd.s32 @!p0 $0x88, s6;
	s7 =	simm.s32 @p2 $0x1082  }
0x22: {  	[simem:s7], [sflag:s8] =	dma.local @!p0 [hbm:s6], $0xF7A  }
0x23: {  	s9 =	sor.u32 $0xD0000000, s2;
	s6 =	simm.s32 $0x108;
	_ =	swait.ge @!p0 [sflag:s8], $0x0  }
0x24: {  	s3 =	sadd.s32 $0x88, s3;
	s6 =	simm.s32 @!p1 $0x1082;
	[sflag:s4] =	ssyncset.s32 $0xFFFFF086  }
0x25: {  	[simem:s6], [sflag:s4] =	dma.local [hbm:s3], $0xF7A  }
0x26: {  	[smem:$0x3F99] =	sst s1;
	(tag) =	ssettag s2;
	_ =	strace s9  }
0x27: {  	s1 =	sld [smem:$0x3FA9]  }
0x28: {  	s2 =	sld [smem:$0x3FAA]  }
0x29: {  	s4 =	sld [smem:$0x3FAC]  }
0x2a: {  	p0 =	seq.s32 s5, $0x0;
	s5 =	sld [smem:$0x3FAD]  }
0x2b: {  	s6 =	sld [smem:$0x3FAE]  }
0x2c: {  	s7 =	sld [smem:$0x3FAF]  }
0x2d: {  	s3 =	simm.s32 $0x108;
	s8 =	sld [smem:$0x3FB0]  }
0x2e: {  	s3 =	simm.s32 @!p0 $0x1082;
	s9 =	sld [smem:$0x3FB1]  }
0x2f: {  	lr =	sadd.s32 s0, s3;
	s0 =	sld [smem:$0x3FA8]  }
0x30: {  	s3 =	sld [smem:$0x3FAB]  }
0x31: {  	[smem:$0x3FB4] =	sst s10  }
0x32: {  	s10 =	sld [smem:$0x3FB2];
	_ =	sdelay $0x3  }
0x33: {  	p0 =	seq.s32 s10, $0x1;
	s10 =	sld [smem:$0x3FB4];
	_ =	sdelay $0x3  }
0x34: {  	[smem:$0x3FB4] =	sst s10  }
0x35: {  	s10 =	sld [smem:$0x3FB3];
	_ =	sdelay $0x3  }
0x36: {  	p1 =	seq.s32 s10, $0x1;
	s10 =	sld [smem:$0x3FB4];
	_ =	sdelay $0x3  }
0x37: {  	[smem:$0x3FB4] =	sst s10  }
0x38: {  	s10 =	sld [smem:$0x3FB5]  }
0x39: {  	_ = 	snop;
	(pc) =	sbr.ind lr, $3  }
0x3a: {  	_ = 	snop  }
0x3b: {  	_ = 	snop  }
0x3c: {  	p2 =	seq.s32 s10, $0x1;
	s10 =	sld [smem:$0x3FB4]  }
0x3d: {  	_ =	shalt  }
0x3e: {  	_ =	shalt  }
0x3f: {  	_ =	shalt  }
0x40: {  	_ =	shalt  }
0x41: {  	_ =	shalt  }
0x42: {  	_ =	shalt  }
0x43: {  	_ =	shalt  }
0x44: {  	_ =	shalt  }
0x45: {  	_ =	shalt  }
0x46: {  	_ =	shalt  }
0x47: {  	_ =	shalt  }
0x48: {  	_ =	shalt  }
0x49: {  	_ =	shalt  }
0x4a: {  	_ =	shalt  }
0x4b: {  	_ =	shalt  }
0x4c: {  	_ =	shalt  }
0x4d: {  	_ =	shalt  }
0x4e: {  	_ =	shalt  }
0x4f: {  	_ =	shalt  }
0x50: {  	_ =	shalt  }
0x51: {  	_ =	shalt  }
0x52: {  	_ =	shalt  }
0x53: {  	_ =	shalt  }
0x54: {  	_ =	shalt  }
0x55: {  	_ =	shalt  }
0x56: {  	_ =	shalt  }
0x57: {  	_ =	shalt  }
0x58: {  	_ =	shalt  }
0x59: {  	_ =	shalt  }
0x5a: {  	_ =	shalt  }
0x5b: {  	_ =	shalt  }
0x5c: {  	_ =	shalt  }
0x5d: {  	_ =	shalt  }
0x5e: {  	_ =	shalt  }
0x5f: {  	_ =	shalt  }
0x60: {  	_ =	shalt  }
0x61: {  	_ =	shalt  }
0x62: {  	_ =	shalt  }
0x63: {  	_ =	shalt  }
0x64: {  	_ =	shalt  }
0x65: {  	_ =	shalt  }
0x66: {  	_ =	shalt  }
0x67: {  	_ =	shalt  }
0x68: {  	_ =	shalt  }
0x69: {  	_ =	shalt  }
0x6a: {  	_ =	shalt  }
0x6b: {  	_ =	shalt  }
0x6c: {  	_ =	shalt  }
0x6d: {  	_ =	shalt  }
0x6e: {  	_ =	shalt  }
0x6f: {  	_ =	shalt  }
0x70: {  	_ =	shalt  }
0x71: {  	_ =	shalt  }
0x72: {  	_ =	shalt  }
0x73: {  	_ =	shalt  }
0x74: {  	_ =	shalt  }
0x75: {  	_ =	shalt  }
0x76: {  	_ =	shalt  }
0x77: {  	_ =	shalt  }
0x78: {  	_ =	shalt  }
0x79: {  	_ =	shalt  }
0x7a: {  	_ =	shalt  }
0x7b: {  	_ =	shalt  }
0x7c: {  	_ =	shalt  }
0x7d: {  	_ =	shalt  }
0x7e: {  	_ =	shalt  }
0x7f: {  	_ =	shalt  }
0x80: {  	_ =	shalt  }
0x81: {  	_ =	shalt  }
0x82: {  	_ =	shalt  }
0x83: {  	_ =	shalt  }
0x84: {  	_ =	shalt  }
0x85: {  	_ =	shalt  }
0x86: {  	_ =	shalt  }
0x87: {  	_ =	shalt  }
.Lfunc_end0:
.L_simem_size_0:
called_computation_lowered:
.L_overlay_start_0:
0x88: {  	s2 =	sld [smem:$0x3FD9]  }
0x89: {  	s3 =	sld [smem:$0x3FFE];
	_ =	sdelay $0x1  }
0x8a: {  	s1 =	srdreg.scid  }
0x8b: {  	s0 =	sand.u32 $0x1, s1  }
0x8c: {  	s17 =	sshll.u32 s0, $0xA;
	s2 =	sadd.s32 s3, s2  }
0x8d: {  	s2 =	sadd.s32 s2, s17  }
0x8e: {  	[smem:$0x3FC0] =	sst s2  }
0x8f: {  	_ = 	snop  }
0x90: {  	s2 =	sld [smem:$0x3FC5]  }
0x91: {  	s18 =	sld [smem:$0x3FC4]  }
0x92: {  	s4 =	sld [smem:$0x3FC3]  }
0x93: {  	s5 =	sld [smem:$0x3FC2]  }
0x94: {  	s6 =	sld [smem:$0x3FD0];
	(tm) =	ssettm $0x1  }
0x95: {  	s7 =	sld [smem:$0x3FFB];
	_ =	sdelay $0x3  }
0x96: {  	_ =	strace s7  }
0x97: {  	s7 =	sld [smem:$0x3FFC];
	_ =	sdelay $0x3  }
0x98: {  	_ =	strace s7  }
0x99: {  	s7 =	sld [smem:$0x3FFD];
	_ =	sdelay $0x3  }
0x9a: {  	_ =	strace s7  }
0x9b: {  	_ =	strace $0x8FFFFFFF  }
0x9c: {  	s19 =	sld [smem:$0x3FDB];
	_ =	sdelay $0x1  }
0x9d: {  	s8 =	simm.s32 $_scs_section_size  }
0x9e: {  	s9 =	simm.s32 $_size__tile_overlayer_lowered;
	s10 =	simm.s32 $_tile_overlayer_lowered  }
0x9f: {  	s22 =	simm.s32 $0x1BFF;
	s21 =	sshll.u32 s10, $0x1;
	s7 =	sadd.s32 s8, s19  }
0xa0: {  	s11 =	simm.s32 $0x0;
	s20 =	sshll.u32 s9, $0x1;
	s9 =	sadd.s32 s21, s7  }
0xa1: {  	[timem:s11], [sflag:s22] =	dma.local [hbm:s9], s20  }
0xa2: {  	_ =	swait.ge [sflag:s22], s20  }
0xa3: {  	s8 =	ssub.s32 $0x0, s20;
	[sflag:s22] =	ssyncset.done $0x0  }
0xa4: {  	[sflag:s22] =	ssyncadd.s32 s8;
	_ =	sdelay $0x1  }
0xa5: {  	s23 =	simm.s32 $0x1B8B  }
0xa6: {  	_ =	swait.ge [sflag:s23], $0x1  }
0xa7: {  	[sflag:s23] =	ssyncset.done $0x0  }
0xa8: {  	s25 =	simm.s32 $0x1B8E;
	s24 =	sld [smem:$0x3FFE];
	[sflag:s23] =	ssyncadd.s32 $0xFFFFFFFF  }
0xa9: {  	s26 =	simm.s32 $execute0_lowered;
	[smem:$0x3FD2] =	sst s25  }
0xaa: {  	s9 =	sshll.u32 s26, $0x1;
	_ =	strace $0x80000046;
	[dreg:$0x1] =	wrdreg $0xFFFFFFFF  }
0xab: {  	s28 =	simm.s32 $_size_execute0_lowered;
	s7 =	sadd.s32 s7, s9;
	[dreg:$0x0] =	wrdreg $0x0  }
0xac: {  	s9 =	sshll.u32 s28, $0x1;
	[dreg:$0x2] =	wrdreg s7  }
0xad: {  	[dreg:$0x3] =	wrdreg s9  }
0xae: {  	[dreg:$0x4] =	wrdreg $0xC0  }
0xaf: {  	_ =	task [dreg:s11], $0x5FFFF  }
0xb0: {  	[dreg:$0x1] =	wrdreg $0xFFFFFFFF  }
0xb1: {  	[dreg:$0x0] =	wrdreg $0x60  }
0xb2: {  	[dreg:$0x2] =	wrdreg s24  }
0xb3: {  	[dreg:$0x3] =	wrdreg s2  }
0xb4: {  	[dreg:$0x4] =	wrdreg s18  }
0xb5: {  	[dreg:$0x5] =	wrdreg s4  }
0xb6: {  	[dreg:$0x6] =	wrdreg s5  }
0xb7: {  	[dreg:$0x7] =	wrdreg s6  }
0xb8: {  	[dreg:$0x8] =	wrdreg $0x14D000  }
0xb9: {  	[dreg:$0x9] =	wrdreg $0x9  }
0xba: {  	_ =	task.clear_ibuf [dreg:s11], $0xAFFFF;
	_ =	strace $0x90000046  }
0xbb: {  	s29 =	simm.s32 $0x9;
	_ =	strace $0x80000048  }
0xbc: {  	_ =	swait.ge [sflag:s29], $0x1  }
0xbd: {  	[sflag:s29] =	ssyncadd.s32 $0xFFFFFFFF  }
0xbe: {  	_ =	strace $0x90000048  }
0xbf: {  	_ =	sfence  }
0xc0: {  	s30 =	sld [smem:$0x0];
	_ =	sdelay $0x2  }
0xc1: {  	s31 =	sshll.u32 s1, $0xD;
	s1 =	sshrl.u32 s1, $0x2  }
0xc2: {  	s3 =	sand.u32 $0x4000, s31;
	s1 =	sadd.s32 s1, s30  }
0xc3: {  	s0 =	sor.u32 s3, s0;
	s1 =	sshll.u32 s1, $0x11  }
0xc4: {  	s0 =	sor.u32 s1, s0  }
0xc5: {  	s0 =	sadd.s32 $0x8F2B, s0  }
0xc6: {  	[sflag:s0] =	ssyncadd.remote.s32 $0x1  }
0xc7: {  	_ =	sfence.sel $0xFFFF  }
0xc8: {  	[dreg:$0x0] =	wrdreg $0xFFFFFFFF;
	(pc) =	sbr.abs _section_cstart, $3  }
0xc9: {  	[dreg:$0x1] =	wrdreg $0xFFFFFFFF  }
0xca: {  	_ =	task.clear_ibuf [dreg:s11], $0x2FFFF;
	_ =	strace $0x9FFFFFFF  }
0xcb: {  	(tm) =	ssettm $0x7FFFFFFF  }
tec
execute0_lowered:
.L_overlay_start_1:
0x0: {  	(tag) =	ssettag $0x1  }
0x1: {  	s0 =	rddreg [dreg:$0x0]  }
0x2: {  	s1 =	rddreg [dreg:$0x5]  }
0x3: {  	s5 =	rddreg [dreg:$0x6];
	s7 =	simm.s32 $0x0;
	s11 =	stileid.u32  }
0x4: {  	s2 =	srdreg.scid;
	s29 =	simm.s32 $0x7;
	s8 =	smul.u32 $0x22, s11  }
0x5: {  	s30 =	simm.s32 $0x1;
	s31 =	simm.s32 $0x80;
	s10 =	smul.u32 $0x4400, s11  }
0x6: {  	s19 =	simm.s32 $0x5;
	[smem:$0x7FF] =	sst s7;
	s21 =	smul.u32 $0x190000, s11  }
0x7: {  	s2 =	sand.u32 $0x1, s2;
	s3 =	sshll.u32 s11, $0x1;
	s25 =	smul.u32 $0x32000, s11  }
0x8: {  	_ =	strace $0x80000047;
	s3 =	sor.u32 s2, s3;
	s23 =	smul.u32 $0xC8000, s2  }
0x9: {  	s4 =	ssub.s32 $0x2, s2;
	s2 =	smul.u32 $0x19000, s2;
	s6 =	sshll.u32 s3, $0xA  }
0xa: {  	s9 =	sshrl.u32 s4, $0x1;
	s3 =	smul.u32 $0xC8000, s3;
	s24 =	sshrl.u32 s10, $0x2  }
0xb: {  	s28 =	sadd.s32 s25, s1;
	s0 =	sadd.s32 s6, s0;
	s4 =	ssub.s32 s4, s9  }
0xc: {  	s26 =	sadd.s32 s24, s5;
	s2 =	sadd.s32 s2, s28;
	s16 =	sadd.s32 $0xB100, s24  }
0xd: {  	s6 =	sadd.s32 $0x400, s0;
	s20 =	sadd.s32 $0x8400, s0;
	[dreg:$0xc] =	wrdreg s26  }
0xe: {  	s22 =	sadd.s32 $0x10400, s0;
	s0 =	sadd.s32 $0x18400, s0;
	[dreg:$0x8] =	wrdreg s6  }
0xf: {  	s3 =	sshrl.u32 s3, $0x3;
	s4 =	smax.u32 s4, $0x1;
	[dreg:$0x9] =	wrdreg s20  }
0x10: {  	v0 =	vimm.s32 $0xFEDCBA98;
	s9 =	sadd.s32 $0xFFFFF800, s2;
	s26 =	simm.s32 $0x2;
	[dreg:$0xa] =	wrdreg s22  }
0x11: {  	v1 =	vimm.s32 $0x76543210;
	v0 =	vunpack.c.l.s4.s8 v0;
	s2 =	simm.s32 $0x10D00;
	[dreg:$0xb] =	wrdreg s0;
	s3 =	sadd.s32 s1, s3  }
.Ltmp0:
0x12: {  	v1 =	vunpack.c.l.s4.s8 v1;
	s0 =	sadd.s32 s23, s21;
	[dreg:$0xe] =	wrdreg s4;
	(pc) =	sbr.rel .LBB2_1-.Ltmp0, $4  }
0x13: {  	v0 =	vunpack.c.0.s8.s32 v0;
	s6 =	simm.s32 $0xCD00;
	s4 =	simm.s32 $0x4;
	s20 =	simm.s32 $0x6  }
0x14: {  	v1 =	vunpack.c.0.s8.s32 v1;
	s21 =	simm.s32 $0x0;
	s3 =	sadd.s32 $0x18800, s3;
	s0 =	sshrl.u32 s0, $0x3  }
0x15: {  	v0 =	vand.u32 $0xF, v0;
	[dreg:$0xd] =	wrdreg s3;
	s0 =	sadd.s32 s0, s1;
	s1 =	simm.s32 $0x8080  }
0x16: {  	vm0 =	vmmov $0xff;
	v0 =	vcombine.low v0, v1;
	s3 =	simm.s32 $0x3;
	[dreg:$0xf] =	wrdreg s0;
	s0 =	simm.s32 $0x8000  }
.LBB2_12:
0x17: {  	_ =	swait.ge [sflag:s4], $0x4000  }
0x18: {  	[sflag:s4] =	ssyncset.done $0x0  }
0x19: {  	s10 =	rddreg [dreg:$0xd];
	[sflag:s4] =	ssyncadd.s32 $0xFFFFC000  }
0x1a: {  	[hbm4b:s10+s7] =	stream.linear.scatter [tilespmem:s2], [sflag:$0x6], $0x4000, $0x38;
	[tilespmem:$0x15E00] =	vst v63  }
0x1b: {  	_ =	swait.ge [sflag:s19], $0x4000  }
0x1c: {  	[sflag:s19] =	ssyncset.done $0x0  }
0x1d: {  	[sflag:s19] =	ssyncadd.s32 $0xFFFFC000  }
0x1e: {  	_ =	swait.ge [sflag:s20], $0x4000  }
0x1f: {  	s21 =	sadd.s32 $0x1, s21;
	s28 =	rddreg [dreg:$0xe]  }
0x20: {  	p0 =	sne.s32 s21, s28  }
.Ltmp1:
0x21: {  	_ = 	snop;
	(pc) =	sbr.rel @!p0 .LBB2_13-.Ltmp1, $3  }
0x22: {  	_ =	sdelay $0x1  }
0x23: {  	[sflag:s20] =	ssyncset.done $0x0  }
0x24: {  	[sflag:s20] =	ssyncadd.s32 $0xFFFFC000  }
.LBB2_1:
0x25: {  	s10 =	rddreg [dreg:$0x8]  }
0x26: {  	[tilespmem:s7], [sflag:$0x1] =	stream.linear.gather [hbm4b:s10+s7], $0x2000, $0x38;
	[tilespmem:$0x15E00] =	vst v63  }
0x27: {  	s17 =	rddreg [dreg:$0x9];
	s11 =	simm.s32 $0x2000  }
0x28: {  	[tilespmem:s11], [sflag:$0x1] =	stream.linear.gather [hbm4b:s17+s7], $0x2000, $0x38;
	[tilespmem:$0x15E00] =	vst v63  }
0x29: {  	s18 =	rddreg [dreg:$0xa];
	s22 =	simm.s32 $0x4000  }
0x2a: {  	[tilespmem:s22], [sflag:$0x1] =	stream.linear.gather [hbm4b:s18+s7], $0x2000, $0x38;
	[tilespmem:$0x15E00] =	vst v63  }
0x2b: {  	s23 =	rddreg [dreg:$0xb];
	s24 =	simm.s32 $0x6000  }
0x2c: {  	[tilespmem:s24], [sflag:$0x1] =	stream.linear.gather [hbm4b:s23+s7], $0x2000, $0x38;
	[tilespmem:$0x15E00] =	vst v63  }
0x2d: {  	s25 =	rddreg [dreg:$0x1];
	s28 =	simm.s32 $0x9900  }
0x2e: {  	[tilespmem:s28], [sflag:$0x2] =	stream.linear.gather [hbm4b:s25+s7], $0x180, $0x38;
	[tilespmem:$0x15E00] =	vst v63  }
0x2f: {  	s12 =	rddreg [dreg:$0x2];
	s13 =	simm.s32 $0xA100  }
0x30: {  	[tilespmem:s13], [sflag:$0x2] =	stream.linear.gather [hbm4b:s12+s7], $0x200, $0x38;
	[tilespmem:$0x15E00] =	vst v63  }
0x31: {  	s14 =	rddreg [dreg:$0x3];
	s15 =	simm.s32 $0xA900  }
0x32: {  	[tilespmem:s15], [sflag:$0x2] =	stream.linear.gather [hbm4b:s14+s7], $0x480, $0x38;
	[tilespmem:$0x15E00] =	vst v63  }
0x33: {  	s17 =	rddreg [dreg:$0x4];
	s18 =	simm.s32 $0xB100  }
0x34: {  	[tilespmem:s18], [sflag:$0x2] =	stream.linear.gather [hbm4b:s17+s7], $0x280, $0x38;
	[tilespmem:$0x15E00] =	vst v63  }
0x35: {  	_ =	swait.ge [sflag:s26], $0x180  }
0x36: {  	s22 =	sadd.s32 $0x0, s8;
	[sflag:s26] =	ssyncset.done $0x0  }
0x37: {  	s11 =	sshrl.u32 s22, $0x2;
	[sflag:s26] =	ssyncadd.s32 $0xFFFFFE80  }
0x38: {  	s11 =	smulhi.u32 $0x16C16C17, s11;
	_ =	swait.ge [sflag:s26], $0x200  }
0x39: {  	s12 =	smulhi.u32 $0xCCCCCCCD, s22;
	[sflag:s26] =	ssyncset.done $0x0  }
0x3a: {  	s13 =	smulhi.u32 $0x6C16C16D, s22;
	[sflag:s26] =	ssyncadd.s32 $0xFFFFFE00  }
0x3b: {  	s24 =	smulhi.u32 $0xCCCCCCCD, s8;
	_ =	swait.ge [sflag:s26], $0x480  }
0x3c: {  	s23 =	ssub.s32 s22, s13;
	s17 =	sshrl.u32 s12, $0x2;
	[sflag:s26] =	ssyncset.done $0x0  }
0x3d: {  	s12 =	sshrl.u32 s23, $0x1;
	s18 =	smulhi.u32 $0x38E38E39, s17;
	[sflag:s26] =	ssyncadd.s32 $0xFFFFFB80  }
0x3e: {  	s22 =	sshll.u32 s11, $0x5;
	s12 =	sadd.s32 s13, s12;
	_ =	swait.ge [sflag:s26], $0x280  }
0x3f: {  	s12 =	sshll.u32 s12, $0x2;
	s18 =	sshrl.u32 s18, $0x1;
	[sflag:s26] =	ssyncset.done $0x0  }
0x40: {  	s25 =	sand.u32 $0x180, s12;
	s18 =	smul.u32 $0x9, s18;
	[sflag:s26] =	ssyncadd.s32 $0xFFFFFD80  }
0x41: {  	s28 =	sand.u32 $0x3FFFFF80, s22;
	s13 =	sshrl.u32 s24, $0x2;
	v1 =	vld [tilespmem:s25+$0xA100]  }
0x42: {  	s13 =	smul.u32 $0xFFFFF600, s13;
	s17 =	ssub.s32 s17, s18;
	v2 =	vld [tilespmem:s28+$0x9900]  }
0x43: {  	s18 =	sshll.u32 s17, $0x7  }
0x44: {  	s13 =	sshra.s32 s13, $0x2;
	v3 =	vld [tilespmem:s18+$0xA900]  }
0x45: {  	s13 =	sadd.s32 s13, s16  }
0x46: {  	v4 =	vld [tilespmem:s13+$0x0]  }
0x47: {  	v1 =	vadd.f32 v1, v2;
	_ =	sdelay $0x1  }
0x48: {  	v1 =	vadd.f32 v3, v1;
	_ =	sdelay $0x1  }
0x49: {  	v1 =	vadd.f32 v4, v1  }
0x4a: {  	s17 =	simm.s32 $0xB940  }
0x4b: {  	[tilespmem:s17+$0xFFFFFFC0] =	vst v1  }
0x4c: {  	v1 =	vld [tilespmem:s28+$0x9910]  }
0x4d: {  	v2 =	vld [tilespmem:s25+$0xA110];
	_ =	sdelay $0x1  }
0x4e: {  	v3 =	vld [tilespmem:s18+$0xA910];
	_ =	sdelay $0x1  }
0x4f: {  	v4 =	vld [tilespmem:s13+$0x10]  }
0x50: {  	v1 =	vadd.f32 v2, v1;
	_ =	sdelay $0x1  }
0x51: {  	v1 =	vadd.f32 v3, v1;
	_ =	sdelay $0x1  }
0x52: {  	v1 =	vadd.f32 v4, v1;
	_ =	sdelay $0x1  }
0x53: {  	[tilespmem:s17+$0xFFFFFFD0] =	vst v1  }
0x54: {  	v1 =	vld [tilespmem:s28+$0x9920]  }
0x55: {  	v2 =	vld [tilespmem:s25+$0xA120];
	_ =	sdelay $0x1  }
0x56: {  	v3 =	vld [tilespmem:s18+$0xA920];
	_ =	sdelay $0x1  }
0x57: {  	v4 =	vld [tilespmem:s13+$0x20]  }
0x58: {  	v1 =	vadd.f32 v2, v1;
	_ =	sdelay $0x1  }
0x59: {  	v1 =	vadd.f32 v3, v1;
	_ =	sdelay $0x1  }
0x5a: {  	v1 =	vadd.f32 v4, v1;
	_ =	sdelay $0x1  }
0x5b: {  	[tilespmem:s17+$0xFFFFFFE0] =	vst v1  }
0x5c: {  	v1 =	vld [tilespmem:s28+$0x9930]  }
0x5d: {  	v2 =	vld [tilespmem:s25+$0xA130];
	_ =	sdelay $0x1  }
0x5e: {  	v3 =	vld [tilespmem:s18+$0xA930];
	_ =	sdelay $0x1  }
0x5f: {  	v4 =	vld [tilespmem:s13+$0x30]  }
0x60: {  	v1 =	vadd.f32 v2, v1;
	_ =	sdelay $0x1  }
0x61: {  	v1 =	vadd.f32 v3, v1;
	_ =	sdelay $0x1  }
0x62: {  	v1 =	vadd.f32 v4, v1;
	_ =	sdelay $0x1  }
0x63: {  	[tilespmem:s17+$0xFFFFFFF0] =	vst v1  }
0x64: {  	v1 =	vld [tilespmem:s28+$0x9940]  }
0x65: {  	v2 =	vld [tilespmem:s25+$0xA140];
	_ =	sdelay $0x1  }
0x66: {  	v3 =	vld [tilespmem:s18+$0xA940];
	_ =	sdelay $0x1  }
0x67: {  	v4 =	vld [tilespmem:s13+$0x40]  }
0x68: {  	v1 =	vadd.f32 v2, v1;
	_ =	sdelay $0x1  }
0x69: {  	v1 =	vadd.f32 v3, v1;
	_ =	sdelay $0x1  }
0x6a: {  	v1 =	vadd.f32 v4, v1;
	_ =	sdelay $0x1  }
0x6b: {  	[tilespmem:s17+$0x0] =	vst v1  }
0x6c: {  	v1 =	vld [tilespmem:s28+$0x9950]  }
0x6d: {  	v2 =	vld [tilespmem:s25+$0xA150];
	_ =	sdelay $0x1  }
0x6e: {  	v3 =	vld [tilespmem:s18+$0xA950];
	_ =	sdelay $0x1  }
0x6f: {  	v4 =	vld [tilespmem:s13+$0x50]  }
0x70: {  	v1 =	vadd.f32 v2, v1;
	_ =	sdelay $0x1  }
0x71: {  	v1 =	vadd.f32 v3, v1;
	_ =	sdelay $0x1  }
0x72: {  	v1 =	vadd.f32 v4, v1;
	_ =	sdelay $0x1  }
0x73: {  	[tilespmem:s17+$0x10] =	vst v1  }
0x74: {  	v1 =	vld [tilespmem:s28+$0x9960]  }
0x75: {  	v2 =	vld [tilespmem:s25+$0xA160];
	_ =	sdelay $0x1  }
0x76: {  	v3 =	vld [tilespmem:s18+$0xA960];
	_ =	sdelay $0x1  }
0x77: {  	v4 =	vld [tilespmem:s13+$0x60]  }
0x78: {  	v1 =	vadd.f32 v2, v1;
	_ =	sdelay $0x1  }
0x79: {  	v1 =	vadd.f32 v3, v1;
	_ =	sdelay $0x1  }
0x7a: {  	v1 =	vadd.f32 v4, v1;
	_ =	sdelay $0x1  }
0x7b: {  	[tilespmem:s17+$0x20] =	vst v1  }
0x7c: {  	v3 =	vld [tilespmem:s28+$0x9970]  }
0x7d: {  	v4 =	vld [tilespmem:s25+$0xA170]  }
0x7e: {  	s11 =	simm.s32 $0xB9C0;
	s22 =	sadd.s32 $0x1, s8;
	v2 =	vld [tilespmem:s18+$0xA970]  }
0x7f: {  	s23 =	simm.s32 $0x1;
	s12 =	simm.s32 $0x2;
	v1 =	vld [tilespmem:s13+$0x70];
	s18 =	smov.u32 s16  }
.LBB2_2:
0x80: {  	s13 =	sadd.s32 s23, s8  }
0x81: {  	s18 =	sadd.s32 $0x80, s18;
	s23 =	smov.u32 s12;
	s24 =	sadd.s32 $0x1, s12  }
0x82: {  	p0 =	sne.s32 s12, $0x21;
	s12 =	sshrl.u32 s13, $0x2;
	s25 =	smulhi.u32 $0xCCCCCCCD, s13  }
0x83: {  	s28 =	smulhi.u32 $0x6C16C16D, s13;
	v3 =	vadd.f32 v4, v3  }
0x84: {  	s12 =	smulhi.u32 $0x16C16C17, s12;
	s14 =	sshrl.u32 s25, $0x2  }
0x85: {  	s13 =	ssub.s32 s13, s28;
	s25 =	smulhi.u32 $0x38E38E39, s14;
	v2 =	vadd.f32 v2, v3  }
0x86: {  	s13 =	sshrl.u32 s13, $0x1;
	s12 =	sshll.u32 s12, $0x5  }
0x87: {  	s15 =	smulhi.u32 $0xCCCCCCCD, s22;
	s13 =	sadd.s32 s28, s13;
	s25 =	sshrl.u32 s25, $0x1;
	v1 =	vadd.f32 v1, v2  }
0x88: {  	s10 =	smul.u32 $0x9, s25;
	s25 =	sand.u32 $0x3FFFFF80, s12;
	s12 =	sshll.u32 s13, $0x2  }
0x89: {  	s13 =	sshrl.u32 s15, $0x2;
	s28 =	sand.u32 $0x180, s12;
	[tilespmem:s17+$0x30] =	vst v1;
	s17 =	smov.u32 s11  }
0x8a: {  	s13 =	smul.u32 $0xFFFFF600, s13;
	s10 =	ssub.s32 s14, s10;
	v1 =	vld [tilespmem:s28+$0xA100]  }
0x8b: {  	v2 =	vld [tilespmem:s25+$0x9900];
	s12 =	sshll.u32 s10, $0x7  }
0x8c: {  	s10 =	sshra.s32 s13, $0x2;
	v3 =	vld [tilespmem:s12+$0xA900];
	_ =	sdelay $0x1  }
0x8d: {  	s13 =	sadd.s32 s10, s18  }
0x8e: {  	v4 =	vld [tilespmem:s13+$0x0]  }
0x8f: {  	v1 =	vadd.f32 v1, v2;
	_ =	sdelay $0x1  }
0x90: {  	v1 =	vadd.f32 v3, v1;
	_ =	sdelay $0x1  }
0x91: {  	v1 =	vadd.f32 v4, v1;
	_ =	sdelay $0x1  }
0x92: {  	[tilespmem:s11+$0xFFFFFFC0] =	vst v1  }
0x93: {  	v1 =	vld [tilespmem:s25+$0x9910]  }
0x94: {  	v2 =	vld [tilespmem:s28+$0xA110];
	_ =	sdelay $0x1  }
0x95: {  	v3 =	vld [tilespmem:s12+$0xA910];
	_ =	sdelay $0x1  }
0x96: {  	v4 =	vld [tilespmem:s13+$0x10]  }
0x97: {  	v1 =	vadd.f32 v2, v1;
	_ =	sdelay $0x1  }
0x98: {  	v1 =	vadd.f32 v3, v1;
	_ =	sdelay $0x1  }
0x99: {  	v1 =	vadd.f32 v4, v1;
	_ =	sdelay $0x1  }
0x9a: {  	[tilespmem:s11+$0xFFFFFFD0] =	vst v1  }
0x9b: {  	v1 =	vld [tilespmem:s25+$0x9920]  }
0x9c: {  	v2 =	vld [tilespmem:s28+$0xA120];
	_ =	sdelay $0x1  }
0x9d: {  	v3 =	vld [tilespmem:s12+$0xA920];
	_ =	sdelay $0x1  }
0x9e: {  	v4 =	vld [tilespmem:s13+$0x20]  }
0x9f: {  	v1 =	vadd.f32 v2, v1;
	_ =	sdelay $0x1  }
0xa0: {  	v1 =	vadd.f32 v3, v1;
	_ =	sdelay $0x1  }
0xa1: {  	v1 =	vadd.f32 v4, v1;
	_ =	sdelay $0x1  }
0xa2: {  	[tilespmem:s11+$0xFFFFFFE0] =	vst v1  }
0xa3: {  	v1 =	vld [tilespmem:s25+$0x9930]  }
0xa4: {  	v2 =	vld [tilespmem:s28+$0xA130]  }
0xa5: {  	v3 =	vld [tilespmem:s12+$0xA930];
	_ =	sdelay $0x2  }
0xa6: {  	v4 =	vld [tilespmem:s13+$0x30]  }
0xa7: {  	v1 =	vadd.f32 v2, v1;
	_ =	sdelay $0x1  }
0xa8: {  	v1 =	vadd.f32 v3, v1;
	_ =	sdelay $0x1  }
0xa9: {  	v1 =	vadd.f32 v4, v1;
	_ =	sdelay $0x1  }
0xaa: {  	[tilespmem:s11+$0xFFFFFFF0] =	vst v1  }
0xab: {  	v1 =	vld [tilespmem:s25+$0x9940]  }
0xac: {  	v2 =	vld [tilespmem:s28+$0xA140];
	_ =	sdelay $0x1  }
0xad: {  	v3 =	vld [tilespmem:s12+$0xA940];
	_ =	sdelay $0x1  }
0xae: {  	v4 =	vld [tilespmem:s13+$0x40]  }
0xaf: {  	v1 =	vadd.f32 v2, v1;
	_ =	sdelay $0x1  }
0xb0: {  	v1 =	vadd.f32 v3, v1;
	_ =	sdelay $0x1  }
0xb1: {  	v1 =	vadd.f32 v4, v1;
	_ =	sdelay $0x1  }
0xb2: {  	[tilespmem:s11+$0x0] =	vst v1  }
0xb3: {  	v1 =	vld [tilespmem:s25+$0x9950]  }
0xb4: {  	v2 =	vld [tilespmem:s28+$0xA150]  }
0xb5: {  	v3 =	vld [tilespmem:s12+$0xA950]  }
0xb6: {  	v4 =	vld [tilespmem:s13+$0x50];
	_ =	sdelay $0x2  }
0xb7: {  	v1 =	vadd.f32 v2, v1;
	_ =	sdelay $0x1  }
0xb8: {  	v1 =	vadd.f32 v3, v1;
	_ =	sdelay $0x1  }
0xb9: {  	v1 =	vadd.f32 v4, v1;
	_ =	sdelay $0x1  }
0xba: {  	[tilespmem:s11+$0x10] =	vst v1  }
0xbb: {  	v1 =	vld [tilespmem:s25+$0x9960]  }
0xbc: {  	v2 =	vld [tilespmem:s28+$0xA160]  }
0xbd: {  	v3 =	vld [tilespmem:s12+$0xA960]  }
0xbe: {  	v4 =	vld [tilespmem:s13+$0x60];
	_ =	sdelay $0x2  }
0xbf: {  	v1 =	vadd.f32 v2, v1;
	_ =	sdelay $0x1  }
0xc0: {  	v1 =	vadd.f32 v3, v1;
	_ =	sdelay $0x1  }
0xc1: {  	v1 =	vadd.f32 v4, v1;
	_ =	sdelay $0x1  }
.Ltmp2:
0xc2: {  	[tilespmem:s11+$0x20] =	vst v1;
	(pc) =	sbr.rel @p0 .LBB2_2-.Ltmp2, $4  }
0xc3: {  	v3 =	vld [tilespmem:s25+$0x9970]  }
0xc4: {  	v4 =	vld [tilespmem:s28+$0xA170]  }
0xc5: {  	v2 =	vld [tilespmem:s12+$0xA970]  }
0xc6: {  	s22 =	sadd.s32 $0x1, s22;
	s11 =	sadd.s32 $0x80, s11;
	s12 =	smov.u32 s24;
	v1 =	vld [tilespmem:s13+$0x70]  }
0xc7: {  	s10 =	sadd.s32 s23, s8  }
0xc8: {  	s12 =	smulhi.u32 $0xCCCCCCCD, s10  }
0xc9: {  	s13 =	smulhi.u32 $0x6C16C16D, s10;
	v3 =	vadd.f32 v4, v3;
	_ =	sdelay $0x1  }
0xca: {  	s14 =	sshrl.u32 s12, $0x2;
	s25 =	ssub.s32 s10, s13;
	v2 =	vadd.f32 v2, v3  }
0xcb: {  	s10 =	sshrl.u32 s10, $0x2;
	s15 =	smulhi.u32 $0x38E38E39, s14;
	s12 =	sshrl.u32 s25, $0x1  }
0xcc: {  	s10 =	smulhi.u32 $0x16C16C17, s10;
	s12 =	sadd.s32 s13, s12;
	v1 =	vadd.f32 v1, v2  }
0xcd: {  	s22 =	smulhi.u32 $0xCCCCCCCD, s22;
	s15 =	sshrl.u32 s15, $0x1;
	s12 =	sshll.u32 s12, $0x2  }
0xce: {  	s10 =	sshll.u32 s10, $0x5;
	s15 =	smul.u32 $0x9, s15;
	s12 =	sand.u32 $0x180, s12;
	[tilespmem:s17+$0x30] =	vst v1  }
0xcf: {  	s22 =	sshrl.u32 s22, $0x2;
	s17 =	sand.u32 $0x3FFFFF80, s10;
	v1 =	vld [tilespmem:s12+$0xA100]  }
0xd0: {  	s10 =	smul.u32 $0xFFFFF600, s22;
	s14 =	ssub.s32 s14, s15;
	v2 =	vld [tilespmem:s17+$0x9900]  }
0xd1: {  	s14 =	sshll.u32 s14, $0x7  }
0xd2: {  	s23 =	sadd.s32 $0x80, s18;
	s10 =	sshra.s32 s10, $0x2;
	v3 =	vld [tilespmem:s14+$0xA900]  }
0xd3: {  	s10 =	sadd.s32 s10, s23  }
0xd4: {  	v53 =	vld [tilespmem:s10+$0x0]  }
0xd5: {  	v1 =	vadd.f32 v1, v2;
	_ =	sdelay $0x1  }
0xd6: {  	v1 =	vadd.f32 v3, v1;
	_ =	sdelay $0x1  }
0xd7: {  	v1 =	vadd.f32 v53, v1;
	_ =	sdelay $0x1  }
0xd8: {  	[tilespmem:s11+$0xFFFFFFC0] =	vst v1  }
0xd9: {  	v1 =	vld [tilespmem:s17+$0x9910]  }
0xda: {  	v2 =	vld [tilespmem:s12+$0xA110];
	_ =	sdelay $0x1  }
0xdb: {  	v3 =	vld [tilespmem:s14+$0xA910];
	_ =	sdelay $0x1  }
0xdc: {  	v54 =	vld [tilespmem:s10+$0x10]  }
0xdd: {  	v1 =	vadd.f32 v2, v1;
	_ =	sdelay $0x1  }
0xde: {  	v1 =	vadd.f32 v3, v1;
	_ =	sdelay $0x1  }
0xdf: {  	v1 =	vadd.f32 v54, v1;
	_ =	sdelay $0x1  }
0xe0: {  	[tilespmem:s11+$0xFFFFFFD0] =	vst v1  }
0xe1: {  	v1 =	vld [tilespmem:s17+$0x9920]  }
0xe2: {  	v2 =	vld [tilespmem:s12+$0xA120];
	_ =	sdelay $0x1  }
0xe3: {  	v3 =	vld [tilespmem:s14+$0xA920];
	_ =	sdelay $0x1  }
0xe4: {  	v55 =	vld [tilespmem:s10+$0x20]  }
0xe5: {  	v1 =	vadd.f32 v2, v1;
	_ =	sdelay $0x1  }
0xe6: {  	v1 =	vadd.f32 v3, v1;
	_ =	sdelay $0x1  }
0xe7: {  	v1 =	vadd.f32 v55, v1;
	_ =	sdelay $0x1  }
0xe8: {  	[tilespmem:s11+$0xFFFFFFE0] =	vst v1  }
0xe9: {  	v1 =	vld [tilespmem:s17+$0x9930]  }
0xea: {  	v2 =	vld [tilespmem:s12+$0xA130];
	_ =	sdelay $0x1  }
0xeb: {  	v3 =	vld [tilespmem:s14+$0xA930];
	_ =	sdelay $0x1  }
0xec: {  	v56 =	vld [tilespmem:s10+$0x30]  }
0xed: {  	v1 =	vadd.f32 v2, v1;
	_ =	sdelay $0x1  }
0xee: {  	v1 =	vadd.f32 v3, v1;
	_ =	sdelay $0x1  }
0xef: {  	v1 =	vadd.f32 v56, v1;
	_ =	sdelay $0x1  }
0xf0: {  	[tilespmem:s11+$0xFFFFFFF0] =	vst v1  }
0xf1: {  	v1 =	vld [tilespmem:s17+$0x9940]  }
0xf2: {  	v2 =	vld [tilespmem:s12+$0xA140];
	_ =	sdelay $0x1  }
0xf3: {  	v3 =	vld [tilespmem:s14+$0xA940];
	_ =	sdelay $0x1  }
0xf4: {  	v57 =	vld [tilespmem:s10+$0x40]  }
0xf5: {  	v1 =	vadd.f32 v2, v1;
	_ =	sdelay $0x1  }
0xf6: {  	v1 =	vadd.f32 v3, v1;
	_ =	sdelay $0x1  }
0xf7: {  	v1 =	vadd.f32 v57, v1;
	_ =	sdelay $0x1  }
0xf8: {  	[tilespmem:s11+$0x0] =	vst v1  }
0xf9: {  	v1 =	vld [tilespmem:s17+$0x9950]  }
0xfa: {  	v2 =	vld [tilespmem:s12+$0xA150];
	_ =	sdelay $0x1  }
0xfb: {  	v3 =	vld [tilespmem:s14+$0xA950];
	_ =	sdelay $0x1  }
0xfc: {  	v58 =	vld [tilespmem:s10+$0x50]  }
0xfd: {  	v1 =	vadd.f32 v2, v1;
	_ =	sdelay $0x1  }
0xfe: {  	v1 =	vadd.f32 v3, v1;
	_ =	sdelay $0x1  }
0xff: {  	v1 =	vadd.f32 v58, v1;
	_ =	sdelay $0x1  }
0x100: {  	[tilespmem:s11+$0x10] =	vst v1  }
0x101: {  	v1 =	vld [tilespmem:s17+$0x9960]  }
0x102: {  	v2 =	vld [tilespmem:s12+$0xA160];
	_ =	sdelay $0x1  }
0x103: {  	v3 =	vld [tilespmem:s14+$0xA960];
	_ =	sdelay $0x1  }
0x104: {  	v59 =	vld [tilespmem:s10+$0x60]  }
0x105: {  	v1 =	vadd.f32 v2, v1;
	_ =	sdelay $0x1  }
0x106: {  	v1 =	vadd.f32 v3, v1;
	_ =	sdelay $0x1  }
0x107: {  	v1 =	vadd.f32 v59, v1;
	_ =	sdelay $0x1  }
0x108: {  	[tilespmem:s11+$0x20] =	vst v1  }
0x109: {  	v1 =	vld [tilespmem:s17+$0x9970]  }
0x10a: {  	v2 =	vld [tilespmem:s12+$0xA170];
	_ =	sdelay $0x1  }
0x10b: {  	v3 =	vld [tilespmem:s14+$0xA970];
	_ =	sdelay $0x1  }
0x10c: {  	v60 =	vld [tilespmem:s10+$0x70]  }
0x10d: {  	v1 =	vadd.f32 v2, v1;
	_ =	sdelay $0x1  }
0x10e: {  	v1 =	vadd.f32 v3, v1;
	_ =	sdelay $0x1  }
0x10f: {  	v1 =	vadd.f32 v60, v1;
	_ =	sdelay $0x1  }
0x110: {  	s25 =	simm.s32 $0xB900;
	s24 =	rddreg [dreg:$0xc];
	[tilespmem:s11+$0x30] =	vst v1  }
0x111: {  	[spmem:s24] =	stream.linear.scatter [tilespmem:s25], [sflag:$0x7], $0x1100, $0x38;
	[tilespmem:$0x15E00] =	vst v63  }
0x112: {  	_ =	swait.ge [sflag:s29], $0x1100  }
0x113: {  	[sflag:s29] =	ssyncset.done $0x0  }
0x114: {  	[sflag:s29] =	ssyncadd.s32 $0xFFFFEF00  }
0x115: {  	_ =	swait.ge [sflag:s30], $0x2000  }
0x116: {  	[sflag:s30] =	ssyncset.done $0x0  }
0x117: {  	[sflag:s30] =	ssyncadd.s32 $0xFFFFE000  }
0x118: {  	_ =	swait.ge [sflag:s30], $0x2000  }
0x119: {  	[sflag:s30] =	ssyncset.done $0x0  }
0x11a: {  	[sflag:s30] =	ssyncadd.s32 $0xFFFFE000  }
0x11b: {  	_ =	swait.ge [sflag:s30], $0x2000  }
0x11c: {  	[sflag:s30] =	ssyncset.done $0x0  }
0x11d: {  	[sflag:s30] =	ssyncadd.s32 $0xFFFFE000  }
0x11e: {  	_ =	swait.ge [sflag:s30], $0x2000  }
0x11f: {  	[sflag:s30] =	ssyncset.done $0x0  }
0x120: {  	[sflag:s30] =	ssyncadd.s32 $0xFFFFE000  }
0x121: {  	v57 =	vld [tilespmem:$0x6090];
	_ =	sdelay $0x4  }
0x122: {  	[tilespmem:$0x1FA90] =	vst v57;
	v57 =	vld [tilespmem:$0x20C0];
	_ =	sdelay $0x4  }
0x123: {  	[tilespmem:$0x1FAF0] =	vst v57;
	v57 =	vld [tilespmem:$0x40C0];
	_ =	sdelay $0x4  }
0x124: {  	[tilespmem:$0x1FB10] =	vst v57;
	v57 =	vld [tilespmem:$0x60C0];
	_ =	sdelay $0x4  }
0x125: {  	[tilespmem:$0x1FB40] =	vst v57;
	v57 =	vld [tilespmem:$0xD0];
	_ =	sdelay $0x4  }
0x126: {  	[tilespmem:$0x1FB50] =	vst v57;
	v57 =	vld [tilespmem:$0x20D0];
	_ =	sdelay $0x4  }
0x127: {  	[tilespmem:$0x1FB60] =	vst v57;
	v57 =	vld [tilespmem:$0x40D0];
	_ =	sdelay $0x4  }
0x128: {  	[tilespmem:$0x1FB70] =	vst v57;
	v57 =	vld [tilespmem:$0x60D0];
	_ =	sdelay $0x4  }
0x129: {  	[tilespmem:$0x1FBE0] =	vst v57;
	v57 =	vld [tilespmem:$0xE0];
	_ =	sdelay $0x4  }
0x12a: {  	[tilespmem:$0x1FB80] =	vst v57;
	v57 =	vld [tilespmem:$0x20E0];
	_ =	sdelay $0x4  }
0x12b: {  	[tilespmem:$0x1FB90] =	vst v57;
	v57 =	vld [tilespmem:$0x40E0];
	_ =	sdelay $0x4  }
0x12c: {  	[tilespmem:$0x1FBC0] =	vst v57;
	v57 =	vld [tilespmem:$0x60E0];
	_ =	sdelay $0x4  }
0x12d: {  	[tilespmem:$0x1FBF0] =	vst v57;
	v57 =	vld [tilespmem:$0xF0];
	_ =	sdelay $0x4  }
0x12e: {  	[tilespmem:$0x1FBA0] =	vst v57;
	v57 =	vld [tilespmem:$0x20F0];
	_ =	sdelay $0x4  }
0x12f: {  	[tilespmem:$0x1FBB0] =	vst v57;
	v57 =	vld [tilespmem:$0x40F0];
	_ =	sdelay $0x4  }
0x130: {  	[tilespmem:$0x1FBD0] =	vst v57;
	v57 =	vld [tilespmem:$0x60F0];
	_ =	sdelay $0x4  }
0x131: {  	[tilespmem:$0x1FC00] =	vst v57;
	v57 =	vld [tilespmem:$0x480];
	_ =	sdelay $0x4  }
0x132: {  	[tilespmem:$0x1FC10] =	vst v57;
	v57 =	vld [tilespmem:$0x2480];
	_ =	sdelay $0x4  }
0x133: {  	[tilespmem:$0x1FC20] =	vst v57;
	v57 =	vld [tilespmem:$0x4480];
	_ =	sdelay $0x4  }
0x134: {  	[tilespmem:$0x1FC30] =	vst v57;
	v57 =	vld [tilespmem:$0x6480];
	_ =	sdelay $0x4  }
0x135: {  	[tilespmem:$0x1FCA0] =	vst v57;
	v57 =	vld [tilespmem:$0x490];
	_ =	sdelay $0x4  }
0x136: {  	[tilespmem:$0x1FC40] =	vst v57;
	v57 =	vld [tilespmem:$0x2490];
	_ =	sdelay $0x4  }
0x137: {  	[tilespmem:$0x1FC50] =	vst v57;
	v57 =	vld [tilespmem:$0x4490];
	_ =	sdelay $0x4  }
0x138: {  	[tilespmem:$0x1FC80] =	vst v57;
	v57 =	vld [tilespmem:$0x6490];
	_ =	sdelay $0x4  }
0x139: {  	[tilespmem:$0x1FCB0] =	vst v57;
	v57 =	vld [tilespmem:$0x4A0];
	_ =	sdelay $0x4  }
0x13a: {  	[tilespmem:$0x1FC60] =	vst v57;
	v57 =	vld [tilespmem:$0x24A0];
	_ =	sdelay $0x4  }
0x13b: {  	[tilespmem:$0x1FC70] =	vst v57;
	v57 =	vld [tilespmem:$0x44A0];
	_ =	sdelay $0x4  }
0x13c: {  	[tilespmem:$0x1FC90] =	vst v57;
	v57 =	vld [tilespmem:$0x64A0];
	_ =	sdelay $0x4  }
0x13d: {  	[tilespmem:$0x1FCC0] =	vst v57;
	v57 =	vld [tilespmem:$0x4B0];
	_ =	sdelay $0x4  }
0x13e: {  	[tilespmem:$0x1FCD0] =	vst v57;
	v57 =	vld [tilespmem:$0x24B0];
	_ =	sdelay $0x4  }
0x13f: {  	[tilespmem:$0x1FCE0] =	vst v57;
	v57 =	vld [tilespmem:$0x44B0];
	_ =	sdelay $0x4  }
0x140: {  	[tilespmem:$0x1FD40] =	vst v57;
	v57 =	vld [tilespmem:$0x64B0];
	_ =	sdelay $0x4  }
0x141: {  	[tilespmem:$0x1FDD0] =	vst v57;
	v57 =	vld [tilespmem:$0x4B0];
	_ =	sdelay $0x4  }
0x142: {  	[tilespmem:$0x1FCF0] =	vst v57;
	v57 =	vld.msk [tilespmem:$0x4C0], $0xff;
	_ =	sdelay $0x4  }
0x143: {  	[tilespmem:$0x1FD10] =	vst v57;
	v57 =	vld [tilespmem:$0x24B0];
	_ =	sdelay $0x4  }
0x144: {  	[tilespmem:$0x1FD00] =	vst v57;
	v57 =	vld.msk [tilespmem:$0x24C0], $0xff;
	_ =	sdelay $0x4  }
0x145: {  	[tilespmem:$0x1FD20] =	vst v57;
	v57 =	vld [tilespmem:$0x44B0];
	_ =	sdelay $0x2  }
0x146: {  	v3 =	vld [tilespmem:$0x0]  }
0x147: {  	v4 =	vld [tilespmem:$0x2000]  }
0x148: {  	[tilespmem:$0x1FD30] =	vst v57;
	v57 =	vld.msk [tilespmem:$0x44C0], $0xff  }
0x149: {  	v6 =	vld [tilespmem:$0x4000]  }
0x14a: {  	v16 =	vld [tilespmem:$0x6000]  }
0x14b: {  	v1 =	vld [tilespmem:$0x10]  }
0x14c: {  	v2 =	vld [tilespmem:$0x2010]  }
0x14d: {  	[tilespmem:$0x1FD50] =	vst v57;
	v57 =	vld [tilespmem:$0x64B0]  }
0x14e: {  	v5 =	vld [tilespmem:$0x4010]  }
0x14f: {  	v10 =	vld [tilespmem:$0x6010]  }
0x150: {  	v11 =	vld [tilespmem:$0x20]  }
0x151: {  	v14 =	vld [tilespmem:$0x2020]  }
0x152: {  	[tilespmem:$0x1FD60] =	vst v57;
	v57 =	vld.msk [tilespmem:$0x64C0], $0xff  }
0x153: {  	v13 =	vld [tilespmem:$0x4020]  }
0x154: {  	v54 =	vld [tilespmem:$0x6020]  }
0x155: {  	v9 =	vld [tilespmem:$0x30]  }
0x156: {  	v12 =	vld [tilespmem:$0x2030]  }
0x157: {  	v1 =	vmul.u32 $0xB4, v1;
	v2 =	vmul.u32 $0x2D, v2;
	[tilespmem:$0x1FD70] =	vst v57;
	v57 =	vld [tilespmem:$0x100]  }
0x158: {  	v17 =	vld [tilespmem:$0x4030]  }
0x159: {  	v1 =	vadd.s32 v1, v2;
	v2 =	vld [tilespmem:$0x6100]  }
0x15a: {  	v27 =	vld [tilespmem:$0x6030]  }
0x15b: {  	v7 =	vld [tilespmem:$0x40];
	v3 =	vmul.u32 $0xB4, v3;
	v4 =	vmul.u32 $0x2D, v4  }
0x15c: {  	v6 =	vmul.u32 $0x5, v6;
	v5 =	vmul.u32 $0x5, v5;
	[tilespmem:$0x1FD80] =	vst v57;
	v57 =	vld [tilespmem:$0x2100]  }
0x15d: {  	v8 =	vld [tilespmem:$0x2040];
	v3 =	vadd.s32 v3, v4  }
0x15e: {  	v1 =	vadd.s32 v5, v1;
	[tilespmem:$0x1FDE0] =	vst v2;
	v2 =	vadd.s32 v6, v3;
	v3 =	vld [tilespmem:$0x110]  }
0x15f: {  	v15 =	vld [tilespmem:$0x4040];
	v1 =	vadd.s32 v10, v1  }
0x160: {  	v22 =	vld [tilespmem:$0x6040];
	[tilespmem:$0x1FE70] =	vst v1  }
0x161: {  	v2 =	vadd.s32 v16, v2;
	[tilespmem:$0x1FD90] =	vst v57;
	v57 =	vld [tilespmem:$0x4100]  }
0x162: {  	v20 =	vld [tilespmem:$0x50];
	v1 =	vmul.u32 $0xB4, v11;
	[tilespmem:$0x1FE50] =	vst v2;
	v2 =	vmul.u32 $0x2D, v14  }
0x163: {  	v25 =	vld [tilespmem:$0x2050];
	v4 =	vmul.u32 $0xB4, v9;
	[tilespmem:$0x1FDA0] =	vst v3;
	v3 =	vmul.u32 $0x5, v13  }
0x164: {  	v23 =	vld [tilespmem:$0x4050];
	v5 =	vmul.u32 $0x2D, v12;
	v14 =	vmul.u32 $0x2D, v8;
	v1 =	vadd.s32 v1, v2  }
0x165: {  	v45 =	vld [tilespmem:$0x6050];
	v2 =	vmul.u32 $0x5, v17;
	v13 =	vmul.u32 $0xB4, v7;
	v1 =	vadd.s32 v3, v1  }
0x166: {  	v21 =	vld [tilespmem:$0x60];
	v3 =	vadd.s32 v4, v5;
	v1 =	vadd.s32 v54, v1;
	[tilespmem:$0x1FDB0] =	vst v57;
	v57 =	vmul.u32 $0x5, v15  }
0x167: {  	v24 =	vld [tilespmem:$0x2060];
	v13 =	vadd.s32 v13, v14;
	[tilespmem:$0x1FEB0] =	vst v1;
	v1 =	vadd.s32 v2, v3  }
0x168: {  	v19 =	vld [tilespmem:$0x70];
	v1 =	vadd.s32 v27, v1;
	v2 =	vadd.s32 v57, v13  }
0x169: {  	[tilespmem:$0x1FEE0] =	vst v1;
	v1 =	vadd.s32 v22, v2;
	v2 =	vld [tilespmem:$0x6120]  }
0x16a: {  	v3 =	vld [tilespmem:$0x4120]  }
0x16b: {  	v49 =	vld [tilespmem:$0x4060]  }
0x16c: {  	v18 =	vld [tilespmem:$0x2070]  }
0x16d: {  	v26 =	vld [tilespmem:$0x4070];
	[tilespmem:$0x1FEF0] =	vst v1  }
0x16e: {  	v1 =	vmul.u32 $0xB4, v20;
	[tilespmem:$0x1FE60] =	vst v2;
	v2 =	vmul.u32 $0x2D, v25  }
0x16f: {  	v35 =	vld [tilespmem:$0x6060];
	v19 =	vmul.u32 $0xB4, v19;
	[tilespmem:$0x1FE20] =	vst v3;
	v3 =	vmul.u32 $0x5, v23  }
0x170: {  	v30 =	vld [tilespmem:$0x6070];
	v17 =	vmul.u32 $0x2D, v24;
	v15 =	vmul.u32 $0xB4, v21;
	v1 =	vadd.s32 v1, v2  }
0x171: {  	v20 =	vmul.u32 $0x2D, v18;
	v2 =	vmul.u32 $0x5, v49;
	v1 =	vadd.s32 v3, v1  }
0x172: {  	v21 =	vmul.u32 $0x5, v26;
	v3 =	vadd.s32 v15, v17;
	v1 =	vadd.s32 v45, v1  }
0x173: {  	v23 =	vadd.s32 v19, v20;
	[tilespmem:$0x1FF00] =	vst v1;
	v1 =	vadd.s32 v2, v3  }
0x174: {  	v2 =	vadd.s32 v21, v23;
	v1 =	vadd.s32 v35, v1  }
0x175: {  	[tilespmem:$0x1FF10] =	vst v1;
	v1 =	vadd.s32 v30, v2  }
0x176: {  	[tilespmem:$0x1FF30] =	vst v1;
	v1 =	vld [tilespmem:$0x6140];
	_ =	sdelay $0x1  }
0x177: {  	v31 =	vld [tilespmem:$0x400]  }
0x178: {  	v59 =	vld [tilespmem:$0x2400]  }
0x179: {  	v34 =	vld [tilespmem:$0x4400]  }
0x17a: {  	[tilespmem:$0x1FE90] =	vst v1;
	v1 =	vld [tilespmem:$0x150]  }
0x17b: {  	v47 =	vld [tilespmem:$0x6400]  }
0x17c: {  	v32 =	vld [tilespmem:$0x410]  }
0x17d: {  	v33 =	vld [tilespmem:$0x2410]  }
0x17e: {  	v41 =	vld [tilespmem:$0x4410]  }
0x17f: {  	[tilespmem:$0x1FEA0] =	vst v1;
	v1 =	vld [tilespmem:$0x2150]  }
0x180: {  	v46 =	vld [tilespmem:$0x6410];
	v3 =	vmul.u32 $0x2D, v59;
	v2 =	vmul.u32 $0xB4, v31  }
0x181: {  	v29 =	vld [tilespmem:$0x420];
	v25 =	vmul.u32 $0x5, v34  }
0x182: {  	v28 =	vld [tilespmem:$0x2420];
	v2 =	vadd.s32 v2, v3  }
0x183: {  	v62 =	vld [tilespmem:$0x4420];
	v2 =	vadd.s32 v25, v2  }
0x184: {  	v43 =	vld [tilespmem:$0x6420];
	[tilespmem:$0x1FEC0] =	vst v1;
	v1 =	vadd.s32 v47, v2  }
0x185: {  	[tilespmem:$0x1FF50] =	vst v1;
	v1 =	vld [tilespmem:$0x4150]  }
0x186: {  	v39 =	vld [tilespmem:$0x430];
	v27 =	vmul.u32 $0x2D, v33;
	v26 =	vmul.u32 $0xB4, v32  }
0x187: {  	v44 =	vld [tilespmem:$0x2430];
	v32 =	vmul.u32 $0x2D, v28;
	v31 =	vmul.u32 $0xB4, v29;
	v3 =	vmul.u32 $0x5, v41  }
0x188: {  	v48 =	vld [tilespmem:$0x4430];
	v33 =	vmul.u32 $0x5, v62;
	v34 =	vadd.s32 v26, v27  }
0x189: {  	v36 =	vld [tilespmem:$0x6430];
	v35 =	vadd.s32 v31, v32;
	v2 =	vadd.s32 v3, v34  }
0x18a: {  	v37 =	vld [tilespmem:$0x430];
	v3 =	vadd.s32 v33, v35;
	[tilespmem:$0x1FED0] =	vst v1;
	v1 =	vadd.s32 v46, v2  }
0x18b: {  	v42 =	vld.msk [tilespmem:$0x440], $0xff;
	[tilespmem:$0x1FF60] =	vst v1;
	v1 =	vadd.s32 v43, v3  }
0x18c: {  	[tilespmem:$0x1FF70] =	vst v1;
	v1 =	vld [tilespmem:$0x6150]  }
0x18d: {  	v38 =	vld.msk [tilespmem:$0x2440], $0xff  }
0x18e: {  	v40 =	vld [tilespmem:$0x4430]  }
0x18f: {  	[tilespmem:$0x1FA70] =	vst v36;
	v36 =	vld [tilespmem:$0x2430]  }
0x190: {  	v63 =	vld.msk [tilespmem:$0x4440], $0xff  }
0x191: {  	[tilespmem:$0x1FF20] =	vst v1;
	v1 =	vld [tilespmem:$0x6160]  }
0x192: {  	v50 =	vld [tilespmem:$0x6430]  }
0x193: {  	v51 =	vld.msk [tilespmem:$0x6440], $0xff  }
0x194: {  	v16 =	vld [tilespmem:$0x6110];
	v41 =	vmul.u32 $0x2D, v36;
	v2 =	vmul.u32 $0xB4, v39;
	v39 =	vmul.u32 $0xB4, v37  }
0x195: {  	v55 =	vld [tilespmem:$0x6080];
	v3 =	vmul.u32 $0x2D, v44;
	v43 =	vmul.u32 $0xB4, v42;
	v44 =	vmul.u32 $0x2D, v38  }
0x196: {  	v47 =	vmul.u32 $0x5, v48;
	v48 =	vmul.u32 $0x5, v63;
	v46 =	vmul.u32 $0x5, v40;
	[tilespmem:$0x1FF40] =	vst v1;
	v1 =	vld [tilespmem:$0x1FA70]  }
0x197: {  	v52 =	vld [tilespmem:$0x80];
	v4 =	vadd.s32 v39, v41;
	v2 =	vadd.s32 v2, v3;
	v3 =	vadd.s32 v43, v44  }
0x198: {  	v53 =	vld [tilespmem:$0x2080];
	v4 =	vadd.s32 v46, v4;
	v3 =	vadd.s32 v48, v3  }
0x199: {  	[tilespmem:$0x1FDF0] =	vst v16;
	v16 =	vld [tilespmem:$0x130];
	v4 =	vadd.s32 v50, v4;
	v3 =	vadd.s32 v51, v3  }
0x19a: {  	v56 =	vld [tilespmem:$0x4080];
	v2 =	vadd.s32 v47, v2;
	v4 =	vperm.xlane v4, v0;
	v3 =	vperm.xlane v3, v0  }
0x19b: {  	v58 =	vld [tilespmem:$0x90];
	[tilespmem:$0x1FA80] =	vst v55;
	v1 =	vadd.s32 v1, v2  }
0x19c: {  	v61 =	vld [tilespmem:$0xA0];
	[tilespmem:$0x1FF80] =	vst v1;
	v1 =	vsel vm0, v4, v3  }
0x19d: {  	[tilespmem:$0x1FF90] =	vst v1;
	v1 =	vld [tilespmem:$0x1FA80]  }
0x19e: {  	v60 =	vld [tilespmem:$0x2090];
	[tilespmem:$0x1FE30] =	vst v16;
	v16 =	vmul.u32 $0x2D, v53;
	v57 =	vmul.u32 $0xB4, v52  }
0x19f: {  	v24 =	vld [tilespmem:$0x6130];
	v25 =	vmul.u32 $0x5, v56  }
0x1a0: {  	v55 =	vld [tilespmem:$0x4090];
	v2 =	vadd.s32 v57, v16  }
0x1a1: {  	v2 =	vadd.s32 v25, v2  }
0x1a2: {  	[tilespmem:$0x1FAA0] =	vst v61;
	v61 =	vld [tilespmem:$0x20A0];
	v1 =	vadd.s32 v1, v2  }
0x1a3: {  	[tilespmem:$0x1FFA0] =	vst v1;
	v1 =	vld [tilespmem:$0x1FA90]  }
0x1a4: {  	[tilespmem:$0x1FE80] =	vst v24;
	v24 =	vmul.u32 $0x2D, v60;
	v17 =	vmul.u32 $0xB4, v58  }
0x1a5: {  	v26 =	vmul.u32 $0x5, v55  }
0x1a6: {  	v27 =	vadd.s32 v17, v24  }
0x1a7: {  	v3 =	vadd.s32 v26, v27  }
0x1a8: {  	[tilespmem:$0x1FAB0] =	vst v61;
	v61 =	vld [tilespmem:$0x40A0];
	v1 =	vadd.s32 v1, v3  }
0x1a9: {  	[tilespmem:$0x1FFB0] =	vst v1;
	v1 =	vld [tilespmem:$0x1FAA0];
	_ =	sdelay $0x3  }
0x1aa: {  	[tilespmem:$0x1FAC0] =	vst v61;
	v61 =	vld [tilespmem:$0x60A0]  }
0x1ab: {  	v2 =	vmul.u32 $0xB4, v1;
	v1 =	vld [tilespmem:$0x1FAB0];
	_ =	sdelay $0x3  }
0x1ac: {  	[tilespmem:$0x1FB20] =	vst v61;
	v61 =	vld [tilespmem:$0xB0]  }
0x1ad: {  	v3 =	vmul.u32 $0x2D, v1;
	v1 =	vld [tilespmem:$0x1FAC0];
	_ =	sdelay $0x3  }
0x1ae: {  	[tilespmem:$0x1FAD0] =	vst v61;
	v61 =	vld [tilespmem:$0x20B0]  }
0x1af: {  	v32 =	vmul.u32 $0x5, v1;
	v1 =	vld [tilespmem:$0x1FAD0];
	_ =	sdelay $0x3  }
0x1b0: {  	[tilespmem:$0x1FAE0] =	vst v61  }
0x1b1: {  	v33 =	vmul.u32 $0xB4, v1;
	v1 =	vld [tilespmem:$0x1FAE0];
	_ =	sdelay $0x3  }
0x1b2: {  	v61 =	vld [tilespmem:$0x40B0]  }
0x1b3: {  	v34 =	vmul.u32 $0x2D, v1;
	v1 =	vld [tilespmem:$0x1FAF0];
	_ =	sdelay $0x3  }
0x1b4: {  	[tilespmem:$0x1FB00] =	vst v61  }
0x1b5: {  	v36 =	vmul.u32 $0x2D, v1;
	v1 =	vld [tilespmem:$0x1FB00];
	_ =	sdelay $0x4  }
0x1b6: {  	v2 =	vadd.s32 v2, v3;
	v3 =	vmul.u32 $0x5, v1;
	v1 =	vld [tilespmem:$0x1FB10];
	_ =	sdelay $0x3  }
0x1b7: {  	v61 =	vld [tilespmem:$0x60B0]  }
0x1b8: {  	v37 =	vmul.u32 $0x5, v1;
	v1 =	vld [tilespmem:$0x1FB20];
	_ =	sdelay $0x3  }
0x1b9: {  	v2 =	vadd.s32 v32, v2  }
0x1ba: {  	[tilespmem:$0x1FB30] =	vst v61;
	v1 =	vadd.s32 v1, v2  }
0x1bb: {  	[tilespmem:$0x1FFC0] =	vst v1;
	v1 =	vld [tilespmem:$0x1FB30];
	_ =	sdelay $0x1  }
0x1bc: {  	v61 =	vld [tilespmem:$0xC0]  }
0x1bd: {  	v38 =	vadd.s32 v33, v34  }
0x1be: {  	v2 =	vadd.s32 v3, v38  }
0x1bf: {  	v1 =	vadd.s32 v1, v2  }
0x1c0: {  	[tilespmem:$0x1FFD0] =	vst v1;
	v1 =	vld [tilespmem:$0x1FB40]  }
0x1c1: {  	v35 =	vmul.u32 $0xB4, v61;
	_ =	sdelay $0x1  }
0x1c2: {  	v39 =	vadd.s32 v35, v36  }
0x1c3: {  	v3 =	vadd.s32 v37, v39  }
0x1c4: {  	v1 =	vadd.s32 v1, v3  }
0x1c5: {  	[tilespmem:$0x1FFE0] =	vst v1;
	v1 =	vld [tilespmem:$0x1FB50];
	_ =	sdelay $0x4  }
0x1c6: {  	v2 =	vmul.u32 $0xB4, v1;
	v1 =	vld [tilespmem:$0x1FB60];
	_ =	sdelay $0x4  }
0x1c7: {  	v3 =	vmul.u32 $0x2D, v1;
	v1 =	vld [tilespmem:$0x1FB70];
	_ =	sdelay $0x4  }
0x1c8: {  	v40 =	vmul.u32 $0x5, v1;
	v1 =	vld [tilespmem:$0x1FB80];
	_ =	sdelay $0x4  }
0x1c9: {  	v42 =	vmul.u32 $0xB4, v1;
	v1 =	vld [tilespmem:$0x1FB90];
	_ =	sdelay $0x4  }
0x1ca: {  	v43 =	vmul.u32 $0x2D, v1;
	v1 =	vld [tilespmem:$0x1FBA0];
	_ =	sdelay $0x4  }
0x1cb: {  	v44 =	vmul.u32 $0xB4, v1;
	v1 =	vld [tilespmem:$0x1FBB0];
	_ =	sdelay $0x4  }
0x1cc: {  	v46 =	vmul.u32 $0x2D, v1;
	v1 =	vld [tilespmem:$0x1FBC0];
	_ =	sdelay $0x4  }
0x1cd: {  	v2 =	vadd.s32 v2, v3;
	v3 =	vmul.u32 $0x5, v1;
	v1 =	vld [tilespmem:$0x1FBD0];
	_ =	sdelay $0x4  }
0x1ce: {  	v47 =	vmul.u32 $0x5, v1;
	v1 =	vld [tilespmem:$0x1FBE0];
	_ =	sdelay $0x3  }
0x1cf: {  	v2 =	vadd.s32 v40, v2  }
0x1d0: {  	v48 =	vadd.s32 v42, v43;
	v43 =	vadd.s32 v1, v2;
	v1 =	vld [tilespmem:$0x1FBF0];
	_ =	sdelay $0x3  }
0x1d1: {  	v50 =	vadd.s32 v44, v46;
	v2 =	vadd.s32 v3, v48  }
0x1d2: {  	v3 =	vadd.s32 v47, v50;
	v50 =	vadd.s32 v1, v2;
	v1 =	vld [tilespmem:$0x1FC00];
	_ =	sdelay $0x4  }
0x1d3: {  	v57 =	vadd.s32 v1, v3;
	v1 =	vld [tilespmem:$0x1FC10];
	_ =	sdelay $0x4  }
0x1d4: {  	v2 =	vmul.u32 $0xB4, v1;
	v1 =	vld [tilespmem:$0x1FC20];
	_ =	sdelay $0x4  }
0x1d5: {  	v3 =	vmul.u32 $0x2D, v1;
	v1 =	vld [tilespmem:$0x1FC30];
	_ =	sdelay $0x4  }
0x1d6: {  	v51 =	vmul.u32 $0x5, v1;
	v1 =	vld [tilespmem:$0x1FC40];
	_ =	sdelay $0x4  }
0x1d7: {  	v52 =	vmul.u32 $0xB4, v1;
	v1 =	vld [tilespmem:$0x6530];
	_ =	sdelay $0x4  }
0x1d8: {  	[tilespmem:$0x1FFF0] =	vst v1;
	v1 =	vld [tilespmem:$0x1FC50];
	_ =	sdelay $0x4  }
0x1d9: {  	v53 =	vmul.u32 $0x2D, v1;
	v1 =	vld [tilespmem:$0x1FC60];
	_ =	sdelay $0x4  }
0x1da: {  	v55 =	vmul.u32 $0xB4, v1;
	v1 =	vld [tilespmem:$0x1FC70];
	_ =	sdelay $0x4  }
0x1db: {  	v56 =	vmul.u32 $0x2D, v1;
	v1 =	vld [tilespmem:$0x1FC80];
	_ =	sdelay $0x4  }
0x1dc: {  	v2 =	vadd.s32 v2, v3;
	v3 =	vmul.u32 $0x5, v1;
	v1 =	vld [tilespmem:$0x1FC90];
	_ =	sdelay $0x4  }
0x1dd: {  	v60 =	vmul.u32 $0x5, v1;
	v1 =	vld [tilespmem:$0x1FCA0];
	_ =	sdelay $0x3  }
0x1de: {  	v2 =	vadd.s32 v51, v2  }
0x1df: {  	v16 =	vadd.s32 v1, v2;
	v1 =	vld [tilespmem:$0x1FCB0];
	_ =	sdelay $0x2  }
0x1e0: {  	v61 =	vadd.s32 v52, v53  }
0x1e1: {  	v2 =	vadd.s32 v3, v61  }
0x1e2: {  	v19 =	vadd.s32 v1, v2;
	v1 =	vld [tilespmem:$0x1FCC0];
	_ =	sdelay $0x2  }
0x1e3: {  	v8 =	vadd.s32 v55, v56  }
0x1e4: {  	v3 =	vadd.s32 v60, v8  }
0x1e5: {  	v25 =	vadd.s32 v1, v3;
	v1 =	vld [tilespmem:$0x1FCD0];
	_ =	sdelay $0x4  }
0x1e6: {  	v2 =	vmul.u32 $0xB4, v1;
	v1 =	vld [tilespmem:$0x1FCE0];
	_ =	sdelay $0x4  }
0x1e7: {  	v3 =	vmul.u32 $0x2D, v1;
	v1 =	vld [tilespmem:$0x1FCF0];
	_ =	sdelay $0x3  }
0x1e8: {  	v11 =	vld [tilespmem:$0x4110]  }
0x1e9: {  	v9 =	vmul.u32 $0xB4, v1;
	v1 =	vld [tilespmem:$0x1FD00];
	_ =	sdelay $0x3  }
0x1ea: {  	v12 =	vld [tilespmem:$0x120]  }
0x1eb: {  	[tilespmem:$0x1FDC0] =	vst v11;
	v11 =	vmul.u32 $0x2D, v1;
	v1 =	vld [tilespmem:$0x1FD10];
	_ =	sdelay $0x4  }
0x1ec: {  	[tilespmem:$0x1FE00] =	vst v12;
	v12 =	vmul.u32 $0xB4, v1;
	v1 =	vld [tilespmem:$0x1FD20];
	_ =	sdelay $0x4  }
0x1ed: {  	v13 =	vmul.u32 $0x2D, v1;
	v1 =	vld [tilespmem:$0x1FD30];
	_ =	sdelay $0x4  }
0x1ee: {  	v40 =	vmul.u32 $0x5, v1;
	v1 =	vld [tilespmem:$0x1FD40];
	_ =	sdelay $0x4  }
0x1ef: {  	v48 =	vmul.u32 $0x5, v1;
	v1 =	vld [tilespmem:$0x1FD50];
	_ =	sdelay $0x4  }
0x1f0: {  	v56 =	vmul.u32 $0x5, v1;
	v1 =	vld [tilespmem:$0x1FD60];
	_ =	sdelay $0x2  }
0x1f1: {  	v4 =	vadd.s32 v9, v11  }
0x1f2: {  	v4 =	vadd.s32 v40, v4  }
0x1f3: {  	v4 =	vadd.s32 v1, v4;
	v1 =	vld [tilespmem:$0x1FD70];
	_ =	sdelay $0x2  }
0x1f4: {  	v2 =	vadd.s32 v2, v3;
	v3 =	vadd.s32 v12, v13  }
0x1f5: {  	v3 =	vadd.s32 v56, v3  }
0x1f6: {  	v3 =	vadd.s32 v1, v3;
	v1 =	vld [tilespmem:$0x1FD80];
	_ =	sdelay $0x2  }
0x1f7: {  	v10 =	vld [tilespmem:$0x2110]  }
0x1f8: {  	v6 =	vld [tilespmem:$0x61B0]  }
0x1f9: {  	v27 =	vmul.u32 $0xB4, v1;
	v1 =	vld [tilespmem:$0x1FD90]  }
0x1fa: {  	v7 =	vld [tilespmem:$0x2190]  }
0x1fb: {  	v14 =	vld [tilespmem:$0x2120]  }
0x1fc: {  	v5 =	vld [tilespmem:$0x1B0]  }
0x1fd: {  	v54 =	vld [tilespmem:$0x2130]  }
0x1fe: {  	v34 =	vmul.u32 $0x2D, v1;
	v1 =	vld [tilespmem:$0x1FDA0]  }
0x1ff: {  	v62 =	vld [tilespmem:$0x2160]  }
0x200: {  	[tilespmem:$0x1FE10] =	vst v14;
	v14 =	vld [tilespmem:$0x4510]  }
0x201: {  	v28 =	vld [tilespmem:$0x4530]  }
0x202: {  	v22 =	vld [tilespmem:$0x4130]  }
0x203: {  	v38 =	vmul.u32 $0xB4, v1;
	v1 =	vld [tilespmem:$0x1FDB0]  }
0x204: {  	v18 =	vld [tilespmem:$0x2170]  }
0x205: {  	v13 =	vld [tilespmem:$0x1FDD0]  }
0x206: {  	v20 =	vld [tilespmem:$0x4170]  }
0x207: {  	[tilespmem:$0x1FE40] =	vst v22;
	v22 =	vld [tilespmem:$0x4500]  }
0x208: {  	v60 =	vmul.u32 $0x5, v1;
	v1 =	vld [tilespmem:$0x1FDC0]  }
0x209: {  	v49 =	vld [tilespmem:$0x140];
	v2 =	vadd.s32 v48, v2  }
0x20a: {  	v46 =	vadd.s32 v13, v2;
	v2 =	vld [tilespmem:$0x1FDE0]  }
0x20b: {  	v58 =	vld [tilespmem:$0x6500]  }
0x20c: {  	v15 =	vld [tilespmem:$0x2510];
	v40 =	vmul.u32 $0x2D, v10  }
0x20d: {  	v45 =	vld [tilespmem:$0x2140];
	v27 =	vadd.s32 v27, v34;
	v1 =	vmul.u32 $0x5, v1  }
0x20e: {  	v59 =	vld [tilespmem:$0x160];
	v38 =	vadd.s32 v38, v40;
	v48 =	vadd.s32 v60, v27  }
0x20f: {  	v1 =	vadd.s32 v1, v38;
	v38 =	vadd.s32 v2, v48;
	v2 =	vld [tilespmem:$0x1FDF0]  }
0x210: {  	v21 =	vld [tilespmem:$0x170]  }
0x211: {  	v23 =	vld [tilespmem:$0x2500]  }
0x212: {  	v17 =	vld [tilespmem:$0x510]  }
0x213: {  	v24 =	vld [tilespmem:$0x520]  }
0x214: {  	v34 =	vadd.s32 v2, v1;
	v2 =	vld [tilespmem:$0x1FE20]  }
0x215: {  	v30 =	vld [tilespmem:$0x4140]  }
0x216: {  	v18 =	vmul.u32 $0x2D, v18;
	v29 =	vld [tilespmem:$0x6520];
	v21 =	vmul.u32 $0xB4, v21  }
0x217: {  	v31 =	vld [tilespmem:$0x500];
	v4 =	vperm.xlane v4, v0;
	v3 =	vperm.xlane v3, v0  }
0x218: {  	v15 =	vmul.u32 $0x2D, v15;
	v17 =	vmul.u32 $0xB4, v17;
	v18 =	vadd.s32 v21, v18;
	v21 =	vld [tilespmem:$0x21C0]  }
0x219: {  	v20 =	vmul.u32 $0x5, v20;
	v40 =	vsel vm0, v4, v3;
	v4 =	vmul.u32 $0x5, v2;
	v2 =	vld [tilespmem:$0x1FE30]  }
0x21a: {  	v15 =	vadd.s32 v17, v15;
	v17 =	vld [tilespmem:$0x1E0]  }
0x21b: {  	v18 =	vadd.s32 v20, v18;
	v20 =	vld [tilespmem:$0x41C0]  }
0x21c: {  	v1 =	vld [tilespmem:$0x1FE00]  }
0x21d: {  	v41 =	vld [tilespmem:$0x6170]  }
0x21e: {  	v49 =	vmul.u32 $0xB4, v49;
	v26 =	vld [tilespmem:$0x6510];
	v13 =	vmul.u32 $0xB4, v2;
	v2 =	vmul.u32 $0x2D, v45  }
0x21f: {  	v63 =	vld [tilespmem:$0x4160]  }
0x220: {  	v14 =	vmul.u32 $0x5, v14;
	v49 =	vadd.s32 v49, v2;
	v2 =	vld [tilespmem:$0x1FE50]  }
0x221: {  	v60 =	vmul.u32 $0xB4, v1;
	v1 =	vld [tilespmem:$0x1FE10]  }
0x222: {  	v14 =	vadd.s32 v14, v15;
	v18 =	vadd.s32 v41, v18;
	v41 =	vld [tilespmem:$0x1D0]  }
0x223: {  	v14 =	vadd.s32 v26, v14;
	v26 =	vld [tilespmem:$0x21E0]  }
0x224: {  	v32 =	vld [tilespmem:$0x530]  }
0x225: {  	[tilespmem:$0x8000] =	vst v2;
	v2 =	vld [tilespmem:$0x1FE60]  }
0x226: {  	v33 =	vld [tilespmem:$0x2530];
	v1 =	vmul.u32 $0x2D, v1  }
0x227: {  	v36 =	vld [tilespmem:$0x4520]  }
0x228: {  	v35 =	vld [tilespmem:$0x6530];
	v1 =	vadd.s32 v60, v1  }
0x229: {  	v37 =	vld [tilespmem:$0x2520];
	v1 =	vadd.s32 v4, v1  }
0x22a: {  	v11 =	vadd.s32 v2, v1;
	v1 =	vld [tilespmem:$0x1FE70]  }
0x22b: {  	v39 =	vld [tilespmem:$0x6180]  }
0x22c: {  	v3 =	vmul.u32 $0x2D, v54;
	v54 =	vld [tilespmem:$0x1FE40]  }
0x22d: {  	v42 =	vld [tilespmem:$0x530]  }
0x22e: {  	v44 =	vld.msk [tilespmem:$0x540], $0xff  }
0x22f: {  	[tilespmem:$0x8010] =	vst v1;
	v1 =	vld [tilespmem:$0x1FE80]  }
0x230: {  	v47 =	vld.msk [tilespmem:$0x6540], $0xff  }
0x231: {  	[tilespmem:$0x8118] =	vst v43;
	v43 =	vld [tilespmem:$0x580];
	v60 =	vmul.u32 $0x5, v54  }
0x232: {  	v30 =	vmul.u32 $0x5, v30;
	[tilespmem:$0x8128] =	vst v50;
	v50 =	vld [tilespmem:$0x5A0];
	v3 =	vadd.s32 v13, v3  }
0x233: {  	v51 =	vld [tilespmem:$0x2530];
	v3 =	vadd.s32 v60, v3  }
0x234: {  	v4 =	vadd.s32 v30, v49;
	v49 =	vadd.s32 v1, v3;
	v1 =	vld [tilespmem:$0x1FE90]  }
0x235: {  	v52 =	vld.msk [tilespmem:$0x2540], $0xff  }
0x236: {  	v53 =	vld [tilespmem:$0x180]  }
0x237: {  	v55 =	vld.msk [tilespmem:$0x4540], $0xff  }
0x238: {  	v61 =	vld [tilespmem:$0x4530]  }
0x239: {  	v30 =	vadd.s32 v1, v4;
	v1 =	vld [tilespmem:$0x1FEA0]  }
0x23a: {  	v8 =	vld [tilespmem:$0x4190]  }
0x23b: {  	v10 =	vld [tilespmem:$0x190]  }
0x23c: {  	v60 =	vld [tilespmem:$0x1FEE0]  }
0x23d: {  	[tilespmem:$0x8148] =	vst v16;
	v16 =	vld [tilespmem:$0x2580]  }
0x23e: {  	v3 =	vmul.u32 $0xB4, v1;
	v1 =	vld [tilespmem:$0x1FEB0]  }
0x23f: {  	v9 =	vld [tilespmem:$0x1A0]  }
0x240: {  	v7 =	vmul.u32 $0x2D, v7;
	v12 =	vld [tilespmem:$0x2180];
	v10 =	vmul.u32 $0xB4, v10  }
0x241: {  	[tilespmem:$0x8030] =	vst v60;
	v60 =	vld [tilespmem:$0x1FEF0]  }
0x242: {  	v7 =	vadd.s32 v10, v7;
	v10 =	vld [tilespmem:$0x6580]  }
0x243: {  	[tilespmem:$0x8020] =	vst v1;
	v1 =	vld [tilespmem:$0x1FEC0]  }
0x244: {  	[tilespmem:$0x8178] =	vst v46;
	v46 =	vld [tilespmem:$0x4590]  }
0x245: {  	v56 =	vld [tilespmem:$0x4180]  }
0x246: {  	[tilespmem:$0x8040] =	vst v60;
	v60 =	vld [tilespmem:$0x1FF00]  }
0x247: {  	v48 =	vld [tilespmem:$0x6190]  }
0x248: {  	v27 =	vmul.u32 $0x2D, v1;
	v1 =	vld [tilespmem:$0x1FED0]  }
0x249: {  	[tilespmem:$0x8190] =	vst v38;
	v38 =	vld.msk [tilespmem:$0x5C0], $0xff  }
0x24a: {  	[tilespmem:$0x81A0] =	vst v34;
	v34 =	vld [tilespmem:$0x6590]  }
0x24b: {  	[tilespmem:$0x8050] =	vst v60;
	v60 =	vld [tilespmem:$0x1FF20]  }
0x24c: {  	v45 =	vld [tilespmem:$0x21A0]  }
0x24d: {  	v62 =	vmul.u32 $0x2D, v62;
	v59 =	vmul.u32 $0xB4, v59;
	v54 =	vld [tilespmem:$0x41A0];
	v1 =	vmul.u32 $0x5, v1  }
0x24e: {  	v13 =	vld [tilespmem:$0x61A0];
	v3 =	vadd.s32 v3, v27  }
0x24f: {  	v1 =	vadd.s32 v1, v3;
	v3 =	vadd.s32 v59, v62;
	v62 =	vld [tilespmem:$0x1FF10]  }
0x250: {  	v1 =	vadd.s32 v60, v1;
	v60 =	vld [tilespmem:$0x1FF50]  }
0x251: {  	v2 =	vld [tilespmem:$0x41B0]  }
0x252: {  	[tilespmem:$0x81C0] =	vst v49;
	v49 =	vld.msk [tilespmem:$0x45C0], $0xff  }
0x253: {  	v4 =	vld [tilespmem:$0x21B0]  }
0x254: {  	[tilespmem:$0x8060] =	vst v62;
	v62 =	vld [tilespmem:$0x1FF30]  }
0x255: {  	[tilespmem:$0x8080] =	vst v60;
	v60 =	vld [tilespmem:$0x1FF70]  }
0x256: {  	v27 =	vmul.u32 $0x5, v63;
	v63 =	vld [tilespmem:$0x1C0]  }
0x257: {  	v59 =	vld [tilespmem:$0x1FF40]  }
0x258: {  	v3 =	vadd.s32 v27, v3;
	v27 =	vmul.u32 $0xB4, v31;
	v31 =	vld [tilespmem:$0x61C0]  }
0x259: {  	v23 =	vmul.u32 $0x2D, v23;
	[tilespmem:$0x8070] =	vst v62;
	v62 =	vld [tilespmem:$0x1FF60]  }
0x25a: {  	v5 =	vmul.u32 $0xB4, v5;
	v28 =	vmul.u32 $0x5, v28;
	v22 =	vmul.u32 $0x5, v22;
	[tilespmem:$0x80A0] =	vst v60;
	v60 =	vld [tilespmem:$0x1FF80]  }
0x25b: {  	v24 =	vmul.u32 $0xB4, v24;
	v23 =	vadd.s32 v27, v23;
	v27 =	vmul.u32 $0x5, v36;
	v36 =	vld [tilespmem:$0x41D0]  }
0x25c: {  	v21 =	vmul.u32 $0x2D, v21;
	v8 =	vmul.u32 $0x5, v8;
	v22 =	vadd.s32 v22, v23;
	v23 =	vld [tilespmem:$0x61D0]  }
0x25d: {  	v37 =	vmul.u32 $0x2D, v37;
	[tilespmem:$0x8138] =	vst v57;
	v57 =	vmul.u32 $0xB4, v17;
	v3 =	vadd.s32 v59, v3;
	v59 =	vld [tilespmem:$0x21D0]  }
0x25e: {  	v12 =	vmul.u32 $0x2D, v12;
	v7 =	vadd.s32 v8, v7;
	v22 =	vadd.s32 v58, v22;
	v58 =	vld [tilespmem:$0x1FFA0];
	[tilespmem:$0x8090] =	vst v62  }
0x25f: {  	v46 =	vmul.u32 $0x5, v46;
	v4 =	vmul.u32 $0x2D, v4;
	v62 =	vld [tilespmem:$0x1FF90];
	[tilespmem:$0x80B0] =	vst v60;
	v60 =	vadd.s32 v24, v37  }
0x260: {  	[tilespmem:$0x8180] =	vst v40;
	v40 =	vmul.u32 $0x2D, v16;
	v2 =	vmul.u32 $0x5, v2;
	v37 =	vadd.s32 v27, v60;
	v60 =	vld [tilespmem:$0x1FFB0]  }
0x261: {  	v4 =	vadd.s32 v5, v4;
	v27 =	vmul.u32 $0x2D, v33;
	v33 =	vld [tilespmem:$0x41E0];
	v15 =	vadd.s32 v29, v37  }
0x262: {  	v29 =	vmul.u32 $0xB4, v42;
	v37 =	vmul.u32 $0xB4, v44;
	v42 =	vmul.u32 $0x2D, v52;
	v52 =	vld [tilespmem:$0x1F0]  }
0x263: {  	v7 =	vadd.s32 v48, v7;
	v2 =	vadd.s32 v2, v4;
	[tilespmem:$0x80C8] =	vst v58;
	v58 =	vmul.u32 $0x5, v61;
	v44 =	vld [tilespmem:$0x2590]  }
0x264: {  	v61 =	vmul.u32 $0x5, v55;
	v24 =	vmul.u32 $0xB4, v32;
	v55 =	vadd.s32 v37, v42;
	v37 =	vld [tilespmem:$0x21F0]  }
0x265: {  	v48 =	vmul.u32 $0x5, v20;
	v2 =	vadd.s32 v6, v2;
	[tilespmem:$0x80B8] =	vst v62;
	v62 =	vmul.u32 $0x2D, v51;
	v42 =	vld [tilespmem:$0x590]  }
0x266: {  	v32 =	vmul.u32 $0xB4, v9;
	v9 =	vmul.u32 $0xB4, v50;
	v24 =	vadd.s32 v24, v27;
	[tilespmem:$0x80D8] =	vst v60;
	v60 =	vld [tilespmem:$0x1FFD0]  }
0x267: {  	[tilespmem:$0x8200] =	vst v18;
	v24 =	vadd.s32 v28, v24;
	v27 =	vadd.s32 v61, v55;
	v29 =	vadd.s32 v29, v62;
	v62 =	vld [tilespmem:$0x1FFE0]  }
0x268: {  	[tilespmem:$0x8220] =	vst v14;
	v51 =	vld [tilespmem:$0x1FFC0];
	v61 =	vmul.u32 $0x5, v56;
	v27 =	vadd.s32 v47, v27;
	v47 =	vmul.u32 $0xB4, v63  }
0x269: {  	[tilespmem:$0x8168] =	vst v25;
	v55 =	vmul.u32 $0x2D, v59;
	v56 =	vld [tilespmem:$0x45A0];
	v29 =	vadd.s32 v58, v29;
	v27 =	vperm.xlane v27, v0  }
0x26a: {  	[tilespmem:$0x81D0] =	vst v30;
	v63 =	vmul.u32 $0xB4, v52;
	v58 =	vadd.s32 v35, v29;
	v29 =	vld [tilespmem:$0x41F0];
	v5 =	vadd.s32 v47, v21  }
0x26b: {  	v59 =	vld [tilespmem:$0x65A0];
	v28 =	vperm.xlane v58, v0;
	v4 =	vadd.s32 v48, v5;
	v58 =	vmul.u32 $0x2D, v26;
	[tilespmem:$0x80F8] =	vst v60  }
0x26c: {  	v30 =	vmul.u32 $0x2D, v37;
	v42 =	vmul.u32 $0xB4, v42;
	[tilespmem:$0x8108] =	vst v62;
	v60 =	vmul.u32 $0xB4, v53;
	v62 =	vld [tilespmem:$0x1FFF0]  }
0x26d: {  	[tilespmem:$0x81E0] =	vst v1;
	v1 =	vadd.s32 v31, v4;
	v25 =	vsel vm0, v28, v27;
	v53 =	vld [tilespmem:$0x25A0];
	v4 =	vadd.s32 v57, v58  }
0x26e: {  	[tilespmem:$0x80E8] =	vst v51;
	v51 =	vld [tilespmem:$0x61E0];
	v37 =	vadd.s32 v63, v30;
	v12 =	vadd.s32 v60, v12;
	v60 =	vmul.u32 $0x5, v36  }
0x26f: {  	[tilespmem:$0x8158] =	vst v19;
	v35 =	vld [tilespmem:$0x61F0];
	v12 =	vadd.s32 v61, v12;
	v61 =	vmul.u32 $0x5, v33;
	v33 =	vmul.u32 $0x5, v29  }
0x270: {  	[tilespmem:$0x8268] =	vst v7;
	v36 =	vld [tilespmem:$0x5B0];
	v12 =	vadd.s32 v39, v12;
	v39 =	vmul.u32 $0x2D, v45;
	v45 =	vmul.u32 $0x5, v54  }
0x271: {  	[tilespmem:$0x81B0] =	vst v11;
	v47 =	vld [tilespmem:$0x45B0];
	v54 =	vmul.u32 $0xB4, v41;
	v19 =	vadd.s32 v62, v24;
	v4 =	vadd.s32 v61, v4  }
0x272: {  	[tilespmem:$0x8288] =	vst v2;
	v41 =	vld [tilespmem:$0x25B0];
	v5 =	vadd.s32 v33, v37;
	v6 =	vmul.u32 $0x2D, v53;
	v8 =	vadd.s32 v32, v39  }
0x273: {  	[tilespmem:$0x81F0] =	vst v3;
	v24 =	vld [tilespmem:$0x4580];
	v3 =	vadd.s32 v54, v55;
	v4 =	vadd.s32 v51, v4;
	v39 =	vmul.u32 $0xB4, v43  }
0x274: {  	[tilespmem:$0x8210] =	vst v22;
	v62 =	vld [tilespmem:$0x5B0];
	v5 =	vadd.s32 v35, v5;
	v43 =	vmul.u32 $0x2D, v44;
	v8 =	vadd.s32 v45, v8  }
0x275: {  	[tilespmem:$0x8230] =	vst v15;
	v44 =	vld.msk [tilespmem:$0x25C0], $0xff;
	v3 =	vadd.s32 v60, v3;
	v6 =	vadd.s32 v9, v6;
	v54 =	vmul.u32 $0xB4, v36  }
0x276: {  	v31 =	vld [tilespmem:$0x25B0];
	[tilespmem:$0x8298] =	vst v1;
	v60 =	vmul.u32 $0x5, v49;
	v8 =	vadd.s32 v13, v8;
	v3 =	vadd.s32 v23, v3  }
0x277: {  	[tilespmem:$0x8258] =	vst v12;
	v51 =	vld [tilespmem:$0x45B0];
	v14 =	vadd.s32 v39, v40;
	v48 =	vadd.s32 v42, v43;
	v13 =	vmul.u32 $0x5, v56  }
0x278: {  	v53 =	vld [tilespmem:$0x65B0];
	[tilespmem:$0x8240] =	vst v19;
	v12 =	vadd.s32 v46, v48;
	v55 =	vmul.u32 $0x2D, v41;
	v45 =	vmul.u32 $0x5, v24  }
0x279: {  	[tilespmem:$0x8248] =	vst v25;
	v56 =	vld.msk [tilespmem:$0x65C0], $0xff;
	v52 =	vadd.s32 v34, v12;
	v2 =	vadd.s32 v13, v6;
	v61 =	vmul.u32 $0xB4, v62  }
0x27a: {  	[tilespmem:$0x82B8] =	vst v4;
	v1 =	vadd.s32 v59, v2;
	v2 =	vmul.u32 $0xB4, v38;
	v57 =	vmul.u32 $0x2D, v44  }
0x27b: {  	v58 =	vld [tilespmem:$0x65B0];
	[tilespmem:$0x82A8] =	vst v3;
	v62 =	vmul.u32 $0x2D, v31;
	v3 =	vadd.s32 v54, v55;
	v59 =	vmul.u32 $0x5, v47  }
0x27c: {  	[tilespmem:$0x82C8] =	vst v5;
	v63 =	vmul.u32 $0x5, v51;
	v50 =	vadd.s32 v45, v14;
	v2 =	vadd.s32 v2, v57  }
0x27d: {  	[tilespmem:$0x8278] =	vst v8;
	v4 =	vadd.s32 v61, v62;
	v3 =	vadd.s32 v59, v3;
	v2 =	vadd.s32 v60, v2  }
0x27e: {  	[tilespmem:$0x82E8] =	vst v52;
	v7 =	vadd.s32 v10, v50;
	v3 =	vadd.s32 v53, v3;
	v2 =	vadd.s32 v56, v2  }
0x27f: {  	[tilespmem:$0x82F8] =	vst v1;
	v4 =	vadd.s32 v63, v4;
	v3 =	vperm.xlane v3, v0;
	v2 =	vperm.xlane v2, v0  }
.Ltmp3:
0x280: {  	[tilespmem:$0x82D8] =	vst v7;
	v1 =	vadd.s32 v58, v4;
	(pc) =	sbr.rel .LBB2_4-.Ltmp3, $4  }
0x281: {  	[tilespmem:$0x8308] =	vst v1;
	v1 =	vsel vm0, v3, v2  }
0x282: {  	s28 =	simm.s32 $0xC80;
	s18 =	smov.u32 s9;
	s22 =	simm.s32 $0x0;
	[tilespmem:$0x8310] =	vst v1  }
0x283: {  	s23 =	simm.s32 $0x500;
	s11 =	simm.s32 $0x0;
	[bflag:$0x0] =	sbarrier.arrive $0xFFFF  }
0x284: {  	s24 =	simm.s32 $0x280;
	s25 =	simm.s32 $0x3E8;
	s17 =	rddreg [dreg:$0xf]  }
.LBB2_9:
0x285: {  	[tilespmem:s2], [sflag:$0x4] =	stream.indirect.gather [spmem:s5], $0x80, s1, s31, $0xb8;
	[tilespmem:$0x15E00] =	vst v63  }
.LBB2_10:
0x286: {  	s10 =	sand.u32 $0x3800, s23;
	s12 =	sand.u32 $0x380, s24  }
0x287: {  	s13 =	sor.u32 s12, s10  }
0x288: {  	v1 =	vld [tilespmem:s13+$0x0]  }
0x289: {  	v2 =	vld [tilespmem:s13+$0x2000]  }
0x28a: {  	v3 =	vld [tilespmem:s13+$0x4000];
	_ =	sdelay $0x2  }
0x28b: {  	v4 =	vld [tilespmem:s13+$0x6000]  }
0x28c: {  	v1 =	vmul.u32 $0xB4, v1;
	v2 =	vmul.u32 $0x2D, v2  }
0x28d: {  	v3 =	vmul.u32 $0x5, v3  }
0x28e: {  	v1 =	vadd.s32 v1, v2  }
0x28f: {  	v1 =	vadd.s32 v3, v1  }
0x290: {  	s12 =	sshra.s32 s28, $0x2;
	v1 =	vadd.s32 v4, v1  }
0x291: {  	[tilespmem:s12+$0x80C8] =	vst v1  }
0x292: {  	v1 =	vld [tilespmem:s13+$0x10]  }
0x293: {  	v2 =	vld [tilespmem:s13+$0x2010]  }
0x294: {  	v3 =	vld [tilespmem:s13+$0x4010];
	_ =	sdelay $0x2  }
0x295: {  	v52 =	vld [tilespmem:s13+$0x6010]  }
0x296: {  	v1 =	vmul.u32 $0xB4, v1;
	v2 =	vmul.u32 $0x2D, v2  }
0x297: {  	v3 =	vmul.u32 $0x5, v3  }
0x298: {  	v1 =	vadd.s32 v1, v2  }
0x299: {  	v1 =	vadd.s32 v3, v1  }
0x29a: {  	v1 =	vadd.s32 v52, v1  }
0x29b: {  	[tilespmem:s12+$0x80D8] =	vst v1  }
0x29c: {  	v1 =	vld [tilespmem:s13+$0x20]  }
0x29d: {  	v2 =	vld [tilespmem:s13+$0x2020]  }
0x29e: {  	v3 =	vld [tilespmem:s13+$0x4020];
	_ =	sdelay $0x2  }
0x29f: {  	v53 =	vld [tilespmem:s13+$0x6020]  }
0x2a0: {  	v1 =	vmul.u32 $0xB4, v1;
	v2 =	vmul.u32 $0x2D, v2  }
0x2a1: {  	v3 =	vmul.u32 $0x5, v3  }
0x2a2: {  	v1 =	vadd.s32 v1, v2  }
0x2a3: {  	v1 =	vadd.s32 v3, v1  }
0x2a4: {  	v1 =	vadd.s32 v53, v1  }
0x2a5: {  	[tilespmem:s12+$0x80E8] =	vst v1  }
0x2a6: {  	v1 =	vld [tilespmem:s13+$0x30]  }
0x2a7: {  	v2 =	vld [tilespmem:s13+$0x2030]  }
0x2a8: {  	v3 =	vld [tilespmem:s13+$0x4030];
	_ =	sdelay $0x2  }
0x2a9: {  	v54 =	vld [tilespmem:s13+$0x6030]  }
0x2aa: {  	v1 =	vmul.u32 $0xB4, v1;
	v2 =	vmul.u32 $0x2D, v2  }
0x2ab: {  	v3 =	vmul.u32 $0x5, v3  }
0x2ac: {  	v1 =	vadd.s32 v1, v2  }
0x2ad: {  	v1 =	vadd.s32 v3, v1  }
0x2ae: {  	v1 =	vadd.s32 v54, v1  }
0x2af: {  	[tilespmem:s12+$0x80F8] =	vst v1  }
0x2b0: {  	v1 =	vld [tilespmem:s13+$0x40]  }
0x2b1: {  	v2 =	vld [tilespmem:s13+$0x2040]  }
0x2b2: {  	v3 =	vld [tilespmem:s13+$0x4040];
	_ =	sdelay $0x2  }
0x2b3: {  	v55 =	vld [tilespmem:s13+$0x6040]  }
0x2b4: {  	v1 =	vmul.u32 $0xB4, v1;
	v2 =	vmul.u32 $0x2D, v2  }
0x2b5: {  	v3 =	vmul.u32 $0x5, v3  }
0x2b6: {  	v1 =	vadd.s32 v1, v2  }
0x2b7: {  	v1 =	vadd.s32 v3, v1  }
0x2b8: {  	v1 =	vadd.s32 v55, v1  }
0x2b9: {  	[tilespmem:s12+$0x8108] =	vst v1  }
0x2ba: {  	v1 =	vld [tilespmem:s13+$0x50]  }
0x2bb: {  	v2 =	vld [tilespmem:s13+$0x2050]  }
0x2bc: {  	v3 =	vld [tilespmem:s13+$0x4050];
	_ =	sdelay $0x2  }
0x2bd: {  	v56 =	vld [tilespmem:s13+$0x6050]  }
0x2be: {  	v1 =	vmul.u32 $0xB4, v1;
	v2 =	vmul.u32 $0x2D, v2  }
0x2bf: {  	v3 =	vmul.u32 $0x5, v3  }
0x2c0: {  	v1 =	vadd.s32 v1, v2  }
0x2c1: {  	v1 =	vadd.s32 v3, v1  }
0x2c2: {  	v1 =	vadd.s32 v56, v1  }
0x2c3: {  	[tilespmem:s12+$0x8118] =	vst v1  }
0x2c4: {  	v1 =	vld [tilespmem:s13+$0x60]  }
0x2c5: {  	v2 =	vld [tilespmem:s13+$0x2060]  }
0x2c6: {  	v3 =	vld [tilespmem:s13+$0x4060];
	_ =	sdelay $0x2  }
0x2c7: {  	v57 =	vld [tilespmem:s13+$0x6060]  }
0x2c8: {  	v1 =	vmul.u32 $0xB4, v1;
	v2 =	vmul.u32 $0x2D, v2  }
0x2c9: {  	v3 =	vmul.u32 $0x5, v3  }
0x2ca: {  	v1 =	vadd.s32 v1, v2  }
0x2cb: {  	v1 =	vadd.s32 v3, v1  }
0x2cc: {  	v1 =	vadd.s32 v57, v1  }
0x2cd: {  	[tilespmem:s12+$0x8128] =	vst v1  }
0x2ce: {  	v1 =	vld [tilespmem:s13+$0x70]  }
0x2cf: {  	v2 =	vld [tilespmem:s13+$0x2070]  }
0x2d0: {  	v3 =	vld [tilespmem:s13+$0x4070];
	_ =	sdelay $0x2  }
0x2d1: {  	v58 =	vld [tilespmem:s13+$0x6070]  }
0x2d2: {  	v1 =	vmul.u32 $0xB4, v1;
	v2 =	vmul.u32 $0x2D, v2  }
0x2d3: {  	v3 =	vmul.u32 $0x5, v3  }
0x2d4: {  	v1 =	vadd.s32 v1, v2  }
0x2d5: {  	v1 =	vadd.s32 v3, v1  }
0x2d6: {  	v1 =	vadd.s32 v58, v1  }
0x2d7: {  	[tilespmem:s12+$0x8138] =	vst v1  }
0x2d8: {  	v1 =	vld [tilespmem:s13+$0x400]  }
0x2d9: {  	v2 =	vld [tilespmem:s13+$0x2400]  }
0x2da: {  	v3 =	vld [tilespmem:s13+$0x4400];
	_ =	sdelay $0x2  }
0x2db: {  	v59 =	vld [tilespmem:s13+$0x6400]  }
0x2dc: {  	v1 =	vmul.u32 $0xB4, v1;
	v2 =	vmul.u32 $0x2D, v2  }
0x2dd: {  	v3 =	vmul.u32 $0x5, v3  }
0x2de: {  	v1 =	vadd.s32 v1, v2  }
0x2df: {  	v1 =	vadd.s32 v3, v1  }
0x2e0: {  	s15 =	sand.u32 $0x3FF8, s25;
	v1 =	vadd.s32 v59, v1  }
0x2e1: {  	[tilespmem:s15+$0x8080] =	vst v1  }
0x2e2: {  	v1 =	vld [tilespmem:s13+$0x410]  }
0x2e3: {  	v2 =	vld [tilespmem:s13+$0x2410]  }
0x2e4: {  	v3 =	vld [tilespmem:s13+$0x4410];
	_ =	sdelay $0x2  }
0x2e5: {  	v60 =	vld [tilespmem:s13+$0x6410]  }
0x2e6: {  	v1 =	vmul.u32 $0xB4, v1;
	v2 =	vmul.u32 $0x2D, v2  }
0x2e7: {  	v3 =	vmul.u32 $0x5, v3  }
0x2e8: {  	v1 =	vadd.s32 v1, v2  }
0x2e9: {  	v1 =	vadd.s32 v3, v1  }
0x2ea: {  	v1 =	vadd.s32 v60, v1  }
0x2eb: {  	[tilespmem:s12+$0x8158] =	vst v1  }
0x2ec: {  	v1 =	vld [tilespmem:s13+$0x420]  }
0x2ed: {  	v2 =	vld [tilespmem:s13+$0x2420]  }
0x2ee: {  	v3 =	vld [tilespmem:s13+$0x4420];
	_ =	sdelay $0x2  }
0x2ef: {  	v61 =	vld [tilespmem:s13+$0x6420]  }
0x2f0: {  	v1 =	vmul.u32 $0xB4, v1;
	v2 =	vmul.u32 $0x2D, v2  }
0x2f1: {  	v3 =	vmul.u32 $0x5, v3  }
0x2f2: {  	v1 =	vadd.s32 v1, v2  }
0x2f3: {  	v1 =	vadd.s32 v3, v1  }
0x2f4: {  	v1 =	vadd.s32 v61, v1  }
0x2f5: {  	[tilespmem:s12+$0x8168] =	vst v1  }
0x2f6: {  	v1 =	vld [tilespmem:s13+$0x430]  }
0x2f7: {  	v2 =	vld [tilespmem:s13+$0x2430]  }
0x2f8: {  	v3 =	vld [tilespmem:s13+$0x4430];
	_ =	sdelay $0x2  }
0x2f9: {  	v62 =	vld [tilespmem:s13+$0x6430]  }
0x2fa: {  	v1 =	vmul.u32 $0xB4, v1;
	v2 =	vmul.u32 $0x2D, v2  }
0x2fb: {  	v3 =	vmul.u32 $0x5, v3  }
0x2fc: {  	v1 =	vadd.s32 v1, v2  }
0x2fd: {  	v1 =	vadd.s32 v3, v1  }
0x2fe: {  	v1 =	vadd.s32 v62, v1  }
0x2ff: {  	[tilespmem:s12+$0x8178] =	vst v1  }
0x300: {  	s14 =	sor.u32 $0x440, s13;
	v1 =	vld [tilespmem:s13+$0x430]  }
0x301: {  	v2 =	vld.msk [tilespmem:s14+$0x0], $0xff  }
0x302: {  	v3 =	vld [tilespmem:s13+$0x2430]  }
0x303: {  	v63 =	vld.msk [tilespmem:s13+$0x2440], $0xff  }
0x304: {  	s15 =	sor.u32 $0x4440, s13;
	v5 =	vld [tilespmem:s13+$0x4430]  }
0x305: {  	v6 =	vld.msk [tilespmem:s15+$0x0], $0xff;
	_ =	sdelay $0x1  }
0x306: {  	v7 =	vld [tilespmem:s13+$0x6430]  }
0x307: {  	v8 =	vld.msk [tilespmem:s13+$0x6440], $0xff;
	v1 =	vmul.u32 $0xB4, v1  }
0x308: {  	v2 =	vmul.u32 $0xB4, v2;
	v3 =	vmul.u32 $0x2D, v3;
	v4 =	vmul.u32 $0x2D, v63  }
0x309: {  	v5 =	vmul.u32 $0x5, v5;
	v6 =	vmul.u32 $0x5, v6  }
0x30a: {  	v1 =	vadd.s32 v1, v3;
	v2 =	vadd.s32 v2, v4  }
0x30b: {  	v1 =	vadd.s32 v5, v1;
	v2 =	vadd.s32 v6, v2  }
0x30c: {  	v1 =	vadd.s32 v7, v1;
	v2 =	vadd.s32 v8, v2  }
0x30d: {  	v1 =	vperm.xlane v1, v0;
	v2 =	vperm.xlane v2, v0;
	_ =	sdelay $0x1  }
0x30e: {  	v1 =	vsel vm0, v1, v2  }
0x30f: {  	[tilespmem:s12+$0x8180] =	vst v1  }
.LBB2_11:
0x310: {  	s23 =	sadd.s32 $0x200, s23  }
0x311: {  	p0 =	sne.s32 s23, $0x3700  }
.Ltmp4:
0x312: {  	_ =	swait.ge [sflag:s3], $0x4000;
	(pc) =	sbr.rel @!p0 .LBB2_12-.Ltmp4, $4  }
0x313: {  	s11 =	sadd.s32 $0x1, s11;
	s22 =	sadd.s32 $0x400, s22;
	[sflag:s3] =	ssyncset.done $0x0  }
0x314: {  	s18 =	sadd.s32 $0x1000, s18;
	s24 =	sadd.s32 $0x100, s24;
	[sflag:s3] =	ssyncadd.s32 $0xFFFFC000  }
0x315: {  	[hbm4b:s17+s7] =	stream.linear.scatter [tilespmem:s6], [sflag:$0x5], $0x4000, $0x38;
	[tilespmem:$0x15E00] =	vst v63  }
0x316: {  	s25 =	sadd.s32 $0x190, s25;
	s28 =	sadd.s32 $0x640, s28;
	s17 =	sadd.s32 $0x1000, s17  }
.LBB2_4:
0x317: {  	p0 =	sne.s32 s23, $0x500  }
.Ltmp5:
0x318: {  	_ = 	snop;
	(pc) =	sbr.rel @p0 .LBB2_6-.Ltmp5, $1  }
0x319: {  	_ =	sdelay $0x3  }
.Ltmp6:
0x31a: {  	(pc) =	sbr.rel .LBB2_7-.Ltmp6, $2  }
0x31b: {  	_ =	sdelay $0x2  }
0x31c: {  	[tilespmem:s6], [sflag:$0x3] =	stream.indirect.gather [spmem:s5], $0x80, s0, s31, $0xb8;
	[tilespmem:$0x15E00] =	vst v63  }
.LBB2_6:
0x31d: {  	p1 =	sgt.u32 s11, $0xD  }
.Ltmp7:
0x31e: {  	_ = 	snop;
	(pc) =	sbr.rel @p1 .LBB2_8-.Ltmp7, $4  }
0x31f: {  	_ =	swait.ge [sflag:s19], $0x4000  }
0x320: {  	s10 =	sshra.s32 s22, $0x2;
	[sflag:s19] =	ssyncset.done $0x0  }
0x321: {  	p0 =	por $0x0, $0x0;
	s10 =	sadd.s32 $0x8000, s10;
	[sflag:s19] =	ssyncadd.s32 $0xFFFFC000  }
0x322: {  	[tilespmem:s6], [sflag:$0x3] =	stream.indirect.gather [spmem:s5], $0x80, s10, s31, $0xb8;
	[tilespmem:$0x15E00] =	vst v63  }
.LBB2_7:
0x323: {  	s10 =	sadd.s32 $0xFFFFFF00, s23;
	s12 =	sadd.s32 $0xFFFFFF80, s24  }
0x324: {  	s10 =	sand.u32 $0x3800, s10;
	s12 =	sand.u32 $0x300, s12  }
0x325: {  	s13 =	sor.u32 s12, s10  }
0x326: {  	v1 =	vld [tilespmem:s13+$0x0]  }
0x327: {  	v2 =	vld [tilespmem:s13+$0x2000]  }
0x328: {  	v3 =	vld [tilespmem:s13+$0x4000];
	_ =	sdelay $0x2  }
0x329: {  	v4 =	vld [tilespmem:s13+$0x6000]  }
0x32a: {  	v1 =	vmul.u32 $0xB4, v1;
	v2 =	vmul.u32 $0x2D, v2  }
0x32b: {  	v3 =	vmul.u32 $0x5, v3  }
0x32c: {  	v1 =	vadd.s32 v1, v2  }
0x32d: {  	v1 =	vadd.s32 v3, v1  }
0x32e: {  	s12 =	sshra.s32 s28, $0x2;
	v1 =	vadd.s32 v4, v1  }
0x32f: {  	[tilespmem:s12+$0x8000] =	vst v1  }
0x330: {  	v1 =	vld [tilespmem:s13+$0x10]  }
0x331: {  	v2 =	vld [tilespmem:s13+$0x2010]  }
0x332: {  	v3 =	vld [tilespmem:s13+$0x4010];
	_ =	sdelay $0x2  }
0x333: {  	v52 =	vld [tilespmem:s13+$0x6010]  }
0x334: {  	v1 =	vmul.u32 $0xB4, v1;
	v2 =	vmul.u32 $0x2D, v2  }
0x335: {  	v3 =	vmul.u32 $0x5, v3  }
0x336: {  	v1 =	vadd.s32 v1, v2  }
0x337: {  	v1 =	vadd.s32 v3, v1  }
0x338: {  	v1 =	vadd.s32 v52, v1  }
0x339: {  	[tilespmem:s12+$0x8010] =	vst v1  }
0x33a: {  	v1 =	vld [tilespmem:s13+$0x20]  }
0x33b: {  	v2 =	vld [tilespmem:s13+$0x2020]  }
0x33c: {  	v3 =	vld [tilespmem:s13+$0x4020];
	_ =	sdelay $0x2  }
0x33d: {  	v53 =	vld [tilespmem:s13+$0x6020]  }
0x33e: {  	v1 =	vmul.u32 $0xB4, v1;
	v2 =	vmul.u32 $0x2D, v2  }
0x33f: {  	v3 =	vmul.u32 $0x5, v3  }
0x340: {  	v1 =	vadd.s32 v1, v2  }
0x341: {  	v1 =	vadd.s32 v3, v1  }
0x342: {  	v1 =	vadd.s32 v53, v1  }
0x343: {  	[tilespmem:s12+$0x8020] =	vst v1  }
0x344: {  	v1 =	vld [tilespmem:s13+$0x30]  }
0x345: {  	v2 =	vld [tilespmem:s13+$0x2030]  }
0x346: {  	v3 =	vld [tilespmem:s13+$0x4030];
	_ =	sdelay $0x2  }
0x347: {  	v54 =	vld [tilespmem:s13+$0x6030]  }
0x348: {  	v1 =	vmul.u32 $0xB4, v1;
	v2 =	vmul.u32 $0x2D, v2  }
0x349: {  	v3 =	vmul.u32 $0x5, v3  }
0x34a: {  	v1 =	vadd.s32 v1, v2  }
0x34b: {  	v1 =	vadd.s32 v3, v1  }
0x34c: {  	v1 =	vadd.s32 v54, v1  }
0x34d: {  	[tilespmem:s12+$0x8030] =	vst v1  }
0x34e: {  	v1 =	vld [tilespmem:s13+$0x40]  }
0x34f: {  	v2 =	vld [tilespmem:s13+$0x2040]  }
0x350: {  	v3 =	vld [tilespmem:s13+$0x4040];
	_ =	sdelay $0x2  }
0x351: {  	v55 =	vld [tilespmem:s13+$0x6040]  }
0x352: {  	v1 =	vmul.u32 $0xB4, v1;
	v2 =	vmul.u32 $0x2D, v2  }
0x353: {  	v3 =	vmul.u32 $0x5, v3  }
0x354: {  	v1 =	vadd.s32 v1, v2  }
0x355: {  	v1 =	vadd.s32 v3, v1  }
0x356: {  	v1 =	vadd.s32 v55, v1  }
0x357: {  	[tilespmem:s12+$0x8040] =	vst v1  }
0x358: {  	v1 =	vld [tilespmem:s13+$0x50]  }
0x359: {  	v2 =	vld [tilespmem:s13+$0x2050]  }
0x35a: {  	v3 =	vld [tilespmem:s13+$0x4050];
	_ =	sdelay $0x2  }
0x35b: {  	v56 =	vld [tilespmem:s13+$0x6050]  }
0x35c: {  	v1 =	vmul.u32 $0xB4, v1;
	v2 =	vmul.u32 $0x2D, v2  }
0x35d: {  	v3 =	vmul.u32 $0x5, v3  }
0x35e: {  	v1 =	vadd.s32 v1, v2  }
0x35f: {  	v1 =	vadd.s32 v3, v1  }
0x360: {  	v1 =	vadd.s32 v56, v1  }
0x361: {  	[tilespmem:s12+$0x8050] =	vst v1  }
0x362: {  	v1 =	vld [tilespmem:s13+$0x60]  }
0x363: {  	v2 =	vld [tilespmem:s13+$0x2060]  }
0x364: {  	v3 =	vld [tilespmem:s13+$0x4060];
	_ =	sdelay $0x2  }
0x365: {  	v57 =	vld [tilespmem:s13+$0x6060]  }
0x366: {  	v1 =	vmul.u32 $0xB4, v1;
	v2 =	vmul.u32 $0x2D, v2  }
0x367: {  	v3 =	vmul.u32 $0x5, v3  }
0x368: {  	v1 =	vadd.s32 v1, v2  }
0x369: {  	v1 =	vadd.s32 v3, v1  }
0x36a: {  	v1 =	vadd.s32 v57, v1  }
0x36b: {  	[tilespmem:s12+$0x8060] =	vst v1  }
0x36c: {  	v1 =	vld [tilespmem:s13+$0x70]  }
0x36d: {  	v2 =	vld [tilespmem:s13+$0x2070]  }
0x36e: {  	v3 =	vld [tilespmem:s13+$0x4070];
	_ =	sdelay $0x2  }
0x36f: {  	v58 =	vld [tilespmem:s13+$0x6070]  }
0x370: {  	v1 =	vmul.u32 $0xB4, v1;
	v2 =	vmul.u32 $0x2D, v2  }
0x371: {  	v3 =	vmul.u32 $0x5, v3  }
0x372: {  	v1 =	vadd.s32 v1, v2  }
0x373: {  	v1 =	vadd.s32 v3, v1  }
0x374: {  	v1 =	vadd.s32 v58, v1  }
0x375: {  	[tilespmem:s12+$0x8070] =	vst v1  }
0x376: {  	v1 =	vld [tilespmem:s13+$0x400]  }
0x377: {  	v2 =	vld [tilespmem:s13+$0x2400]  }
0x378: {  	v3 =	vld [tilespmem:s13+$0x4400];
	_ =	sdelay $0x2  }
0x379: {  	v59 =	vld [tilespmem:s13+$0x6400]  }
0x37a: {  	v1 =	vmul.u32 $0xB4, v1;
	v2 =	vmul.u32 $0x2D, v2  }
0x37b: {  	v3 =	vmul.u32 $0x5, v3  }
0x37c: {  	v1 =	vadd.s32 v1, v2  }
0x37d: {  	s15 =	sadd.s32 $0xFFFFFF38, s25;
	v1 =	vadd.s32 v3, v1  }
0x37e: {  	s10 =	sand.u32 $0x3FF0, s15;
	v1 =	vadd.s32 v59, v1  }
0x37f: {  	[tilespmem:s10+$0x8080] =	vst v1  }
0x380: {  	v1 =	vld [tilespmem:s13+$0x410]  }
0x381: {  	v2 =	vld [tilespmem:s13+$0x2410]  }
0x382: {  	v3 =	vld [tilespmem:s13+$0x4410];
	_ =	sdelay $0x2  }
0x383: {  	v60 =	vld [tilespmem:s13+$0x6410]  }
0x384: {  	v1 =	vmul.u32 $0xB4, v1;
	v2 =	vmul.u32 $0x2D, v2  }
0x385: {  	v3 =	vmul.u32 $0x5, v3  }
0x386: {  	v1 =	vadd.s32 v1, v2  }
0x387: {  	v1 =	vadd.s32 v3, v1  }
0x388: {  	v1 =	vadd.s32 v60, v1  }
0x389: {  	[tilespmem:s12+$0x8090] =	vst v1  }
0x38a: {  	v1 =	vld [tilespmem:s13+$0x420]  }
0x38b: {  	v2 =	vld [tilespmem:s13+$0x2420]  }
0x38c: {  	v3 =	vld [tilespmem:s13+$0x4420];
	_ =	sdelay $0x2  }
0x38d: {  	v61 =	vld [tilespmem:s13+$0x6420]  }
0x38e: {  	v1 =	vmul.u32 $0xB4, v1;
	v2 =	vmul.u32 $0x2D, v2  }
0x38f: {  	v3 =	vmul.u32 $0x5, v3  }
0x390: {  	v1 =	vadd.s32 v1, v2  }
0x391: {  	v1 =	vadd.s32 v3, v1  }
0x392: {  	v1 =	vadd.s32 v61, v1  }
0x393: {  	[tilespmem:s12+$0x80A0] =	vst v1  }
0x394: {  	v1 =	vld [tilespmem:s13+$0x430]  }
0x395: {  	v2 =	vld [tilespmem:s13+$0x2430]  }
0x396: {  	v3 =	vld [tilespmem:s13+$0x4430];
	_ =	sdelay $0x2  }
0x397: {  	v62 =	vld [tilespmem:s13+$0x6430]  }
0x398: {  	v1 =	vmul.u32 $0xB4, v1;
	v2 =	vmul.u32 $0x2D, v2  }
0x399: {  	v3 =	vmul.u32 $0x5, v3  }
0x39a: {  	v1 =	vadd.s32 v1, v2  }
0x39b: {  	v1 =	vadd.s32 v3, v1  }
0x39c: {  	v1 =	vadd.s32 v62, v1  }
0x39d: {  	[tilespmem:s12+$0x80B0] =	vst v1  }
0x39e: {  	s14 =	sor.u32 $0x440, s13;
	v1 =	vld [tilespmem:s13+$0x430]  }
0x39f: {  	v2 =	vld.msk [tilespmem:s14+$0x0], $0xff  }
0x3a0: {  	v3 =	vld [tilespmem:s13+$0x2430]  }
0x3a1: {  	v63 =	vld.msk [tilespmem:s13+$0x2440], $0xff  }
0x3a2: {  	s15 =	sor.u32 $0x4440, s13;
	v5 =	vld [tilespmem:s13+$0x4430]  }
0x3a3: {  	v6 =	vld.msk [tilespmem:s15+$0x0], $0xff;
	_ =	sdelay $0x1  }
0x3a4: {  	v7 =	vld [tilespmem:s13+$0x6430]  }
0x3a5: {  	v8 =	vld.msk [tilespmem:s13+$0x6440], $0xff;
	v1 =	vmul.u32 $0xB4, v1  }
0x3a6: {  	v2 =	vmul.u32 $0xB4, v2;
	v3 =	vmul.u32 $0x2D, v3;
	v4 =	vmul.u32 $0x2D, v63  }
0x3a7: {  	v5 =	vmul.u32 $0x5, v5;
	v6 =	vmul.u32 $0x5, v6  }
0x3a8: {  	v1 =	vadd.s32 v1, v3;
	v2 =	vadd.s32 v2, v4  }
0x3a9: {  	p1 =	seq.s32 s23, $0x500;
	v1 =	vadd.s32 v5, v1;
	v2 =	vadd.s32 v6, v2  }
.Ltmp8:
0x3aa: {  	v1 =	vadd.s32 v7, v1;
	v2 =	vadd.s32 v8, v2;
	(pc) =	sbr.rel @p1 .LBB2_9-.Ltmp8, $3  }
0x3ab: {  	v1 =	vperm.xlane v1, v0;
	v2 =	vperm.xlane v2, v0;
	_ =	sdelay $0x1  }
0x3ac: {  	v1 =	vsel vm0, v1, v2  }
0x3ad: {  	p0 =	por $0x1, $0x1;
	[tilespmem:s12+$0x80B8] =	vst v1  }
.LBB2_8:
0x3ae: {  	_ =	swait.ge [sflag:s4], $0x4000  }
0x3af: {  	[sflag:s4] =	ssyncset.done $0x0  }
0x3b0: {  	[sflag:s4] =	ssyncadd.s32 $0xFFFFC000  }
0x3b1: {  	[hbm4b:s18+s7] =	stream.linear.scatter [tilespmem:s2], [sflag:$0x6], $0x4000, $0x38;
	[tilespmem:$0x15E00] =	vst v63  }
.Ltmp9:
0x3b2: {  	_ = 	snop;
	(pc) =	sbr.rel @p0 .LBB2_10-.Ltmp9, $4  }
.Ltmp10:
0x3b3: {  	_ =	swait.ge [sflag:s20], $0x4000;
	(pc) =	sbr.rel @!p0 .LBB2_11-.Ltmp10, $4  }
0x3b4: {  	s10 =	sshra.s32 s22, $0x2;
	[sflag:s20] =	ssyncset.done $0x0  }
0x3b5: {  	s10 =	sadd.s32 $0x8080, s10;
	[sflag:s20] =	ssyncadd.s32 $0xFFFFC000  }
0x3b6: {  	[tilespmem:s2], [sflag:$0x4] =	stream.indirect.gather [spmem:s5], $0x80, s10, s31, $0xb8;
	[tilespmem:$0x15E00] =	vst v63  }
0x3b7: {  	_ = 	snop  }
.LBB2_13:
0x3b8: {  	_ =	sfence.sel $0x180000  }
0x3b9: {  	[bflag:$0x0] =	sbarrier.arrive $0xFFFF  }
0x3ba: {  	_ =	strace $0x90000047  }
0x3bb: {  	s0 =	stileid.u32;
	[bflag:$0x2] =	sbarrier.arrive $0xFFFF  }
0x3bc: {  	p0 =	sne.s32 s0, $0x0;
	s0 =	rddreg [dreg:$0x7]  }
0x3bd: {  	s0 =	sadd.s32 @!p0 $0x100000, s0  }
0x3be: {  	[sflag:s0] =	ssyncadd.tile.s32 @!p0 $0x1;
	_ =	shalt  }
.Lfunc_end2:
_tile_overlayer_lowered:
.L_overlay_start_2:
0x3bf: {  	(tag) =	ssettag $0x2  }
0x3c0: {  	s0 =	rddreg [dreg:$0x0];
	s2 =	stileid.u32  }
0x3c1: {  	s1 =	rddreg [dreg:$0x1];
	p0 =	sne.s32 s2, $0x0  }
0x3c2: {  	s3 =	rddreg [dreg:$0x2];
	[bflag:$0x3] =	sbarrier.arrive $0xFFFF;
	s2 =	simm.s32 @!p0 $0x1C07  }
0x3c3: {  	[timem:s3], [sflag:s2] =	dma.local @!p0 [hbm:s0], s1  }
0x3c4: {  	s0 =	simm.s32 @!p0 $0x7  }
0x3c5: {  	_ =	swait.ge @!p0 [sflag:s0], s1  }
0x3c6: {  	s1 =	ssub.s32 @!p0 $0x0, s1;
	[sflag:s0] =	ssyncset.done @!p0 $0x0  }
0x3c7: {  	[sflag:s0] =	ssyncadd.s32 @!p0 s1  }
0x3c8: {  	[bflag:$0x3] =	sbarrier.arrive $0xFFFF  }
0x3c9: {  	_ =	shalt  }

</sc_bundles>
